<compile_context>
chip_gen: v7x
topology: tpu7x:2x2x1
jax: 0.10.2.dev20260603
libtpu: 0.0.44.dev20260713+nightly
codegen_flags: <defaults>
</compile_context>

<pallas_src>
import functools

import jax
import jax.numpy as jnp
from jax.experimental import pallas as pl
from jax.experimental.pallas import tpu as pltpu

P, N, D, K = 100, 16384, 32, 8
BN = 512
R = 128 // D
NC = BN * D // 128
SW = 1024


def _block_kernel(x_ref, w8_ref, b8_ref, a32_ref, out_ref, wout_ref):
    xb = x_ref[...]
    w8 = w8_ref[...].astype(jnp.bfloat16)
    a32 = a32_ref[...].astype(jnp.bfloat16)
    b8 = b8_ref[...]
    hs = []
    for c in range(NC // 2):
        xc = xb[:, c * 256:(c + 1) * 256]
        hc = jnp.tanh(
            jax.lax.dot_general(xc, w8, (((1,), (0,)), ((), ())),
                                preferred_element_type=jnp.float32) + b8
        )
        hs.append(hc.astype(jnp.bfloat16))
    sc = []
    for u in range(BN * D // SW):
        hu = jnp.concatenate(hs[u * (SW // 256):(u + 1) * (SW // 256)], axis=1)
        sc.append(
            jax.lax.dot_general(hu, a32, (((1,), (0,)), ((), ())),
                                preferred_element_type=jnp.float32)
        )
    scores = jnp.concatenate(sc, axis=1)

    neg_inf = jnp.float32(-jnp.inf)
    cur = scores
    vals = []
    for _ in range(K):
        m = jnp.max(cur, axis=0, keepdims=True)
        vals.append(m)
        cur = jnp.where(cur == m, neg_inf, cur)

    vmax = vals[0]
    vstack = jnp.concatenate(vals, axis=0)
    e = jnp.exp(vstack - vmax)
    denom = jnp.sum(e, axis=0, keepdims=True)
    wout_ref[...] = e / denom

    rcp = 1.0 / denom
    wfull = jnp.where(scores >= vals[K - 1], jnp.exp(scores - vmax), 0.0) * rcp
    wT = wfull.T
    whi = wT.astype(jnp.bfloat16)
    wlo = (wT - whi.astype(jnp.float32)).astype(jnp.bfloat16)
    gmask = (jax.lax.broadcasted_iota(jnp.int32, (R, 128), 1) // D
             == jax.lax.broadcasted_iota(jnp.int32, (R, 128), 0))
    qrows = []
    for c in range(NC):
        s0, s1 = c * R, (c + 1) * R
        xc = xb[:, c * 128:(c + 1) * 128]
        prod = (
            jax.lax.dot_general(whi[s0:s1, :], xc, (((1,), (0,)), ((), ())),
                                preferred_element_type=jnp.float32)
            + jax.lax.dot_general(wlo[s0:s1, :], xc, (((1,), (0,)), ((), ())),
                                  preferred_element_type=jnp.float32)
        )
        qrows.append(jnp.sum(jnp.where(gmask, prod, 0.0), axis=0, keepdims=True))
    out_ref[...] = jnp.concatenate(qrows, axis=0)


@functools.partial(jax.jit, static_argnums=())
def kernel(semantic_embeddings, W, b, attnVec):
    x2 = semantic_embeddings.astype(jnp.bfloat16).reshape(P, N * D)
    a = attnVec[0, :, 0]

    w8 = jnp.kron(jnp.eye(2 * R, dtype=jnp.float32), W.T)
    a32 = jnp.kron(jnp.eye(SW // D, dtype=jnp.float32), a[:, None])
    b8 = jnp.tile(b, (2 * R,))[None, :]

    grid = (N // BN,)
    q2, wT = pl.pallas_call(
        _block_kernel,
        grid=grid,
        in_specs=[
            pl.BlockSpec((P, BN * D), lambda i: (0, i)),
            pl.BlockSpec((2 * R * D, 2 * R * D), lambda i: (0, 0)),
            pl.BlockSpec((1, 2 * R * D), lambda i: (0, 0)),
            pl.BlockSpec((SW, SW // D), lambda i: (0, 0)),
        ],
        out_specs=[
            pl.BlockSpec((NC, R * D), lambda i: (i, 0)),
            pl.BlockSpec((K, BN), lambda i: (0, i)),
        ],
        out_shape=[
            jax.ShapeDtypeStruct((N * D // 128, R * D), jnp.float32),
            jax.ShapeDtypeStruct((K, N), jnp.float32),
        ],
        compiler_params=pltpu.CompilerParams(
            dimension_semantics=("parallel",),
        ),
    )(x2, w8, b8, a32)
    return q2.reshape(N, D), wT.T[:, :, None]

# --- scband reference (transcript-rebuilt; emitter-appended) ---
"""Pipeline reference for scband-attn-vec-top-k-10196252361383 (READ-ONLY COPY).

The authoritative reference and input builder live on the scoring server;
editing this copy changes nothing except your own understanding.
"""

import jax, jax.numpy as jnp
import numpy as np

P, N, D, K = 100, 16384, 32, 8

def setup_inputs(seed: int = 0) -> dict:
    key = jax.random.key(seed)
    k1, k2, k3, k4 = jax.random.split(key, 4)
    semantic_embeddings = jax.random.normal(k1, (P, N, D), dtype=jnp.float32)
    # nn.Linear(emb_dim, emb_dim): weight [D, D], bias [D]
    bound = 1.0 / np.sqrt(D)
    W = jax.random.uniform(k2, (D, D), dtype=jnp.float32, minval=-bound, maxval=bound)
    b = jax.random.uniform(k3, (D,), dtype=jnp.float32, minval=-bound, maxval=bound)
    # attnVec = nn.Parameter(torch.rand(1, D, 1))
    attnVec = jax.random.uniform(k4, (1, D, 1), dtype=jnp.float32)
    return {"semantic_embeddings": semantic_embeddings, "W": W, "b": b, "attnVec": attnVec}

def reference(semantic_embeddings, W, b, attnVec):
    # torch.stack(list_of_P_tensors, dim=1): list elements are [N, D] -> [N, P, D]
    x = jnp.moveaxis(semantic_embeddings, 0, 1)  # [N, P, D]
    # path_weight = matmul(tanh(fc(x)), attnVec) -> [N, P, 1]
    h = jnp.tanh(x @ W.T + b)
    path_weight = jnp.matmul(h, attnVec)  # broadcast [1, D, 1] -> [N, P, 1]
    scores = path_weight[..., 0]  # [N, P]
    # torch.topk(dim=1, sorted=False): same value set; softmax/gather are permutation-consistent
    vals, idx = jax.lax.top_k(scores, K)  # [N, K]
    w = jax.nn.softmax(vals, axis=1)[..., None]  # [N, K, 1]
    # index.repeat(1,1,D) + torch.gather(dim=1) == take_along_axis on path axis
    gathered = jnp.take_along_axis(x, idx[:, :, None], axis=1)  # [N, K, D]
    ques_embedding = jnp.sum(gathered * w, axis=1)  # [N, D]
    return ques_embedding, w

if __name__ == "__main__":
    import jax
    _d = setup_inputs()
    print(jax.jit(kernel)(*tuple(_d.values())))

</pallas_src>

<mosaic_0001>
module attributes {stable_mosaic.version = 14 : i64} {
  func.func @_block_kernel(%arg0: i32, %arg1: memref<100x16384xbf16, #tpu.memory_space<vmem>>, %arg2: memref<256x256xf32, #tpu.memory_space<vmem>>, %arg3: memref<1x256xf32, #tpu.memory_space<vmem>>, %arg4: memref<1024x32xf32, #tpu.memory_space<vmem>>, %arg5: memref<128x128xf32, #tpu.memory_space<vmem>>, %arg6: memref<8x512xf32, #tpu.memory_space<vmem>>) attributes {dimension_semantics = [#tpu.dimension_semantics<parallel>], iteration_bounds = array<i64: 32>, scalar_prefetch = 0 : i64, scratch_operands = 0 : i64, tpu.core_type = #tpu.core_type<tc>, window_params = [{transform_indices = @transform_0, window_bounds = array<i64: 100, 16384>}, {pipeline_mode = #tpu.pipeline_mode<synchronous>, transform_indices = @transform_1, window_bounds = array<i64: 256, 256>}, {pipeline_mode = #tpu.pipeline_mode<synchronous>, transform_indices = @transform_2, window_bounds = array<i64: 1, 256>}, {pipeline_mode = #tpu.pipeline_mode<synchronous>, transform_indices = @transform_3, window_bounds = array<i64: 1024, 32>}, {transform_indices = @transform_4, window_bounds = array<i64: 128, 128>}, {transform_indices = @transform_5, window_bounds = array<i64: 8, 512>}]} {
    %get3A = arith.constant 0 : index
    %get3A_0 = arith.constant 0 : index
    %get3A_1 = vector.load %arg1[%get3A, %get3A_0] : memref<100x16384xbf16, #tpu.memory_space<vmem>>, vector<100x16384xbf16>
    %get3A_2 = arith.constant 0 : index
    %get3A_3 = arith.constant 0 : index
    %get3A_4 = vector.load %arg2[%get3A_2, %get3A_3] : memref<256x256xf32, #tpu.memory_space<vmem>>, vector<256x256xf32>
    %convert_element_type3A = arith.truncf %get3A_4 : vector<256x256xf32> to vector<256x256xbf16>
    %get3A_5 = arith.constant 0 : index
    %get3A_6 = arith.constant 0 : index
    %get3A_7 = vector.load %arg4[%get3A_5, %get3A_6] : memref<1024x32xf32, #tpu.memory_space<vmem>>, vector<1024x32xf32>
    %convert_element_type3A_8 = arith.truncf %get3A_7 : vector<1024x32xf32> to vector<1024x32xbf16>
    %get3A_9 = arith.constant 0 : index
    %get3A_10 = arith.constant 0 : index
    %get3A_11 = vector.load %arg3[%get3A_9, %get3A_10] : memref<1x256xf32, #tpu.memory_space<vmem>>, vector<1x256xf32>
    %slice3A = vector.extract_strided_slice %get3A_1 {offsets = [0, 0], sizes = [100, 256], strides = [1, 1]} : vector<100x16384xbf16> to vector<100x256xbf16>
    %dot_general3A = arith.constant dense<0.000000e+00> : vector<100x256xf32>
    %dot_general3A_12 = tpu.matmul %slice3A, %convert_element_type3A, %dot_general3A {dimension_numbers = #tpu.dot_dimension_numbers<[1], [0], [0], [1], [0, 0, 1, 1], [], []>, transpose_lhs_hint = false} : vector<100x256xbf16>, vector<256x256xbf16>, vector<100x256xf32> -> vector<100x256xf32>
    %add3A = vector.broadcast %get3A_11 : vector<1x256xf32> to vector<100x256xf32>
    %add3A_13 = arith.addf %dot_general3A_12, %add3A : vector<100x256xf32>
    %tanh3A = math.tanh %add3A_13 : vector<100x256xf32>
    %convert_element_type3A_14 = arith.truncf %tanh3A : vector<100x256xf32> to vector<100x256xbf16>
    %slice3A_15 = vector.extract_strided_slice %get3A_1 {offsets = [0, 256], sizes = [100, 256], strides = [1, 1]} : vector<100x16384xbf16> to vector<100x256xbf16>
    %dot_general3A_16 = arith.constant dense<0.000000e+00> : vector<100x256xf32>
    %dot_general3A_17 = tpu.matmul %slice3A_15, %convert_element_type3A, %dot_general3A_16 {dimension_numbers = #tpu.dot_dimension_numbers<[1], [0], [0], [1], [0, 0, 1, 1], [], []>, transpose_lhs_hint = false} : vector<100x256xbf16>, vector<256x256xbf16>, vector<100x256xf32> -> vector<100x256xf32>
    %add3A_18 = vector.broadcast %get3A_11 : vector<1x256xf32> to vector<100x256xf32>
    %add3A_19 = arith.addf %dot_general3A_17, %add3A_18 : vector<100x256xf32>
    %tanh3A_20 = math.tanh %add3A_19 : vector<100x256xf32>
    %convert_element_type3A_21 = arith.truncf %tanh3A_20 : vector<100x256xf32> to vector<100x256xbf16>
    %slice3A_22 = vector.extract_strided_slice %get3A_1 {offsets = [0, 512], sizes = [100, 256], strides = [1, 1]} : vector<100x16384xbf16> to vector<100x256xbf16>
    %dot_general3A_23 = arith.constant dense<0.000000e+00> : vector<100x256xf32>
    %dot_general3A_24 = tpu.matmul %slice3A_22, %convert_element_type3A, %dot_general3A_23 {dimension_numbers = #tpu.dot_dimension_numbers<[1], [0], [0], [1], [0, 0, 1, 1], [], []>, transpose_lhs_hint = false} : vector<100x256xbf16>, vector<256x256xbf16>, vector<100x256xf32> -> vector<100x256xf32>
    %add3A_25 = vector.broadcast %get3A_11 : vector<1x256xf32> to vector<100x256xf32>
    %add3A_26 = arith.addf %dot_general3A_24, %add3A_25 : vector<100x256xf32>
    %tanh3A_27 = math.tanh %add3A_26 : vector<100x256xf32>
    %convert_element_type3A_28 = arith.truncf %tanh3A_27 : vector<100x256xf32> to vector<100x256xbf16>
    %slice3A_29 = vector.extract_strided_slice %get3A_1 {offsets = [0, 768], sizes = [100, 256], strides = [1, 1]} : vector<100x16384xbf16> to vector<100x256xbf16>
    %dot_general3A_30 = arith.constant dense<0.000000e+00> : vector<100x256xf32>
    %dot_general3A_31 = tpu.matmul %slice3A_29, %convert_element_type3A, %dot_general3A_30 {dimension_numbers = #tpu.dot_dimension_numbers<[1], [0], [0], [1], [0, 0, 1, 1], [], []>, transpose_lhs_hint = false} : vector<100x256xbf16>, vector<256x256xbf16>, vector<100x256xf32> -> vector<100x256xf32>
    %add3A_32 = vector.broadcast %get3A_11 : vector<1x256xf32> to vector<100x256xf32>
    %add3A_33 = arith.addf %dot_general3A_31, %add3A_32 : vector<100x256xf32>
    %tanh3A_34 = math.tanh %add3A_33 : vector<100x256xf32>
    %convert_element_type3A_35 = arith.truncf %tanh3A_34 : vector<100x256xf32> to vector<100x256xbf16>
    %slice3A_36 = vector.extract_strided_slice %get3A_1 {offsets = [0, 1024], sizes = [100, 256], strides = [1, 1]} : vector<100x16384xbf16> to vector<100x256xbf16>
    %dot_general3A_37 = arith.constant dense<0.000000e+00> : vector<100x256xf32>
    %dot_general3A_38 = tpu.matmul %slice3A_36, %convert_element_type3A, %dot_general3A_37 {dimension_numbers = #tpu.dot_dimension_numbers<[1], [0], [0], [1], [0, 0, 1, 1], [], []>, transpose_lhs_hint = false} : vector<100x256xbf16>, vector<256x256xbf16>, vector<100x256xf32> -> vector<100x256xf32>
    %add3A_39 = vector.broadcast %get3A_11 : vector<1x256xf32> to vector<100x256xf32>
    %add3A_40 = arith.addf %dot_general3A_38, %add3A_39 : vector<100x256xf32>
    %tanh3A_41 = math.tanh %add3A_40 : vector<100x256xf32>
    %convert_element_type3A_42 = arith.truncf %tanh3A_41 : vector<100x256xf32> to vector<100x256xbf16>
    %slice3A_43 = vector.extract_strided_slice %get3A_1 {offsets = [0, 1280], sizes = [100, 256], strides = [1, 1]} : vector<100x16384xbf16> to vector<100x256xbf16>
    %dot_general3A_44 = arith.constant dense<0.000000e+00> : vector<100x256xf32>
    %dot_general3A_45 = tpu.matmul %slice3A_43, %convert_element_type3A, %dot_general3A_44 {dimension_numbers = #tpu.dot_dimension_numbers<[1], [0], [0], [1], [0, 0, 1, 1], [], []>, transpose_lhs_hint = false} : vector<100x256xbf16>, vector<256x256xbf16>, vector<100x256xf32> -> vector<100x256xf32>
    %add3A_46 = vector.broadcast %get3A_11 : vector<1x256xf32> to vector<100x256xf32>
    %add3A_47 = arith.addf %dot_general3A_45, %add3A_46 : vector<100x256xf32>
    %tanh3A_48 = math.tanh %add3A_47 : vector<100x256xf32>
    %convert_element_type3A_49 = arith.truncf %tanh3A_48 : vector<100x256xf32> to vector<100x256xbf16>
    %slice3A_50 = vector.extract_strided_slice %get3A_1 {offsets = [0, 1536], sizes = [100, 256], strides = [1, 1]} : vector<100x16384xbf16> to vector<100x256xbf16>
    %dot_general3A_51 = arith.constant dense<0.000000e+00> : vector<100x256xf32>
    %dot_general3A_52 = tpu.matmul %slice3A_50, %convert_element_type3A, %dot_general3A_51 {dimension_numbers = #tpu.dot_dimension_numbers<[1], [0], [0], [1], [0, 0, 1, 1], [], []>, transpose_lhs_hint = false} : vector<100x256xbf16>, vector<256x256xbf16>, vector<100x256xf32> -> vector<100x256xf32>
    %add3A_53 = vector.broadcast %get3A_11 : vector<1x256xf32> to vector<100x256xf32>
    %add3A_54 = arith.addf %dot_general3A_52, %add3A_53 : vector<100x256xf32>
    %tanh3A_55 = math.tanh %add3A_54 : vector<100x256xf32>
    %convert_element_type3A_56 = arith.truncf %tanh3A_55 : vector<100x256xf32> to vector<100x256xbf16>
    %slice3A_57 = vector.extract_strided_slice %get3A_1 {offsets = [0, 1792], sizes = [100, 256], strides = [1, 1]} : vector<100x16384xbf16> to vector<100x256xbf16>
    %dot_general3A_58 = arith.constant dense<0.000000e+00> : vector<100x256xf32>
    %dot_general3A_59 = tpu.matmul %slice3A_57, %convert_element_type3A, %dot_general3A_58 {dimension_numbers = #tpu.dot_dimension_numbers<[1], [0], [0], [1], [0, 0, 1, 1], [], []>, transpose_lhs_hint = false} : vector<100x256xbf16>, vector<256x256xbf16>, vector<100x256xf32> -> vector<100x256xf32>
    %add3A_60 = vector.broadcast %get3A_11 : vector<1x256xf32> to vector<100x256xf32>
    %add3A_61 = arith.addf %dot_general3A_59, %add3A_60 : vector<100x256xf32>
    %tanh3A_62 = math.tanh %add3A_61 : vector<100x256xf32>
    %convert_element_type3A_63 = arith.truncf %tanh3A_62 : vector<100x256xf32> to vector<100x256xbf16>
    %slice3A_64 = vector.extract_strided_slice %get3A_1 {offsets = [0, 2048], sizes = [100, 256], strides = [1, 1]} : vector<100x16384xbf16> to vector<100x256xbf16>
    %dot_general3A_65 = arith.constant dense<0.000000e+00> : vector<100x256xf32>
    %dot_general3A_66 = tpu.matmul %slice3A_64, %convert_element_type3A, %dot_general3A_65 {dimension_numbers = #tpu.dot_dimension_numbers<[1], [0], [0], [1], [0, 0, 1, 1], [], []>, transpose_lhs_hint = false} : vector<100x256xbf16>, vector<256x256xbf16>, vector<100x256xf32> -> vector<100x256xf32>
    %add3A_67 = vector.broadcast %get3A_11 : vector<1x256xf32> to vector<100x256xf32>
    %add3A_68 = arith.addf %dot_general3A_66, %add3A_67 : vector<100x256xf32>
    %tanh3A_69 = math.tanh %add3A_68 : vector<100x256xf32>
    %convert_element_type3A_70 = arith.truncf %tanh3A_69 : vector<100x256xf32> to vector<100x256xbf16>
    %slice3A_71 = vector.extract_strided_slice %get3A_1 {offsets = [0, 2304], sizes = [100, 256], strides = [1, 1]} : vector<100x16384xbf16> to vector<100x256xbf16>
    %dot_general3A_72 = arith.constant dense<0.000000e+00> : vector<100x256xf32>
    %dot_general3A_73 = tpu.matmul %slice3A_71, %convert_element_type3A, %dot_general3A_72 {dimension_numbers = #tpu.dot_dimension_numbers<[1], [0], [0], [1], [0, 0, 1, 1], [], []>, transpose_lhs_hint = false} : vector<100x256xbf16>, vector<256x256xbf16>, vector<100x256xf32> -> vector<100x256xf32>
    %add3A_74 = vector.broadcast %get3A_11 : vector<1x256xf32> to vector<100x256xf32>
    %add3A_75 = arith.addf %dot_general3A_73, %add3A_74 : vector<100x256xf32>
    %tanh3A_76 = math.tanh %add3A_75 : vector<100x256xf32>
    %convert_element_type3A_77 = arith.truncf %tanh3A_76 : vector<100x256xf32> to vector<100x256xbf16>
    %slice3A_78 = vector.extract_strided_slice %get3A_1 {offsets = [0, 2560], sizes = [100, 256], strides = [1, 1]} : vector<100x16384xbf16> to vector<100x256xbf16>
    %dot_general3A_79 = arith.constant dense<0.000000e+00> : vector<100x256xf32>
    %dot_general3A_80 = tpu.matmul %slice3A_78, %convert_element_type3A, %dot_general3A_79 {dimension_numbers = #tpu.dot_dimension_numbers<[1], [0], [0], [1], [0, 0, 1, 1], [], []>, transpose_lhs_hint = false} : vector<100x256xbf16>, vector<256x256xbf16>, vector<100x256xf32> -> vector<100x256xf32>
    %add3A_81 = vector.broadcast %get3A_11 : vector<1x256xf32> to vector<100x256xf32>
    %add3A_82 = arith.addf %dot_general3A_80, %add3A_81 : vector<100x256xf32>
    %tanh3A_83 = math.tanh %add3A_82 : vector<100x256xf32>
    %convert_element_type3A_84 = arith.truncf %tanh3A_83 : vector<100x256xf32> to vector<100x256xbf16>
    %slice3A_85 = vector.extract_strided_slice %get3A_1 {offsets = [0, 2816], sizes = [100, 256], strides = [1, 1]} : vector<100x16384xbf16> to vector<100x256xbf16>
    %dot_general3A_86 = arith.constant dense<0.000000e+00> : vector<100x256xf32>
    %dot_general3A_87 = tpu.matmul %slice3A_85, %convert_element_type3A, %dot_general3A_86 {dimension_numbers = #tpu.dot_dimension_numbers<[1], [0], [0], [1], [0, 0, 1, 1], [], []>, transpose_lhs_hint = false} : vector<100x256xbf16>, vector<256x256xbf16>, vector<100x256xf32> -> vector<100x256xf32>
    %add3A_88 = vector.broadcast %get3A_11 : vector<1x256xf32> to vector<100x256xf32>
    %add3A_89 = arith.addf %dot_general3A_87, %add3A_88 : vector<100x256xf32>
    %tanh3A_90 = math.tanh %add3A_89 : vector<100x256xf32>
    %convert_element_type3A_91 = arith.truncf %tanh3A_90 : vector<100x256xf32> to vector<100x256xbf16>
    %slice3A_92 = vector.extract_strided_slice %get3A_1 {offsets = [0, 3072], sizes = [100, 256], strides = [1, 1]} : vector<100x16384xbf16> to vector<100x256xbf16>
    %dot_general3A_93 = arith.constant dense<0.000000e+00> : vector<100x256xf32>
    %dot_general3A_94 = tpu.matmul %slice3A_92, %convert_element_type3A, %dot_general3A_93 {dimension_numbers = #tpu.dot_dimension_numbers<[1], [0], [0], [1], [0, 0, 1, 1], [], []>, transpose_lhs_hint = false} : vector<100x256xbf16>, vector<256x256xbf16>, vector<100x256xf32> -> vector<100x256xf32>
    %add3A_95 = vector.broadcast %get3A_11 : vector<1x256xf32> to vector<100x256xf32>
    %add3A_96 = arith.addf %dot_general3A_94, %add3A_95 : vector<100x256xf32>
    %tanh3A_97 = math.tanh %add3A_96 : vector<100x256xf32>
    %convert_element_type3A_98 = arith.truncf %tanh3A_97 : vector<100x256xf32> to vector<100x256xbf16>
    %slice3A_99 = vector.extract_strided_slice %get3A_1 {offsets = [0, 3328], sizes = [100, 256], strides = [1, 1]} : vector<100x16384xbf16> to vector<100x256xbf16>
    %dot_general3A_100 = arith.constant dense<0.000000e+00> : vector<100x256xf32>
    %dot_general3A_101 = tpu.matmul %slice3A_99, %convert_element_type3A, %dot_general3A_100 {dimension_numbers = #tpu.dot_dimension_numbers<[1], [0], [0], [1], [0, 0, 1, 1], [], []>, transpose_lhs_hint = false} : vector<100x256xbf16>, vector<256x256xbf16>, vector<100x256xf32> -> vector<100x256xf32>
    %add3A_102 = vector.broadcast %get3A_11 : vector<1x256xf32> to vector<100x256xf32>
    %add3A_103 = arith.addf %dot_general3A_101, %add3A_102 : vector<100x256xf32>
    %tanh3A_104 = math.tanh %add3A_103 : vector<100x256xf32>
    %convert_element_type3A_105 = arith.truncf %tanh3A_104 : vector<100x256xf32> to vector<100x256xbf16>
    %slice3A_106 = vector.extract_strided_slice %get3A_1 {offsets = [0, 3584], sizes = [100, 256], strides = [1, 1]} : vector<100x16384xbf16> to vector<100x256xbf16>
    %dot_general3A_107 = arith.constant dense<0.000000e+00> : vector<100x256xf32>
    %dot_general3A_108 = tpu.matmul %slice3A_106, %convert_element_type3A, %dot_general3A_107 {dimension_numbers = #tpu.dot_dimension_numbers<[1], [0], [0], [1], [0, 0, 1, 1], [], []>, transpose_lhs_hint = false} : vector<100x256xbf16>, vector<256x256xbf16>, vector<100x256xf32> -> vector<100x256xf32>
    %add3A_109 = vector.broadcast %get3A_11 : vector<1x256xf32> to vector<100x256xf32>
    %add3A_110 = arith.addf %dot_general3A_108, %add3A_109 : vector<100x256xf32>
    %tanh3A_111 = math.tanh %add3A_110 : vector<100x256xf32>
    %convert_element_type3A_112 = arith.truncf %tanh3A_111 : vector<100x256xf32> to vector<100x256xbf16>
    %slice3A_113 = vector.extract_strided_slice %get3A_1 {offsets = [0, 3840], sizes = [100, 256], strides = [1, 1]} : vector<100x16384xbf16> to vector<100x256xbf16>
    %dot_general3A_114 = arith.constant dense<0.000000e+00> : vector<100x256xf32>
    %dot_general3A_115 = tpu.matmul %slice3A_113, %convert_element_type3A, %dot_general3A_114 {dimension_numbers = #tpu.dot_dimension_numbers<[1], [0], [0], [1], [0, 0, 1, 1], [], []>, transpose_lhs_hint = false} : vector<100x256xbf16>, vector<256x256xbf16>, vector<100x256xf32> -> vector<100x256xf32>
    %add3A_116 = vector.broadcast %get3A_11 : vector<1x256xf32> to vector<100x256xf32>
    %add3A_117 = arith.addf %dot_general3A_115, %add3A_116 : vector<100x256xf32>
    %tanh3A_118 = math.tanh %add3A_117 : vector<100x256xf32>
    %convert_element_type3A_119 = arith.truncf %tanh3A_118 : vector<100x256xf32> to vector<100x256xbf16>
    %slice3A_120 = vector.extract_strided_slice %get3A_1 {offsets = [0, 4096], sizes = [100, 256], strides = [1, 1]} : vector<100x16384xbf16> to vector<100x256xbf16>
    %dot_general3A_121 = arith.constant dense<0.000000e+00> : vector<100x256xf32>
    %dot_general3A_122 = tpu.matmul %slice3A_120, %convert_element_type3A, %dot_general3A_121 {dimension_numbers = #tpu.dot_dimension_numbers<[1], [0], [0], [1], [0, 0, 1, 1], [], []>, transpose_lhs_hint = false} : vector<100x256xbf16>, vector<256x256xbf16>, vector<100x256xf32> -> vector<100x256xf32>
    %add3A_123 = vector.broadcast %get3A_11 : vector<1x256xf32> to vector<100x256xf32>
    %add3A_124 = arith.addf %dot_general3A_122, %add3A_123 : vector<100x256xf32>
    %tanh3A_125 = math.tanh %add3A_124 : vector<100x256xf32>
    %convert_element_type3A_126 = arith.truncf %tanh3A_125 : vector<100x256xf32> to vector<100x256xbf16>
    %slice3A_127 = vector.extract_strided_slice %get3A_1 {offsets = [0, 4352], sizes = [100, 256], strides = [1, 1]} : vector<100x16384xbf16> to vector<100x256xbf16>
    %dot_general3A_128 = arith.constant dense<0.000000e+00> : vector<100x256xf32>
    %dot_general3A_129 = tpu.matmul %slice3A_127, %convert_element_type3A, %dot_general3A_128 {dimension_numbers = #tpu.dot_dimension_numbers<[1], [0], [0], [1], [0, 0, 1, 1], [], []>, transpose_lhs_hint = false} : vector<100x256xbf16>, vector<256x256xbf16>, vector<100x256xf32> -> vector<100x256xf32>
    %add3A_130 = vector.broadcast %get3A_11 : vector<1x256xf32> to vector<100x256xf32>
    %add3A_131 = arith.addf %dot_general3A_129, %add3A_130 : vector<100x256xf32>
    %tanh3A_132 = math.tanh %add3A_131 : vector<100x256xf32>
    %convert_element_type3A_133 = arith.truncf %tanh3A_132 : vector<100x256xf32> to vector<100x256xbf16>
    %slice3A_134 = vector.extract_strided_slice %get3A_1 {offsets = [0, 4608], sizes = [100, 256], strides = [1, 1]} : vector<100x16384xbf16> to vector<100x256xbf16>
    %dot_general3A_135 = arith.constant dense<0.000000e+00> : vector<100x256xf32>
    %dot_general3A_136 = tpu.matmul %slice3A_134, %convert_element_type3A, %dot_general3A_135 {dimension_numbers = #tpu.dot_dimension_numbers<[1], [0], [0], [1], [0, 0, 1, 1], [], []>, transpose_lhs_hint = false} : vector<100x256xbf16>, vector<256x256xbf16>, vector<100x256xf32> -> vector<100x256xf32>
    %add3A_137 = vector.broadcast %get3A_11 : vector<1x256xf32> to vector<100x256xf32>
    %add3A_138 = arith.addf %dot_general3A_136, %add3A_137 : vector<100x256xf32>
    %tanh3A_139 = math.tanh %add3A_138 : vector<100x256xf32>
    %convert_element_type3A_140 = arith.truncf %tanh3A_139 : vector<100x256xf32> to vector<100x256xbf16>
    %slice3A_141 = vector.extract_strided_slice %get3A_1 {offsets = [0, 4864], sizes = [100, 256], strides = [1, 1]} : vector<100x16384xbf16> to vector<100x256xbf16>
    %dot_general3A_142 = arith.constant dense<0.000000e+00> : vector<100x256xf32>
    %dot_general3A_143 = tpu.matmul %slice3A_141, %convert_element_type3A, %dot_general3A_142 {dimension_numbers = #tpu.dot_dimension_numbers<[1], [0], [0], [1], [0, 0, 1, 1], [], []>, transpose_lhs_hint = false} : vector<100x256xbf16>, vector<256x256xbf16>, vector<100x256xf32> -> vector<100x256xf32>
    %add3A_144 = vector.broadcast %get3A_11 : vector<1x256xf32> to vector<100x256xf32>
    %add3A_145 = arith.addf %dot_general3A_143, %add3A_144 : vector<100x256xf32>
    %tanh3A_146 = math.tanh %add3A_145 : vector<100x256xf32>
    %convert_element_type3A_147 = arith.truncf %tanh3A_146 : vector<100x256xf32> to vector<100x256xbf16>
    %slice3A_148 = vector.extract_strided_slice %get3A_1 {offsets = [0, 5120], sizes = [100, 256], strides = [1, 1]} : vector<100x16384xbf16> to vector<100x256xbf16>
    %dot_general3A_149 = arith.constant dense<0.000000e+00> : vector<100x256xf32>
    %dot_general3A_150 = tpu.matmul %slice3A_148, %convert_element_type3A, %dot_general3A_149 {dimension_numbers = #tpu.dot_dimension_numbers<[1], [0], [0], [1], [0, 0, 1, 1], [], []>, transpose_lhs_hint = false} : vector<100x256xbf16>, vector<256x256xbf16>, vector<100x256xf32> -> vector<100x256xf32>
    %add3A_151 = vector.broadcast %get3A_11 : vector<1x256xf32> to vector<100x256xf32>
    %add3A_152 = arith.addf %dot_general3A_150, %add3A_151 : vector<100x256xf32>
    %tanh3A_153 = math.tanh %add3A_152 : vector<100x256xf32>
    %convert_element_type3A_154 = arith.truncf %tanh3A_153 : vector<100x256xf32> to vector<100x256xbf16>
    %slice3A_155 = vector.extract_strided_slice %get3A_1 {offsets = [0, 5376], sizes = [100, 256], strides = [1, 1]} : vector<100x16384xbf16> to vector<100x256xbf16>
    %dot_general3A_156 = arith.constant dense<0.000000e+00> : vector<100x256xf32>
    %dot_general3A_157 = tpu.matmul %slice3A_155, %convert_element_type3A, %dot_general3A_156 {dimension_numbers = #tpu.dot_dimension_numbers<[1], [0], [0], [1], [0, 0, 1, 1], [], []>, transpose_lhs_hint = false} : vector<100x256xbf16>, vector<256x256xbf16>, vector<100x256xf32> -> vector<100x256xf32>
    %add3A_158 = vector.broadcast %get3A_11 : vector<1x256xf32> to vector<100x256xf32>
    %add3A_159 = arith.addf %dot_general3A_157, %add3A_158 : vector<100x256xf32>
    %tanh3A_160 = math.tanh %add3A_159 : vector<100x256xf32>
    %convert_element_type3A_161 = arith.truncf %tanh3A_160 : vector<100x256xf32> to vector<100x256xbf16>
    %slice3A_162 = vector.extract_strided_slice %get3A_1 {offsets = [0, 5632], sizes = [100, 256], strides = [1, 1]} : vector<100x16384xbf16> to vector<100x256xbf16>
    %dot_general3A_163 = arith.constant dense<0.000000e+00> : vector<100x256xf32>
    %dot_general3A_164 = tpu.matmul %slice3A_162, %convert_element_type3A, %dot_general3A_163 {dimension_numbers = #tpu.dot_dimension_numbers<[1], [0], [0], [1], [0, 0, 1, 1], [], []>, transpose_lhs_hint = false} : vector<100x256xbf16>, vector<256x256xbf16>, vector<100x256xf32> -> vector<100x256xf32>
    %add3A_165 = vector.broadcast %get3A_11 : vector<1x256xf32> to vector<100x256xf32>
    %add3A_166 = arith.addf %dot_general3A_164, %add3A_165 : vector<100x256xf32>
    %tanh3A_167 = math.tanh %add3A_166 : vector<100x256xf32>
    %convert_element_type3A_168 = arith.truncf %tanh3A_167 : vector<100x256xf32> to vector<100x256xbf16>
    %slice3A_169 = vector.extract_strided_slice %get3A_1 {offsets = [0, 5888], sizes = [100, 256], strides = [1, 1]} : vector<100x16384xbf16> to vector<100x256xbf16>
    %dot_general3A_170 = arith.constant dense<0.000000e+00> : vector<100x256xf32>
    %dot_general3A_171 = tpu.matmul %slice3A_169, %convert_element_type3A, %dot_general3A_170 {dimension_numbers = #tpu.dot_dimension_numbers<[1], [0], [0], [1], [0, 0, 1, 1], [], []>, transpose_lhs_hint = false} : vector<100x256xbf16>, vector<256x256xbf16>, vector<100x256xf32> -> vector<100x256xf32>
    %add3A_172 = vector.broadcast %get3A_11 : vector<1x256xf32> to vector<100x256xf32>
    %add3A_173 = arith.addf %dot_general3A_171, %add3A_172 : vector<100x256xf32>
    %tanh3A_174 = math.tanh %add3A_173 : vector<100x256xf32>
    %convert_element_type3A_175 = arith.truncf %tanh3A_174 : vector<100x256xf32> to vector<100x256xbf16>
    %slice3A_176 = vector.extract_strided_slice %get3A_1 {offsets = [0, 6144], sizes = [100, 256], strides = [1, 1]} : vector<100x16384xbf16> to vector<100x256xbf16>
    %dot_general3A_177 = arith.constant dense<0.000000e+00> : vector<100x256xf32>
    %dot_general3A_178 = tpu.matmul %slice3A_176, %convert_element_type3A, %dot_general3A_177 {dimension_numbers = #tpu.dot_dimension_numbers<[1], [0], [0], [1], [0, 0, 1, 1], [], []>, transpose_lhs_hint = false} : vector<100x256xbf16>, vector<256x256xbf16>, vector<100x256xf32> -> vector<100x256xf32>
    %add3A_179 = vector.broadcast %get3A_11 : vector<1x256xf32> to vector<100x256xf32>
    %add3A_180 = arith.addf %dot_general3A_178, %add3A_179 : vector<100x256xf32>
    %tanh3A_181 = math.tanh %add3A_180 : vector<100x256xf32>
    %convert_element_type3A_182 = arith.truncf %tanh3A_181 : vector<100x256xf32> to vector<100x256xbf16>
    %slice3A_183 = vector.extract_strided_slice %get3A_1 {offsets = [0, 6400], sizes = [100, 256], strides = [1, 1]} : vector<100x16384xbf16> to vector<100x256xbf16>
    %dot_general3A_184 = arith.constant dense<0.000000e+00> : vector<100x256xf32>
    %dot_general3A_185 = tpu.matmul %slice3A_183, %convert_element_type3A, %dot_general3A_184 {dimension_numbers = #tpu.dot_dimension_numbers<[1], [0], [0], [1], [0, 0, 1, 1], [], []>, transpose_lhs_hint = false} : vector<100x256xbf16>, vector<256x256xbf16>, vector<100x256xf32> -> vector<100x256xf32>
    %add3A_186 = vector.broadcast %get3A_11 : vector<1x256xf32> to vector<100x256xf32>
    %add3A_187 = arith.addf %dot_general3A_185, %add3A_186 : vector<100x256xf32>
    %tanh3A_188 = math.tanh %add3A_187 : vector<100x256xf32>
    %convert_element_type3A_189 = arith.truncf %tanh3A_188 : vector<100x256xf32> to vector<100x256xbf16>
    %slice3A_190 = vector.extract_strided_slice %get3A_1 {offsets = [0, 6656], sizes = [100, 256], strides = [1, 1]} : vector<100x16384xbf16> to vector<100x256xbf16>
    %dot_general3A_191 = arith.constant dense<0.000000e+00> : vector<100x256xf32>
    %dot_general3A_192 = tpu.matmul %slice3A_190, %convert_element_type3A, %dot_general3A_191 {dimension_numbers = #tpu.dot_dimension_numbers<[1], [0], [0], [1], [0, 0, 1, 1], [], []>, transpose_lhs_hint = false} : vector<100x256xbf16>, vector<256x256xbf16>, vector<100x256xf32> -> vector<100x256xf32>
    %add3A_193 = vector.broadcast %get3A_11 : vector<1x256xf32> to vector<100x256xf32>
    %add3A_194 = arith.addf %dot_general3A_192, %add3A_193 : vector<100x256xf32>
    %tanh3A_195 = math.tanh %add3A_194 : vector<100x256xf32>
    %convert_element_type3A_196 = arith.truncf %tanh3A_195 : vector<100x256xf32> to vector<100x256xbf16>
    %slice3A_197 = vector.extract_strided_slice %get3A_1 {offsets = [0, 6912], sizes = [100, 256], strides = [1, 1]} : vector<100x16384xbf16> to vector<100x256xbf16>
    %dot_general3A_198 = arith.constant dense<0.000000e+00> : vector<100x256xf32>
    %dot_general3A_199 = tpu.matmul %slice3A_197, %convert_element_type3A, %dot_general3A_198 {dimension_numbers = #tpu.dot_dimension_numbers<[1], [0], [0], [1], [0, 0, 1, 1], [], []>, transpose_lhs_hint = false} : vector<100x256xbf16>, vector<256x256xbf16>, vector<100x256xf32> -> vector<100x256xf32>
    %add3A_200 = vector.broadcast %get3A_11 : vector<1x256xf32> to vector<100x256xf32>
    %add3A_201 = arith.addf %dot_general3A_199, %add3A_200 : vector<100x256xf32>
    %tanh3A_202 = math.tanh %add3A_201 : vector<100x256xf32>
    %convert_element_type3A_203 = arith.truncf %tanh3A_202 : vector<100x256xf32> to vector<100x256xbf16>
    %slice3A_204 = vector.extract_strided_slice %get3A_1 {offsets = [0, 7168], sizes = [100, 256], strides = [1, 1]} : vector<100x16384xbf16> to vector<100x256xbf16>
    %dot_general3A_205 = arith.constant dense<0.000000e+00> : vector<100x256xf32>
    %dot_general3A_206 = tpu.matmul %slice3A_204, %convert_element_type3A, %dot_general3A_205 {dimension_numbers = #tpu.dot_dimension_numbers<[1], [0], [0], [1], [0, 0, 1, 1], [], []>, transpose_lhs_hint = false} : vector<100x256xbf16>, vector<256x256xbf16>, vector<100x256xf32> -> vector<100x256xf32>
    %add3A_207 = vector.broadcast %get3A_11 : vector<1x256xf32> to vector<100x256xf32>
    %add3A_208 = arith.addf %dot_general3A_206, %add3A_207 : vector<100x256xf32>
    %tanh3A_209 = math.tanh %add3A_208 : vector<100x256xf32>
    %convert_element_type3A_210 = arith.truncf %tanh3A_209 : vector<100x256xf32> to vector<100x256xbf16>
    %slice3A_211 = vector.extract_strided_slice %get3A_1 {offsets = [0, 7424], sizes = [100, 256], strides = [1, 1]} : vector<100x16384xbf16> to vector<100x256xbf16>
    %dot_general3A_212 = arith.constant dense<0.000000e+00> : vector<100x256xf32>
    %dot_general3A_213 = tpu.matmul %slice3A_211, %convert_element_type3A, %dot_general3A_212 {dimension_numbers = #tpu.dot_dimension_numbers<[1], [0], [0], [1], [0, 0, 1, 1], [], []>, transpose_lhs_hint = false} : vector<100x256xbf16>, vector<256x256xbf16>, vector<100x256xf32> -> vector<100x256xf32>
    %add3A_214 = vector.broadcast %get3A_11 : vector<1x256xf32> to vector<100x256xf32>
    %add3A_215 = arith.addf %dot_general3A_213, %add3A_214 : vector<100x256xf32>
    %tanh3A_216 = math.tanh %add3A_215 : vector<100x256xf32>
    %convert_element_type3A_217 = arith.truncf %tanh3A_216 : vector<100x256xf32> to vector<100x256xbf16>
    %slice3A_218 = vector.extract_strided_slice %get3A_1 {offsets = [0, 7680], sizes = [100, 256], strides = [1, 1]} : vector<100x16384xbf16> to vector<100x256xbf16>
    %dot_general3A_219 = arith.constant dense<0.000000e+00> : vector<100x256xf32>
    %dot_general3A_220 = tpu.matmul %slice3A_218, %convert_element_type3A, %dot_general3A_219 {dimension_numbers = #tpu.dot_dimension_numbers<[1], [0], [0], [1], [0, 0, 1, 1], [], []>, transpose_lhs_hint = false} : vector<100x256xbf16>, vector<256x256xbf16>, vector<100x256xf32> -> vector<100x256xf32>
    %add3A_221 = vector.broadcast %get3A_11 : vector<1x256xf32> to vector<100x256xf32>
    %add3A_222 = arith.addf %dot_general3A_220, %add3A_221 : vector<100x256xf32>
    %tanh3A_223 = math.tanh %add3A_222 : vector<100x256xf32>
    %convert_element_type3A_224 = arith.truncf %tanh3A_223 : vector<100x256xf32> to vector<100x256xbf16>
    %slice3A_225 = vector.extract_strided_slice %get3A_1 {offsets = [0, 7936], sizes = [100, 256], strides = [1, 1]} : vector<100x16384xbf16> to vector<100x256xbf16>
    %dot_general3A_226 = arith.constant dense<0.000000e+00> : vector<100x256xf32>
    %dot_general3A_227 = tpu.matmul %slice3A_225, %convert_element_type3A, %dot_general3A_226 {dimension_numbers = #tpu.dot_dimension_numbers<[1], [0], [0], [1], [0, 0, 1, 1], [], []>, transpose_lhs_hint = false} : vector<100x256xbf16>, vector<256x256xbf16>, vector<100x256xf32> -> vector<100x256xf32>
    %add3A_228 = vector.broadcast %get3A_11 : vector<1x256xf32> to vector<100x256xf32>
    %add3A_229 = arith.addf %dot_general3A_227, %add3A_228 : vector<100x256xf32>
    %tanh3A_230 = math.tanh %add3A_229 : vector<100x256xf32>
    %convert_element_type3A_231 = arith.truncf %tanh3A_230 : vector<100x256xf32> to vector<100x256xbf16>
    %slice3A_232 = vector.extract_strided_slice %get3A_1 {offsets = [0, 8192], sizes = [100, 256], strides = [1, 1]} : vector<100x16384xbf16> to vector<100x256xbf16>
    %dot_general3A_233 = arith.constant dense<0.000000e+00> : vector<100x256xf32>
    %dot_general3A_234 = tpu.matmul %slice3A_232, %convert_element_type3A, %dot_general3A_233 {dimension_numbers = #tpu.dot_dimension_numbers<[1], [0], [0], [1], [0, 0, 1, 1], [], []>, transpose_lhs_hint = false} : vector<100x256xbf16>, vector<256x256xbf16>, vector<100x256xf32> -> vector<100x256xf32>
    %add3A_235 = vector.broadcast %get3A_11 : vector<1x256xf32> to vector<100x256xf32>
    %add3A_236 = arith.addf %dot_general3A_234, %add3A_235 : vector<100x256xf32>
    %tanh3A_237 = math.tanh %add3A_236 : vector<100x256xf32>
    %convert_element_type3A_238 = arith.truncf %tanh3A_237 : vector<100x256xf32> to vector<100x256xbf16>
    %slice3A_239 = vector.extract_strided_slice %get3A_1 {offsets = [0, 8448], sizes = [100, 256], strides = [1, 1]} : vector<100x16384xbf16> to vector<100x256xbf16>
    %dot_general3A_240 = arith.constant dense<0.000000e+00> : vector<100x256xf32>
    %dot_general3A_241 = tpu.matmul %slice3A_239, %convert_element_type3A, %dot_general3A_240 {dimension_numbers = #tpu.dot_dimension_numbers<[1], [0], [0], [1], [0, 0, 1, 1], [], []>, transpose_lhs_hint = false} : vector<100x256xbf16>, vector<256x256xbf16>, vector<100x256xf32> -> vector<100x256xf32>
    %add3A_242 = vector.broadcast %get3A_11 : vector<1x256xf32> to vector<100x256xf32>
    %add3A_243 = arith.addf %dot_general3A_241, %add3A_242 : vector<100x256xf32>
    %tanh3A_244 = math.tanh %add3A_243 : vector<100x256xf32>
    %convert_element_type3A_245 = arith.truncf %tanh3A_244 : vector<100x256xf32> to vector<100x256xbf16>
    %slice3A_246 = vector.extract_strided_slice %get3A_1 {offsets = [0, 8704], sizes = [100, 256], strides = [1, 1]} : vector<100x16384xbf16> to vector<100x256xbf16>
    %dot_general3A_247 = arith.constant dense<0.000000e+00> : vector<100x256xf32>
    %dot_general3A_248 = tpu.matmul %slice3A_246, %convert_element_type3A, %dot_general3A_247 {dimension_numbers = #tpu.dot_dimension_numbers<[1], [0], [0], [1], [0, 0, 1, 1], [], []>, transpose_lhs_hint = false} : vector<100x256xbf16>, vector<256x256xbf16>, vector<100x256xf32> -> vector<100x256xf32>
    %add3A_249 = vector.broadcast %get3A_11 : vector<1x256xf32> to vector<100x256xf32>
    %add3A_250 = arith.addf %dot_general3A_248, %add3A_249 : vector<100x256xf32>
    %tanh3A_251 = math.tanh %add3A_250 : vector<100x256xf32>
    %convert_element_type3A_252 = arith.truncf %tanh3A_251 : vector<100x256xf32> to vector<100x256xbf16>
    %slice3A_253 = vector.extract_strided_slice %get3A_1 {offsets = [0, 8960], sizes = [100, 256], strides = [1, 1]} : vector<100x16384xbf16> to vector<100x256xbf16>
    %dot_general3A_254 = arith.constant dense<0.000000e+00> : vector<100x256xf32>
    %dot_general3A_255 = tpu.matmul %slice3A_253, %convert_element_type3A, %dot_general3A_254 {dimension_numbers = #tpu.dot_dimension_numbers<[1], [0], [0], [1], [0, 0, 1, 1], [], []>, transpose_lhs_hint = false} : vector<100x256xbf16>, vector<256x256xbf16>, vector<100x256xf32> -> vector<100x256xf32>
    %add3A_256 = vector.broadcast %get3A_11 : vector<1x256xf32> to vector<100x256xf32>
    %add3A_257 = arith.addf %dot_general3A_255, %add3A_256 : vector<100x256xf32>
    %tanh3A_258 = math.tanh %add3A_257 : vector<100x256xf32>
    %convert_element_type3A_259 = arith.truncf %tanh3A_258 : vector<100x256xf32> to vector<100x256xbf16>
    %slice3A_260 = vector.extract_strided_slice %get3A_1 {offsets = [0, 9216], sizes = [100, 256], strides = [1, 1]} : vector<100x16384xbf16> to vector<100x256xbf16>
    %dot_general3A_261 = arith.constant dense<0.000000e+00> : vector<100x256xf32>
    %dot_general3A_262 = tpu.matmul %slice3A_260, %convert_element_type3A, %dot_general3A_261 {dimension_numbers = #tpu.dot_dimension_numbers<[1], [0], [0], [1], [0, 0, 1, 1], [], []>, transpose_lhs_hint = false} : vector<100x256xbf16>, vector<256x256xbf16>, vector<100x256xf32> -> vector<100x256xf32>
    %add3A_263 = vector.broadcast %get3A_11 : vector<1x256xf32> to vector<100x256xf32>
    %add3A_264 = arith.addf %dot_general3A_262, %add3A_263 : vector<100x256xf32>
    %tanh3A_265 = math.tanh %add3A_264 : vector<100x256xf32>
    %convert_element_type3A_266 = arith.truncf %tanh3A_265 : vector<100x256xf32> to vector<100x256xbf16>
    %slice3A_267 = vector.extract_strided_slice %get3A_1 {offsets = [0, 9472], sizes = [100, 256], strides = [1, 1]} : vector<100x16384xbf16> to vector<100x256xbf16>
    %dot_general3A_268 = arith.constant dense<0.000000e+00> : vector<100x256xf32>
    %dot_general3A_269 = tpu.matmul %slice3A_267, %convert_element_type3A, %dot_general3A_268 {dimension_numbers = #tpu.dot_dimension_numbers<[1], [0], [0], [1], [0, 0, 1, 1], [], []>, transpose_lhs_hint = false} : vector<100x256xbf16>, vector<256x256xbf16>, vector<100x256xf32> -> vector<100x256xf32>
    %add3A_270 = vector.broadcast %get3A_11 : vector<1x256xf32> to vector<100x256xf32>
    %add3A_271 = arith.addf %dot_general3A_269, %add3A_270 : vector<100x256xf32>
    %tanh3A_272 = math.tanh %add3A_271 : vector<100x256xf32>
    %convert_element_type3A_273 = arith.truncf %tanh3A_272 : vector<100x256xf32> to vector<100x256xbf16>
    %slice3A_274 = vector.extract_strided_slice %get3A_1 {offsets = [0, 9728], sizes = [100, 256], strides = [1, 1]} : vector<100x16384xbf16> to vector<100x256xbf16>
    %dot_general3A_275 = arith.constant dense<0.000000e+00> : vector<100x256xf32>
    %dot_general3A_276 = tpu.matmul %slice3A_274, %convert_element_type3A, %dot_general3A_275 {dimension_numbers = #tpu.dot_dimension_numbers<[1], [0], [0], [1], [0, 0, 1, 1], [], []>, transpose_lhs_hint = false} : vector<100x256xbf16>, vector<256x256xbf16>, vector<100x256xf32> -> vector<100x256xf32>
    %add3A_277 = vector.broadcast %get3A_11 : vector<1x256xf32> to vector<100x256xf32>
    %add3A_278 = arith.addf %dot_general3A_276, %add3A_277 : vector<100x256xf32>
    %tanh3A_279 = math.tanh %add3A_278 : vector<100x256xf32>
    %convert_element_type3A_280 = arith.truncf %tanh3A_279 : vector<100x256xf32> to vector<100x256xbf16>
    %slice3A_281 = vector.extract_strided_slice %get3A_1 {offsets = [0, 9984], sizes = [100, 256], strides = [1, 1]} : vector<100x16384xbf16> to vector<100x256xbf16>
    %dot_general3A_282 = arith.constant dense<0.000000e+00> : vector<100x256xf32>
    %dot_general3A_283 = tpu.matmul %slice3A_281, %convert_element_type3A, %dot_general3A_282 {dimension_numbers = #tpu.dot_dimension_numbers<[1], [0], [0], [1], [0, 0, 1, 1], [], []>, transpose_lhs_hint = false} : vector<100x256xbf16>, vector<256x256xbf16>, vector<100x256xf32> -> vector<100x256xf32>
    %add3A_284 = vector.broadcast %get3A_11 : vector<1x256xf32> to vector<100x256xf32>
    %add3A_285 = arith.addf %dot_general3A_283, %add3A_284 : vector<100x256xf32>
    %tanh3A_286 = math.tanh %add3A_285 : vector<100x256xf32>
    %convert_element_type3A_287 = arith.truncf %tanh3A_286 : vector<100x256xf32> to vector<100x256xbf16>
    %slice3A_288 = vector.extract_strided_slice %get3A_1 {offsets = [0, 10240], sizes = [100, 256], strides = [1, 1]} : vector<100x16384xbf16> to vector<100x256xbf16>
    %dot_general3A_289 = arith.constant dense<0.000000e+00> : vector<100x256xf32>
    %dot_general3A_290 = tpu.matmul %slice3A_288, %convert_element_type3A, %dot_general3A_289 {dimension_numbers = #tpu.dot_dimension_numbers<[1], [0], [0], [1], [0, 0, 1, 1], [], []>, transpose_lhs_hint = false} : vector<100x256xbf16>, vector<256x256xbf16>, vector<100x256xf32> -> vector<100x256xf32>
    %add3A_291 = vector.broadcast %get3A_11 : vector<1x256xf32> to vector<100x256xf32>
    %add3A_292 = arith.addf %dot_general3A_290, %add3A_291 : vector<100x256xf32>
    %tanh3A_293 = math.tanh %add3A_292 : vector<100x256xf32>
    %convert_element_type3A_294 = arith.truncf %tanh3A_293 : vector<100x256xf32> to vector<100x256xbf16>
    %slice3A_295 = vector.extract_strided_slice %get3A_1 {offsets = [0, 10496], sizes = [100, 256], strides = [1, 1]} : vector<100x16384xbf16> to vector<100x256xbf16>
    %dot_general3A_296 = arith.constant dense<0.000000e+00> : vector<100x256xf32>
    %dot_general3A_297 = tpu.matmul %slice3A_295, %convert_element_type3A, %dot_general3A_296 {dimension_numbers = #tpu.dot_dimension_numbers<[1], [0], [0], [1], [0, 0, 1, 1], [], []>, transpose_lhs_hint = false} : vector<100x256xbf16>, vector<256x256xbf16>, vector<100x256xf32> -> vector<100x256xf32>
    %add3A_298 = vector.broadcast %get3A_11 : vector<1x256xf32> to vector<100x256xf32>
    %add3A_299 = arith.addf %dot_general3A_297, %add3A_298 : vector<100x256xf32>
    %tanh3A_300 = math.tanh %add3A_299 : vector<100x256xf32>
    %convert_element_type3A_301 = arith.truncf %tanh3A_300 : vector<100x256xf32> to vector<100x256xbf16>
    %slice3A_302 = vector.extract_strided_slice %get3A_1 {offsets = [0, 10752], sizes = [100, 256], strides = [1, 1]} : vector<100x16384xbf16> to vector<100x256xbf16>
    %dot_general3A_303 = arith.constant dense<0.000000e+00> : vector<100x256xf32>
    %dot_general3A_304 = tpu.matmul %slice3A_302, %convert_element_type3A, %dot_general3A_303 {dimension_numbers = #tpu.dot_dimension_numbers<[1], [0], [0], [1], [0, 0, 1, 1], [], []>, transpose_lhs_hint = false} : vector<100x256xbf16>, vector<256x256xbf16>, vector<100x256xf32> -> vector<100x256xf32>
    %add3A_305 = vector.broadcast %get3A_11 : vector<1x256xf32> to vector<100x256xf32>
    %add3A_306 = arith.addf %dot_general3A_304, %add3A_305 : vector<100x256xf32>
    %tanh3A_307 = math.tanh %add3A_306 : vector<100x256xf32>
    %convert_element_type3A_308 = arith.truncf %tanh3A_307 : vector<100x256xf32> to vector<100x256xbf16>
    %slice3A_309 = vector.extract_strided_slice %get3A_1 {offsets = [0, 11008], sizes = [100, 256], strides = [1, 1]} : vector<100x16384xbf16> to vector<100x256xbf16>
    %dot_general3A_310 = arith.constant dense<0.000000e+00> : vector<100x256xf32>
    %dot_general3A_311 = tpu.matmul %slice3A_309, %convert_element_type3A, %dot_general3A_310 {dimension_numbers = #tpu.dot_dimension_numbers<[1], [0], [0], [1], [0, 0, 1, 1], [], []>, transpose_lhs_hint = false} : vector<100x256xbf16>, vector<256x256xbf16>, vector<100x256xf32> -> vector<100x256xf32>
    %add3A_312 = vector.broadcast %get3A_11 : vector<1x256xf32> to vector<100x256xf32>
    %add3A_313 = arith.addf %dot_general3A_311, %add3A_312 : vector<100x256xf32>
    %tanh3A_314 = math.tanh %add3A_313 : vector<100x256xf32>
    %convert_element_type3A_315 = arith.truncf %tanh3A_314 : vector<100x256xf32> to vector<100x256xbf16>
    %slice3A_316 = vector.extract_strided_slice %get3A_1 {offsets = [0, 11264], sizes = [100, 256], strides = [1, 1]} : vector<100x16384xbf16> to vector<100x256xbf16>
    %dot_general3A_317 = arith.constant dense<0.000000e+00> : vector<100x256xf32>
    %dot_general3A_318 = tpu.matmul %slice3A_316, %convert_element_type3A, %dot_general3A_317 {dimension_numbers = #tpu.dot_dimension_numbers<[1], [0], [0], [1], [0, 0, 1, 1], [], []>, transpose_lhs_hint = false} : vector<100x256xbf16>, vector<256x256xbf16>, vector<100x256xf32> -> vector<100x256xf32>
    %add3A_319 = vector.broadcast %get3A_11 : vector<1x256xf32> to vector<100x256xf32>
    %add3A_320 = arith.addf %dot_general3A_318, %add3A_319 : vector<100x256xf32>
    %tanh3A_321 = math.tanh %add3A_320 : vector<100x256xf32>
    %convert_element_type3A_322 = arith.truncf %tanh3A_321 : vector<100x256xf32> to vector<100x256xbf16>
    %slice3A_323 = vector.extract_strided_slice %get3A_1 {offsets = [0, 11520], sizes = [100, 256], strides = [1, 1]} : vector<100x16384xbf16> to vector<100x256xbf16>
    %dot_general3A_324 = arith.constant dense<0.000000e+00> : vector<100x256xf32>
    %dot_general3A_325 = tpu.matmul %slice3A_323, %convert_element_type3A, %dot_general3A_324 {dimension_numbers = #tpu.dot_dimension_numbers<[1], [0], [0], [1], [0, 0, 1, 1], [], []>, transpose_lhs_hint = false} : vector<100x256xbf16>, vector<256x256xbf16>, vector<100x256xf32> -> vector<100x256xf32>
    %add3A_326 = vector.broadcast %get3A_11 : vector<1x256xf32> to vector<100x256xf32>
    %add3A_327 = arith.addf %dot_general3A_325, %add3A_326 : vector<100x256xf32>
    %tanh3A_328 = math.tanh %add3A_327 : vector<100x256xf32>
    %convert_element_type3A_329 = arith.truncf %tanh3A_328 : vector<100x256xf32> to vector<100x256xbf16>
    %slice3A_330 = vector.extract_strided_slice %get3A_1 {offsets = [0, 11776], sizes = [100, 256], strides = [1, 1]} : vector<100x16384xbf16> to vector<100x256xbf16>
    %dot_general3A_331 = arith.constant dense<0.000000e+00> : vector<100x256xf32>
    %dot_general3A_332 = tpu.matmul %slice3A_330, %convert_element_type3A, %dot_general3A_331 {dimension_numbers = #tpu.dot_dimension_numbers<[1], [0], [0], [1], [0, 0, 1, 1], [], []>, transpose_lhs_hint = false} : vector<100x256xbf16>, vector<256x256xbf16>, vector<100x256xf32> -> vector<100x256xf32>
    %add3A_333 = vector.broadcast %get3A_11 : vector<1x256xf32> to vector<100x256xf32>
    %add3A_334 = arith.addf %dot_general3A_332, %add3A_333 : vector<100x256xf32>
    %tanh3A_335 = math.tanh %add3A_334 : vector<100x256xf32>
    %convert_element_type3A_336 = arith.truncf %tanh3A_335 : vector<100x256xf32> to vector<100x256xbf16>
    %slice3A_337 = vector.extract_strided_slice %get3A_1 {offsets = [0, 12032], sizes = [100, 256], strides = [1, 1]} : vector<100x16384xbf16> to vector<100x256xbf16>
    %dot_general3A_338 = arith.constant dense<0.000000e+00> : vector<100x256xf32>
    %dot_general3A_339 = tpu.matmul %slice3A_337, %convert_element_type3A, %dot_general3A_338 {dimension_numbers = #tpu.dot_dimension_numbers<[1], [0], [0], [1], [0, 0, 1, 1], [], []>, transpose_lhs_hint = false} : vector<100x256xbf16>, vector<256x256xbf16>, vector<100x256xf32> -> vector<100x256xf32>
    %add3A_340 = vector.broadcast %get3A_11 : vector<1x256xf32> to vector<100x256xf32>
    %add3A_341 = arith.addf %dot_general3A_339, %add3A_340 : vector<100x256xf32>
    %tanh3A_342 = math.tanh %add3A_341 : vector<100x256xf32>
    %convert_element_type3A_343 = arith.truncf %tanh3A_342 : vector<100x256xf32> to vector<100x256xbf16>
    %slice3A_344 = vector.extract_strided_slice %get3A_1 {offsets = [0, 12288], sizes = [100, 256], strides = [1, 1]} : vector<100x16384xbf16> to vector<100x256xbf16>
    %dot_general3A_345 = arith.constant dense<0.000000e+00> : vector<100x256xf32>
    %dot_general3A_346 = tpu.matmul %slice3A_344, %convert_element_type3A, %dot_general3A_345 {dimension_numbers = #tpu.dot_dimension_numbers<[1], [0], [0], [1], [0, 0, 1, 1], [], []>, transpose_lhs_hint = false} : vector<100x256xbf16>, vector<256x256xbf16>, vector<100x256xf32> -> vector<100x256xf32>
    %add3A_347 = vector.broadcast %get3A_11 : vector<1x256xf32> to vector<100x256xf32>
    %add3A_348 = arith.addf %dot_general3A_346, %add3A_347 : vector<100x256xf32>
    %tanh3A_349 = math.tanh %add3A_348 : vector<100x256xf32>
    %convert_element_type3A_350 = arith.truncf %tanh3A_349 : vector<100x256xf32> to vector<100x256xbf16>
    %slice3A_351 = vector.extract_strided_slice %get3A_1 {offsets = [0, 12544], sizes = [100, 256], strides = [1, 1]} : vector<100x16384xbf16> to vector<100x256xbf16>
    %dot_general3A_352 = arith.constant dense<0.000000e+00> : vector<100x256xf32>
    %dot_general3A_353 = tpu.matmul %slice3A_351, %convert_element_type3A, %dot_general3A_352 {dimension_numbers = #tpu.dot_dimension_numbers<[1], [0], [0], [1], [0, 0, 1, 1], [], []>, transpose_lhs_hint = false} : vector<100x256xbf16>, vector<256x256xbf16>, vector<100x256xf32> -> vector<100x256xf32>
    %add3A_354 = vector.broadcast %get3A_11 : vector<1x256xf32> to vector<100x256xf32>
    %add3A_355 = arith.addf %dot_general3A_353, %add3A_354 : vector<100x256xf32>
    %tanh3A_356 = math.tanh %add3A_355 : vector<100x256xf32>
    %convert_element_type3A_357 = arith.truncf %tanh3A_356 : vector<100x256xf32> to vector<100x256xbf16>
    %slice3A_358 = vector.extract_strided_slice %get3A_1 {offsets = [0, 12800], sizes = [100, 256], strides = [1, 1]} : vector<100x16384xbf16> to vector<100x256xbf16>
    %dot_general3A_359 = arith.constant dense<0.000000e+00> : vector<100x256xf32>
    %dot_general3A_360 = tpu.matmul %slice3A_358, %convert_element_type3A, %dot_general3A_359 {dimension_numbers = #tpu.dot_dimension_numbers<[1], [0], [0], [1], [0, 0, 1, 1], [], []>, transpose_lhs_hint = false} : vector<100x256xbf16>, vector<256x256xbf16>, vector<100x256xf32> -> vector<100x256xf32>
    %add3A_361 = vector.broadcast %get3A_11 : vector<1x256xf32> to vector<100x256xf32>
    %add3A_362 = arith.addf %dot_general3A_360, %add3A_361 : vector<100x256xf32>
    %tanh3A_363 = math.tanh %add3A_362 : vector<100x256xf32>
    %convert_element_type3A_364 = arith.truncf %tanh3A_363 : vector<100x256xf32> to vector<100x256xbf16>
    %slice3A_365 = vector.extract_strided_slice %get3A_1 {offsets = [0, 13056], sizes = [100, 256], strides = [1, 1]} : vector<100x16384xbf16> to vector<100x256xbf16>
    %dot_general3A_366 = arith.constant dense<0.000000e+00> : vector<100x256xf32>
    %dot_general3A_367 = tpu.matmul %slice3A_365, %convert_element_type3A, %dot_general3A_366 {dimension_numbers = #tpu.dot_dimension_numbers<[1], [0], [0], [1], [0, 0, 1, 1], [], []>, transpose_lhs_hint = false} : vector<100x256xbf16>, vector<256x256xbf16>, vector<100x256xf32> -> vector<100x256xf32>
    %add3A_368 = vector.broadcast %get3A_11 : vector<1x256xf32> to vector<100x256xf32>
    %add3A_369 = arith.addf %dot_general3A_367, %add3A_368 : vector<100x256xf32>
    %tanh3A_370 = math.tanh %add3A_369 : vector<100x256xf32>
    %convert_element_type3A_371 = arith.truncf %tanh3A_370 : vector<100x256xf32> to vector<100x256xbf16>
    %slice3A_372 = vector.extract_strided_slice %get3A_1 {offsets = [0, 13312], sizes = [100, 256], strides = [1, 1]} : vector<100x16384xbf16> to vector<100x256xbf16>
    %dot_general3A_373 = arith.constant dense<0.000000e+00> : vector<100x256xf32>
    %dot_general3A_374 = tpu.matmul %slice3A_372, %convert_element_type3A, %dot_general3A_373 {dimension_numbers = #tpu.dot_dimension_numbers<[1], [0], [0], [1], [0, 0, 1, 1], [], []>, transpose_lhs_hint = false} : vector<100x256xbf16>, vector<256x256xbf16>, vector<100x256xf32> -> vector<100x256xf32>
    %add3A_375 = vector.broadcast %get3A_11 : vector<1x256xf32> to vector<100x256xf32>
    %add3A_376 = arith.addf %dot_general3A_374, %add3A_375 : vector<100x256xf32>
    %tanh3A_377 = math.tanh %add3A_376 : vector<100x256xf32>
    %convert_element_type3A_378 = arith.truncf %tanh3A_377 : vector<100x256xf32> to vector<100x256xbf16>
    %slice3A_379 = vector.extract_strided_slice %get3A_1 {offsets = [0, 13568], sizes = [100, 256], strides = [1, 1]} : vector<100x16384xbf16> to vector<100x256xbf16>
    %dot_general3A_380 = arith.constant dense<0.000000e+00> : vector<100x256xf32>
    %dot_general3A_381 = tpu.matmul %slice3A_379, %convert_element_type3A, %dot_general3A_380 {dimension_numbers = #tpu.dot_dimension_numbers<[1], [0], [0], [1], [0, 0, 1, 1], [], []>, transpose_lhs_hint = false} : vector<100x256xbf16>, vector<256x256xbf16>, vector<100x256xf32> -> vector<100x256xf32>
    %add3A_382 = vector.broadcast %get3A_11 : vector<1x256xf32> to vector<100x256xf32>
    %add3A_383 = arith.addf %dot_general3A_381, %add3A_382 : vector<100x256xf32>
    %tanh3A_384 = math.tanh %add3A_383 : vector<100x256xf32>
    %convert_element_type3A_385 = arith.truncf %tanh3A_384 : vector<100x256xf32> to vector<100x256xbf16>
    %slice3A_386 = vector.extract_strided_slice %get3A_1 {offsets = [0, 13824], sizes = [100, 256], strides = [1, 1]} : vector<100x16384xbf16> to vector<100x256xbf16>
    %dot_general3A_387 = arith.constant dense<0.000000e+00> : vector<100x256xf32>
    %dot_general3A_388 = tpu.matmul %slice3A_386, %convert_element_type3A, %dot_general3A_387 {dimension_numbers = #tpu.dot_dimension_numbers<[1], [0], [0], [1], [0, 0, 1, 1], [], []>, transpose_lhs_hint = false} : vector<100x256xbf16>, vector<256x256xbf16>, vector<100x256xf32> -> vector<100x256xf32>
    %add3A_389 = vector.broadcast %get3A_11 : vector<1x256xf32> to vector<100x256xf32>
    %add3A_390 = arith.addf %dot_general3A_388, %add3A_389 : vector<100x256xf32>
    %tanh3A_391 = math.tanh %add3A_390 : vector<100x256xf32>
    %convert_element_type3A_392 = arith.truncf %tanh3A_391 : vector<100x256xf32> to vector<100x256xbf16>
    %slice3A_393 = vector.extract_strided_slice %get3A_1 {offsets = [0, 14080], sizes = [100, 256], strides = [1, 1]} : vector<100x16384xbf16> to vector<100x256xbf16>
    %dot_general3A_394 = arith.constant dense<0.000000e+00> : vector<100x256xf32>
    %dot_general3A_395 = tpu.matmul %slice3A_393, %convert_element_type3A, %dot_general3A_394 {dimension_numbers = #tpu.dot_dimension_numbers<[1], [0], [0], [1], [0, 0, 1, 1], [], []>, transpose_lhs_hint = false} : vector<100x256xbf16>, vector<256x256xbf16>, vector<100x256xf32> -> vector<100x256xf32>
    %add3A_396 = vector.broadcast %get3A_11 : vector<1x256xf32> to vector<100x256xf32>
    %add3A_397 = arith.addf %dot_general3A_395, %add3A_396 : vector<100x256xf32>
    %tanh3A_398 = math.tanh %add3A_397 : vector<100x256xf32>
    %convert_element_type3A_399 = arith.truncf %tanh3A_398 : vector<100x256xf32> to vector<100x256xbf16>
    %slice3A_400 = vector.extract_strided_slice %get3A_1 {offsets = [0, 14336], sizes = [100, 256], strides = [1, 1]} : vector<100x16384xbf16> to vector<100x256xbf16>
    %dot_general3A_401 = arith.constant dense<0.000000e+00> : vector<100x256xf32>
    %dot_general3A_402 = tpu.matmul %slice3A_400, %convert_element_type3A, %dot_general3A_401 {dimension_numbers = #tpu.dot_dimension_numbers<[1], [0], [0], [1], [0, 0, 1, 1], [], []>, transpose_lhs_hint = false} : vector<100x256xbf16>, vector<256x256xbf16>, vector<100x256xf32> -> vector<100x256xf32>
    %add3A_403 = vector.broadcast %get3A_11 : vector<1x256xf32> to vector<100x256xf32>
    %add3A_404 = arith.addf %dot_general3A_402, %add3A_403 : vector<100x256xf32>
    %tanh3A_405 = math.tanh %add3A_404 : vector<100x256xf32>
    %convert_element_type3A_406 = arith.truncf %tanh3A_405 : vector<100x256xf32> to vector<100x256xbf16>
    %slice3A_407 = vector.extract_strided_slice %get3A_1 {offsets = [0, 14592], sizes = [100, 256], strides = [1, 1]} : vector<100x16384xbf16> to vector<100x256xbf16>
    %dot_general3A_408 = arith.constant dense<0.000000e+00> : vector<100x256xf32>
    %dot_general3A_409 = tpu.matmul %slice3A_407, %convert_element_type3A, %dot_general3A_408 {dimension_numbers = #tpu.dot_dimension_numbers<[1], [0], [0], [1], [0, 0, 1, 1], [], []>, transpose_lhs_hint = false} : vector<100x256xbf16>, vector<256x256xbf16>, vector<100x256xf32> -> vector<100x256xf32>
    %add3A_410 = vector.broadcast %get3A_11 : vector<1x256xf32> to vector<100x256xf32>
    %add3A_411 = arith.addf %dot_general3A_409, %add3A_410 : vector<100x256xf32>
    %tanh3A_412 = math.tanh %add3A_411 : vector<100x256xf32>
    %convert_element_type3A_413 = arith.truncf %tanh3A_412 : vector<100x256xf32> to vector<100x256xbf16>
    %slice3A_414 = vector.extract_strided_slice %get3A_1 {offsets = [0, 14848], sizes = [100, 256], strides = [1, 1]} : vector<100x16384xbf16> to vector<100x256xbf16>
    %dot_general3A_415 = arith.constant dense<0.000000e+00> : vector<100x256xf32>
    %dot_general3A_416 = tpu.matmul %slice3A_414, %convert_element_type3A, %dot_general3A_415 {dimension_numbers = #tpu.dot_dimension_numbers<[1], [0], [0], [1], [0, 0, 1, 1], [], []>, transpose_lhs_hint = false} : vector<100x256xbf16>, vector<256x256xbf16>, vector<100x256xf32> -> vector<100x256xf32>
    %add3A_417 = vector.broadcast %get3A_11 : vector<1x256xf32> to vector<100x256xf32>
    %add3A_418 = arith.addf %dot_general3A_416, %add3A_417 : vector<100x256xf32>
    %tanh3A_419 = math.tanh %add3A_418 : vector<100x256xf32>
    %convert_element_type3A_420 = arith.truncf %tanh3A_419 : vector<100x256xf32> to vector<100x256xbf16>
    %slice3A_421 = vector.extract_strided_slice %get3A_1 {offsets = [0, 15104], sizes = [100, 256], strides = [1, 1]} : vector<100x16384xbf16> to vector<100x256xbf16>
    %dot_general3A_422 = arith.constant dense<0.000000e+00> : vector<100x256xf32>
    %dot_general3A_423 = tpu.matmul %slice3A_421, %convert_element_type3A, %dot_general3A_422 {dimension_numbers = #tpu.dot_dimension_numbers<[1], [0], [0], [1], [0, 0, 1, 1], [], []>, transpose_lhs_hint = false} : vector<100x256xbf16>, vector<256x256xbf16>, vector<100x256xf32> -> vector<100x256xf32>
    %add3A_424 = vector.broadcast %get3A_11 : vector<1x256xf32> to vector<100x256xf32>
    %add3A_425 = arith.addf %dot_general3A_423, %add3A_424 : vector<100x256xf32>
    %tanh3A_426 = math.tanh %add3A_425 : vector<100x256xf32>
    %convert_element_type3A_427 = arith.truncf %tanh3A_426 : vector<100x256xf32> to vector<100x256xbf16>
    %slice3A_428 = vector.extract_strided_slice %get3A_1 {offsets = [0, 15360], sizes = [100, 256], strides = [1, 1]} : vector<100x16384xbf16> to vector<100x256xbf16>
    %dot_general3A_429 = arith.constant dense<0.000000e+00> : vector<100x256xf32>
    %dot_general3A_430 = tpu.matmul %slice3A_428, %convert_element_type3A, %dot_general3A_429 {dimension_numbers = #tpu.dot_dimension_numbers<[1], [0], [0], [1], [0, 0, 1, 1], [], []>, transpose_lhs_hint = false} : vector<100x256xbf16>, vector<256x256xbf16>, vector<100x256xf32> -> vector<100x256xf32>
    %add3A_431 = vector.broadcast %get3A_11 : vector<1x256xf32> to vector<100x256xf32>
    %add3A_432 = arith.addf %dot_general3A_430, %add3A_431 : vector<100x256xf32>
    %tanh3A_433 = math.tanh %add3A_432 : vector<100x256xf32>
    %convert_element_type3A_434 = arith.truncf %tanh3A_433 : vector<100x256xf32> to vector<100x256xbf16>
    %slice3A_435 = vector.extract_strided_slice %get3A_1 {offsets = [0, 15616], sizes = [100, 256], strides = [1, 1]} : vector<100x16384xbf16> to vector<100x256xbf16>
    %dot_general3A_436 = arith.constant dense<0.000000e+00> : vector<100x256xf32>
    %dot_general3A_437 = tpu.matmul %slice3A_435, %convert_element_type3A, %dot_general3A_436 {dimension_numbers = #tpu.dot_dimension_numbers<[1], [0], [0], [1], [0, 0, 1, 1], [], []>, transpose_lhs_hint = false} : vector<100x256xbf16>, vector<256x256xbf16>, vector<100x256xf32> -> vector<100x256xf32>
    %add3A_438 = vector.broadcast %get3A_11 : vector<1x256xf32> to vector<100x256xf32>
    %add3A_439 = arith.addf %dot_general3A_437, %add3A_438 : vector<100x256xf32>
    %tanh3A_440 = math.tanh %add3A_439 : vector<100x256xf32>
    %convert_element_type3A_441 = arith.truncf %tanh3A_440 : vector<100x256xf32> to vector<100x256xbf16>
    %slice3A_442 = vector.extract_strided_slice %get3A_1 {offsets = [0, 15872], sizes = [100, 256], strides = [1, 1]} : vector<100x16384xbf16> to vector<100x256xbf16>
    %dot_general3A_443 = arith.constant dense<0.000000e+00> : vector<100x256xf32>
    %dot_general3A_444 = tpu.matmul %slice3A_442, %convert_element_type3A, %dot_general3A_443 {dimension_numbers = #tpu.dot_dimension_numbers<[1], [0], [0], [1], [0, 0, 1, 1], [], []>, transpose_lhs_hint = false} : vector<100x256xbf16>, vector<256x256xbf16>, vector<100x256xf32> -> vector<100x256xf32>
    %add3A_445 = vector.broadcast %get3A_11 : vector<1x256xf32> to vector<100x256xf32>
    %add3A_446 = arith.addf %dot_general3A_444, %add3A_445 : vector<100x256xf32>
    %tanh3A_447 = math.tanh %add3A_446 : vector<100x256xf32>
    %convert_element_type3A_448 = arith.truncf %tanh3A_447 : vector<100x256xf32> to vector<100x256xbf16>
    %slice3A_449 = vector.extract_strided_slice %get3A_1 {offsets = [0, 16128], sizes = [100, 256], strides = [1, 1]} : vector<100x16384xbf16> to vector<100x256xbf16>
    %dot_general3A_450 = arith.constant dense<0.000000e+00> : vector<100x256xf32>
    %dot_general3A_451 = tpu.matmul %slice3A_449, %convert_element_type3A, %dot_general3A_450 {dimension_numbers = #tpu.dot_dimension_numbers<[1], [0], [0], [1], [0, 0, 1, 1], [], []>, transpose_lhs_hint = false} : vector<100x256xbf16>, vector<256x256xbf16>, vector<100x256xf32> -> vector<100x256xf32>
    %add3A_452 = vector.broadcast %get3A_11 : vector<1x256xf32> to vector<100x256xf32>
    %add3A_453 = arith.addf %dot_general3A_451, %add3A_452 : vector<100x256xf32>
    %tanh3A_454 = math.tanh %add3A_453 : vector<100x256xf32>
    %convert_element_type3A_455 = arith.truncf %tanh3A_454 : vector<100x256xf32> to vector<100x256xbf16>
    %concatenate3A = tpu.concatenate %convert_element_type3A_14, %convert_element_type3A_21, %convert_element_type3A_28, %convert_element_type3A_35 in 1 : vector<100x256xbf16>, vector<100x256xbf16>, vector<100x256xbf16>, vector<100x256xbf16> -> vector<100x1024xbf16>
    %dot_general3A_456 = arith.constant dense<0.000000e+00> : vector<100x32xf32>
    %dot_general3A_457 = tpu.matmul %concatenate3A, %convert_element_type3A_8, %dot_general3A_456 {dimension_numbers = #tpu.dot_dimension_numbers<[1], [0], [0], [1], [0, 0, 1, 1], [], []>, transpose_lhs_hint = false} : vector<100x1024xbf16>, vector<1024x32xbf16>, vector<100x32xf32> -> vector<100x32xf32>
    %concatenate3A_458 = tpu.concatenate %convert_element_type3A_42, %convert_element_type3A_49, %convert_element_type3A_56, %convert_element_type3A_63 in 1 : vector<100x256xbf16>, vector<100x256xbf16>, vector<100x256xbf16>, vector<100x256xbf16> -> vector<100x1024xbf16>
    %dot_general3A_459 = arith.constant dense<0.000000e+00> : vector<100x32xf32>
    %dot_general3A_460 = tpu.matmul %concatenate3A_458, %convert_element_type3A_8, %dot_general3A_459 {dimension_numbers = #tpu.dot_dimension_numbers<[1], [0], [0], [1], [0, 0, 1, 1], [], []>, transpose_lhs_hint = false} : vector<100x1024xbf16>, vector<1024x32xbf16>, vector<100x32xf32> -> vector<100x32xf32>
    %concatenate3A_461 = tpu.concatenate %convert_element_type3A_70, %convert_element_type3A_77, %convert_element_type3A_84, %convert_element_type3A_91 in 1 : vector<100x256xbf16>, vector<100x256xbf16>, vector<100x256xbf16>, vector<100x256xbf16> -> vector<100x1024xbf16>
    %dot_general3A_462 = arith.constant dense<0.000000e+00> : vector<100x32xf32>
    %dot_general3A_463 = tpu.matmul %concatenate3A_461, %convert_element_type3A_8, %dot_general3A_462 {dimension_numbers = #tpu.dot_dimension_numbers<[1], [0], [0], [1], [0, 0, 1, 1], [], []>, transpose_lhs_hint = false} : vector<100x1024xbf16>, vector<1024x32xbf16>, vector<100x32xf32> -> vector<100x32xf32>
    %concatenate3A_464 = tpu.concatenate %convert_element_type3A_98, %convert_element_type3A_105, %convert_element_type3A_112, %convert_element_type3A_119 in 1 : vector<100x256xbf16>, vector<100x256xbf16>, vector<100x256xbf16>, vector<100x256xbf16> -> vector<100x1024xbf16>
    %dot_general3A_465 = arith.constant dense<0.000000e+00> : vector<100x32xf32>
    %dot_general3A_466 = tpu.matmul %concatenate3A_464, %convert_element_type3A_8, %dot_general3A_465 {dimension_numbers = #tpu.dot_dimension_numbers<[1], [0], [0], [1], [0, 0, 1, 1], [], []>, transpose_lhs_hint = false} : vector<100x1024xbf16>, vector<1024x32xbf16>, vector<100x32xf32> -> vector<100x32xf32>
    %concatenate3A_467 = tpu.concatenate %convert_element_type3A_126, %convert_element_type3A_133, %convert_element_type3A_140, %convert_element_type3A_147 in 1 : vector<100x256xbf16>, vector<100x256xbf16>, vector<100x256xbf16>, vector<100x256xbf16> -> vector<100x1024xbf16>
    %dot_general3A_468 = arith.constant dense<0.000000e+00> : vector<100x32xf32>
    %dot_general3A_469 = tpu.matmul %concatenate3A_467, %convert_element_type3A_8, %dot_general3A_468 {dimension_numbers = #tpu.dot_dimension_numbers<[1], [0], [0], [1], [0, 0, 1, 1], [], []>, transpose_lhs_hint = false} : vector<100x1024xbf16>, vector<1024x32xbf16>, vector<100x32xf32> -> vector<100x32xf32>
    %concatenate3A_470 = tpu.concatenate %convert_element_type3A_154, %convert_element_type3A_161, %convert_element_type3A_168, %convert_element_type3A_175 in 1 : vector<100x256xbf16>, vector<100x256xbf16>, vector<100x256xbf16>, vector<100x256xbf16> -> vector<100x1024xbf16>
    %dot_general3A_471 = arith.constant dense<0.000000e+00> : vector<100x32xf32>
    %dot_general3A_472 = tpu.matmul %concatenate3A_470, %convert_element_type3A_8, %dot_general3A_471 {dimension_numbers = #tpu.dot_dimension_numbers<[1], [0], [0], [1], [0, 0, 1, 1], [], []>, transpose_lhs_hint = false} : vector<100x1024xbf16>, vector<1024x32xbf16>, vector<100x32xf32> -> vector<100x32xf32>
    %concatenate3A_473 = tpu.concatenate %convert_element_type3A_182, %convert_element_type3A_189, %convert_element_type3A_196, %convert_element_type3A_203 in 1 : vector<100x256xbf16>, vector<100x256xbf16>, vector<100x256xbf16>, vector<100x256xbf16> -> vector<100x1024xbf16>
    %dot_general3A_474 = arith.constant dense<0.000000e+00> : vector<100x32xf32>
    %dot_general3A_475 = tpu.matmul %concatenate3A_473, %convert_element_type3A_8, %dot_general3A_474 {dimension_numbers = #tpu.dot_dimension_numbers<[1], [0], [0], [1], [0, 0, 1, 1], [], []>, transpose_lhs_hint = false} : vector<100x1024xbf16>, vector<1024x32xbf16>, vector<100x32xf32> -> vector<100x32xf32>
    %concatenate3A_476 = tpu.concatenate %convert_element_type3A_210, %convert_element_type3A_217, %convert_element_type3A_224, %convert_element_type3A_231 in 1 : vector<100x256xbf16>, vector<100x256xbf16>, vector<100x256xbf16>, vector<100x256xbf16> -> vector<100x1024xbf16>
    %dot_general3A_477 = arith.constant dense<0.000000e+00> : vector<100x32xf32>
    %dot_general3A_478 = tpu.matmul %concatenate3A_476, %convert_element_type3A_8, %dot_general3A_477 {dimension_numbers = #tpu.dot_dimension_numbers<[1], [0], [0], [1], [0, 0, 1, 1], [], []>, transpose_lhs_hint = false} : vector<100x1024xbf16>, vector<1024x32xbf16>, vector<100x32xf32> -> vector<100x32xf32>
    %concatenate3A_479 = tpu.concatenate %convert_element_type3A_238, %convert_element_type3A_245, %convert_element_type3A_252, %convert_element_type3A_259 in 1 : vector<100x256xbf16>, vector<100x256xbf16>, vector<100x256xbf16>, vector<100x256xbf16> -> vector<100x1024xbf16>
    %dot_general3A_480 = arith.constant dense<0.000000e+00> : vector<100x32xf32>
    %dot_general3A_481 = tpu.matmul %concatenate3A_479, %convert_element_type3A_8, %dot_general3A_480 {dimension_numbers = #tpu.dot_dimension_numbers<[1], [0], [0], [1], [0, 0, 1, 1], [], []>, transpose_lhs_hint = false} : vector<100x1024xbf16>, vector<1024x32xbf16>, vector<100x32xf32> -> vector<100x32xf32>
    %concatenate3A_482 = tpu.concatenate %convert_element_type3A_266, %convert_element_type3A_273, %convert_element_type3A_280, %convert_element_type3A_287 in 1 : vector<100x256xbf16>, vector<100x256xbf16>, vector<100x256xbf16>, vector<100x256xbf16> -> vector<100x1024xbf16>
    %dot_general3A_483 = arith.constant dense<0.000000e+00> : vector<100x32xf32>
    %dot_general3A_484 = tpu.matmul %concatenate3A_482, %convert_element_type3A_8, %dot_general3A_483 {dimension_numbers = #tpu.dot_dimension_numbers<[1], [0], [0], [1], [0, 0, 1, 1], [], []>, transpose_lhs_hint = false} : vector<100x1024xbf16>, vector<1024x32xbf16>, vector<100x32xf32> -> vector<100x32xf32>
    %concatenate3A_485 = tpu.concatenate %convert_element_type3A_294, %convert_element_type3A_301, %convert_element_type3A_308, %convert_element_type3A_315 in 1 : vector<100x256xbf16>, vector<100x256xbf16>, vector<100x256xbf16>, vector<100x256xbf16> -> vector<100x1024xbf16>
    %dot_general3A_486 = arith.constant dense<0.000000e+00> : vector<100x32xf32>
    %dot_general3A_487 = tpu.matmul %concatenate3A_485, %convert_element_type3A_8, %dot_general3A_486 {dimension_numbers = #tpu.dot_dimension_numbers<[1], [0], [0], [1], [0, 0, 1, 1], [], []>, transpose_lhs_hint = false} : vector<100x1024xbf16>, vector<1024x32xbf16>, vector<100x32xf32> -> vector<100x32xf32>
    %concatenate3A_488 = tpu.concatenate %convert_element_type3A_322, %convert_element_type3A_329, %convert_element_type3A_336, %convert_element_type3A_343 in 1 : vector<100x256xbf16>, vector<100x256xbf16>, vector<100x256xbf16>, vector<100x256xbf16> -> vector<100x1024xbf16>
    %dot_general3A_489 = arith.constant dense<0.000000e+00> : vector<100x32xf32>
    %dot_general3A_490 = tpu.matmul %concatenate3A_488, %convert_element_type3A_8, %dot_general3A_489 {dimension_numbers = #tpu.dot_dimension_numbers<[1], [0], [0], [1], [0, 0, 1, 1], [], []>, transpose_lhs_hint = false} : vector<100x1024xbf16>, vector<1024x32xbf16>, vector<100x32xf32> -> vector<100x32xf32>
    %concatenate3A_491 = tpu.concatenate %convert_element_type3A_350, %convert_element_type3A_357, %convert_element_type3A_364, %convert_element_type3A_371 in 1 : vector<100x256xbf16>, vector<100x256xbf16>, vector<100x256xbf16>, vector<100x256xbf16> -> vector<100x1024xbf16>
    %dot_general3A_492 = arith.constant dense<0.000000e+00> : vector<100x32xf32>
    %dot_general3A_493 = tpu.matmul %concatenate3A_491, %convert_element_type3A_8, %dot_general3A_492 {dimension_numbers = #tpu.dot_dimension_numbers<[1], [0], [0], [1], [0, 0, 1, 1], [], []>, transpose_lhs_hint = false} : vector<100x1024xbf16>, vector<1024x32xbf16>, vector<100x32xf32> -> vector<100x32xf32>
    %concatenate3A_494 = tpu.concatenate %convert_element_type3A_378, %convert_element_type3A_385, %convert_element_type3A_392, %convert_element_type3A_399 in 1 : vector<100x256xbf16>, vector<100x256xbf16>, vector<100x256xbf16>, vector<100x256xbf16> -> vector<100x1024xbf16>
    %dot_general3A_495 = arith.constant dense<0.000000e+00> : vector<100x32xf32>
    %dot_general3A_496 = tpu.matmul %concatenate3A_494, %convert_element_type3A_8, %dot_general3A_495 {dimension_numbers = #tpu.dot_dimension_numbers<[1], [0], [0], [1], [0, 0, 1, 1], [], []>, transpose_lhs_hint = false} : vector<100x1024xbf16>, vector<1024x32xbf16>, vector<100x32xf32> -> vector<100x32xf32>
    %concatenate3A_497 = tpu.concatenate %convert_element_type3A_406, %convert_element_type3A_413, %convert_element_type3A_420, %convert_element_type3A_427 in 1 : vector<100x256xbf16>, vector<100x256xbf16>, vector<100x256xbf16>, vector<100x256xbf16> -> vector<100x1024xbf16>
    %dot_general3A_498 = arith.constant dense<0.000000e+00> : vector<100x32xf32>
    %dot_general3A_499 = tpu.matmul %concatenate3A_497, %convert_element_type3A_8, %dot_general3A_498 {dimension_numbers = #tpu.dot_dimension_numbers<[1], [0], [0], [1], [0, 0, 1, 1], [], []>, transpose_lhs_hint = false} : vector<100x1024xbf16>, vector<1024x32xbf16>, vector<100x32xf32> -> vector<100x32xf32>
    %concatenate3A_500 = tpu.concatenate %convert_element_type3A_434, %convert_element_type3A_441, %convert_element_type3A_448, %convert_element_type3A_455 in 1 : vector<100x256xbf16>, vector<100x256xbf16>, vector<100x256xbf16>, vector<100x256xbf16> -> vector<100x1024xbf16>
    %dot_general3A_501 = arith.constant dense<0.000000e+00> : vector<100x32xf32>
    %dot_general3A_502 = tpu.matmul %concatenate3A_500, %convert_element_type3A_8, %dot_general3A_501 {dimension_numbers = #tpu.dot_dimension_numbers<[1], [0], [0], [1], [0, 0, 1, 1], [], []>, transpose_lhs_hint = false} : vector<100x1024xbf16>, vector<1024x32xbf16>, vector<100x32xf32> -> vector<100x32xf32>
    %concatenate3A_503 = tpu.concatenate %dot_general3A_457, %dot_general3A_460, %dot_general3A_463, %dot_general3A_466, %dot_general3A_469, %dot_general3A_472, %dot_general3A_475, %dot_general3A_478, %dot_general3A_481, %dot_general3A_484, %dot_general3A_487, %dot_general3A_490, %dot_general3A_493, %dot_general3A_496, %dot_general3A_499, %dot_general3A_502 in 1 : vector<100x32xf32>, vector<100x32xf32>, vector<100x32xf32>, vector<100x32xf32>, vector<100x32xf32>, vector<100x32xf32>, vector<100x32xf32>, vector<100x32xf32>, vector<100x32xf32>, vector<100x32xf32>, vector<100x32xf32>, vector<100x32xf32>, vector<100x32xf32>, vector<100x32xf32>, vector<100x32xf32>, vector<100x32xf32> -> vector<100x512xf32>
    %reduce_max3A = arith.constant dense<0xFF800000> : vector<512xf32>
    %reduce_max3A_504 = vector.multi_reduction <maximumf>, %concatenate3A_503, %reduce_max3A [0] : vector<100x512xf32> to vector<512xf32>
    %broadcast_in_dim3A = vector.shape_cast %reduce_max3A_504 : vector<512xf32> to vector<1x512xf32>
    %eq3A = vector.broadcast %broadcast_in_dim3A : vector<1x512xf32> to vector<100x512xf32>
    %eq3A_505 = arith.cmpf oeq, %concatenate3A_503, %eq3A : vector<100x512xf32>
    %jit3A = arith.constant 0xFF800000 : f32
    %broadcast_in_dim3A_506 = vector.broadcast %jit3A : f32 to vector<100x512xf32>
    %select_n3A = arith.select %eq3A_505, %broadcast_in_dim3A_506, %concatenate3A_503 : vector<100x512xi1>, vector<100x512xf32>
    %reduce_max3A_507 = arith.constant dense<0xFF800000> : vector<512xf32>
    %reduce_max3A_508 = vector.multi_reduction <maximumf>, %select_n3A, %reduce_max3A_507 [0] : vector<100x512xf32> to vector<512xf32>
    %broadcast_in_dim3A_509 = vector.shape_cast %reduce_max3A_508 : vector<512xf32> to vector<1x512xf32>
    %eq3A_510 = vector.broadcast %broadcast_in_dim3A_509 : vector<1x512xf32> to vector<100x512xf32>
    %eq3A_511 = arith.cmpf oeq, %select_n3A, %eq3A_510 : vector<100x512xf32>
    %jit3A_512 = arith.constant 0xFF800000 : f32
    %broadcast_in_dim3A_513 = vector.broadcast %jit3A_512 : f32 to vector<100x512xf32>
    %select_n3A_514 = arith.select %eq3A_511, %broadcast_in_dim3A_513, %select_n3A : vector<100x512xi1>, vector<100x512xf32>
    %reduce_max3A_515 = arith.constant dense<0xFF800000> : vector<512xf32>
    %reduce_max3A_516 = vector.multi_reduction <maximumf>, %select_n3A_514, %reduce_max3A_515 [0] : vector<100x512xf32> to vector<512xf32>
    %broadcast_in_dim3A_517 = vector.shape_cast %reduce_max3A_516 : vector<512xf32> to vector<1x512xf32>
    %eq3A_518 = vector.broadcast %broadcast_in_dim3A_517 : vector<1x512xf32> to vector<100x512xf32>
    %eq3A_519 = arith.cmpf oeq, %select_n3A_514, %eq3A_518 : vector<100x512xf32>
    %jit3A_520 = arith.constant 0xFF800000 : f32
    %broadcast_in_dim3A_521 = vector.broadcast %jit3A_520 : f32 to vector<100x512xf32>
    %select_n3A_522 = arith.select %eq3A_519, %broadcast_in_dim3A_521, %select_n3A_514 : vector<100x512xi1>, vector<100x512xf32>
    %reduce_max3A_523 = arith.constant dense<0xFF800000> : vector<512xf32>
    %reduce_max3A_524 = vector.multi_reduction <maximumf>, %select_n3A_522, %reduce_max3A_523 [0] : vector<100x512xf32> to vector<512xf32>
    %broadcast_in_dim3A_525 = vector.shape_cast %reduce_max3A_524 : vector<512xf32> to vector<1x512xf32>
    %eq3A_526 = vector.broadcast %broadcast_in_dim3A_525 : vector<1x512xf32> to vector<100x512xf32>
    %eq3A_527 = arith.cmpf oeq, %select_n3A_522, %eq3A_526 : vector<100x512xf32>
    %jit3A_528 = arith.constant 0xFF800000 : f32
    %broadcast_in_dim3A_529 = vector.broadcast %jit3A_528 : f32 to vector<100x512xf32>
    %select_n3A_530 = arith.select %eq3A_527, %broadcast_in_dim3A_529, %select_n3A_522 : vector<100x512xi1>, vector<100x512xf32>
    %reduce_max3A_531 = arith.constant dense<0xFF800000> : vector<512xf32>
    %reduce_max3A_532 = vector.multi_reduction <maximumf>, %select_n3A_530, %reduce_max3A_531 [0] : vector<100x512xf32> to vector<512xf32>
    %broadcast_in_dim3A_533 = vector.shape_cast %reduce_max3A_532 : vector<512xf32> to vector<1x512xf32>
    %eq3A_534 = vector.broadcast %broadcast_in_dim3A_533 : vector<1x512xf32> to vector<100x512xf32>
    %eq3A_535 = arith.cmpf oeq, %select_n3A_530, %eq3A_534 : vector<100x512xf32>
    %jit3A_536 = arith.constant 0xFF800000 : f32
    %broadcast_in_dim3A_537 = vector.broadcast %jit3A_536 : f32 to vector<100x512xf32>
    %select_n3A_538 = arith.select %eq3A_535, %broadcast_in_dim3A_537, %select_n3A_530 : vector<100x512xi1>, vector<100x512xf32>
    %reduce_max3A_539 = arith.constant dense<0xFF800000> : vector<512xf32>
    %reduce_max3A_540 = vector.multi_reduction <maximumf>, %select_n3A_538, %reduce_max3A_539 [0] : vector<100x512xf32> to vector<512xf32>
    %broadcast_in_dim3A_541 = vector.shape_cast %reduce_max3A_540 : vector<512xf32> to vector<1x512xf32>
    %eq3A_542 = vector.broadcast %broadcast_in_dim3A_541 : vector<1x512xf32> to vector<100x512xf32>
    %eq3A_543 = arith.cmpf oeq, %select_n3A_538, %eq3A_542 : vector<100x512xf32>
    %jit3A_544 = arith.constant 0xFF800000 : f32
    %broadcast_in_dim3A_545 = vector.broadcast %jit3A_544 : f32 to vector<100x512xf32>
    %select_n3A_546 = arith.select %eq3A_543, %broadcast_in_dim3A_545, %select_n3A_538 : vector<100x512xi1>, vector<100x512xf32>
    %reduce_max3A_547 = arith.constant dense<0xFF800000> : vector<512xf32>
    %reduce_max3A_548 = vector.multi_reduction <maximumf>, %select_n3A_546, %reduce_max3A_547 [0] : vector<100x512xf32> to vector<512xf32>
    %broadcast_in_dim3A_549 = vector.shape_cast %reduce_max3A_548 : vector<512xf32> to vector<1x512xf32>
    %eq3A_550 = vector.broadcast %broadcast_in_dim3A_549 : vector<1x512xf32> to vector<100x512xf32>
    %eq3A_551 = arith.cmpf oeq, %select_n3A_546, %eq3A_550 : vector<100x512xf32>
    %jit3A_552 = arith.constant 0xFF800000 : f32
    %broadcast_in_dim3A_553 = vector.broadcast %jit3A_552 : f32 to vector<100x512xf32>
    %select_n3A_554 = arith.select %eq3A_551, %broadcast_in_dim3A_553, %select_n3A_546 : vector<100x512xi1>, vector<100x512xf32>
    %reduce_max3A_555 = arith.constant dense<0xFF800000> : vector<512xf32>
    %reduce_max3A_556 = vector.multi_reduction <maximumf>, %select_n3A_554, %reduce_max3A_555 [0] : vector<100x512xf32> to vector<512xf32>
    %broadcast_in_dim3A_557 = vector.shape_cast %reduce_max3A_556 : vector<512xf32> to vector<1x512xf32>
    %concatenate3A_558 = tpu.concatenate %broadcast_in_dim3A, %broadcast_in_dim3A_509, %broadcast_in_dim3A_517, %broadcast_in_dim3A_525, %broadcast_in_dim3A_533, %broadcast_in_dim3A_541, %broadcast_in_dim3A_549, %broadcast_in_dim3A_557 in 0 : vector<1x512xf32>, vector<1x512xf32>, vector<1x512xf32>, vector<1x512xf32>, vector<1x512xf32>, vector<1x512xf32>, vector<1x512xf32>, vector<1x512xf32> -> vector<8x512xf32>
    %sub3A = vector.broadcast %broadcast_in_dim3A : vector<1x512xf32> to vector<8x512xf32>
    %sub3A_559 = arith.subf %concatenate3A_558, %sub3A : vector<8x512xf32>
    %exp3A = math.exp %sub3A_559 : vector<8x512xf32>
    %reduce_sum3A = arith.constant dense<0.000000e+00> : vector<512xf32>
    %reduce_sum3A_560 = vector.multi_reduction <add>, %exp3A, %reduce_sum3A [0] : vector<8x512xf32> to vector<512xf32>
    %broadcast_in_dim3A_561 = vector.shape_cast %reduce_sum3A_560 : vector<512xf32> to vector<1x512xf32>
    %div3A = vector.broadcast %broadcast_in_dim3A_561 : vector<1x512xf32> to vector<8x512xf32>
    %div3A_562 = arith.divf %exp3A, %div3A : vector<8x512xf32>
    %swap3A = arith.constant 0 : index
    %swap3A_563 = arith.constant 0 : index
    %swap3A_564 = vector.load %arg6[%swap3A, %swap3A_563] : memref<8x512xf32, #tpu.memory_space<vmem>>, vector<8x512xf32>
    tpu.vector_store %arg6[%swap3A, %swap3A_563], %div3A_562 {strides = array<i32>} : memref<8x512xf32, #tpu.memory_space<vmem>>, vector<8x512xf32>,
    %div3A_565 = arith.constant 1.000000e+00 : f32
    %div3A_566 = vector.broadcast %div3A_565 : f32 to vector<1x512xf32>
    %div3A_567 = arith.divf %div3A_566, %broadcast_in_dim3A_561 : vector<1x512xf32>
    %ge3A = vector.broadcast %broadcast_in_dim3A_557 : vector<1x512xf32> to vector<100x512xf32>
    %ge3A_568 = arith.cmpf oge, %concatenate3A_503, %ge3A : vector<100x512xf32>
    %sub3A_569 = vector.broadcast %broadcast_in_dim3A : vector<1x512xf32> to vector<100x512xf32>
    %sub3A_570 = arith.subf %concatenate3A_503, %sub3A_569 : vector<100x512xf32>
    %exp3A_571 = math.exp %sub3A_570 : vector<100x512xf32>
    %jit3A_572 = arith.constant 0.000000e+00 : f32
    %broadcast_in_dim3A_573 = vector.broadcast %jit3A_572 : f32 to vector<100x512xf32>
    %select_n3A_574 = arith.select %ge3A_568, %exp3A_571, %broadcast_in_dim3A_573 : vector<100x512xi1>, vector<100x512xf32>
    %mul3A = vector.broadcast %div3A_567 : vector<1x512xf32> to vector<100x512xf32>
    %mul3A_575 = arith.mulf %select_n3A_574, %mul3A : vector<100x512xf32>
    %transpose3A = tpu.transpose %mul3A_575, [1, 0] : vector<100x512xf32> -> vector<512x100xf32>
    %convert_element_type3A_576 = arith.truncf %transpose3A : vector<512x100xf32> to vector<512x100xbf16>
    %convert_element_type3A_577 = arith.extf %convert_element_type3A_576 : vector<512x100xbf16> to vector<512x100xf32>
    %sub3A_578 = arith.subf %transpose3A, %convert_element_type3A_577 : vector<512x100xf32>
    %convert_element_type3A_579 = arith.truncf %sub3A_578 : vector<512x100xf32> to vector<512x100xbf16>
    %iota3A = tpu.iota {dimensions = array<i32: 1>} : vector<4x128xi32>
    %jit3A_580 = arith.constant 32 : i32
    %div3A_581 = vector.broadcast %jit3A_580 : i32 to vector<4x128xi32>
    %div3A_582 = arith.divsi %iota3A, %div3A_581 : vector<4x128xi32>
    %sign3A = arith.constant 0 : i32
    %sign3A_583 = vector.broadcast %sign3A : i32 to vector<4x128xi32>
    %sign3A_584 = arith.cmpi sgt, %iota3A, %sign3A_583 : vector<4x128xi32>
    %sign3A_585 = arith.extui %sign3A_584 : vector<4x128xi1> to vector<4x128xi32>
    %sign3A_586 = arith.constant 0 : i32
    %sign3A_587 = vector.broadcast %sign3A_586 : i32 to vector<4x128xi32>
    %sign3A_588 = arith.cmpi slt, %iota3A, %sign3A_587 : vector<4x128xi32>
    %sign3A_589 = arith.extui %sign3A_588 : vector<4x128xi1> to vector<4x128xi32>
    %sign3A_590 = arith.subi %sign3A_585, %sign3A_589 : vector<4x128xi32>
    %sign3A_591 = arith.constant 0 : i32
    %sign3A_592 = arith.cmpi sgt, %jit3A_580, %sign3A_591 : i32
    %sign3A_593 = arith.extui %sign3A_592 : i1 to i32
    %sign3A_594 = arith.constant 0 : i32
    %sign3A_595 = arith.cmpi slt, %jit3A_580, %sign3A_594 : i32
    %sign3A_596 = arith.extui %sign3A_595 : i1 to i32
    %sign3A_597 = arith.subi %sign3A_593, %sign3A_596 : i32
    %ne3A = vector.broadcast %sign3A_597 : i32 to vector<4x128xi32>
    %ne3A_598 = arith.cmpi ne, %sign3A_590, %ne3A : vector<4x128xi32>
    %rem3A = vector.broadcast %jit3A_580 : i32 to vector<4x128xi32>
    %rem3A_599 = arith.remsi %iota3A, %rem3A : vector<4x128xi32>
    %ne3A_600 = arith.constant 0 : i32
    %ne3A_601 = vector.broadcast %ne3A_600 : i32 to vector<4x128xi32>
    %ne3A_602 = arith.cmpi ne, %rem3A_599, %ne3A_601 : vector<4x128xi32>
    %and3A = arith.andi %ne3A_598, %ne3A_602 : vector<4x128xi1>
    %sub3A_603 = arith.constant 1 : i32
    %sub3A_604 = vector.broadcast %sub3A_603 : i32 to vector<4x128xi32>
    %sub3A_605 = arith.subi %div3A_582, %sub3A_604 : vector<4x128xi32>
    %select_n3A_606 = arith.select %and3A, %sub3A_605, %div3A_582 : vector<4x128xi1>, vector<4x128xi32>
    %iota3A_607 = tpu.iota {dimensions = array<i32: 0>} : vector<4x128xi32>
    %eq3A_608 = arith.cmpi eq, %select_n3A_606, %iota3A_607 : vector<4x128xi32>
    %slice3A_609 = vector.extract_strided_slice %get3A_1 {offsets = [0, 0], sizes = [100, 128], strides = [1, 1]} : vector<100x16384xbf16> to vector<100x128xbf16>
    %slice3A_610 = vector.extract_strided_slice %convert_element_type3A_576 {offsets = [0, 0], sizes = [4, 100], strides = [1, 1]} : vector<512x100xbf16> to vector<4x100xbf16>
    %dot_general3A_611 = arith.constant dense<0.000000e+00> : vector<4x128xf32>
    %dot_general3A_612 = tpu.matmul %slice3A_610, %slice3A_609, %dot_general3A_611 {dimension_numbers = #tpu.dot_dimension_numbers<[1], [0], [0], [1], [0, 0, 1, 1], [], []>, transpose_lhs_hint = false} : vector<4x100xbf16>, vector<100x128xbf16>, vector<4x128xf32> -> vector<4x128xf32>
    %slice3A_613 = vector.extract_strided_slice %convert_element_type3A_579 {offsets = [0, 0], sizes = [4, 100], strides = [1, 1]} : vector<512x100xbf16> to vector<4x100xbf16>
    %dot_general3A_614 = arith.constant dense<0.000000e+00> : vector<4x128xf32>
    %dot_general3A_615 = tpu.matmul %slice3A_613, %slice3A_609, %dot_general3A_614 {dimension_numbers = #tpu.dot_dimension_numbers<[1], [0], [0], [1], [0, 0, 1, 1], [], []>, transpose_lhs_hint = false} : vector<4x100xbf16>, vector<100x128xbf16>, vector<4x128xf32> -> vector<4x128xf32>
    %add3A_616 = arith.addf %dot_general3A_612, %dot_general3A_615 : vector<4x128xf32>
    %jit3A_617 = arith.constant 0.000000e+00 : f32
    %broadcast_in_dim3A_618 = vector.broadcast %jit3A_617 : f32 to vector<4x128xf32>
    %select_n3A_619 = arith.select %eq3A_608, %add3A_616, %broadcast_in_dim3A_618 : vector<4x128xi1>, vector<4x128xf32>
    %reduce_sum3A_620 = arith.constant dense<0.000000e+00> : vector<128xf32>
    %reduce_sum3A_621 = vector.multi_reduction <add>, %select_n3A_619, %reduce_sum3A_620 [0] : vector<4x128xf32> to vector<128xf32>
    %broadcast_in_dim3A_622 = vector.shape_cast %reduce_sum3A_621 : vector<128xf32> to vector<1x128xf32>
    %slice3A_623 = vector.extract_strided_slice %get3A_1 {offsets = [0, 128], sizes = [100, 128], strides = [1, 1]} : vector<100x16384xbf16> to vector<100x128xbf16>
    %slice3A_624 = vector.extract_strided_slice %convert_element_type3A_576 {offsets = [4, 0], sizes = [4, 100], strides = [1, 1]} : vector<512x100xbf16> to vector<4x100xbf16>
    %dot_general3A_625 = arith.constant dense<0.000000e+00> : vector<4x128xf32>
    %dot_general3A_626 = tpu.matmul %slice3A_624, %slice3A_623, %dot_general3A_625 {dimension_numbers = #tpu.dot_dimension_numbers<[1], [0], [0], [1], [0, 0, 1, 1], [], []>, transpose_lhs_hint = false} : vector<4x100xbf16>, vector<100x128xbf16>, vector<4x128xf32> -> vector<4x128xf32>
    %slice3A_627 = vector.extract_strided_slice %convert_element_type3A_579 {offsets = [4, 0], sizes = [4, 100], strides = [1, 1]} : vector<512x100xbf16> to vector<4x100xbf16>
    %dot_general3A_628 = arith.constant dense<0.000000e+00> : vector<4x128xf32>
    %dot_general3A_629 = tpu.matmul %slice3A_627, %slice3A_623, %dot_general3A_628 {dimension_numbers = #tpu.dot_dimension_numbers<[1], [0], [0], [1], [0, 0, 1, 1], [], []>, transpose_lhs_hint = false} : vector<4x100xbf16>, vector<100x128xbf16>, vector<4x128xf32> -> vector<4x128xf32>
    %add3A_630 = arith.addf %dot_general3A_626, %dot_general3A_629 : vector<4x128xf32>
    %jit3A_631 = arith.constant 0.000000e+00 : f32
    %broadcast_in_dim3A_632 = vector.broadcast %jit3A_631 : f32 to vector<4x128xf32>
    %select_n3A_633 = arith.select %eq3A_608, %add3A_630, %broadcast_in_dim3A_632 : vector<4x128xi1>, vector<4x128xf32>
    %reduce_sum3A_634 = arith.constant dense<0.000000e+00> : vector<128xf32>
    %reduce_sum3A_635 = vector.multi_reduction <add>, %select_n3A_633, %reduce_sum3A_634 [0] : vector<4x128xf32> to vector<128xf32>
    %broadcast_in_dim3A_636 = vector.shape_cast %reduce_sum3A_635 : vector<128xf32> to vector<1x128xf32>
    %slice3A_637 = vector.extract_strided_slice %get3A_1 {offsets = [0, 256], sizes = [100, 128], strides = [1, 1]} : vector<100x16384xbf16> to vector<100x128xbf16>
    %slice3A_638 = vector.extract_strided_slice %convert_element_type3A_576 {offsets = [8, 0], sizes = [4, 100], strides = [1, 1]} : vector<512x100xbf16> to vector<4x100xbf16>
    %dot_general3A_639 = arith.constant dense<0.000000e+00> : vector<4x128xf32>
    %dot_general3A_640 = tpu.matmul %slice3A_638, %slice3A_637, %dot_general3A_639 {dimension_numbers = #tpu.dot_dimension_numbers<[1], [0], [0], [1], [0, 0, 1, 1], [], []>, transpose_lhs_hint = false} : vector<4x100xbf16>, vector<100x128xbf16>, vector<4x128xf32> -> vector<4x128xf32>
    %slice3A_641 = vector.extract_strided_slice %convert_element_type3A_579 {offsets = [8, 0], sizes = [4, 100], strides = [1, 1]} : vector<512x100xbf16> to vector<4x100xbf16>
    %dot_general3A_642 = arith.constant dense<0.000000e+00> : vector<4x128xf32>
    %dot_general3A_643 = tpu.matmul %slice3A_641, %slice3A_637, %dot_general3A_642 {dimension_numbers = #tpu.dot_dimension_numbers<[1], [0], [0], [1], [0, 0, 1, 1], [], []>, transpose_lhs_hint = false} : vector<4x100xbf16>, vector<100x128xbf16>, vector<4x128xf32> -> vector<4x128xf32>
    %add3A_644 = arith.addf %dot_general3A_640, %dot_general3A_643 : vector<4x128xf32>
    %jit3A_645 = arith.constant 0.000000e+00 : f32
    %broadcast_in_dim3A_646 = vector.broadcast %jit3A_645 : f32 to vector<4x128xf32>
    %select_n3A_647 = arith.select %eq3A_608, %add3A_644, %broadcast_in_dim3A_646 : vector<4x128xi1>, vector<4x128xf32>
    %reduce_sum3A_648 = arith.constant dense<0.000000e+00> : vector<128xf32>
    %reduce_sum3A_649 = vector.multi_reduction <add>, %select_n3A_647, %reduce_sum3A_648 [0] : vector<4x128xf32> to vector<128xf32>
    %broadcast_in_dim3A_650 = vector.shape_cast %reduce_sum3A_649 : vector<128xf32> to vector<1x128xf32>
    %slice3A_651 = vector.extract_strided_slice %get3A_1 {offsets = [0, 384], sizes = [100, 128], strides = [1, 1]} : vector<100x16384xbf16> to vector<100x128xbf16>
    %slice3A_652 = vector.extract_strided_slice %convert_element_type3A_576 {offsets = [12, 0], sizes = [4, 100], strides = [1, 1]} : vector<512x100xbf16> to vector<4x100xbf16>
    %dot_general3A_653 = arith.constant dense<0.000000e+00> : vector<4x128xf32>
    %dot_general3A_654 = tpu.matmul %slice3A_652, %slice3A_651, %dot_general3A_653 {dimension_numbers = #tpu.dot_dimension_numbers<[1], [0], [0], [1], [0, 0, 1, 1], [], []>, transpose_lhs_hint = false} : vector<4x100xbf16>, vector<100x128xbf16>, vector<4x128xf32> -> vector<4x128xf32>
    %slice3A_655 = vector.extract_strided_slice %convert_element_type3A_579 {offsets = [12, 0], sizes = [4, 100], strides = [1, 1]} : vector<512x100xbf16> to vector<4x100xbf16>
    %dot_general3A_656 = arith.constant dense<0.000000e+00> : vector<4x128xf32>
    %dot_general3A_657 = tpu.matmul %slice3A_655, %slice3A_651, %dot_general3A_656 {dimension_numbers = #tpu.dot_dimension_numbers<[1], [0], [0], [1], [0, 0, 1, 1], [], []>, transpose_lhs_hint = false} : vector<4x100xbf16>, vector<100x128xbf16>, vector<4x128xf32> -> vector<4x128xf32>
    %add3A_658 = arith.addf %dot_general3A_654, %dot_general3A_657 : vector<4x128xf32>
    %jit3A_659 = arith.constant 0.000000e+00 : f32
    %broadcast_in_dim3A_660 = vector.broadcast %jit3A_659 : f32 to vector<4x128xf32>
    %select_n3A_661 = arith.select %eq3A_608, %add3A_658, %broadcast_in_dim3A_660 : vector<4x128xi1>, vector<4x128xf32>
    %reduce_sum3A_662 = arith.constant dense<0.000000e+00> : vector<128xf32>
    %reduce_sum3A_663 = vector.multi_reduction <add>, %select_n3A_661, %reduce_sum3A_662 [0] : vector<4x128xf32> to vector<128xf32>
    %broadcast_in_dim3A_664 = vector.shape_cast %reduce_sum3A_663 : vector<128xf32> to vector<1x128xf32>
    %slice3A_665 = vector.extract_strided_slice %get3A_1 {offsets = [0, 512], sizes = [100, 128], strides = [1, 1]} : vector<100x16384xbf16> to vector<100x128xbf16>
    %slice3A_666 = vector.extract_strided_slice %convert_element_type3A_576 {offsets = [16, 0], sizes = [4, 100], strides = [1, 1]} : vector<512x100xbf16> to vector<4x100xbf16>
    %dot_general3A_667 = arith.constant dense<0.000000e+00> : vector<4x128xf32>
    %dot_general3A_668 = tpu.matmul %slice3A_666, %slice3A_665, %dot_general3A_667 {dimension_numbers = #tpu.dot_dimension_numbers<[1], [0], [0], [1], [0, 0, 1, 1], [], []>, transpose_lhs_hint = false} : vector<4x100xbf16>, vector<100x128xbf16>, vector<4x128xf32> -> vector<4x128xf32>
    %slice3A_669 = vector.extract_strided_slice %convert_element_type3A_579 {offsets = [16, 0], sizes = [4, 100], strides = [1, 1]} : vector<512x100xbf16> to vector<4x100xbf16>
    %dot_general3A_670 = arith.constant dense<0.000000e+00> : vector<4x128xf32>
    %dot_general3A_671 = tpu.matmul %slice3A_669, %slice3A_665, %dot_general3A_670 {dimension_numbers = #tpu.dot_dimension_numbers<[1], [0], [0], [1], [0, 0, 1, 1], [], []>, transpose_lhs_hint = false} : vector<4x100xbf16>, vector<100x128xbf16>, vector<4x128xf32> -> vector<4x128xf32>
    %add3A_672 = arith.addf %dot_general3A_668, %dot_general3A_671 : vector<4x128xf32>
    %jit3A_673 = arith.constant 0.000000e+00 : f32
    %broadcast_in_dim3A_674 = vector.broadcast %jit3A_673 : f32 to vector<4x128xf32>
    %select_n3A_675 = arith.select %eq3A_608, %add3A_672, %broadcast_in_dim3A_674 : vector<4x128xi1>, vector<4x128xf32>
    %reduce_sum3A_676 = arith.constant dense<0.000000e+00> : vector<128xf32>
    %reduce_sum3A_677 = vector.multi_reduction <add>, %select_n3A_675, %reduce_sum3A_676 [0] : vector<4x128xf32> to vector<128xf32>
    %broadcast_in_dim3A_678 = vector.shape_cast %reduce_sum3A_677 : vector<128xf32> to vector<1x128xf32>
    %slice3A_679 = vector.extract_strided_slice %get3A_1 {offsets = [0, 640], sizes = [100, 128], strides = [1, 1]} : vector<100x16384xbf16> to vector<100x128xbf16>
    %slice3A_680 = vector.extract_strided_slice %convert_element_type3A_576 {offsets = [20, 0], sizes = [4, 100], strides = [1, 1]} : vector<512x100xbf16> to vector<4x100xbf16>
    %dot_general3A_681 = arith.constant dense<0.000000e+00> : vector<4x128xf32>
    %dot_general3A_682 = tpu.matmul %slice3A_680, %slice3A_679, %dot_general3A_681 {dimension_numbers = #tpu.dot_dimension_numbers<[1], [0], [0], [1], [0, 0, 1, 1], [], []>, transpose_lhs_hint = false} : vector<4x100xbf16>, vector<100x128xbf16>, vector<4x128xf32> -> vector<4x128xf32>
    %slice3A_683 = vector.extract_strided_slice %convert_element_type3A_579 {offsets = [20, 0], sizes = [4, 100], strides = [1, 1]} : vector<512x100xbf16> to vector<4x100xbf16>
    %dot_general3A_684 = arith.constant dense<0.000000e+00> : vector<4x128xf32>
    %dot_general3A_685 = tpu.matmul %slice3A_683, %slice3A_679, %dot_general3A_684 {dimension_numbers = #tpu.dot_dimension_numbers<[1], [0], [0], [1], [0, 0, 1, 1], [], []>, transpose_lhs_hint = false} : vector<4x100xbf16>, vector<100x128xbf16>, vector<4x128xf32> -> vector<4x128xf32>
    %add3A_686 = arith.addf %dot_general3A_682, %dot_general3A_685 : vector<4x128xf32>
    %jit3A_687 = arith.constant 0.000000e+00 : f32
    %broadcast_in_dim3A_688 = vector.broadcast %jit3A_687 : f32 to vector<4x128xf32>
    %select_n3A_689 = arith.select %eq3A_608, %add3A_686, %broadcast_in_dim3A_688 : vector<4x128xi1>, vector<4x128xf32>
    %reduce_sum3A_690 = arith.constant dense<0.000000e+00> : vector<128xf32>
    %reduce_sum3A_691 = vector.multi_reduction <add>, %select_n3A_689, %reduce_sum3A_690 [0] : vector<4x128xf32> to vector<128xf32>
    %broadcast_in_dim3A_692 = vector.shape_cast %reduce_sum3A_691 : vector<128xf32> to vector<1x128xf32>
    %slice3A_693 = vector.extract_strided_slice %get3A_1 {offsets = [0, 768], sizes = [100, 128], strides = [1, 1]} : vector<100x16384xbf16> to vector<100x128xbf16>
    %slice3A_694 = vector.extract_strided_slice %convert_element_type3A_576 {offsets = [24, 0], sizes = [4, 100], strides = [1, 1]} : vector<512x100xbf16> to vector<4x100xbf16>
    %dot_general3A_695 = arith.constant dense<0.000000e+00> : vector<4x128xf32>
    %dot_general3A_696 = tpu.matmul %slice3A_694, %slice3A_693, %dot_general3A_695 {dimension_numbers = #tpu.dot_dimension_numbers<[1], [0], [0], [1], [0, 0, 1, 1], [], []>, transpose_lhs_hint = false} : vector<4x100xbf16>, vector<100x128xbf16>, vector<4x128xf32> -> vector<4x128xf32>
    %slice3A_697 = vector.extract_strided_slice %convert_element_type3A_579 {offsets = [24, 0], sizes = [4, 100], strides = [1, 1]} : vector<512x100xbf16> to vector<4x100xbf16>
    %dot_general3A_698 = arith.constant dense<0.000000e+00> : vector<4x128xf32>
    %dot_general3A_699 = tpu.matmul %slice3A_697, %slice3A_693, %dot_general3A_698 {dimension_numbers = #tpu.dot_dimension_numbers<[1], [0], [0], [1], [0, 0, 1, 1], [], []>, transpose_lhs_hint = false} : vector<4x100xbf16>, vector<100x128xbf16>, vector<4x128xf32> -> vector<4x128xf32>
    %add3A_700 = arith.addf %dot_general3A_696, %dot_general3A_699 : vector<4x128xf32>
    %jit3A_701 = arith.constant 0.000000e+00 : f32
    %broadcast_in_dim3A_702 = vector.broadcast %jit3A_701 : f32 to vector<4x128xf32>
    %select_n3A_703 = arith.select %eq3A_608, %add3A_700, %broadcast_in_dim3A_702 : vector<4x128xi1>, vector<4x128xf32>
    %reduce_sum3A_704 = arith.constant dense<0.000000e+00> : vector<128xf32>
    %reduce_sum3A_705 = vector.multi_reduction <add>, %select_n3A_703, %reduce_sum3A_704 [0] : vector<4x128xf32> to vector<128xf32>
    %broadcast_in_dim3A_706 = vector.shape_cast %reduce_sum3A_705 : vector<128xf32> to vector<1x128xf32>
    %slice3A_707 = vector.extract_strided_slice %get3A_1 {offsets = [0, 896], sizes = [100, 128], strides = [1, 1]} : vector<100x16384xbf16> to vector<100x128xbf16>
    %slice3A_708 = vector.extract_strided_slice %convert_element_type3A_576 {offsets = [28, 0], sizes = [4, 100], strides = [1, 1]} : vector<512x100xbf16> to vector<4x100xbf16>
    %dot_general3A_709 = arith.constant dense<0.000000e+00> : vector<4x128xf32>
    %dot_general3A_710 = tpu.matmul %slice3A_708, %slice3A_707, %dot_general3A_709 {dimension_numbers = #tpu.dot_dimension_numbers<[1], [0], [0], [1], [0, 0, 1, 1], [], []>, transpose_lhs_hint = false} : vector<4x100xbf16>, vector<100x128xbf16>, vector<4x128xf32> -> vector<4x128xf32>
    %slice3A_711 = vector.extract_strided_slice %convert_element_type3A_579 {offsets = [28, 0], sizes = [4, 100], strides = [1, 1]} : vector<512x100xbf16> to vector<4x100xbf16>
    %dot_general3A_712 = arith.constant dense<0.000000e+00> : vector<4x128xf32>
    %dot_general3A_713 = tpu.matmul %slice3A_711, %slice3A_707, %dot_general3A_712 {dimension_numbers = #tpu.dot_dimension_numbers<[1], [0], [0], [1], [0, 0, 1, 1], [], []>, transpose_lhs_hint = false} : vector<4x100xbf16>, vector<100x128xbf16>, vector<4x128xf32> -> vector<4x128xf32>
    %add3A_714 = arith.addf %dot_general3A_710, %dot_general3A_713 : vector<4x128xf32>
    %jit3A_715 = arith.constant 0.000000e+00 : f32
    %broadcast_in_dim3A_716 = vector.broadcast %jit3A_715 : f32 to vector<4x128xf32>
    %select_n3A_717 = arith.select %eq3A_608, %add3A_714, %broadcast_in_dim3A_716 : vector<4x128xi1>, vector<4x128xf32>
    %reduce_sum3A_718 = arith.constant dense<0.000000e+00> : vector<128xf32>
    %reduce_sum3A_719 = vector.multi_reduction <add>, %select_n3A_717, %reduce_sum3A_718 [0] : vector<4x128xf32> to vector<128xf32>
    %broadcast_in_dim3A_720 = vector.shape_cast %reduce_sum3A_719 : vector<128xf32> to vector<1x128xf32>
    %slice3A_721 = vector.extract_strided_slice %get3A_1 {offsets = [0, 1024], sizes = [100, 128], strides = [1, 1]} : vector<100x16384xbf16> to vector<100x128xbf16>
    %slice3A_722 = vector.extract_strided_slice %convert_element_type3A_576 {offsets = [32, 0], sizes = [4, 100], strides = [1, 1]} : vector<512x100xbf16> to vector<4x100xbf16>
    %dot_general3A_723 = arith.constant dense<0.000000e+00> : vector<4x128xf32>
    %dot_general3A_724 = tpu.matmul %slice3A_722, %slice3A_721, %dot_general3A_723 {dimension_numbers = #tpu.dot_dimension_numbers<[1], [0], [0], [1], [0, 0, 1, 1], [], []>, transpose_lhs_hint = false} : vector<4x100xbf16>, vector<100x128xbf16>, vector<4x128xf32> -> vector<4x128xf32>
    %slice3A_725 = vector.extract_strided_slice %convert_element_type3A_579 {offsets = [32, 0], sizes = [4, 100], strides = [1, 1]} : vector<512x100xbf16> to vector<4x100xbf16>
    %dot_general3A_726 = arith.constant dense<0.000000e+00> : vector<4x128xf32>
    %dot_general3A_727 = tpu.matmul %slice3A_725, %slice3A_721, %dot_general3A_726 {dimension_numbers = #tpu.dot_dimension_numbers<[1], [0], [0], [1], [0, 0, 1, 1], [], []>, transpose_lhs_hint = false} : vector<4x100xbf16>, vector<100x128xbf16>, vector<4x128xf32> -> vector<4x128xf32>
    %add3A_728 = arith.addf %dot_general3A_724, %dot_general3A_727 : vector<4x128xf32>
    %jit3A_729 = arith.constant 0.000000e+00 : f32
    %broadcast_in_dim3A_730 = vector.broadcast %jit3A_729 : f32 to vector<4x128xf32>
    %select_n3A_731 = arith.select %eq3A_608, %add3A_728, %broadcast_in_dim3A_730 : vector<4x128xi1>, vector<4x128xf32>
    %reduce_sum3A_732 = arith.constant dense<0.000000e+00> : vector<128xf32>
    %reduce_sum3A_733 = vector.multi_reduction <add>, %select_n3A_731, %reduce_sum3A_732 [0] : vector<4x128xf32> to vector<128xf32>
    %broadcast_in_dim3A_734 = vector.shape_cast %reduce_sum3A_733 : vector<128xf32> to vector<1x128xf32>
    %slice3A_735 = vector.extract_strided_slice %get3A_1 {offsets = [0, 1152], sizes = [100, 128], strides = [1, 1]} : vector<100x16384xbf16> to vector<100x128xbf16>
    %slice3A_736 = vector.extract_strided_slice %convert_element_type3A_576 {offsets = [36, 0], sizes = [4, 100], strides = [1, 1]} : vector<512x100xbf16> to vector<4x100xbf16>
    %dot_general3A_737 = arith.constant dense<0.000000e+00> : vector<4x128xf32>
    %dot_general3A_738 = tpu.matmul %slice3A_736, %slice3A_735, %dot_general3A_737 {dimension_numbers = #tpu.dot_dimension_numbers<[1], [0], [0], [1], [0, 0, 1, 1], [], []>, transpose_lhs_hint = false} : vector<4x100xbf16>, vector<100x128xbf16>, vector<4x128xf32> -> vector<4x128xf32>
    %slice3A_739 = vector.extract_strided_slice %convert_element_type3A_579 {offsets = [36, 0], sizes = [4, 100], strides = [1, 1]} : vector<512x100xbf16> to vector<4x100xbf16>
    %dot_general3A_740 = arith.constant dense<0.000000e+00> : vector<4x128xf32>
    %dot_general3A_741 = tpu.matmul %slice3A_739, %slice3A_735, %dot_general3A_740 {dimension_numbers = #tpu.dot_dimension_numbers<[1], [0], [0], [1], [0, 0, 1, 1], [], []>, transpose_lhs_hint = false} : vector<4x100xbf16>, vector<100x128xbf16>, vector<4x128xf32> -> vector<4x128xf32>
    %add3A_742 = arith.addf %dot_general3A_738, %dot_general3A_741 : vector<4x128xf32>
    %jit3A_743 = arith.constant 0.000000e+00 : f32
    %broadcast_in_dim3A_744 = vector.broadcast %jit3A_743 : f32 to vector<4x128xf32>
    %select_n3A_745 = arith.select %eq3A_608, %add3A_742, %broadcast_in_dim3A_744 : vector<4x128xi1>, vector<4x128xf32>
    %reduce_sum3A_746 = arith.constant dense<0.000000e+00> : vector<128xf32>
    %reduce_sum3A_747 = vector.multi_reduction <add>, %select_n3A_745, %reduce_sum3A_746 [0] : vector<4x128xf32> to vector<128xf32>
    %broadcast_in_dim3A_748 = vector.shape_cast %reduce_sum3A_747 : vector<128xf32> to vector<1x128xf32>
    %slice3A_749 = vector.extract_strided_slice %get3A_1 {offsets = [0, 1280], sizes = [100, 128], strides = [1, 1]} : vector<100x16384xbf16> to vector<100x128xbf16>
    %slice3A_750 = vector.extract_strided_slice %convert_element_type3A_576 {offsets = [40, 0], sizes = [4, 100], strides = [1, 1]} : vector<512x100xbf16> to vector<4x100xbf16>
    %dot_general3A_751 = arith.constant dense<0.000000e+00> : vector<4x128xf32>
    %dot_general3A_752 = tpu.matmul %slice3A_750, %slice3A_749, %dot_general3A_751 {dimension_numbers = #tpu.dot_dimension_numbers<[1], [0], [0], [1], [0, 0, 1, 1], [], []>, transpose_lhs_hint = false} : vector<4x100xbf16>, vector<100x128xbf16>, vector<4x128xf32> -> vector<4x128xf32>
    %slice3A_753 = vector.extract_strided_slice %convert_element_type3A_579 {offsets = [40, 0], sizes = [4, 100], strides = [1, 1]} : vector<512x100xbf16> to vector<4x100xbf16>
    %dot_general3A_754 = arith.constant dense<0.000000e+00> : vector<4x128xf32>
    %dot_general3A_755 = tpu.matmul %slice3A_753, %slice3A_749, %dot_general3A_754 {dimension_numbers = #tpu.dot_dimension_numbers<[1], [0], [0], [1], [0, 0, 1, 1], [], []>, transpose_lhs_hint = false} : vector<4x100xbf16>, vector<100x128xbf16>, vector<4x128xf32> -> vector<4x128xf32>
    %add3A_756 = arith.addf %dot_general3A_752, %dot_general3A_755 : vector<4x128xf32>
    %jit3A_757 = arith.constant 0.000000e+00 : f32
    %broadcast_in_dim3A_758 = vector.broadcast %jit3A_757 : f32 to vector<4x128xf32>
    %select_n3A_759 = arith.select %eq3A_608, %add3A_756, %broadcast_in_dim3A_758 : vector<4x128xi1>, vector<4x128xf32>
    %reduce_sum3A_760 = arith.constant dense<0.000000e+00> : vector<128xf32>
    %reduce_sum3A_761 = vector.multi_reduction <add>, %select_n3A_759, %reduce_sum3A_760 [0] : vector<4x128xf32> to vector<128xf32>
    %broadcast_in_dim3A_762 = vector.shape_cast %reduce_sum3A_761 : vector<128xf32> to vector<1x128xf32>
    %slice3A_763 = vector.extract_strided_slice %get3A_1 {offsets = [0, 1408], sizes = [100, 128], strides = [1, 1]} : vector<100x16384xbf16> to vector<100x128xbf16>
    %slice3A_764 = vector.extract_strided_slice %convert_element_type3A_576 {offsets = [44, 0], sizes = [4, 100], strides = [1, 1]} : vector<512x100xbf16> to vector<4x100xbf16>
    %dot_general3A_765 = arith.constant dense<0.000000e+00> : vector<4x128xf32>
    %dot_general3A_766 = tpu.matmul %slice3A_764, %slice3A_763, %dot_general3A_765 {dimension_numbers = #tpu.dot_dimension_numbers<[1], [0], [0], [1], [0, 0, 1, 1], [], []>, transpose_lhs_hint = false} : vector<4x100xbf16>, vector<100x128xbf16>, vector<4x128xf32> -> vector<4x128xf32>
    %slice3A_767 = vector.extract_strided_slice %convert_element_type3A_579 {offsets = [44, 0], sizes = [4, 100], strides = [1, 1]} : vector<512x100xbf16> to vector<4x100xbf16>
    %dot_general3A_768 = arith.constant dense<0.000000e+00> : vector<4x128xf32>
    %dot_general3A_769 = tpu.matmul %slice3A_767, %slice3A_763, %dot_general3A_768 {dimension_numbers = #tpu.dot_dimension_numbers<[1], [0], [0], [1], [0, 0, 1, 1], [], []>, transpose_lhs_hint = false} : vector<4x100xbf16>, vector<100x128xbf16>, vector<4x128xf32> -> vector<4x128xf32>
    %add3A_770 = arith.addf %dot_general3A_766, %dot_general3A_769 : vector<4x128xf32>
    %jit3A_771 = arith.constant 0.000000e+00 : f32
    %broadcast_in_dim3A_772 = vector.broadcast %jit3A_771 : f32 to vector<4x128xf32>
    %select_n3A_773 = arith.select %eq3A_608, %add3A_770, %broadcast_in_dim3A_772 : vector<4x128xi1>, vector<4x128xf32>
    %reduce_sum3A_774 = arith.constant dense<0.000000e+00> : vector<128xf32>
    %reduce_sum3A_775 = vector.multi_reduction <add>, %select_n3A_773, %reduce_sum3A_774 [0] : vector<4x128xf32> to vector<128xf32>
    %broadcast_in_dim3A_776 = vector.shape_cast %reduce_sum3A_775 : vector<128xf32> to vector<1x128xf32>
    %slice3A_777 = vector.extract_strided_slice %get3A_1 {offsets = [0, 1536], sizes = [100, 128], strides = [1, 1]} : vector<100x16384xbf16> to vector<100x128xbf16>
    %slice3A_778 = vector.extract_strided_slice %convert_element_type3A_576 {offsets = [48, 0], sizes = [4, 100], strides = [1, 1]} : vector<512x100xbf16> to vector<4x100xbf16>
    %dot_general3A_779 = arith.constant dense<0.000000e+00> : vector<4x128xf32>
    %dot_general3A_780 = tpu.matmul %slice3A_778, %slice3A_777, %dot_general3A_779 {dimension_numbers = #tpu.dot_dimension_numbers<[1], [0], [0], [1], [0, 0, 1, 1], [], []>, transpose_lhs_hint = false} : vector<4x100xbf16>, vector<100x128xbf16>, vector<4x128xf32> -> vector<4x128xf32>
    %slice3A_781 = vector.extract_strided_slice %convert_element_type3A_579 {offsets = [48, 0], sizes = [4, 100], strides = [1, 1]} : vector<512x100xbf16> to vector<4x100xbf16>
    %dot_general3A_782 = arith.constant dense<0.000000e+00> : vector<4x128xf32>
    %dot_general3A_783 = tpu.matmul %slice3A_781, %slice3A_777, %dot_general3A_782 {dimension_numbers = #tpu.dot_dimension_numbers<[1], [0], [0], [1], [0, 0, 1, 1], [], []>, transpose_lhs_hint = false} : vector<4x100xbf16>, vector<100x128xbf16>, vector<4x128xf32> -> vector<4x128xf32>
    %add3A_784 = arith.addf %dot_general3A_780, %dot_general3A_783 : vector<4x128xf32>
    %jit3A_785 = arith.constant 0.000000e+00 : f32
    %broadcast_in_dim3A_786 = vector.broadcast %jit3A_785 : f32 to vector<4x128xf32>
    %select_n3A_787 = arith.select %eq3A_608, %add3A_784, %broadcast_in_dim3A_786 : vector<4x128xi1>, vector<4x128xf32>
    %reduce_sum3A_788 = arith.constant dense<0.000000e+00> : vector<128xf32>
    %reduce_sum3A_789 = vector.multi_reduction <add>, %select_n3A_787, %reduce_sum3A_788 [0] : vector<4x128xf32> to vector<128xf32>
    %broadcast_in_dim3A_790 = vector.shape_cast %reduce_sum3A_789 : vector<128xf32> to vector<1x128xf32>
    %slice3A_791 = vector.extract_strided_slice %get3A_1 {offsets = [0, 1664], sizes = [100, 128], strides = [1, 1]} : vector<100x16384xbf16> to vector<100x128xbf16>
    %slice3A_792 = vector.extract_strided_slice %convert_element_type3A_576 {offsets = [52, 0], sizes = [4, 100], strides = [1, 1]} : vector<512x100xbf16> to vector<4x100xbf16>
    %dot_general3A_793 = arith.constant dense<0.000000e+00> : vector<4x128xf32>
    %dot_general3A_794 = tpu.matmul %slice3A_792, %slice3A_791, %dot_general3A_793 {dimension_numbers = #tpu.dot_dimension_numbers<[1], [0], [0], [1], [0, 0, 1, 1], [], []>, transpose_lhs_hint = false} : vector<4x100xbf16>, vector<100x128xbf16>, vector<4x128xf32> -> vector<4x128xf32>
    %slice3A_795 = vector.extract_strided_slice %convert_element_type3A_579 {offsets = [52, 0], sizes = [4, 100], strides = [1, 1]} : vector<512x100xbf16> to vector<4x100xbf16>
    %dot_general3A_796 = arith.constant dense<0.000000e+00> : vector<4x128xf32>
    %dot_general3A_797 = tpu.matmul %slice3A_795, %slice3A_791, %dot_general3A_796 {dimension_numbers = #tpu.dot_dimension_numbers<[1], [0], [0], [1], [0, 0, 1, 1], [], []>, transpose_lhs_hint = false} : vector<4x100xbf16>, vector<100x128xbf16>, vector<4x128xf32> -> vector<4x128xf32>
    %add3A_798 = arith.addf %dot_general3A_794, %dot_general3A_797 : vector<4x128xf32>
    %jit3A_799 = arith.constant 0.000000e+00 : f32
    %broadcast_in_dim3A_800 = vector.broadcast %jit3A_799 : f32 to vector<4x128xf32>
    %select_n3A_801 = arith.select %eq3A_608, %add3A_798, %broadcast_in_dim3A_800 : vector<4x128xi1>, vector<4x128xf32>
    %reduce_sum3A_802 = arith.constant dense<0.000000e+00> : vector<128xf32>
    %reduce_sum3A_803 = vector.multi_reduction <add>, %select_n3A_801, %reduce_sum3A_802 [0] : vector<4x128xf32> to vector<128xf32>
    %broadcast_in_dim3A_804 = vector.shape_cast %reduce_sum3A_803 : vector<128xf32> to vector<1x128xf32>
    %slice3A_805 = vector.extract_strided_slice %get3A_1 {offsets = [0, 1792], sizes = [100, 128], strides = [1, 1]} : vector<100x16384xbf16> to vector<100x128xbf16>
    %slice3A_806 = vector.extract_strided_slice %convert_element_type3A_576 {offsets = [56, 0], sizes = [4, 100], strides = [1, 1]} : vector<512x100xbf16> to vector<4x100xbf16>
    %dot_general3A_807 = arith.constant dense<0.000000e+00> : vector<4x128xf32>
    %dot_general3A_808 = tpu.matmul %slice3A_806, %slice3A_805, %dot_general3A_807 {dimension_numbers = #tpu.dot_dimension_numbers<[1], [0], [0], [1], [0, 0, 1, 1], [], []>, transpose_lhs_hint = false} : vector<4x100xbf16>, vector<100x128xbf16>, vector<4x128xf32> -> vector<4x128xf32>
    %slice3A_809 = vector.extract_strided_slice %convert_element_type3A_579 {offsets = [56, 0], sizes = [4, 100], strides = [1, 1]} : vector<512x100xbf16> to vector<4x100xbf16>
    %dot_general3A_810 = arith.constant dense<0.000000e+00> : vector<4x128xf32>
    %dot_general3A_811 = tpu.matmul %slice3A_809, %slice3A_805, %dot_general3A_810 {dimension_numbers = #tpu.dot_dimension_numbers<[1], [0], [0], [1], [0, 0, 1, 1], [], []>, transpose_lhs_hint = false} : vector<4x100xbf16>, vector<100x128xbf16>, vector<4x128xf32> -> vector<4x128xf32>
    %add3A_812 = arith.addf %dot_general3A_808, %dot_general3A_811 : vector<4x128xf32>
    %jit3A_813 = arith.constant 0.000000e+00 : f32
    %broadcast_in_dim3A_814 = vector.broadcast %jit3A_813 : f32 to vector<4x128xf32>
    %select_n3A_815 = arith.select %eq3A_608, %add3A_812, %broadcast_in_dim3A_814 : vector<4x128xi1>, vector<4x128xf32>
    %reduce_sum3A_816 = arith.constant dense<0.000000e+00> : vector<128xf32>
    %reduce_sum3A_817 = vector.multi_reduction <add>, %select_n3A_815, %reduce_sum3A_816 [0] : vector<4x128xf32> to vector<128xf32>
    %broadcast_in_dim3A_818 = vector.shape_cast %reduce_sum3A_817 : vector<128xf32> to vector<1x128xf32>
    %slice3A_819 = vector.extract_strided_slice %get3A_1 {offsets = [0, 1920], sizes = [100, 128], strides = [1, 1]} : vector<100x16384xbf16> to vector<100x128xbf16>
    %slice3A_820 = vector.extract_strided_slice %convert_element_type3A_576 {offsets = [60, 0], sizes = [4, 100], strides = [1, 1]} : vector<512x100xbf16> to vector<4x100xbf16>
    %dot_general3A_821 = arith.constant dense<0.000000e+00> : vector<4x128xf32>
    %dot_general3A_822 = tpu.matmul %slice3A_820, %slice3A_819, %dot_general3A_821 {dimension_numbers = #tpu.dot_dimension_numbers<[1], [0], [0], [1], [0, 0, 1, 1], [], []>, transpose_lhs_hint = false} : vector<4x100xbf16>, vector<100x128xbf16>, vector<4x128xf32> -> vector<4x128xf32>
    %slice3A_823 = vector.extract_strided_slice %convert_element_type3A_579 {offsets = [60, 0], sizes = [4, 100], strides = [1, 1]} : vector<512x100xbf16> to vector<4x100xbf16>
    %dot_general3A_824 = arith.constant dense<0.000000e+00> : vector<4x128xf32>
    %dot_general3A_825 = tpu.matmul %slice3A_823, %slice3A_819, %dot_general3A_824 {dimension_numbers = #tpu.dot_dimension_numbers<[1], [0], [0], [1], [0, 0, 1, 1], [], []>, transpose_lhs_hint = false} : vector<4x100xbf16>, vector<100x128xbf16>, vector<4x128xf32> -> vector<4x128xf32>
    %add3A_826 = arith.addf %dot_general3A_822, %dot_general3A_825 : vector<4x128xf32>
    %jit3A_827 = arith.constant 0.000000e+00 : f32
    %broadcast_in_dim3A_828 = vector.broadcast %jit3A_827 : f32 to vector<4x128xf32>
    %select_n3A_829 = arith.select %eq3A_608, %add3A_826, %broadcast_in_dim3A_828 : vector<4x128xi1>, vector<4x128xf32>
    %reduce_sum3A_830 = arith.constant dense<0.000000e+00> : vector<128xf32>
    %reduce_sum3A_831 = vector.multi_reduction <add>, %select_n3A_829, %reduce_sum3A_830 [0] : vector<4x128xf32> to vector<128xf32>
    %broadcast_in_dim3A_832 = vector.shape_cast %reduce_sum3A_831 : vector<128xf32> to vector<1x128xf32>
    %slice3A_833 = vector.extract_strided_slice %get3A_1 {offsets = [0, 2048], sizes = [100, 128], strides = [1, 1]} : vector<100x16384xbf16> to vector<100x128xbf16>
    %slice3A_834 = vector.extract_strided_slice %convert_element_type3A_576 {offsets = [64, 0], sizes = [4, 100], strides = [1, 1]} : vector<512x100xbf16> to vector<4x100xbf16>
    %dot_general3A_835 = arith.constant dense<0.000000e+00> : vector<4x128xf32>
    %dot_general3A_836 = tpu.matmul %slice3A_834, %slice3A_833, %dot_general3A_835 {dimension_numbers = #tpu.dot_dimension_numbers<[1], [0], [0], [1], [0, 0, 1, 1], [], []>, transpose_lhs_hint = false} : vector<4x100xbf16>, vector<100x128xbf16>, vector<4x128xf32> -> vector<4x128xf32>
    %slice3A_837 = vector.extract_strided_slice %convert_element_type3A_579 {offsets = [64, 0], sizes = [4, 100], strides = [1, 1]} : vector<512x100xbf16> to vector<4x100xbf16>
    %dot_general3A_838 = arith.constant dense<0.000000e+00> : vector<4x128xf32>
    %dot_general3A_839 = tpu.matmul %slice3A_837, %slice3A_833, %dot_general3A_838 {dimension_numbers = #tpu.dot_dimension_numbers<[1], [0], [0], [1], [0, 0, 1, 1], [], []>, transpose_lhs_hint = false} : vector<4x100xbf16>, vector<100x128xbf16>, vector<4x128xf32> -> vector<4x128xf32>
    %add3A_840 = arith.addf %dot_general3A_836, %dot_general3A_839 : vector<4x128xf32>
    %jit3A_841 = arith.constant 0.000000e+00 : f32
    %broadcast_in_dim3A_842 = vector.broadcast %jit3A_841 : f32 to vector<4x128xf32>
    %select_n3A_843 = arith.select %eq3A_608, %add3A_840, %broadcast_in_dim3A_842 : vector<4x128xi1>, vector<4x128xf32>
    %reduce_sum3A_844 = arith.constant dense<0.000000e+00> : vector<128xf32>
    %reduce_sum3A_845 = vector.multi_reduction <add>, %select_n3A_843, %reduce_sum3A_844 [0] : vector<4x128xf32> to vector<128xf32>
    %broadcast_in_dim3A_846 = vector.shape_cast %reduce_sum3A_845 : vector<128xf32> to vector<1x128xf32>
    %slice3A_847 = vector.extract_strided_slice %get3A_1 {offsets = [0, 2176], sizes = [100, 128], strides = [1, 1]} : vector<100x16384xbf16> to vector<100x128xbf16>
    %slice3A_848 = vector.extract_strided_slice %convert_element_type3A_576 {offsets = [68, 0], sizes = [4, 100], strides = [1, 1]} : vector<512x100xbf16> to vector<4x100xbf16>
    %dot_general3A_849 = arith.constant dense<0.000000e+00> : vector<4x128xf32>
    %dot_general3A_850 = tpu.matmul %slice3A_848, %slice3A_847, %dot_general3A_849 {dimension_numbers = #tpu.dot_dimension_numbers<[1], [0], [0], [1], [0, 0, 1, 1], [], []>, transpose_lhs_hint = false} : vector<4x100xbf16>, vector<100x128xbf16>, vector<4x128xf32> -> vector<4x128xf32>
    %slice3A_851 = vector.extract_strided_slice %convert_element_type3A_579 {offsets = [68, 0], sizes = [4, 100], strides = [1, 1]} : vector<512x100xbf16> to vector<4x100xbf16>
    %dot_general3A_852 = arith.constant dense<0.000000e+00> : vector<4x128xf32>
    %dot_general3A_853 = tpu.matmul %slice3A_851, %slice3A_847, %dot_general3A_852 {dimension_numbers = #tpu.dot_dimension_numbers<[1], [0], [0], [1], [0, 0, 1, 1], [], []>, transpose_lhs_hint = false} : vector<4x100xbf16>, vector<100x128xbf16>, vector<4x128xf32> -> vector<4x128xf32>
    %add3A_854 = arith.addf %dot_general3A_850, %dot_general3A_853 : vector<4x128xf32>
    %jit3A_855 = arith.constant 0.000000e+00 : f32
    %broadcast_in_dim3A_856 = vector.broadcast %jit3A_855 : f32 to vector<4x128xf32>
    %select_n3A_857 = arith.select %eq3A_608, %add3A_854, %broadcast_in_dim3A_856 : vector<4x128xi1>, vector<4x128xf32>
    %reduce_sum3A_858 = arith.constant dense<0.000000e+00> : vector<128xf32>
    %reduce_sum3A_859 = vector.multi_reduction <add>, %select_n3A_857, %reduce_sum3A_858 [0] : vector<4x128xf32> to vector<128xf32>
    %broadcast_in_dim3A_860 = vector.shape_cast %reduce_sum3A_859 : vector<128xf32> to vector<1x128xf32>
    %slice3A_861 = vector.extract_strided_slice %get3A_1 {offsets = [0, 2304], sizes = [100, 128], strides = [1, 1]} : vector<100x16384xbf16> to vector<100x128xbf16>
    %slice3A_862 = vector.extract_strided_slice %convert_element_type3A_576 {offsets = [72, 0], sizes = [4, 100], strides = [1, 1]} : vector<512x100xbf16> to vector<4x100xbf16>
    %dot_general3A_863 = arith.constant dense<0.000000e+00> : vector<4x128xf32>
    %dot_general3A_864 = tpu.matmul %slice3A_862, %slice3A_861, %dot_general3A_863 {dimension_numbers = #tpu.dot_dimension_numbers<[1], [0], [0], [1], [0, 0, 1, 1], [], []>, transpose_lhs_hint = false} : vector<4x100xbf16>, vector<100x128xbf16>, vector<4x128xf32> -> vector<4x128xf32>
    %slice3A_865 = vector.extract_strided_slice %convert_element_type3A_579 {offsets = [72, 0], sizes = [4, 100], strides = [1, 1]} : vector<512x100xbf16> to vector<4x100xbf16>
    %dot_general3A_866 = arith.constant dense<0.000000e+00> : vector<4x128xf32>
    %dot_general3A_867 = tpu.matmul %slice3A_865, %slice3A_861, %dot_general3A_866 {dimension_numbers = #tpu.dot_dimension_numbers<[1], [0], [0], [1], [0, 0, 1, 1], [], []>, transpose_lhs_hint = false} : vector<4x100xbf16>, vector<100x128xbf16>, vector<4x128xf32> -> vector<4x128xf32>
    %add3A_868 = arith.addf %dot_general3A_864, %dot_general3A_867 : vector<4x128xf32>
    %jit3A_869 = arith.constant 0.000000e+00 : f32
    %broadcast_in_dim3A_870 = vector.broadcast %jit3A_869 : f32 to vector<4x128xf32>
    %select_n3A_871 = arith.select %eq3A_608, %add3A_868, %broadcast_in_dim3A_870 : vector<4x128xi1>, vector<4x128xf32>
    %reduce_sum3A_872 = arith.constant dense<0.000000e+00> : vector<128xf32>
    %reduce_sum3A_873 = vector.multi_reduction <add>, %select_n3A_871, %reduce_sum3A_872 [0] : vector<4x128xf32> to vector<128xf32>
    %broadcast_in_dim3A_874 = vector.shape_cast %reduce_sum3A_873 : vector<128xf32> to vector<1x128xf32>
    %slice3A_875 = vector.extract_strided_slice %get3A_1 {offsets = [0, 2432], sizes = [100, 128], strides = [1, 1]} : vector<100x16384xbf16> to vector<100x128xbf16>
    %slice3A_876 = vector.extract_strided_slice %convert_element_type3A_576 {offsets = [76, 0], sizes = [4, 100], strides = [1, 1]} : vector<512x100xbf16> to vector<4x100xbf16>
    %dot_general3A_877 = arith.constant dense<0.000000e+00> : vector<4x128xf32>
    %dot_general3A_878 = tpu.matmul %slice3A_876, %slice3A_875, %dot_general3A_877 {dimension_numbers = #tpu.dot_dimension_numbers<[1], [0], [0], [1], [0, 0, 1, 1], [], []>, transpose_lhs_hint = false} : vector<4x100xbf16>, vector<100x128xbf16>, vector<4x128xf32> -> vector<4x128xf32>
    %slice3A_879 = vector.extract_strided_slice %convert_element_type3A_579 {offsets = [76, 0], sizes = [4, 100], strides = [1, 1]} : vector<512x100xbf16> to vector<4x100xbf16>
    %dot_general3A_880 = arith.constant dense<0.000000e+00> : vector<4x128xf32>
    %dot_general3A_881 = tpu.matmul %slice3A_879, %slice3A_875, %dot_general3A_880 {dimension_numbers = #tpu.dot_dimension_numbers<[1], [0], [0], [1], [0, 0, 1, 1], [], []>, transpose_lhs_hint = false} : vector<4x100xbf16>, vector<100x128xbf16>, vector<4x128xf32> -> vector<4x128xf32>
    %add3A_882 = arith.addf %dot_general3A_878, %dot_general3A_881 : vector<4x128xf32>
    %jit3A_883 = arith.constant 0.000000e+00 : f32
    %broadcast_in_dim3A_884 = vector.broadcast %jit3A_883 : f32 to vector<4x128xf32>
    %select_n3A_885 = arith.select %eq3A_608, %add3A_882, %broadcast_in_dim3A_884 : vector<4x128xi1>, vector<4x128xf32>
    %reduce_sum3A_886 = arith.constant dense<0.000000e+00> : vector<128xf32>
    %reduce_sum3A_887 = vector.multi_reduction <add>, %select_n3A_885, %reduce_sum3A_886 [0] : vector<4x128xf32> to vector<128xf32>
    %broadcast_in_dim3A_888 = vector.shape_cast %reduce_sum3A_887 : vector<128xf32> to vector<1x128xf32>
    %slice3A_889 = vector.extract_strided_slice %get3A_1 {offsets = [0, 2560], sizes = [100, 128], strides = [1, 1]} : vector<100x16384xbf16> to vector<100x128xbf16>
    %slice3A_890 = vector.extract_strided_slice %convert_element_type3A_576 {offsets = [80, 0], sizes = [4, 100], strides = [1, 1]} : vector<512x100xbf16> to vector<4x100xbf16>
    %dot_general3A_891 = arith.constant dense<0.000000e+00> : vector<4x128xf32>
    %dot_general3A_892 = tpu.matmul %slice3A_890, %slice3A_889, %dot_general3A_891 {dimension_numbers = #tpu.dot_dimension_numbers<[1], [0], [0], [1], [0, 0, 1, 1], [], []>, transpose_lhs_hint = false} : vector<4x100xbf16>, vector<100x128xbf16>, vector<4x128xf32> -> vector<4x128xf32>
    %slice3A_893 = vector.extract_strided_slice %convert_element_type3A_579 {offsets = [80, 0], sizes = [4, 100], strides = [1, 1]} : vector<512x100xbf16> to vector<4x100xbf16>
    %dot_general3A_894 = arith.constant dense<0.000000e+00> : vector<4x128xf32>
    %dot_general3A_895 = tpu.matmul %slice3A_893, %slice3A_889, %dot_general3A_894 {dimension_numbers = #tpu.dot_dimension_numbers<[1], [0], [0], [1], [0, 0, 1, 1], [], []>, transpose_lhs_hint = false} : vector<4x100xbf16>, vector<100x128xbf16>, vector<4x128xf32> -> vector<4x128xf32>
    %add3A_896 = arith.addf %dot_general3A_892, %dot_general3A_895 : vector<4x128xf32>
    %jit3A_897 = arith.constant 0.000000e+00 : f32
    %broadcast_in_dim3A_898 = vector.broadcast %jit3A_897 : f32 to vector<4x128xf32>
    %select_n3A_899 = arith.select %eq3A_608, %add3A_896, %broadcast_in_dim3A_898 : vector<4x128xi1>, vector<4x128xf32>
    %reduce_sum3A_900 = arith.constant dense<0.000000e+00> : vector<128xf32>
    %reduce_sum3A_901 = vector.multi_reduction <add>, %select_n3A_899, %reduce_sum3A_900 [0] : vector<4x128xf32> to vector<128xf32>
    %broadcast_in_dim3A_902 = vector.shape_cast %reduce_sum3A_901 : vector<128xf32> to vector<1x128xf32>
    %slice3A_903 = vector.extract_strided_slice %get3A_1 {offsets = [0, 2688], sizes = [100, 128], strides = [1, 1]} : vector<100x16384xbf16> to vector<100x128xbf16>
    %slice3A_904 = vector.extract_strided_slice %convert_element_type3A_576 {offsets = [84, 0], sizes = [4, 100], strides = [1, 1]} : vector<512x100xbf16> to vector<4x100xbf16>
    %dot_general3A_905 = arith.constant dense<0.000000e+00> : vector<4x128xf32>
    %dot_general3A_906 = tpu.matmul %slice3A_904, %slice3A_903, %dot_general3A_905 {dimension_numbers = #tpu.dot_dimension_numbers<[1], [0], [0], [1], [0, 0, 1, 1], [], []>, transpose_lhs_hint = false} : vector<4x100xbf16>, vector<100x128xbf16>, vector<4x128xf32> -> vector<4x128xf32>
    %slice3A_907 = vector.extract_strided_slice %convert_element_type3A_579 {offsets = [84, 0], sizes = [4, 100], strides = [1, 1]} : vector<512x100xbf16> to vector<4x100xbf16>
    %dot_general3A_908 = arith.constant dense<0.000000e+00> : vector<4x128xf32>
    %dot_general3A_909 = tpu.matmul %slice3A_907, %slice3A_903, %dot_general3A_908 {dimension_numbers = #tpu.dot_dimension_numbers<[1], [0], [0], [1], [0, 0, 1, 1], [], []>, transpose_lhs_hint = false} : vector<4x100xbf16>, vector<100x128xbf16>, vector<4x128xf32> -> vector<4x128xf32>
    %add3A_910 = arith.addf %dot_general3A_906, %dot_general3A_909 : vector<4x128xf32>
    %jit3A_911 = arith.constant 0.000000e+00 : f32
    %broadcast_in_dim3A_912 = vector.broadcast %jit3A_911 : f32 to vector<4x128xf32>
    %select_n3A_913 = arith.select %eq3A_608, %add3A_910, %broadcast_in_dim3A_912 : vector<4x128xi1>, vector<4x128xf32>
    %reduce_sum3A_914 = arith.constant dense<0.000000e+00> : vector<128xf32>
    %reduce_sum3A_915 = vector.multi_reduction <add>, %select_n3A_913, %reduce_sum3A_914 [0] : vector<4x128xf32> to vector<128xf32>
    %broadcast_in_dim3A_916 = vector.shape_cast %reduce_sum3A_915 : vector<128xf32> to vector<1x128xf32>
    %slice3A_917 = vector.extract_strided_slice %get3A_1 {offsets = [0, 2816], sizes = [100, 128], strides = [1, 1]} : vector<100x16384xbf16> to vector<100x128xbf16>
    %slice3A_918 = vector.extract_strided_slice %convert_element_type3A_576 {offsets = [88, 0], sizes = [4, 100], strides = [1, 1]} : vector<512x100xbf16> to vector<4x100xbf16>
    %dot_general3A_919 = arith.constant dense<0.000000e+00> : vector<4x128xf32>
    %dot_general3A_920 = tpu.matmul %slice3A_918, %slice3A_917, %dot_general3A_919 {dimension_numbers = #tpu.dot_dimension_numbers<[1], [0], [0], [1], [0, 0, 1, 1], [], []>, transpose_lhs_hint = false} : vector<4x100xbf16>, vector<100x128xbf16>, vector<4x128xf32> -> vector<4x128xf32>
    %slice3A_921 = vector.extract_strided_slice %convert_element_type3A_579 {offsets = [88, 0], sizes = [4, 100], strides = [1, 1]} : vector<512x100xbf16> to vector<4x100xbf16>
    %dot_general3A_922 = arith.constant dense<0.000000e+00> : vector<4x128xf32>
    %dot_general3A_923 = tpu.matmul %slice3A_921, %slice3A_917, %dot_general3A_922 {dimension_numbers = #tpu.dot_dimension_numbers<[1], [0], [0], [1], [0, 0, 1, 1], [], []>, transpose_lhs_hint = false} : vector<4x100xbf16>, vector<100x128xbf16>, vector<4x128xf32> -> vector<4x128xf32>
    %add3A_924 = arith.addf %dot_general3A_920, %dot_general3A_923 : vector<4x128xf32>
    %jit3A_925 = arith.constant 0.000000e+00 : f32
    %broadcast_in_dim3A_926 = vector.broadcast %jit3A_925 : f32 to vector<4x128xf32>
    %select_n3A_927 = arith.select %eq3A_608, %add3A_924, %broadcast_in_dim3A_926 : vector<4x128xi1>, vector<4x128xf32>
    %reduce_sum3A_928 = arith.constant dense<0.000000e+00> : vector<128xf32>
    %reduce_sum3A_929 = vector.multi_reduction <add>, %select_n3A_927, %reduce_sum3A_928 [0] : vector<4x128xf32> to vector<128xf32>
    %broadcast_in_dim3A_930 = vector.shape_cast %reduce_sum3A_929 : vector<128xf32> to vector<1x128xf32>
    %slice3A_931 = vector.extract_strided_slice %get3A_1 {offsets = [0, 2944], sizes = [100, 128], strides = [1, 1]} : vector<100x16384xbf16> to vector<100x128xbf16>
    %slice3A_932 = vector.extract_strided_slice %convert_element_type3A_576 {offsets = [92, 0], sizes = [4, 100], strides = [1, 1]} : vector<512x100xbf16> to vector<4x100xbf16>
    %dot_general3A_933 = arith.constant dense<0.000000e+00> : vector<4x128xf32>
    %dot_general3A_934 = tpu.matmul %slice3A_932, %slice3A_931, %dot_general3A_933 {dimension_numbers = #tpu.dot_dimension_numbers<[1], [0], [0], [1], [0, 0, 1, 1], [], []>, transpose_lhs_hint = false} : vector<4x100xbf16>, vector<100x128xbf16>, vector<4x128xf32> -> vector<4x128xf32>
    %slice3A_935 = vector.extract_strided_slice %convert_element_type3A_579 {offsets = [92, 0], sizes = [4, 100], strides = [1, 1]} : vector<512x100xbf16> to vector<4x100xbf16>
    %dot_general3A_936 = arith.constant dense<0.000000e+00> : vector<4x128xf32>
    %dot_general3A_937 = tpu.matmul %slice3A_935, %slice3A_931, %dot_general3A_936 {dimension_numbers = #tpu.dot_dimension_numbers<[1], [0], [0], [1], [0, 0, 1, 1], [], []>, transpose_lhs_hint = false} : vector<4x100xbf16>, vector<100x128xbf16>, vector<4x128xf32> -> vector<4x128xf32>
    %add3A_938 = arith.addf %dot_general3A_934, %dot_general3A_937 : vector<4x128xf32>
    %jit3A_939 = arith.constant 0.000000e+00 : f32
    %broadcast_in_dim3A_940 = vector.broadcast %jit3A_939 : f32 to vector<4x128xf32>
    %select_n3A_941 = arith.select %eq3A_608, %add3A_938, %broadcast_in_dim3A_940 : vector<4x128xi1>, vector<4x128xf32>
    %reduce_sum3A_942 = arith.constant dense<0.000000e+00> : vector<128xf32>
    %reduce_sum3A_943 = vector.multi_reduction <add>, %select_n3A_941, %reduce_sum3A_942 [0] : vector<4x128xf32> to vector<128xf32>
    %broadcast_in_dim3A_944 = vector.shape_cast %reduce_sum3A_943 : vector<128xf32> to vector<1x128xf32>
    %slice3A_945 = vector.extract_strided_slice %get3A_1 {offsets = [0, 3072], sizes = [100, 128], strides = [1, 1]} : vector<100x16384xbf16> to vector<100x128xbf16>
    %slice3A_946 = vector.extract_strided_slice %convert_element_type3A_576 {offsets = [96, 0], sizes = [4, 100], strides = [1, 1]} : vector<512x100xbf16> to vector<4x100xbf16>
    %dot_general3A_947 = arith.constant dense<0.000000e+00> : vector<4x128xf32>
    %dot_general3A_948 = tpu.matmul %slice3A_946, %slice3A_945, %dot_general3A_947 {dimension_numbers = #tpu.dot_dimension_numbers<[1], [0], [0], [1], [0, 0, 1, 1], [], []>, transpose_lhs_hint = false} : vector<4x100xbf16>, vector<100x128xbf16>, vector<4x128xf32> -> vector<4x128xf32>
    %slice3A_949 = vector.extract_strided_slice %convert_element_type3A_579 {offsets = [96, 0], sizes = [4, 100], strides = [1, 1]} : vector<512x100xbf16> to vector<4x100xbf16>
    %dot_general3A_950 = arith.constant dense<0.000000e+00> : vector<4x128xf32>
    %dot_general3A_951 = tpu.matmul %slice3A_949, %slice3A_945, %dot_general3A_950 {dimension_numbers = #tpu.dot_dimension_numbers<[1], [0], [0], [1], [0, 0, 1, 1], [], []>, transpose_lhs_hint = false} : vector<4x100xbf16>, vector<100x128xbf16>, vector<4x128xf32> -> vector<4x128xf32>
    %add3A_952 = arith.addf %dot_general3A_948, %dot_general3A_951 : vector<4x128xf32>
    %jit3A_953 = arith.constant 0.000000e+00 : f32
    %broadcast_in_dim3A_954 = vector.broadcast %jit3A_953 : f32 to vector<4x128xf32>
    %select_n3A_955 = arith.select %eq3A_608, %add3A_952, %broadcast_in_dim3A_954 : vector<4x128xi1>, vector<4x128xf32>
    %reduce_sum3A_956 = arith.constant dense<0.000000e+00> : vector<128xf32>
    %reduce_sum3A_957 = vector.multi_reduction <add>, %select_n3A_955, %reduce_sum3A_956 [0] : vector<4x128xf32> to vector<128xf32>
    %broadcast_in_dim3A_958 = vector.shape_cast %reduce_sum3A_957 : vector<128xf32> to vector<1x128xf32>
    %slice3A_959 = vector.extract_strided_slice %get3A_1 {offsets = [0, 3200], sizes = [100, 128], strides = [1, 1]} : vector<100x16384xbf16> to vector<100x128xbf16>
    %slice3A_960 = vector.extract_strided_slice %convert_element_type3A_576 {offsets = [100, 0], sizes = [4, 100], strides = [1, 1]} : vector<512x100xbf16> to vector<4x100xbf16>
    %dot_general3A_961 = arith.constant dense<0.000000e+00> : vector<4x128xf32>
    %dot_general3A_962 = tpu.matmul %slice3A_960, %slice3A_959, %dot_general3A_961 {dimension_numbers = #tpu.dot_dimension_numbers<[1], [0], [0], [1], [0, 0, 1, 1], [], []>, transpose_lhs_hint = false} : vector<4x100xbf16>, vector<100x128xbf16>, vector<4x128xf32> -> vector<4x128xf32>
    %slice3A_963 = vector.extract_strided_slice %convert_element_type3A_579 {offsets = [100, 0], sizes = [4, 100], strides = [1, 1]} : vector<512x100xbf16> to vector<4x100xbf16>
    %dot_general3A_964 = arith.constant dense<0.000000e+00> : vector<4x128xf32>
    %dot_general3A_965 = tpu.matmul %slice3A_963, %slice3A_959, %dot_general3A_964 {dimension_numbers = #tpu.dot_dimension_numbers<[1], [0], [0], [1], [0, 0, 1, 1], [], []>, transpose_lhs_hint = false} : vector<4x100xbf16>, vector<100x128xbf16>, vector<4x128xf32> -> vector<4x128xf32>
    %add3A_966 = arith.addf %dot_general3A_962, %dot_general3A_965 : vector<4x128xf32>
    %jit3A_967 = arith.constant 0.000000e+00 : f32
    %broadcast_in_dim3A_968 = vector.broadcast %jit3A_967 : f32 to vector<4x128xf32>
    %select_n3A_969 = arith.select %eq3A_608, %add3A_966, %broadcast_in_dim3A_968 : vector<4x128xi1>, vector<4x128xf32>
    %reduce_sum3A_970 = arith.constant dense<0.000000e+00> : vector<128xf32>
    %reduce_sum3A_971 = vector.multi_reduction <add>, %select_n3A_969, %reduce_sum3A_970 [0] : vector<4x128xf32> to vector<128xf32>
    %broadcast_in_dim3A_972 = vector.shape_cast %reduce_sum3A_971 : vector<128xf32> to vector<1x128xf32>
    %slice3A_973 = vector.extract_strided_slice %get3A_1 {offsets = [0, 3328], sizes = [100, 128], strides = [1, 1]} : vector<100x16384xbf16> to vector<100x128xbf16>
    %slice3A_974 = vector.extract_strided_slice %convert_element_type3A_576 {offsets = [104, 0], sizes = [4, 100], strides = [1, 1]} : vector<512x100xbf16> to vector<4x100xbf16>
    %dot_general3A_975 = arith.constant dense<0.000000e+00> : vector<4x128xf32>
    %dot_general3A_976 = tpu.matmul %slice3A_974, %slice3A_973, %dot_general3A_975 {dimension_numbers = #tpu.dot_dimension_numbers<[1], [0], [0], [1], [0, 0, 1, 1], [], []>, transpose_lhs_hint = false} : vector<4x100xbf16>, vector<100x128xbf16>, vector<4x128xf32> -> vector<4x128xf32>
    %slice3A_977 = vector.extract_strided_slice %convert_element_type3A_579 {offsets = [104, 0], sizes = [4, 100], strides = [1, 1]} : vector<512x100xbf16> to vector<4x100xbf16>
    %dot_general3A_978 = arith.constant dense<0.000000e+00> : vector<4x128xf32>
    %dot_general3A_979 = tpu.matmul %slice3A_977, %slice3A_973, %dot_general3A_978 {dimension_numbers = #tpu.dot_dimension_numbers<[1], [0], [0], [1], [0, 0, 1, 1], [], []>, transpose_lhs_hint = false} : vector<4x100xbf16>, vector<100x128xbf16>, vector<4x128xf32> -> vector<4x128xf32>
    %add3A_980 = arith.addf %dot_general3A_976, %dot_general3A_979 : vector<4x128xf32>
    %jit3A_981 = arith.constant 0.000000e+00 : f32
    %broadcast_in_dim3A_982 = vector.broadcast %jit3A_981 : f32 to vector<4x128xf32>
    %select_n3A_983 = arith.select %eq3A_608, %add3A_980, %broadcast_in_dim3A_982 : vector<4x128xi1>, vector<4x128xf32>
    %reduce_sum3A_984 = arith.constant dense<0.000000e+00> : vector<128xf32>
    %reduce_sum3A_985 = vector.multi_reduction <add>, %select_n3A_983, %reduce_sum3A_984 [0] : vector<4x128xf32> to vector<128xf32>
    %broadcast_in_dim3A_986 = vector.shape_cast %reduce_sum3A_985 : vector<128xf32> to vector<1x128xf32>
    %slice3A_987 = vector.extract_strided_slice %get3A_1 {offsets = [0, 3456], sizes = [100, 128], strides = [1, 1]} : vector<100x16384xbf16> to vector<100x128xbf16>
    %slice3A_988 = vector.extract_strided_slice %convert_element_type3A_576 {offsets = [108, 0], sizes = [4, 100], strides = [1, 1]} : vector<512x100xbf16> to vector<4x100xbf16>
    %dot_general3A_989 = arith.constant dense<0.000000e+00> : vector<4x128xf32>
    %dot_general3A_990 = tpu.matmul %slice3A_988, %slice3A_987, %dot_general3A_989 {dimension_numbers = #tpu.dot_dimension_numbers<[1], [0], [0], [1], [0, 0, 1, 1], [], []>, transpose_lhs_hint = false} : vector<4x100xbf16>, vector<100x128xbf16>, vector<4x128xf32> -> vector<4x128xf32>
    %slice3A_991 = vector.extract_strided_slice %convert_element_type3A_579 {offsets = [108, 0], sizes = [4, 100], strides = [1, 1]} : vector<512x100xbf16> to vector<4x100xbf16>
    %dot_general3A_992 = arith.constant dense<0.000000e+00> : vector<4x128xf32>
    %dot_general3A_993 = tpu.matmul %slice3A_991, %slice3A_987, %dot_general3A_992 {dimension_numbers = #tpu.dot_dimension_numbers<[1], [0], [0], [1], [0, 0, 1, 1], [], []>, transpose_lhs_hint = false} : vector<4x100xbf16>, vector<100x128xbf16>, vector<4x128xf32> -> vector<4x128xf32>
    %add3A_994 = arith.addf %dot_general3A_990, %dot_general3A_993 : vector<4x128xf32>
    %jit3A_995 = arith.constant 0.000000e+00 : f32
    %broadcast_in_dim3A_996 = vector.broadcast %jit3A_995 : f32 to vector<4x128xf32>
    %select_n3A_997 = arith.select %eq3A_608, %add3A_994, %broadcast_in_dim3A_996 : vector<4x128xi1>, vector<4x128xf32>
    %reduce_sum3A_998 = arith.constant dense<0.000000e+00> : vector<128xf32>
    %reduce_sum3A_999 = vector.multi_reduction <add>, %select_n3A_997, %reduce_sum3A_998 [0] : vector<4x128xf32> to vector<128xf32>
    %broadcast_in_dim3A_1000 = vector.shape_cast %reduce_sum3A_999 : vector<128xf32> to vector<1x128xf32>
    %slice3A_1001 = vector.extract_strided_slice %get3A_1 {offsets = [0, 3584], sizes = [100, 128], strides = [1, 1]} : vector<100x16384xbf16> to vector<100x128xbf16>
    %slice3A_1002 = vector.extract_strided_slice %convert_element_type3A_576 {offsets = [112, 0], sizes = [4, 100], strides = [1, 1]} : vector<512x100xbf16> to vector<4x100xbf16>
    %dot_general3A_1003 = arith.constant dense<0.000000e+00> : vector<4x128xf32>
    %dot_general3A_1004 = tpu.matmul %slice3A_1002, %slice3A_1001, %dot_general3A_1003 {dimension_numbers = #tpu.dot_dimension_numbers<[1], [0], [0], [1], [0, 0, 1, 1], [], []>, transpose_lhs_hint = false} : vector<4x100xbf16>, vector<100x128xbf16>, vector<4x128xf32> -> vector<4x128xf32>
    %slice3A_1005 = vector.extract_strided_slice %convert_element_type3A_579 {offsets = [112, 0], sizes = [4, 100], strides = [1, 1]} : vector<512x100xbf16> to vector<4x100xbf16>
    %dot_general3A_1006 = arith.constant dense<0.000000e+00> : vector<4x128xf32>
    %dot_general3A_1007 = tpu.matmul %slice3A_1005, %slice3A_1001, %dot_general3A_1006 {dimension_numbers = #tpu.dot_dimension_numbers<[1], [0], [0], [1], [0, 0, 1, 1], [], []>, transpose_lhs_hint = false} : vector<4x100xbf16>, vector<100x128xbf16>, vector<4x128xf32> -> vector<4x128xf32>
    %add3A_1008 = arith.addf %dot_general3A_1004, %dot_general3A_1007 : vector<4x128xf32>
    %jit3A_1009 = arith.constant 0.000000e+00 : f32
    %broadcast_in_dim3A_1010 = vector.broadcast %jit3A_1009 : f32 to vector<4x128xf32>
    %select_n3A_1011 = arith.select %eq3A_608, %add3A_1008, %broadcast_in_dim3A_1010 : vector<4x128xi1>, vector<4x128xf32>
    %reduce_sum3A_1012 = arith.constant dense<0.000000e+00> : vector<128xf32>
    %reduce_sum3A_1013 = vector.multi_reduction <add>, %select_n3A_1011, %reduce_sum3A_1012 [0] : vector<4x128xf32> to vector<128xf32>
    %broadcast_in_dim3A_1014 = vector.shape_cast %reduce_sum3A_1013 : vector<128xf32> to vector<1x128xf32>
    %slice3A_1015 = vector.extract_strided_slice %get3A_1 {offsets = [0, 3712], sizes = [100, 128], strides = [1, 1]} : vector<100x16384xbf16> to vector<100x128xbf16>
    %slice3A_1016 = vector.extract_strided_slice %convert_element_type3A_576 {offsets = [116, 0], sizes = [4, 100], strides = [1, 1]} : vector<512x100xbf16> to vector<4x100xbf16>
    %dot_general3A_1017 = arith.constant dense<0.000000e+00> : vector<4x128xf32>
    %dot_general3A_1018 = tpu.matmul %slice3A_1016, %slice3A_1015, %dot_general3A_1017 {dimension_numbers = #tpu.dot_dimension_numbers<[1], [0], [0], [1], [0, 0, 1, 1], [], []>, transpose_lhs_hint = false} : vector<4x100xbf16>, vector<100x128xbf16>, vector<4x128xf32> -> vector<4x128xf32>
    %slice3A_1019 = vector.extract_strided_slice %convert_element_type3A_579 {offsets = [116, 0], sizes = [4, 100], strides = [1, 1]} : vector<512x100xbf16> to vector<4x100xbf16>
    %dot_general3A_1020 = arith.constant dense<0.000000e+00> : vector<4x128xf32>
    %dot_general3A_1021 = tpu.matmul %slice3A_1019, %slice3A_1015, %dot_general3A_1020 {dimension_numbers = #tpu.dot_dimension_numbers<[1], [0], [0], [1], [0, 0, 1, 1], [], []>, transpose_lhs_hint = false} : vector<4x100xbf16>, vector<100x128xbf16>, vector<4x128xf32> -> vector<4x128xf32>
    %add3A_1022 = arith.addf %dot_general3A_1018, %dot_general3A_1021 : vector<4x128xf32>
    %jit3A_1023 = arith.constant 0.000000e+00 : f32
    %broadcast_in_dim3A_1024 = vector.broadcast %jit3A_1023 : f32 to vector<4x128xf32>
    %select_n3A_1025 = arith.select %eq3A_608, %add3A_1022, %broadcast_in_dim3A_1024 : vector<4x128xi1>, vector<4x128xf32>
    %reduce_sum3A_1026 = arith.constant dense<0.000000e+00> : vector<128xf32>
    %reduce_sum3A_1027 = vector.multi_reduction <add>, %select_n3A_1025, %reduce_sum3A_1026 [0] : vector<4x128xf32> to vector<128xf32>
    %broadcast_in_dim3A_1028 = vector.shape_cast %reduce_sum3A_1027 : vector<128xf32> to vector<1x128xf32>
    %slice3A_1029 = vector.extract_strided_slice %get3A_1 {offsets = [0, 3840], sizes = [100, 128], strides = [1, 1]} : vector<100x16384xbf16> to vector<100x128xbf16>
    %slice3A_1030 = vector.extract_strided_slice %convert_element_type3A_576 {offsets = [120, 0], sizes = [4, 100], strides = [1, 1]} : vector<512x100xbf16> to vector<4x100xbf16>
    %dot_general3A_1031 = arith.constant dense<0.000000e+00> : vector<4x128xf32>
    %dot_general3A_1032 = tpu.matmul %slice3A_1030, %slice3A_1029, %dot_general3A_1031 {dimension_numbers = #tpu.dot_dimension_numbers<[1], [0], [0], [1], [0, 0, 1, 1], [], []>, transpose_lhs_hint = false} : vector<4x100xbf16>, vector<100x128xbf16>, vector<4x128xf32> -> vector<4x128xf32>
    %slice3A_1033 = vector.extract_strided_slice %convert_element_type3A_579 {offsets = [120, 0], sizes = [4, 100], strides = [1, 1]} : vector<512x100xbf16> to vector<4x100xbf16>
    %dot_general3A_1034 = arith.constant dense<0.000000e+00> : vector<4x128xf32>
    %dot_general3A_1035 = tpu.matmul %slice3A_1033, %slice3A_1029, %dot_general3A_1034 {dimension_numbers = #tpu.dot_dimension_numbers<[1], [0], [0], [1], [0, 0, 1, 1], [], []>, transpose_lhs_hint = false} : vector<4x100xbf16>, vector<100x128xbf16>, vector<4x128xf32> -> vector<4x128xf32>
    %add3A_1036 = arith.addf %dot_general3A_1032, %dot_general3A_1035 : vector<4x128xf32>
    %jit3A_1037 = arith.constant 0.000000e+00 : f32
    %broadcast_in_dim3A_1038 = vector.broadcast %jit3A_1037 : f32 to vector<4x128xf32>
    %select_n3A_1039 = arith.select %eq3A_608, %add3A_1036, %broadcast_in_dim3A_1038 : vector<4x128xi1>, vector<4x128xf32>
    %reduce_sum3A_1040 = arith.constant dense<0.000000e+00> : vector<128xf32>
    %reduce_sum3A_1041 = vector.multi_reduction <add>, %select_n3A_1039, %reduce_sum3A_1040 [0] : vector<4x128xf32> to vector<128xf32>
    %broadcast_in_dim3A_1042 = vector.shape_cast %reduce_sum3A_1041 : vector<128xf32> to vector<1x128xf32>
    %slice3A_1043 = vector.extract_strided_slice %get3A_1 {offsets = [0, 3968], sizes = [100, 128], strides = [1, 1]} : vector<100x16384xbf16> to vector<100x128xbf16>
    %slice3A_1044 = vector.extract_strided_slice %convert_element_type3A_576 {offsets = [124, 0], sizes = [4, 100], strides = [1, 1]} : vector<512x100xbf16> to vector<4x100xbf16>
    %dot_general3A_1045 = arith.constant dense<0.000000e+00> : vector<4x128xf32>
    %dot_general3A_1046 = tpu.matmul %slice3A_1044, %slice3A_1043, %dot_general3A_1045 {dimension_numbers = #tpu.dot_dimension_numbers<[1], [0], [0], [1], [0, 0, 1, 1], [], []>, transpose_lhs_hint = false} : vector<4x100xbf16>, vector<100x128xbf16>, vector<4x128xf32> -> vector<4x128xf32>
    %slice3A_1047 = vector.extract_strided_slice %convert_element_type3A_579 {offsets = [124, 0], sizes = [4, 100], strides = [1, 1]} : vector<512x100xbf16> to vector<4x100xbf16>
    %dot_general3A_1048 = arith.constant dense<0.000000e+00> : vector<4x128xf32>
    %dot_general3A_1049 = tpu.matmul %slice3A_1047, %slice3A_1043, %dot_general3A_1048 {dimension_numbers = #tpu.dot_dimension_numbers<[1], [0], [0], [1], [0, 0, 1, 1], [], []>, transpose_lhs_hint = false} : vector<4x100xbf16>, vector<100x128xbf16>, vector<4x128xf32> -> vector<4x128xf32>
    %add3A_1050 = arith.addf %dot_general3A_1046, %dot_general3A_1049 : vector<4x128xf32>
    %jit3A_1051 = arith.constant 0.000000e+00 : f32
    %broadcast_in_dim3A_1052 = vector.broadcast %jit3A_1051 : f32 to vector<4x128xf32>
    %select_n3A_1053 = arith.select %eq3A_608, %add3A_1050, %broadcast_in_dim3A_1052 : vector<4x128xi1>, vector<4x128xf32>
    %reduce_sum3A_1054 = arith.constant dense<0.000000e+00> : vector<128xf32>
    %reduce_sum3A_1055 = vector.multi_reduction <add>, %select_n3A_1053, %reduce_sum3A_1054 [0] : vector<4x128xf32> to vector<128xf32>
    %broadcast_in_dim3A_1056 = vector.shape_cast %reduce_sum3A_1055 : vector<128xf32> to vector<1x128xf32>
    %slice3A_1057 = vector.extract_strided_slice %get3A_1 {offsets = [0, 4096], sizes = [100, 128], strides = [1, 1]} : vector<100x16384xbf16> to vector<100x128xbf16>
    %slice3A_1058 = vector.extract_strided_slice %convert_element_type3A_576 {offsets = [128, 0], sizes = [4, 100], strides = [1, 1]} : vector<512x100xbf16> to vector<4x100xbf16>
    %dot_general3A_1059 = arith.constant dense<0.000000e+00> : vector<4x128xf32>
    %dot_general3A_1060 = tpu.matmul %slice3A_1058, %slice3A_1057, %dot_general3A_1059 {dimension_numbers = #tpu.dot_dimension_numbers<[1], [0], [0], [1], [0, 0, 1, 1], [], []>, transpose_lhs_hint = false} : vector<4x100xbf16>, vector<100x128xbf16>, vector<4x128xf32> -> vector<4x128xf32>
    %slice3A_1061 = vector.extract_strided_slice %convert_element_type3A_579 {offsets = [128, 0], sizes = [4, 100], strides = [1, 1]} : vector<512x100xbf16> to vector<4x100xbf16>
    %dot_general3A_1062 = arith.constant dense<0.000000e+00> : vector<4x128xf32>
    %dot_general3A_1063 = tpu.matmul %slice3A_1061, %slice3A_1057, %dot_general3A_1062 {dimension_numbers = #tpu.dot_dimension_numbers<[1], [0], [0], [1], [0, 0, 1, 1], [], []>, transpose_lhs_hint = false} : vector<4x100xbf16>, vector<100x128xbf16>, vector<4x128xf32> -> vector<4x128xf32>
    %add3A_1064 = arith.addf %dot_general3A_1060, %dot_general3A_1063 : vector<4x128xf32>
    %jit3A_1065 = arith.constant 0.000000e+00 : f32
    %broadcast_in_dim3A_1066 = vector.broadcast %jit3A_1065 : f32 to vector<4x128xf32>
    %select_n3A_1067 = arith.select %eq3A_608, %add3A_1064, %broadcast_in_dim3A_1066 : vector<4x128xi1>, vector<4x128xf32>
    %reduce_sum3A_1068 = arith.constant dense<0.000000e+00> : vector<128xf32>
    %reduce_sum3A_1069 = vector.multi_reduction <add>, %select_n3A_1067, %reduce_sum3A_1068 [0] : vector<4x128xf32> to vector<128xf32>
    %broadcast_in_dim3A_1070 = vector.shape_cast %reduce_sum3A_1069 : vector<128xf32> to vector<1x128xf32>
    %slice3A_1071 = vector.extract_strided_slice %get3A_1 {offsets = [0, 4224], sizes = [100, 128], strides = [1, 1]} : vector<100x16384xbf16> to vector<100x128xbf16>
    %slice3A_1072 = vector.extract_strided_slice %convert_element_type3A_576 {offsets = [132, 0], sizes = [4, 100], strides = [1, 1]} : vector<512x100xbf16> to vector<4x100xbf16>
    %dot_general3A_1073 = arith.constant dense<0.000000e+00> : vector<4x128xf32>
    %dot_general3A_1074 = tpu.matmul %slice3A_1072, %slice3A_1071, %dot_general3A_1073 {dimension_numbers = #tpu.dot_dimension_numbers<[1], [0], [0], [1], [0, 0, 1, 1], [], []>, transpose_lhs_hint = false} : vector<4x100xbf16>, vector<100x128xbf16>, vector<4x128xf32> -> vector<4x128xf32>
    %slice3A_1075 = vector.extract_strided_slice %convert_element_type3A_579 {offsets = [132, 0], sizes = [4, 100], strides = [1, 1]} : vector<512x100xbf16> to vector<4x100xbf16>
    %dot_general3A_1076 = arith.constant dense<0.000000e+00> : vector<4x128xf32>
    %dot_general3A_1077 = tpu.matmul %slice3A_1075, %slice3A_1071, %dot_general3A_1076 {dimension_numbers = #tpu.dot_dimension_numbers<[1], [0], [0], [1], [0, 0, 1, 1], [], []>, transpose_lhs_hint = false} : vector<4x100xbf16>, vector<100x128xbf16>, vector<4x128xf32> -> vector<4x128xf32>
    %add3A_1078 = arith.addf %dot_general3A_1074, %dot_general3A_1077 : vector<4x128xf32>
    %jit3A_1079 = arith.constant 0.000000e+00 : f32
    %broadcast_in_dim3A_1080 = vector.broadcast %jit3A_1079 : f32 to vector<4x128xf32>
    %select_n3A_1081 = arith.select %eq3A_608, %add3A_1078, %broadcast_in_dim3A_1080 : vector<4x128xi1>, vector<4x128xf32>
    %reduce_sum3A_1082 = arith.constant dense<0.000000e+00> : vector<128xf32>
    %reduce_sum3A_1083 = vector.multi_reduction <add>, %select_n3A_1081, %reduce_sum3A_1082 [0] : vector<4x128xf32> to vector<128xf32>
    %broadcast_in_dim3A_1084 = vector.shape_cast %reduce_sum3A_1083 : vector<128xf32> to vector<1x128xf32>
    %slice3A_1085 = vector.extract_strided_slice %get3A_1 {offsets = [0, 4352], sizes = [100, 128], strides = [1, 1]} : vector<100x16384xbf16> to vector<100x128xbf16>
    %slice3A_1086 = vector.extract_strided_slice %convert_element_type3A_576 {offsets = [136, 0], sizes = [4, 100], strides = [1, 1]} : vector<512x100xbf16> to vector<4x100xbf16>
    %dot_general3A_1087 = arith.constant dense<0.000000e+00> : vector<4x128xf32>
    %dot_general3A_1088 = tpu.matmul %slice3A_1086, %slice3A_1085, %dot_general3A_1087 {dimension_numbers = #tpu.dot_dimension_numbers<[1], [0], [0], [1], [0, 0, 1, 1], [], []>, transpose_lhs_hint = false} : vector<4x100xbf16>, vector<100x128xbf16>, vector<4x128xf32> -> vector<4x128xf32>
    %slice3A_1089 = vector.extract_strided_slice %convert_element_type3A_579 {offsets = [136, 0], sizes = [4, 100], strides = [1, 1]} : vector<512x100xbf16> to vector<4x100xbf16>
    %dot_general3A_1090 = arith.constant dense<0.000000e+00> : vector<4x128xf32>
    %dot_general3A_1091 = tpu.matmul %slice3A_1089, %slice3A_1085, %dot_general3A_1090 {dimension_numbers = #tpu.dot_dimension_numbers<[1], [0], [0], [1], [0, 0, 1, 1], [], []>, transpose_lhs_hint = false} : vector<4x100xbf16>, vector<100x128xbf16>, vector<4x128xf32> -> vector<4x128xf32>
    %add3A_1092 = arith.addf %dot_general3A_1088, %dot_general3A_1091 : vector<4x128xf32>
    %jit3A_1093 = arith.constant 0.000000e+00 : f32
    %broadcast_in_dim3A_1094 = vector.broadcast %jit3A_1093 : f32 to vector<4x128xf32>
    %select_n3A_1095 = arith.select %eq3A_608, %add3A_1092, %broadcast_in_dim3A_1094 : vector<4x128xi1>, vector<4x128xf32>
    %reduce_sum3A_1096 = arith.constant dense<0.000000e+00> : vector<128xf32>
    %reduce_sum3A_1097 = vector.multi_reduction <add>, %select_n3A_1095, %reduce_sum3A_1096 [0] : vector<4x128xf32> to vector<128xf32>
    %broadcast_in_dim3A_1098 = vector.shape_cast %reduce_sum3A_1097 : vector<128xf32> to vector<1x128xf32>
    %slice3A_1099 = vector.extract_strided_slice %get3A_1 {offsets = [0, 4480], sizes = [100, 128], strides = [1, 1]} : vector<100x16384xbf16> to vector<100x128xbf16>
    %slice3A_1100 = vector.extract_strided_slice %convert_element_type3A_576 {offsets = [140, 0], sizes = [4, 100], strides = [1, 1]} : vector<512x100xbf16> to vector<4x100xbf16>
    %dot_general3A_1101 = arith.constant dense<0.000000e+00> : vector<4x128xf32>
    %dot_general3A_1102 = tpu.matmul %slice3A_1100, %slice3A_1099, %dot_general3A_1101 {dimension_numbers = #tpu.dot_dimension_numbers<[1], [0], [0], [1], [0, 0, 1, 1], [], []>, transpose_lhs_hint = false} : vector<4x100xbf16>, vector<100x128xbf16>, vector<4x128xf32> -> vector<4x128xf32>
    %slice3A_1103 = vector.extract_strided_slice %convert_element_type3A_579 {offsets = [140, 0], sizes = [4, 100], strides = [1, 1]} : vector<512x100xbf16> to vector<4x100xbf16>
    %dot_general3A_1104 = arith.constant dense<0.000000e+00> : vector<4x128xf32>
    %dot_general3A_1105 = tpu.matmul %slice3A_1103, %slice3A_1099, %dot_general3A_1104 {dimension_numbers = #tpu.dot_dimension_numbers<[1], [0], [0], [1], [0, 0, 1, 1], [], []>, transpose_lhs_hint = false} : vector<4x100xbf16>, vector<100x128xbf16>, vector<4x128xf32> -> vector<4x128xf32>
    %add3A_1106 = arith.addf %dot_general3A_1102, %dot_general3A_1105 : vector<4x128xf32>
    %jit3A_1107 = arith.constant 0.000000e+00 : f32
    %broadcast_in_dim3A_1108 = vector.broadcast %jit3A_1107 : f32 to vector<4x128xf32>
    %select_n3A_1109 = arith.select %eq3A_608, %add3A_1106, %broadcast_in_dim3A_1108 : vector<4x128xi1>, vector<4x128xf32>
    %reduce_sum3A_1110 = arith.constant dense<0.000000e+00> : vector<128xf32>
    %reduce_sum3A_1111 = vector.multi_reduction <add>, %select_n3A_1109, %reduce_sum3A_1110 [0] : vector<4x128xf32> to vector<128xf32>
    %broadcast_in_dim3A_1112 = vector.shape_cast %reduce_sum3A_1111 : vector<128xf32> to vector<1x128xf32>
    %slice3A_1113 = vector.extract_strided_slice %get3A_1 {offsets = [0, 4608], sizes = [100, 128], strides = [1, 1]} : vector<100x16384xbf16> to vector<100x128xbf16>
    %slice3A_1114 = vector.extract_strided_slice %convert_element_type3A_576 {offsets = [144, 0], sizes = [4, 100], strides = [1, 1]} : vector<512x100xbf16> to vector<4x100xbf16>
    %dot_general3A_1115 = arith.constant dense<0.000000e+00> : vector<4x128xf32>
    %dot_general3A_1116 = tpu.matmul %slice3A_1114, %slice3A_1113, %dot_general3A_1115 {dimension_numbers = #tpu.dot_dimension_numbers<[1], [0], [0], [1], [0, 0, 1, 1], [], []>, transpose_lhs_hint = false} : vector<4x100xbf16>, vector<100x128xbf16>, vector<4x128xf32> -> vector<4x128xf32>
    %slice3A_1117 = vector.extract_strided_slice %convert_element_type3A_579 {offsets = [144, 0], sizes = [4, 100], strides = [1, 1]} : vector<512x100xbf16> to vector<4x100xbf16>
    %dot_general3A_1118 = arith.constant dense<0.000000e+00> : vector<4x128xf32>
    %dot_general3A_1119 = tpu.matmul %slice3A_1117, %slice3A_1113, %dot_general3A_1118 {dimension_numbers = #tpu.dot_dimension_numbers<[1], [0], [0], [1], [0, 0, 1, 1], [], []>, transpose_lhs_hint = false} : vector<4x100xbf16>, vector<100x128xbf16>, vector<4x128xf32> -> vector<4x128xf32>
    %add3A_1120 = arith.addf %dot_general3A_1116, %dot_general3A_1119 : vector<4x128xf32>
    %jit3A_1121 = arith.constant 0.000000e+00 : f32
    %broadcast_in_dim3A_1122 = vector.broadcast %jit3A_1121 : f32 to vector<4x128xf32>
    %select_n3A_1123 = arith.select %eq3A_608, %add3A_1120, %broadcast_in_dim3A_1122 : vector<4x128xi1>, vector<4x128xf32>
    %reduce_sum3A_1124 = arith.constant dense<0.000000e+00> : vector<128xf32>
    %reduce_sum3A_1125 = vector.multi_reduction <add>, %select_n3A_1123, %reduce_sum3A_1124 [0] : vector<4x128xf32> to vector<128xf32>
    %broadcast_in_dim3A_1126 = vector.shape_cast %reduce_sum3A_1125 : vector<128xf32> to vector<1x128xf32>
    %slice3A_1127 = vector.extract_strided_slice %get3A_1 {offsets = [0, 4736], sizes = [100, 128], strides = [1, 1]} : vector<100x16384xbf16> to vector<100x128xbf16>
    %slice3A_1128 = vector.extract_strided_slice %convert_element_type3A_576 {offsets = [148, 0], sizes = [4, 100], strides = [1, 1]} : vector<512x100xbf16> to vector<4x100xbf16>
    %dot_general3A_1129 = arith.constant dense<0.000000e+00> : vector<4x128xf32>
    %dot_general3A_1130 = tpu.matmul %slice3A_1128, %slice3A_1127, %dot_general3A_1129 {dimension_numbers = #tpu.dot_dimension_numbers<[1], [0], [0], [1], [0, 0, 1, 1], [], []>, transpose_lhs_hint = false} : vector<4x100xbf16>, vector<100x128xbf16>, vector<4x128xf32> -> vector<4x128xf32>
    %slice3A_1131 = vector.extract_strided_slice %convert_element_type3A_579 {offsets = [148, 0], sizes = [4, 100], strides = [1, 1]} : vector<512x100xbf16> to vector<4x100xbf16>
    %dot_general3A_1132 = arith.constant dense<0.000000e+00> : vector<4x128xf32>
    %dot_general3A_1133 = tpu.matmul %slice3A_1131, %slice3A_1127, %dot_general3A_1132 {dimension_numbers = #tpu.dot_dimension_numbers<[1], [0], [0], [1], [0, 0, 1, 1], [], []>, transpose_lhs_hint = false} : vector<4x100xbf16>, vector<100x128xbf16>, vector<4x128xf32> -> vector<4x128xf32>
    %add3A_1134 = arith.addf %dot_general3A_1130, %dot_general3A_1133 : vector<4x128xf32>
    %jit3A_1135 = arith.constant 0.000000e+00 : f32
    %broadcast_in_dim3A_1136 = vector.broadcast %jit3A_1135 : f32 to vector<4x128xf32>
    %select_n3A_1137 = arith.select %eq3A_608, %add3A_1134, %broadcast_in_dim3A_1136 : vector<4x128xi1>, vector<4x128xf32>
    %reduce_sum3A_1138 = arith.constant dense<0.000000e+00> : vector<128xf32>
    %reduce_sum3A_1139 = vector.multi_reduction <add>, %select_n3A_1137, %reduce_sum3A_1138 [0] : vector<4x128xf32> to vector<128xf32>
    %broadcast_in_dim3A_1140 = vector.shape_cast %reduce_sum3A_1139 : vector<128xf32> to vector<1x128xf32>
    %slice3A_1141 = vector.extract_strided_slice %get3A_1 {offsets = [0, 4864], sizes = [100, 128], strides = [1, 1]} : vector<100x16384xbf16> to vector<100x128xbf16>
    %slice3A_1142 = vector.extract_strided_slice %convert_element_type3A_576 {offsets = [152, 0], sizes = [4, 100], strides = [1, 1]} : vector<512x100xbf16> to vector<4x100xbf16>
    %dot_general3A_1143 = arith.constant dense<0.000000e+00> : vector<4x128xf32>
    %dot_general3A_1144 = tpu.matmul %slice3A_1142, %slice3A_1141, %dot_general3A_1143 {dimension_numbers = #tpu.dot_dimension_numbers<[1], [0], [0], [1], [0, 0, 1, 1], [], []>, transpose_lhs_hint = false} : vector<4x100xbf16>, vector<100x128xbf16>, vector<4x128xf32> -> vector<4x128xf32>
    %slice3A_1145 = vector.extract_strided_slice %convert_element_type3A_579 {offsets = [152, 0], sizes = [4, 100], strides = [1, 1]} : vector<512x100xbf16> to vector<4x100xbf16>
    %dot_general3A_1146 = arith.constant dense<0.000000e+00> : vector<4x128xf32>
    %dot_general3A_1147 = tpu.matmul %slice3A_1145, %slice3A_1141, %dot_general3A_1146 {dimension_numbers = #tpu.dot_dimension_numbers<[1], [0], [0], [1], [0, 0, 1, 1], [], []>, transpose_lhs_hint = false} : vector<4x100xbf16>, vector<100x128xbf16>, vector<4x128xf32> -> vector<4x128xf32>
    %add3A_1148 = arith.addf %dot_general3A_1144, %dot_general3A_1147 : vector<4x128xf32>
    %jit3A_1149 = arith.constant 0.000000e+00 : f32
    %broadcast_in_dim3A_1150 = vector.broadcast %jit3A_1149 : f32 to vector<4x128xf32>
    %select_n3A_1151 = arith.select %eq3A_608, %add3A_1148, %broadcast_in_dim3A_1150 : vector<4x128xi1>, vector<4x128xf32>
    %reduce_sum3A_1152 = arith.constant dense<0.000000e+00> : vector<128xf32>
    %reduce_sum3A_1153 = vector.multi_reduction <add>, %select_n3A_1151, %reduce_sum3A_1152 [0] : vector<4x128xf32> to vector<128xf32>
    %broadcast_in_dim3A_1154 = vector.shape_cast %reduce_sum3A_1153 : vector<128xf32> to vector<1x128xf32>
    %slice3A_1155 = vector.extract_strided_slice %get3A_1 {offsets = [0, 4992], sizes = [100, 128], strides = [1, 1]} : vector<100x16384xbf16> to vector<100x128xbf16>
    %slice3A_1156 = vector.extract_strided_slice %convert_element_type3A_576 {offsets = [156, 0], sizes = [4, 100], strides = [1, 1]} : vector<512x100xbf16> to vector<4x100xbf16>
    %dot_general3A_1157 = arith.constant dense<0.000000e+00> : vector<4x128xf32>
    %dot_general3A_1158 = tpu.matmul %slice3A_1156, %slice3A_1155, %dot_general3A_1157 {dimension_numbers = #tpu.dot_dimension_numbers<[1], [0], [0], [1], [0, 0, 1, 1], [], []>, transpose_lhs_hint = false} : vector<4x100xbf16>, vector<100x128xbf16>, vector<4x128xf32> -> vector<4x128xf32>
    %slice3A_1159 = vector.extract_strided_slice %convert_element_type3A_579 {offsets = [156, 0], sizes = [4, 100], strides = [1, 1]} : vector<512x100xbf16> to vector<4x100xbf16>
    %dot_general3A_1160 = arith.constant dense<0.000000e+00> : vector<4x128xf32>
    %dot_general3A_1161 = tpu.matmul %slice3A_1159, %slice3A_1155, %dot_general3A_1160 {dimension_numbers = #tpu.dot_dimension_numbers<[1], [0], [0], [1], [0, 0, 1, 1], [], []>, transpose_lhs_hint = false} : vector<4x100xbf16>, vector<100x128xbf16>, vector<4x128xf32> -> vector<4x128xf32>
    %add3A_1162 = arith.addf %dot_general3A_1158, %dot_general3A_1161 : vector<4x128xf32>
    %jit3A_1163 = arith.constant 0.000000e+00 : f32
    %broadcast_in_dim3A_1164 = vector.broadcast %jit3A_1163 : f32 to vector<4x128xf32>
    %select_n3A_1165 = arith.select %eq3A_608, %add3A_1162, %broadcast_in_dim3A_1164 : vector<4x128xi1>, vector<4x128xf32>
    %reduce_sum3A_1166 = arith.constant dense<0.000000e+00> : vector<128xf32>
    %reduce_sum3A_1167 = vector.multi_reduction <add>, %select_n3A_1165, %reduce_sum3A_1166 [0] : vector<4x128xf32> to vector<128xf32>
    %broadcast_in_dim3A_1168 = vector.shape_cast %reduce_sum3A_1167 : vector<128xf32> to vector<1x128xf32>
    %slice3A_1169 = vector.extract_strided_slice %get3A_1 {offsets = [0, 5120], sizes = [100, 128], strides = [1, 1]} : vector<100x16384xbf16> to vector<100x128xbf16>
    %slice3A_1170 = vector.extract_strided_slice %convert_element_type3A_576 {offsets = [160, 0], sizes = [4, 100], strides = [1, 1]} : vector<512x100xbf16> to vector<4x100xbf16>
    %dot_general3A_1171 = arith.constant dense<0.000000e+00> : vector<4x128xf32>
    %dot_general3A_1172 = tpu.matmul %slice3A_1170, %slice3A_1169, %dot_general3A_1171 {dimension_numbers = #tpu.dot_dimension_numbers<[1], [0], [0], [1], [0, 0, 1, 1], [], []>, transpose_lhs_hint = false} : vector<4x100xbf16>, vector<100x128xbf16>, vector<4x128xf32> -> vector<4x128xf32>
    %slice3A_1173 = vector.extract_strided_slice %convert_element_type3A_579 {offsets = [160, 0], sizes = [4, 100], strides = [1, 1]} : vector<512x100xbf16> to vector<4x100xbf16>
    %dot_general3A_1174 = arith.constant dense<0.000000e+00> : vector<4x128xf32>
    %dot_general3A_1175 = tpu.matmul %slice3A_1173, %slice3A_1169, %dot_general3A_1174 {dimension_numbers = #tpu.dot_dimension_numbers<[1], [0], [0], [1], [0, 0, 1, 1], [], []>, transpose_lhs_hint = false} : vector<4x100xbf16>, vector<100x128xbf16>, vector<4x128xf32> -> vector<4x128xf32>
    %add3A_1176 = arith.addf %dot_general3A_1172, %dot_general3A_1175 : vector<4x128xf32>
    %jit3A_1177 = arith.constant 0.000000e+00 : f32
    %broadcast_in_dim3A_1178 = vector.broadcast %jit3A_1177 : f32 to vector<4x128xf32>
    %select_n3A_1179 = arith.select %eq3A_608, %add3A_1176, %broadcast_in_dim3A_1178 : vector<4x128xi1>, vector<4x128xf32>
    %reduce_sum3A_1180 = arith.constant dense<0.000000e+00> : vector<128xf32>
    %reduce_sum3A_1181 = vector.multi_reduction <add>, %select_n3A_1179, %reduce_sum3A_1180 [0] : vector<4x128xf32> to vector<128xf32>
    %broadcast_in_dim3A_1182 = vector.shape_cast %reduce_sum3A_1181 : vector<128xf32> to vector<1x128xf32>
    %slice3A_1183 = vector.extract_strided_slice %get3A_1 {offsets = [0, 5248], sizes = [100, 128], strides = [1, 1]} : vector<100x16384xbf16> to vector<100x128xbf16>
    %slice3A_1184 = vector.extract_strided_slice %convert_element_type3A_576 {offsets = [164, 0], sizes = [4, 100], strides = [1, 1]} : vector<512x100xbf16> to vector<4x100xbf16>
    %dot_general3A_1185 = arith.constant dense<0.000000e+00> : vector<4x128xf32>
    %dot_general3A_1186 = tpu.matmul %slice3A_1184, %slice3A_1183, %dot_general3A_1185 {dimension_numbers = #tpu.dot_dimension_numbers<[1], [0], [0], [1], [0, 0, 1, 1], [], []>, transpose_lhs_hint = false} : vector<4x100xbf16>, vector<100x128xbf16>, vector<4x128xf32> -> vector<4x128xf32>
    %slice3A_1187 = vector.extract_strided_slice %convert_element_type3A_579 {offsets = [164, 0], sizes = [4, 100], strides = [1, 1]} : vector<512x100xbf16> to vector<4x100xbf16>
    %dot_general3A_1188 = arith.constant dense<0.000000e+00> : vector<4x128xf32>
    %dot_general3A_1189 = tpu.matmul %slice3A_1187, %slice3A_1183, %dot_general3A_1188 {dimension_numbers = #tpu.dot_dimension_numbers<[1], [0], [0], [1], [0, 0, 1, 1], [], []>, transpose_lhs_hint = false} : vector<4x100xbf16>, vector<100x128xbf16>, vector<4x128xf32> -> vector<4x128xf32>
    %add3A_1190 = arith.addf %dot_general3A_1186, %dot_general3A_1189 : vector<4x128xf32>
    %jit3A_1191 = arith.constant 0.000000e+00 : f32
    %broadcast_in_dim3A_1192 = vector.broadcast %jit3A_1191 : f32 to vector<4x128xf32>
    %select_n3A_1193 = arith.select %eq3A_608, %add3A_1190, %broadcast_in_dim3A_1192 : vector<4x128xi1>, vector<4x128xf32>
    %reduce_sum3A_1194 = arith.constant dense<0.000000e+00> : vector<128xf32>
    %reduce_sum3A_1195 = vector.multi_reduction <add>, %select_n3A_1193, %reduce_sum3A_1194 [0] : vector<4x128xf32> to vector<128xf32>
    %broadcast_in_dim3A_1196 = vector.shape_cast %reduce_sum3A_1195 : vector<128xf32> to vector<1x128xf32>
    %slice3A_1197 = vector.extract_strided_slice %get3A_1 {offsets = [0, 5376], sizes = [100, 128], strides = [1, 1]} : vector<100x16384xbf16> to vector<100x128xbf16>
    %slice3A_1198 = vector.extract_strided_slice %convert_element_type3A_576 {offsets = [168, 0], sizes = [4, 100], strides = [1, 1]} : vector<512x100xbf16> to vector<4x100xbf16>
    %dot_general3A_1199 = arith.constant dense<0.000000e+00> : vector<4x128xf32>
    %dot_general3A_1200 = tpu.matmul %slice3A_1198, %slice3A_1197, %dot_general3A_1199 {dimension_numbers = #tpu.dot_dimension_numbers<[1], [0], [0], [1], [0, 0, 1, 1], [], []>, transpose_lhs_hint = false} : vector<4x100xbf16>, vector<100x128xbf16>, vector<4x128xf32> -> vector<4x128xf32>
    %slice3A_1201 = vector.extract_strided_slice %convert_element_type3A_579 {offsets = [168, 0], sizes = [4, 100], strides = [1, 1]} : vector<512x100xbf16> to vector<4x100xbf16>
    %dot_general3A_1202 = arith.constant dense<0.000000e+00> : vector<4x128xf32>
    %dot_general3A_1203 = tpu.matmul %slice3A_1201, %slice3A_1197, %dot_general3A_1202 {dimension_numbers = #tpu.dot_dimension_numbers<[1], [0], [0], [1], [0, 0, 1, 1], [], []>, transpose_lhs_hint = false} : vector<4x100xbf16>, vector<100x128xbf16>, vector<4x128xf32> -> vector<4x128xf32>
    %add3A_1204 = arith.addf %dot_general3A_1200, %dot_general3A_1203 : vector<4x128xf32>
    %jit3A_1205 = arith.constant 0.000000e+00 : f32
    %broadcast_in_dim3A_1206 = vector.broadcast %jit3A_1205 : f32 to vector<4x128xf32>
    %select_n3A_1207 = arith.select %eq3A_608, %add3A_1204, %broadcast_in_dim3A_1206 : vector<4x128xi1>, vector<4x128xf32>
    %reduce_sum3A_1208 = arith.constant dense<0.000000e+00> : vector<128xf32>
    %reduce_sum3A_1209 = vector.multi_reduction <add>, %select_n3A_1207, %reduce_sum3A_1208 [0] : vector<4x128xf32> to vector<128xf32>
    %broadcast_in_dim3A_1210 = vector.shape_cast %reduce_sum3A_1209 : vector<128xf32> to vector<1x128xf32>
    %slice3A_1211 = vector.extract_strided_slice %get3A_1 {offsets = [0, 5504], sizes = [100, 128], strides = [1, 1]} : vector<100x16384xbf16> to vector<100x128xbf16>
    %slice3A_1212 = vector.extract_strided_slice %convert_element_type3A_576 {offsets = [172, 0], sizes = [4, 100], strides = [1, 1]} : vector<512x100xbf16> to vector<4x100xbf16>
    %dot_general3A_1213 = arith.constant dense<0.000000e+00> : vector<4x128xf32>
    %dot_general3A_1214 = tpu.matmul %slice3A_1212, %slice3A_1211, %dot_general3A_1213 {dimension_numbers = #tpu.dot_dimension_numbers<[1], [0], [0], [1], [0, 0, 1, 1], [], []>, transpose_lhs_hint = false} : vector<4x100xbf16>, vector<100x128xbf16>, vector<4x128xf32> -> vector<4x128xf32>
    %slice3A_1215 = vector.extract_strided_slice %convert_element_type3A_579 {offsets = [172, 0], sizes = [4, 100], strides = [1, 1]} : vector<512x100xbf16> to vector<4x100xbf16>
    %dot_general3A_1216 = arith.constant dense<0.000000e+00> : vector<4x128xf32>
    %dot_general3A_1217 = tpu.matmul %slice3A_1215, %slice3A_1211, %dot_general3A_1216 {dimension_numbers = #tpu.dot_dimension_numbers<[1], [0], [0], [1], [0, 0, 1, 1], [], []>, transpose_lhs_hint = false} : vector<4x100xbf16>, vector<100x128xbf16>, vector<4x128xf32> -> vector<4x128xf32>
    %add3A_1218 = arith.addf %dot_general3A_1214, %dot_general3A_1217 : vector<4x128xf32>
    %jit3A_1219 = arith.constant 0.000000e+00 : f32
    %broadcast_in_dim3A_1220 = vector.broadcast %jit3A_1219 : f32 to vector<4x128xf32>
    %select_n3A_1221 = arith.select %eq3A_608, %add3A_1218, %broadcast_in_dim3A_1220 : vector<4x128xi1>, vector<4x128xf32>
    %reduce_sum3A_1222 = arith.constant dense<0.000000e+00> : vector<128xf32>
    %reduce_sum3A_1223 = vector.multi_reduction <add>, %select_n3A_1221, %reduce_sum3A_1222 [0] : vector<4x128xf32> to vector<128xf32>
    %broadcast_in_dim3A_1224 = vector.shape_cast %reduce_sum3A_1223 : vector<128xf32> to vector<1x128xf32>
    %slice3A_1225 = vector.extract_strided_slice %get3A_1 {offsets = [0, 5632], sizes = [100, 128], strides = [1, 1]} : vector<100x16384xbf16> to vector<100x128xbf16>
    %slice3A_1226 = vector.extract_strided_slice %convert_element_type3A_576 {offsets = [176, 0], sizes = [4, 100], strides = [1, 1]} : vector<512x100xbf16> to vector<4x100xbf16>
    %dot_general3A_1227 = arith.constant dense<0.000000e+00> : vector<4x128xf32>
    %dot_general3A_1228 = tpu.matmul %slice3A_1226, %slice3A_1225, %dot_general3A_1227 {dimension_numbers = #tpu.dot_dimension_numbers<[1], [0], [0], [1], [0, 0, 1, 1], [], []>, transpose_lhs_hint = false} : vector<4x100xbf16>, vector<100x128xbf16>, vector<4x128xf32> -> vector<4x128xf32>
    %slice3A_1229 = vector.extract_strided_slice %convert_element_type3A_579 {offsets = [176, 0], sizes = [4, 100], strides = [1, 1]} : vector<512x100xbf16> to vector<4x100xbf16>
    %dot_general3A_1230 = arith.constant dense<0.000000e+00> : vector<4x128xf32>
    %dot_general3A_1231 = tpu.matmul %slice3A_1229, %slice3A_1225, %dot_general3A_1230 {dimension_numbers = #tpu.dot_dimension_numbers<[1], [0], [0], [1], [0, 0, 1, 1], [], []>, transpose_lhs_hint = false} : vector<4x100xbf16>, vector<100x128xbf16>, vector<4x128xf32> -> vector<4x128xf32>
    %add3A_1232 = arith.addf %dot_general3A_1228, %dot_general3A_1231 : vector<4x128xf32>
    %jit3A_1233 = arith.constant 0.000000e+00 : f32
    %broadcast_in_dim3A_1234 = vector.broadcast %jit3A_1233 : f32 to vector<4x128xf32>
    %select_n3A_1235 = arith.select %eq3A_608, %add3A_1232, %broadcast_in_dim3A_1234 : vector<4x128xi1>, vector<4x128xf32>
    %reduce_sum3A_1236 = arith.constant dense<0.000000e+00> : vector<128xf32>
    %reduce_sum3A_1237 = vector.multi_reduction <add>, %select_n3A_1235, %reduce_sum3A_1236 [0] : vector<4x128xf32> to vector<128xf32>
    %broadcast_in_dim3A_1238 = vector.shape_cast %reduce_sum3A_1237 : vector<128xf32> to vector<1x128xf32>
    %slice3A_1239 = vector.extract_strided_slice %get3A_1 {offsets = [0, 5760], sizes = [100, 128], strides = [1, 1]} : vector<100x16384xbf16> to vector<100x128xbf16>
    %slice3A_1240 = vector.extract_strided_slice %convert_element_type3A_576 {offsets = [180, 0], sizes = [4, 100], strides = [1, 1]} : vector<512x100xbf16> to vector<4x100xbf16>
    %dot_general3A_1241 = arith.constant dense<0.000000e+00> : vector<4x128xf32>
    %dot_general3A_1242 = tpu.matmul %slice3A_1240, %slice3A_1239, %dot_general3A_1241 {dimension_numbers = #tpu.dot_dimension_numbers<[1], [0], [0], [1], [0, 0, 1, 1], [], []>, transpose_lhs_hint = false} : vector<4x100xbf16>, vector<100x128xbf16>, vector<4x128xf32> -> vector<4x128xf32>
    %slice3A_1243 = vector.extract_strided_slice %convert_element_type3A_579 {offsets = [180, 0], sizes = [4, 100], strides = [1, 1]} : vector<512x100xbf16> to vector<4x100xbf16>
    %dot_general3A_1244 = arith.constant dense<0.000000e+00> : vector<4x128xf32>
    %dot_general3A_1245 = tpu.matmul %slice3A_1243, %slice3A_1239, %dot_general3A_1244 {dimension_numbers = #tpu.dot_dimension_numbers<[1], [0], [0], [1], [0, 0, 1, 1], [], []>, transpose_lhs_hint = false} : vector<4x100xbf16>, vector<100x128xbf16>, vector<4x128xf32> -> vector<4x128xf32>
    %add3A_1246 = arith.addf %dot_general3A_1242, %dot_general3A_1245 : vector<4x128xf32>
    %jit3A_1247 = arith.constant 0.000000e+00 : f32
    %broadcast_in_dim3A_1248 = vector.broadcast %jit3A_1247 : f32 to vector<4x128xf32>
    %select_n3A_1249 = arith.select %eq3A_608, %add3A_1246, %broadcast_in_dim3A_1248 : vector<4x128xi1>, vector<4x128xf32>
    %reduce_sum3A_1250 = arith.constant dense<0.000000e+00> : vector<128xf32>
    %reduce_sum3A_1251 = vector.multi_reduction <add>, %select_n3A_1249, %reduce_sum3A_1250 [0] : vector<4x128xf32> to vector<128xf32>
    %broadcast_in_dim3A_1252 = vector.shape_cast %reduce_sum3A_1251 : vector<128xf32> to vector<1x128xf32>
    %slice3A_1253 = vector.extract_strided_slice %get3A_1 {offsets = [0, 5888], sizes = [100, 128], strides = [1, 1]} : vector<100x16384xbf16> to vector<100x128xbf16>
    %slice3A_1254 = vector.extract_strided_slice %convert_element_type3A_576 {offsets = [184, 0], sizes = [4, 100], strides = [1, 1]} : vector<512x100xbf16> to vector<4x100xbf16>
    %dot_general3A_1255 = arith.constant dense<0.000000e+00> : vector<4x128xf32>
    %dot_general3A_1256 = tpu.matmul %slice3A_1254, %slice3A_1253, %dot_general3A_1255 {dimension_numbers = #tpu.dot_dimension_numbers<[1], [0], [0], [1], [0, 0, 1, 1], [], []>, transpose_lhs_hint = false} : vector<4x100xbf16>, vector<100x128xbf16>, vector<4x128xf32> -> vector<4x128xf32>
    %slice3A_1257 = vector.extract_strided_slice %convert_element_type3A_579 {offsets = [184, 0], sizes = [4, 100], strides = [1, 1]} : vector<512x100xbf16> to vector<4x100xbf16>
    %dot_general3A_1258 = arith.constant dense<0.000000e+00> : vector<4x128xf32>
    %dot_general3A_1259 = tpu.matmul %slice3A_1257, %slice3A_1253, %dot_general3A_1258 {dimension_numbers = #tpu.dot_dimension_numbers<[1], [0], [0], [1], [0, 0, 1, 1], [], []>, transpose_lhs_hint = false} : vector<4x100xbf16>, vector<100x128xbf16>, vector<4x128xf32> -> vector<4x128xf32>
    %add3A_1260 = arith.addf %dot_general3A_1256, %dot_general3A_1259 : vector<4x128xf32>
    %jit3A_1261 = arith.constant 0.000000e+00 : f32
    %broadcast_in_dim3A_1262 = vector.broadcast %jit3A_1261 : f32 to vector<4x128xf32>
    %select_n3A_1263 = arith.select %eq3A_608, %add3A_1260, %broadcast_in_dim3A_1262 : vector<4x128xi1>, vector<4x128xf32>
    %reduce_sum3A_1264 = arith.constant dense<0.000000e+00> : vector<128xf32>
    %reduce_sum3A_1265 = vector.multi_reduction <add>, %select_n3A_1263, %reduce_sum3A_1264 [0] : vector<4x128xf32> to vector<128xf32>
    %broadcast_in_dim3A_1266 = vector.shape_cast %reduce_sum3A_1265 : vector<128xf32> to vector<1x128xf32>
    %slice3A_1267 = vector.extract_strided_slice %get3A_1 {offsets = [0, 6016], sizes = [100, 128], strides = [1, 1]} : vector<100x16384xbf16> to vector<100x128xbf16>
    %slice3A_1268 = vector.extract_strided_slice %convert_element_type3A_576 {offsets = [188, 0], sizes = [4, 100], strides = [1, 1]} : vector<512x100xbf16> to vector<4x100xbf16>
    %dot_general3A_1269 = arith.constant dense<0.000000e+00> : vector<4x128xf32>
    %dot_general3A_1270 = tpu.matmul %slice3A_1268, %slice3A_1267, %dot_general3A_1269 {dimension_numbers = #tpu.dot_dimension_numbers<[1], [0], [0], [1], [0, 0, 1, 1], [], []>, transpose_lhs_hint = false} : vector<4x100xbf16>, vector<100x128xbf16>, vector<4x128xf32> -> vector<4x128xf32>
    %slice3A_1271 = vector.extract_strided_slice %convert_element_type3A_579 {offsets = [188, 0], sizes = [4, 100], strides = [1, 1]} : vector<512x100xbf16> to vector<4x100xbf16>
    %dot_general3A_1272 = arith.constant dense<0.000000e+00> : vector<4x128xf32>
    %dot_general3A_1273 = tpu.matmul %slice3A_1271, %slice3A_1267, %dot_general3A_1272 {dimension_numbers = #tpu.dot_dimension_numbers<[1], [0], [0], [1], [0, 0, 1, 1], [], []>, transpose_lhs_hint = false} : vector<4x100xbf16>, vector<100x128xbf16>, vector<4x128xf32> -> vector<4x128xf32>
    %add3A_1274 = arith.addf %dot_general3A_1270, %dot_general3A_1273 : vector<4x128xf32>
    %jit3A_1275 = arith.constant 0.000000e+00 : f32
    %broadcast_in_dim3A_1276 = vector.broadcast %jit3A_1275 : f32 to vector<4x128xf32>
    %select_n3A_1277 = arith.select %eq3A_608, %add3A_1274, %broadcast_in_dim3A_1276 : vector<4x128xi1>, vector<4x128xf32>
    %reduce_sum3A_1278 = arith.constant dense<0.000000e+00> : vector<128xf32>
    %reduce_sum3A_1279 = vector.multi_reduction <add>, %select_n3A_1277, %reduce_sum3A_1278 [0] : vector<4x128xf32> to vector<128xf32>
    %broadcast_in_dim3A_1280 = vector.shape_cast %reduce_sum3A_1279 : vector<128xf32> to vector<1x128xf32>
    %slice3A_1281 = vector.extract_strided_slice %get3A_1 {offsets = [0, 6144], sizes = [100, 128], strides = [1, 1]} : vector<100x16384xbf16> to vector<100x128xbf16>
    %slice3A_1282 = vector.extract_strided_slice %convert_element_type3A_576 {offsets = [192, 0], sizes = [4, 100], strides = [1, 1]} : vector<512x100xbf16> to vector<4x100xbf16>
    %dot_general3A_1283 = arith.constant dense<0.000000e+00> : vector<4x128xf32>
    %dot_general3A_1284 = tpu.matmul %slice3A_1282, %slice3A_1281, %dot_general3A_1283 {dimension_numbers = #tpu.dot_dimension_numbers<[1], [0], [0], [1], [0, 0, 1, 1], [], []>, transpose_lhs_hint = false} : vector<4x100xbf16>, vector<100x128xbf16>, vector<4x128xf32> -> vector<4x128xf32>
    %slice3A_1285 = vector.extract_strided_slice %convert_element_type3A_579 {offsets = [192, 0], sizes = [4, 100], strides = [1, 1]} : vector<512x100xbf16> to vector<4x100xbf16>
    %dot_general3A_1286 = arith.constant dense<0.000000e+00> : vector<4x128xf32>
    %dot_general3A_1287 = tpu.matmul %slice3A_1285, %slice3A_1281, %dot_general3A_1286 {dimension_numbers = #tpu.dot_dimension_numbers<[1], [0], [0], [1], [0, 0, 1, 1], [], []>, transpose_lhs_hint = false} : vector<4x100xbf16>, vector<100x128xbf16>, vector<4x128xf32> -> vector<4x128xf32>
    %add3A_1288 = arith.addf %dot_general3A_1284, %dot_general3A_1287 : vector<4x128xf32>
    %jit3A_1289 = arith.constant 0.000000e+00 : f32
    %broadcast_in_dim3A_1290 = vector.broadcast %jit3A_1289 : f32 to vector<4x128xf32>
    %select_n3A_1291 = arith.select %eq3A_608, %add3A_1288, %broadcast_in_dim3A_1290 : vector<4x128xi1>, vector<4x128xf32>
    %reduce_sum3A_1292 = arith.constant dense<0.000000e+00> : vector<128xf32>
    %reduce_sum3A_1293 = vector.multi_reduction <add>, %select_n3A_1291, %reduce_sum3A_1292 [0] : vector<4x128xf32> to vector<128xf32>
    %broadcast_in_dim3A_1294 = vector.shape_cast %reduce_sum3A_1293 : vector<128xf32> to vector<1x128xf32>
    %slice3A_1295 = vector.extract_strided_slice %get3A_1 {offsets = [0, 6272], sizes = [100, 128], strides = [1, 1]} : vector<100x16384xbf16> to vector<100x128xbf16>
    %slice3A_1296 = vector.extract_strided_slice %convert_element_type3A_576 {offsets = [196, 0], sizes = [4, 100], strides = [1, 1]} : vector<512x100xbf16> to vector<4x100xbf16>
    %dot_general3A_1297 = arith.constant dense<0.000000e+00> : vector<4x128xf32>
    %dot_general3A_1298 = tpu.matmul %slice3A_1296, %slice3A_1295, %dot_general3A_1297 {dimension_numbers = #tpu.dot_dimension_numbers<[1], [0], [0], [1], [0, 0, 1, 1], [], []>, transpose_lhs_hint = false} : vector<4x100xbf16>, vector<100x128xbf16>, vector<4x128xf32> -> vector<4x128xf32>
    %slice3A_1299 = vector.extract_strided_slice %convert_element_type3A_579 {offsets = [196, 0], sizes = [4, 100], strides = [1, 1]} : vector<512x100xbf16> to vector<4x100xbf16>
    %dot_general3A_1300 = arith.constant dense<0.000000e+00> : vector<4x128xf32>
    %dot_general3A_1301 = tpu.matmul %slice3A_1299, %slice3A_1295, %dot_general3A_1300 {dimension_numbers = #tpu.dot_dimension_numbers<[1], [0], [0], [1], [0, 0, 1, 1], [], []>, transpose_lhs_hint = false} : vector<4x100xbf16>, vector<100x128xbf16>, vector<4x128xf32> -> vector<4x128xf32>
    %add3A_1302 = arith.addf %dot_general3A_1298, %dot_general3A_1301 : vector<4x128xf32>
    %jit3A_1303 = arith.constant 0.000000e+00 : f32
    %broadcast_in_dim3A_1304 = vector.broadcast %jit3A_1303 : f32 to vector<4x128xf32>
    %select_n3A_1305 = arith.select %eq3A_608, %add3A_1302, %broadcast_in_dim3A_1304 : vector<4x128xi1>, vector<4x128xf32>
    %reduce_sum3A_1306 = arith.constant dense<0.000000e+00> : vector<128xf32>
    %reduce_sum3A_1307 = vector.multi_reduction <add>, %select_n3A_1305, %reduce_sum3A_1306 [0] : vector<4x128xf32> to vector<128xf32>
    %broadcast_in_dim3A_1308 = vector.shape_cast %reduce_sum3A_1307 : vector<128xf32> to vector<1x128xf32>
    %slice3A_1309 = vector.extract_strided_slice %get3A_1 {offsets = [0, 6400], sizes = [100, 128], strides = [1, 1]} : vector<100x16384xbf16> to vector<100x128xbf16>
    %slice3A_1310 = vector.extract_strided_slice %convert_element_type3A_576 {offsets = [200, 0], sizes = [4, 100], strides = [1, 1]} : vector<512x100xbf16> to vector<4x100xbf16>
    %dot_general3A_1311 = arith.constant dense<0.000000e+00> : vector<4x128xf32>
    %dot_general3A_1312 = tpu.matmul %slice3A_1310, %slice3A_1309, %dot_general3A_1311 {dimension_numbers = #tpu.dot_dimension_numbers<[1], [0], [0], [1], [0, 0, 1, 1], [], []>, transpose_lhs_hint = false} : vector<4x100xbf16>, vector<100x128xbf16>, vector<4x128xf32> -> vector<4x128xf32>
    %slice3A_1313 = vector.extract_strided_slice %convert_element_type3A_579 {offsets = [200, 0], sizes = [4, 100], strides = [1, 1]} : vector<512x100xbf16> to vector<4x100xbf16>
    %dot_general3A_1314 = arith.constant dense<0.000000e+00> : vector<4x128xf32>
    %dot_general3A_1315 = tpu.matmul %slice3A_1313, %slice3A_1309, %dot_general3A_1314 {dimension_numbers = #tpu.dot_dimension_numbers<[1], [0], [0], [1], [0, 0, 1, 1], [], []>, transpose_lhs_hint = false} : vector<4x100xbf16>, vector<100x128xbf16>, vector<4x128xf32> -> vector<4x128xf32>
    %add3A_1316 = arith.addf %dot_general3A_1312, %dot_general3A_1315 : vector<4x128xf32>
    %jit3A_1317 = arith.constant 0.000000e+00 : f32
    %broadcast_in_dim3A_1318 = vector.broadcast %jit3A_1317 : f32 to vector<4x128xf32>
    %select_n3A_1319 = arith.select %eq3A_608, %add3A_1316, %broadcast_in_dim3A_1318 : vector<4x128xi1>, vector<4x128xf32>
    %reduce_sum3A_1320 = arith.constant dense<0.000000e+00> : vector<128xf32>
    %reduce_sum3A_1321 = vector.multi_reduction <add>, %select_n3A_1319, %reduce_sum3A_1320 [0] : vector<4x128xf32> to vector<128xf32>
    %broadcast_in_dim3A_1322 = vector.shape_cast %reduce_sum3A_1321 : vector<128xf32> to vector<1x128xf32>
    %slice3A_1323 = vector.extract_strided_slice %get3A_1 {offsets = [0, 6528], sizes = [100, 128], strides = [1, 1]} : vector<100x16384xbf16> to vector<100x128xbf16>
    %slice3A_1324 = vector.extract_strided_slice %convert_element_type3A_576 {offsets = [204, 0], sizes = [4, 100], strides = [1, 1]} : vector<512x100xbf16> to vector<4x100xbf16>
    %dot_general3A_1325 = arith.constant dense<0.000000e+00> : vector<4x128xf32>
    %dot_general3A_1326 = tpu.matmul %slice3A_1324, %slice3A_1323, %dot_general3A_1325 {dimension_numbers = #tpu.dot_dimension_numbers<[1], [0], [0], [1], [0, 0, 1, 1], [], []>, transpose_lhs_hint = false} : vector<4x100xbf16>, vector<100x128xbf16>, vector<4x128xf32> -> vector<4x128xf32>
    %slice3A_1327 = vector.extract_strided_slice %convert_element_type3A_579 {offsets = [204, 0], sizes = [4, 100], strides = [1, 1]} : vector<512x100xbf16> to vector<4x100xbf16>
    %dot_general3A_1328 = arith.constant dense<0.000000e+00> : vector<4x128xf32>
    %dot_general3A_1329 = tpu.matmul %slice3A_1327, %slice3A_1323, %dot_general3A_1328 {dimension_numbers = #tpu.dot_dimension_numbers<[1], [0], [0], [1], [0, 0, 1, 1], [], []>, transpose_lhs_hint = false} : vector<4x100xbf16>, vector<100x128xbf16>, vector<4x128xf32> -> vector<4x128xf32>
    %add3A_1330 = arith.addf %dot_general3A_1326, %dot_general3A_1329 : vector<4x128xf32>
    %jit3A_1331 = arith.constant 0.000000e+00 : f32
    %broadcast_in_dim3A_1332 = vector.broadcast %jit3A_1331 : f32 to vector<4x128xf32>
    %select_n3A_1333 = arith.select %eq3A_608, %add3A_1330, %broadcast_in_dim3A_1332 : vector<4x128xi1>, vector<4x128xf32>
    %reduce_sum3A_1334 = arith.constant dense<0.000000e+00> : vector<128xf32>
    %reduce_sum3A_1335 = vector.multi_reduction <add>, %select_n3A_1333, %reduce_sum3A_1334 [0] : vector<4x128xf32> to vector<128xf32>
    %broadcast_in_dim3A_1336 = vector.shape_cast %reduce_sum3A_1335 : vector<128xf32> to vector<1x128xf32>
    %slice3A_1337 = vector.extract_strided_slice %get3A_1 {offsets = [0, 6656], sizes = [100, 128], strides = [1, 1]} : vector<100x16384xbf16> to vector<100x128xbf16>
    %slice3A_1338 = vector.extract_strided_slice %convert_element_type3A_576 {offsets = [208, 0], sizes = [4, 100], strides = [1, 1]} : vector<512x100xbf16> to vector<4x100xbf16>
    %dot_general3A_1339 = arith.constant dense<0.000000e+00> : vector<4x128xf32>
    %dot_general3A_1340 = tpu.matmul %slice3A_1338, %slice3A_1337, %dot_general3A_1339 {dimension_numbers = #tpu.dot_dimension_numbers<[1], [0], [0], [1], [0, 0, 1, 1], [], []>, transpose_lhs_hint = false} : vector<4x100xbf16>, vector<100x128xbf16>, vector<4x128xf32> -> vector<4x128xf32>
    %slice3A_1341 = vector.extract_strided_slice %convert_element_type3A_579 {offsets = [208, 0], sizes = [4, 100], strides = [1, 1]} : vector<512x100xbf16> to vector<4x100xbf16>
    %dot_general3A_1342 = arith.constant dense<0.000000e+00> : vector<4x128xf32>
    %dot_general3A_1343 = tpu.matmul %slice3A_1341, %slice3A_1337, %dot_general3A_1342 {dimension_numbers = #tpu.dot_dimension_numbers<[1], [0], [0], [1], [0, 0, 1, 1], [], []>, transpose_lhs_hint = false} : vector<4x100xbf16>, vector<100x128xbf16>, vector<4x128xf32> -> vector<4x128xf32>
    %add3A_1344 = arith.addf %dot_general3A_1340, %dot_general3A_1343 : vector<4x128xf32>
    %jit3A_1345 = arith.constant 0.000000e+00 : f32
    %broadcast_in_dim3A_1346 = vector.broadcast %jit3A_1345 : f32 to vector<4x128xf32>
    %select_n3A_1347 = arith.select %eq3A_608, %add3A_1344, %broadcast_in_dim3A_1346 : vector<4x128xi1>, vector<4x128xf32>
    %reduce_sum3A_1348 = arith.constant dense<0.000000e+00> : vector<128xf32>
    %reduce_sum3A_1349 = vector.multi_reduction <add>, %select_n3A_1347, %reduce_sum3A_1348 [0] : vector<4x128xf32> to vector<128xf32>
    %broadcast_in_dim3A_1350 = vector.shape_cast %reduce_sum3A_1349 : vector<128xf32> to vector<1x128xf32>
    %slice3A_1351 = vector.extract_strided_slice %get3A_1 {offsets = [0, 6784], sizes = [100, 128], strides = [1, 1]} : vector<100x16384xbf16> to vector<100x128xbf16>
    %slice3A_1352 = vector.extract_strided_slice %convert_element_type3A_576 {offsets = [212, 0], sizes = [4, 100], strides = [1, 1]} : vector<512x100xbf16> to vector<4x100xbf16>
    %dot_general3A_1353 = arith.constant dense<0.000000e+00> : vector<4x128xf32>
    %dot_general3A_1354 = tpu.matmul %slice3A_1352, %slice3A_1351, %dot_general3A_1353 {dimension_numbers = #tpu.dot_dimension_numbers<[1], [0], [0], [1], [0, 0, 1, 1], [], []>, transpose_lhs_hint = false} : vector<4x100xbf16>, vector<100x128xbf16>, vector<4x128xf32> -> vector<4x128xf32>
    %slice3A_1355 = vector.extract_strided_slice %convert_element_type3A_579 {offsets = [212, 0], sizes = [4, 100], strides = [1, 1]} : vector<512x100xbf16> to vector<4x100xbf16>
    %dot_general3A_1356 = arith.constant dense<0.000000e+00> : vector<4x128xf32>
    %dot_general3A_1357 = tpu.matmul %slice3A_1355, %slice3A_1351, %dot_general3A_1356 {dimension_numbers = #tpu.dot_dimension_numbers<[1], [0], [0], [1], [0, 0, 1, 1], [], []>, transpose_lhs_hint = false} : vector<4x100xbf16>, vector<100x128xbf16>, vector<4x128xf32> -> vector<4x128xf32>
    %add3A_1358 = arith.addf %dot_general3A_1354, %dot_general3A_1357 : vector<4x128xf32>
    %jit3A_1359 = arith.constant 0.000000e+00 : f32
    %broadcast_in_dim3A_1360 = vector.broadcast %jit3A_1359 : f32 to vector<4x128xf32>
    %select_n3A_1361 = arith.select %eq3A_608, %add3A_1358, %broadcast_in_dim3A_1360 : vector<4x128xi1>, vector<4x128xf32>
    %reduce_sum3A_1362 = arith.constant dense<0.000000e+00> : vector<128xf32>
    %reduce_sum3A_1363 = vector.multi_reduction <add>, %select_n3A_1361, %reduce_sum3A_1362 [0] : vector<4x128xf32> to vector<128xf32>
    %broadcast_in_dim3A_1364 = vector.shape_cast %reduce_sum3A_1363 : vector<128xf32> to vector<1x128xf32>
    %slice3A_1365 = vector.extract_strided_slice %get3A_1 {offsets = [0, 6912], sizes = [100, 128], strides = [1, 1]} : vector<100x16384xbf16> to vector<100x128xbf16>
    %slice3A_1366 = vector.extract_strided_slice %convert_element_type3A_576 {offsets = [216, 0], sizes = [4, 100], strides = [1, 1]} : vector<512x100xbf16> to vector<4x100xbf16>
    %dot_general3A_1367 = arith.constant dense<0.000000e+00> : vector<4x128xf32>
    %dot_general3A_1368 = tpu.matmul %slice3A_1366, %slice3A_1365, %dot_general3A_1367 {dimension_numbers = #tpu.dot_dimension_numbers<[1], [0], [0], [1], [0, 0, 1, 1], [], []>, transpose_lhs_hint = false} : vector<4x100xbf16>, vector<100x128xbf16>, vector<4x128xf32> -> vector<4x128xf32>
    %slice3A_1369 = vector.extract_strided_slice %convert_element_type3A_579 {offsets = [216, 0], sizes = [4, 100], strides = [1, 1]} : vector<512x100xbf16> to vector<4x100xbf16>
    %dot_general3A_1370 = arith.constant dense<0.000000e+00> : vector<4x128xf32>
    %dot_general3A_1371 = tpu.matmul %slice3A_1369, %slice3A_1365, %dot_general3A_1370 {dimension_numbers = #tpu.dot_dimension_numbers<[1], [0], [0], [1], [0, 0, 1, 1], [], []>, transpose_lhs_hint = false} : vector<4x100xbf16>, vector<100x128xbf16>, vector<4x128xf32> -> vector<4x128xf32>
    %add3A_1372 = arith.addf %dot_general3A_1368, %dot_general3A_1371 : vector<4x128xf32>
    %jit3A_1373 = arith.constant 0.000000e+00 : f32
    %broadcast_in_dim3A_1374 = vector.broadcast %jit3A_1373 : f32 to vector<4x128xf32>
    %select_n3A_1375 = arith.select %eq3A_608, %add3A_1372, %broadcast_in_dim3A_1374 : vector<4x128xi1>, vector<4x128xf32>
    %reduce_sum3A_1376 = arith.constant dense<0.000000e+00> : vector<128xf32>
    %reduce_sum3A_1377 = vector.multi_reduction <add>, %select_n3A_1375, %reduce_sum3A_1376 [0] : vector<4x128xf32> to vector<128xf32>
    %broadcast_in_dim3A_1378 = vector.shape_cast %reduce_sum3A_1377 : vector<128xf32> to vector<1x128xf32>
    %slice3A_1379 = vector.extract_strided_slice %get3A_1 {offsets = [0, 7040], sizes = [100, 128], strides = [1, 1]} : vector<100x16384xbf16> to vector<100x128xbf16>
    %slice3A_1380 = vector.extract_strided_slice %convert_element_type3A_576 {offsets = [220, 0], sizes = [4, 100], strides = [1, 1]} : vector<512x100xbf16> to vector<4x100xbf16>
    %dot_general3A_1381 = arith.constant dense<0.000000e+00> : vector<4x128xf32>
    %dot_general3A_1382 = tpu.matmul %slice3A_1380, %slice3A_1379, %dot_general3A_1381 {dimension_numbers = #tpu.dot_dimension_numbers<[1], [0], [0], [1], [0, 0, 1, 1], [], []>, transpose_lhs_hint = false} : vector<4x100xbf16>, vector<100x128xbf16>, vector<4x128xf32> -> vector<4x128xf32>
    %slice3A_1383 = vector.extract_strided_slice %convert_element_type3A_579 {offsets = [220, 0], sizes = [4, 100], strides = [1, 1]} : vector<512x100xbf16> to vector<4x100xbf16>
    %dot_general3A_1384 = arith.constant dense<0.000000e+00> : vector<4x128xf32>
    %dot_general3A_1385 = tpu.matmul %slice3A_1383, %slice3A_1379, %dot_general3A_1384 {dimension_numbers = #tpu.dot_dimension_numbers<[1], [0], [0], [1], [0, 0, 1, 1], [], []>, transpose_lhs_hint = false} : vector<4x100xbf16>, vector<100x128xbf16>, vector<4x128xf32> -> vector<4x128xf32>
    %add3A_1386 = arith.addf %dot_general3A_1382, %dot_general3A_1385 : vector<4x128xf32>
    %jit3A_1387 = arith.constant 0.000000e+00 : f32
    %broadcast_in_dim3A_1388 = vector.broadcast %jit3A_1387 : f32 to vector<4x128xf32>
    %select_n3A_1389 = arith.select %eq3A_608, %add3A_1386, %broadcast_in_dim3A_1388 : vector<4x128xi1>, vector<4x128xf32>
    %reduce_sum3A_1390 = arith.constant dense<0.000000e+00> : vector<128xf32>
    %reduce_sum3A_1391 = vector.multi_reduction <add>, %select_n3A_1389, %reduce_sum3A_1390 [0] : vector<4x128xf32> to vector<128xf32>
    %broadcast_in_dim3A_1392 = vector.shape_cast %reduce_sum3A_1391 : vector<128xf32> to vector<1x128xf32>
    %slice3A_1393 = vector.extract_strided_slice %get3A_1 {offsets = [0, 7168], sizes = [100, 128], strides = [1, 1]} : vector<100x16384xbf16> to vector<100x128xbf16>
    %slice3A_1394 = vector.extract_strided_slice %convert_element_type3A_576 {offsets = [224, 0], sizes = [4, 100], strides = [1, 1]} : vector<512x100xbf16> to vector<4x100xbf16>
    %dot_general3A_1395 = arith.constant dense<0.000000e+00> : vector<4x128xf32>
    %dot_general3A_1396 = tpu.matmul %slice3A_1394, %slice3A_1393, %dot_general3A_1395 {dimension_numbers = #tpu.dot_dimension_numbers<[1], [0], [0], [1], [0, 0, 1, 1], [], []>, transpose_lhs_hint = false} : vector<4x100xbf16>, vector<100x128xbf16>, vector<4x128xf32> -> vector<4x128xf32>
    %slice3A_1397 = vector.extract_strided_slice %convert_element_type3A_579 {offsets = [224, 0], sizes = [4, 100], strides = [1, 1]} : vector<512x100xbf16> to vector<4x100xbf16>
    %dot_general3A_1398 = arith.constant dense<0.000000e+00> : vector<4x128xf32>
    %dot_general3A_1399 = tpu.matmul %slice3A_1397, %slice3A_1393, %dot_general3A_1398 {dimension_numbers = #tpu.dot_dimension_numbers<[1], [0], [0], [1], [0, 0, 1, 1], [], []>, transpose_lhs_hint = false} : vector<4x100xbf16>, vector<100x128xbf16>, vector<4x128xf32> -> vector<4x128xf32>
    %add3A_1400 = arith.addf %dot_general3A_1396, %dot_general3A_1399 : vector<4x128xf32>
    %jit3A_1401 = arith.constant 0.000000e+00 : f32
    %broadcast_in_dim3A_1402 = vector.broadcast %jit3A_1401 : f32 to vector<4x128xf32>
    %select_n3A_1403 = arith.select %eq3A_608, %add3A_1400, %broadcast_in_dim3A_1402 : vector<4x128xi1>, vector<4x128xf32>
    %reduce_sum3A_1404 = arith.constant dense<0.000000e+00> : vector<128xf32>
    %reduce_sum3A_1405 = vector.multi_reduction <add>, %select_n3A_1403, %reduce_sum3A_1404 [0] : vector<4x128xf32> to vector<128xf32>
    %broadcast_in_dim3A_1406 = vector.shape_cast %reduce_sum3A_1405 : vector<128xf32> to vector<1x128xf32>
    %slice3A_1407 = vector.extract_strided_slice %get3A_1 {offsets = [0, 7296], sizes = [100, 128], strides = [1, 1]} : vector<100x16384xbf16> to vector<100x128xbf16>
    %slice3A_1408 = vector.extract_strided_slice %convert_element_type3A_576 {offsets = [228, 0], sizes = [4, 100], strides = [1, 1]} : vector<512x100xbf16> to vector<4x100xbf16>
    %dot_general3A_1409 = arith.constant dense<0.000000e+00> : vector<4x128xf32>
    %dot_general3A_1410 = tpu.matmul %slice3A_1408, %slice3A_1407, %dot_general3A_1409 {dimension_numbers = #tpu.dot_dimension_numbers<[1], [0], [0], [1], [0, 0, 1, 1], [], []>, transpose_lhs_hint = false} : vector<4x100xbf16>, vector<100x128xbf16>, vector<4x128xf32> -> vector<4x128xf32>
    %slice3A_1411 = vector.extract_strided_slice %convert_element_type3A_579 {offsets = [228, 0], sizes = [4, 100], strides = [1, 1]} : vector<512x100xbf16> to vector<4x100xbf16>
    %dot_general3A_1412 = arith.constant dense<0.000000e+00> : vector<4x128xf32>
    %dot_general3A_1413 = tpu.matmul %slice3A_1411, %slice3A_1407, %dot_general3A_1412 {dimension_numbers = #tpu.dot_dimension_numbers<[1], [0], [0], [1], [0, 0, 1, 1], [], []>, transpose_lhs_hint = false} : vector<4x100xbf16>, vector<100x128xbf16>, vector<4x128xf32> -> vector<4x128xf32>
    %add3A_1414 = arith.addf %dot_general3A_1410, %dot_general3A_1413 : vector<4x128xf32>
    %jit3A_1415 = arith.constant 0.000000e+00 : f32
    %broadcast_in_dim3A_1416 = vector.broadcast %jit3A_1415 : f32 to vector<4x128xf32>
    %select_n3A_1417 = arith.select %eq3A_608, %add3A_1414, %broadcast_in_dim3A_1416 : vector<4x128xi1>, vector<4x128xf32>
    %reduce_sum3A_1418 = arith.constant dense<0.000000e+00> : vector<128xf32>
    %reduce_sum3A_1419 = vector.multi_reduction <add>, %select_n3A_1417, %reduce_sum3A_1418 [0] : vector<4x128xf32> to vector<128xf32>
    %broadcast_in_dim3A_1420 = vector.shape_cast %reduce_sum3A_1419 : vector<128xf32> to vector<1x128xf32>
    %slice3A_1421 = vector.extract_strided_slice %get3A_1 {offsets = [0, 7424], sizes = [100, 128], strides = [1, 1]} : vector<100x16384xbf16> to vector<100x128xbf16>
    %slice3A_1422 = vector.extract_strided_slice %convert_element_type3A_576 {offsets = [232, 0], sizes = [4, 100], strides = [1, 1]} : vector<512x100xbf16> to vector<4x100xbf16>
    %dot_general3A_1423 = arith.constant dense<0.000000e+00> : vector<4x128xf32>
    %dot_general3A_1424 = tpu.matmul %slice3A_1422, %slice3A_1421, %dot_general3A_1423 {dimension_numbers = #tpu.dot_dimension_numbers<[1], [0], [0], [1], [0, 0, 1, 1], [], []>, transpose_lhs_hint = false} : vector<4x100xbf16>, vector<100x128xbf16>, vector<4x128xf32> -> vector<4x128xf32>
    %slice3A_1425 = vector.extract_strided_slice %convert_element_type3A_579 {offsets = [232, 0], sizes = [4, 100], strides = [1, 1]} : vector<512x100xbf16> to vector<4x100xbf16>
    %dot_general3A_1426 = arith.constant dense<0.000000e+00> : vector<4x128xf32>
    %dot_general3A_1427 = tpu.matmul %slice3A_1425, %slice3A_1421, %dot_general3A_1426 {dimension_numbers = #tpu.dot_dimension_numbers<[1], [0], [0], [1], [0, 0, 1, 1], [], []>, transpose_lhs_hint = false} : vector<4x100xbf16>, vector<100x128xbf16>, vector<4x128xf32> -> vector<4x128xf32>
    %add3A_1428 = arith.addf %dot_general3A_1424, %dot_general3A_1427 : vector<4x128xf32>
    %jit3A_1429 = arith.constant 0.000000e+00 : f32
    %broadcast_in_dim3A_1430 = vector.broadcast %jit3A_1429 : f32 to vector<4x128xf32>
    %select_n3A_1431 = arith.select %eq3A_608, %add3A_1428, %broadcast_in_dim3A_1430 : vector<4x128xi1>, vector<4x128xf32>
    %reduce_sum3A_1432 = arith.constant dense<0.000000e+00> : vector<128xf32>
    %reduce_sum3A_1433 = vector.multi_reduction <add>, %select_n3A_1431, %reduce_sum3A_1432 [0] : vector<4x128xf32> to vector<128xf32>
    %broadcast_in_dim3A_1434 = vector.shape_cast %reduce_sum3A_1433 : vector<128xf32> to vector<1x128xf32>
    %slice3A_1435 = vector.extract_strided_slice %get3A_1 {offsets = [0, 7552], sizes = [100, 128], strides = [1, 1]} : vector<100x16384xbf16> to vector<100x128xbf16>
    %slice3A_1436 = vector.extract_strided_slice %convert_element_type3A_576 {offsets = [236, 0], sizes = [4, 100], strides = [1, 1]} : vector<512x100xbf16> to vector<4x100xbf16>
    %dot_general3A_1437 = arith.constant dense<0.000000e+00> : vector<4x128xf32>
    %dot_general3A_1438 = tpu.matmul %slice3A_1436, %slice3A_1435, %dot_general3A_1437 {dimension_numbers = #tpu.dot_dimension_numbers<[1], [0], [0], [1], [0, 0, 1, 1], [], []>, transpose_lhs_hint = false} : vector<4x100xbf16>, vector<100x128xbf16>, vector<4x128xf32> -> vector<4x128xf32>
    %slice3A_1439 = vector.extract_strided_slice %convert_element_type3A_579 {offsets = [236, 0], sizes = [4, 100], strides = [1, 1]} : vector<512x100xbf16> to vector<4x100xbf16>
    %dot_general3A_1440 = arith.constant dense<0.000000e+00> : vector<4x128xf32>
    %dot_general3A_1441 = tpu.matmul %slice3A_1439, %slice3A_1435, %dot_general3A_1440 {dimension_numbers = #tpu.dot_dimension_numbers<[1], [0], [0], [1], [0, 0, 1, 1], [], []>, transpose_lhs_hint = false} : vector<4x100xbf16>, vector<100x128xbf16>, vector<4x128xf32> -> vector<4x128xf32>
    %add3A_1442 = arith.addf %dot_general3A_1438, %dot_general3A_1441 : vector<4x128xf32>
    %jit3A_1443 = arith.constant 0.000000e+00 : f32
    %broadcast_in_dim3A_1444 = vector.broadcast %jit3A_1443 : f32 to vector<4x128xf32>
    %select_n3A_1445 = arith.select %eq3A_608, %add3A_1442, %broadcast_in_dim3A_1444 : vector<4x128xi1>, vector<4x128xf32>
    %reduce_sum3A_1446 = arith.constant dense<0.000000e+00> : vector<128xf32>
    %reduce_sum3A_1447 = vector.multi_reduction <add>, %select_n3A_1445, %reduce_sum3A_1446 [0] : vector<4x128xf32> to vector<128xf32>
    %broadcast_in_dim3A_1448 = vector.shape_cast %reduce_sum3A_1447 : vector<128xf32> to vector<1x128xf32>
    %slice3A_1449 = vector.extract_strided_slice %get3A_1 {offsets = [0, 7680], sizes = [100, 128], strides = [1, 1]} : vector<100x16384xbf16> to vector<100x128xbf16>
    %slice3A_1450 = vector.extract_strided_slice %convert_element_type3A_576 {offsets = [240, 0], sizes = [4, 100], strides = [1, 1]} : vector<512x100xbf16> to vector<4x100xbf16>
    %dot_general3A_1451 = arith.constant dense<0.000000e+00> : vector<4x128xf32>
    %dot_general3A_1452 = tpu.matmul %slice3A_1450, %slice3A_1449, %dot_general3A_1451 {dimension_numbers = #tpu.dot_dimension_numbers<[1], [0], [0], [1], [0, 0, 1, 1], [], []>, transpose_lhs_hint = false} : vector<4x100xbf16>, vector<100x128xbf16>, vector<4x128xf32> -> vector<4x128xf32>
    %slice3A_1453 = vector.extract_strided_slice %convert_element_type3A_579 {offsets = [240, 0], sizes = [4, 100], strides = [1, 1]} : vector<512x100xbf16> to vector<4x100xbf16>
    %dot_general3A_1454 = arith.constant dense<0.000000e+00> : vector<4x128xf32>
    %dot_general3A_1455 = tpu.matmul %slice3A_1453, %slice3A_1449, %dot_general3A_1454 {dimension_numbers = #tpu.dot_dimension_numbers<[1], [0], [0], [1], [0, 0, 1, 1], [], []>, transpose_lhs_hint = false} : vector<4x100xbf16>, vector<100x128xbf16>, vector<4x128xf32> -> vector<4x128xf32>
    %add3A_1456 = arith.addf %dot_general3A_1452, %dot_general3A_1455 : vector<4x128xf32>
    %jit3A_1457 = arith.constant 0.000000e+00 : f32
    %broadcast_in_dim3A_1458 = vector.broadcast %jit3A_1457 : f32 to vector<4x128xf32>
    %select_n3A_1459 = arith.select %eq3A_608, %add3A_1456, %broadcast_in_dim3A_1458 : vector<4x128xi1>, vector<4x128xf32>
    %reduce_sum3A_1460 = arith.constant dense<0.000000e+00> : vector<128xf32>
    %reduce_sum3A_1461 = vector.multi_reduction <add>, %select_n3A_1459, %reduce_sum3A_1460 [0] : vector<4x128xf32> to vector<128xf32>
    %broadcast_in_dim3A_1462 = vector.shape_cast %reduce_sum3A_1461 : vector<128xf32> to vector<1x128xf32>
    %slice3A_1463 = vector.extract_strided_slice %get3A_1 {offsets = [0, 7808], sizes = [100, 128], strides = [1, 1]} : vector<100x16384xbf16> to vector<100x128xbf16>
    %slice3A_1464 = vector.extract_strided_slice %convert_element_type3A_576 {offsets = [244, 0], sizes = [4, 100], strides = [1, 1]} : vector<512x100xbf16> to vector<4x100xbf16>
    %dot_general3A_1465 = arith.constant dense<0.000000e+00> : vector<4x128xf32>
    %dot_general3A_1466 = tpu.matmul %slice3A_1464, %slice3A_1463, %dot_general3A_1465 {dimension_numbers = #tpu.dot_dimension_numbers<[1], [0], [0], [1], [0, 0, 1, 1], [], []>, transpose_lhs_hint = false} : vector<4x100xbf16>, vector<100x128xbf16>, vector<4x128xf32> -> vector<4x128xf32>
    %slice3A_1467 = vector.extract_strided_slice %convert_element_type3A_579 {offsets = [244, 0], sizes = [4, 100], strides = [1, 1]} : vector<512x100xbf16> to vector<4x100xbf16>
    %dot_general3A_1468 = arith.constant dense<0.000000e+00> : vector<4x128xf32>
    %dot_general3A_1469 = tpu.matmul %slice3A_1467, %slice3A_1463, %dot_general3A_1468 {dimension_numbers = #tpu.dot_dimension_numbers<[1], [0], [0], [1], [0, 0, 1, 1], [], []>, transpose_lhs_hint = false} : vector<4x100xbf16>, vector<100x128xbf16>, vector<4x128xf32> -> vector<4x128xf32>
    %add3A_1470 = arith.addf %dot_general3A_1466, %dot_general3A_1469 : vector<4x128xf32>
    %jit3A_1471 = arith.constant 0.000000e+00 : f32
    %broadcast_in_dim3A_1472 = vector.broadcast %jit3A_1471 : f32 to vector<4x128xf32>
    %select_n3A_1473 = arith.select %eq3A_608, %add3A_1470, %broadcast_in_dim3A_1472 : vector<4x128xi1>, vector<4x128xf32>
    %reduce_sum3A_1474 = arith.constant dense<0.000000e+00> : vector<128xf32>
    %reduce_sum3A_1475 = vector.multi_reduction <add>, %select_n3A_1473, %reduce_sum3A_1474 [0] : vector<4x128xf32> to vector<128xf32>
    %broadcast_in_dim3A_1476 = vector.shape_cast %reduce_sum3A_1475 : vector<128xf32> to vector<1x128xf32>
    %slice3A_1477 = vector.extract_strided_slice %get3A_1 {offsets = [0, 7936], sizes = [100, 128], strides = [1, 1]} : vector<100x16384xbf16> to vector<100x128xbf16>
    %slice3A_1478 = vector.extract_strided_slice %convert_element_type3A_576 {offsets = [248, 0], sizes = [4, 100], strides = [1, 1]} : vector<512x100xbf16> to vector<4x100xbf16>
    %dot_general3A_1479 = arith.constant dense<0.000000e+00> : vector<4x128xf32>
    %dot_general3A_1480 = tpu.matmul %slice3A_1478, %slice3A_1477, %dot_general3A_1479 {dimension_numbers = #tpu.dot_dimension_numbers<[1], [0], [0], [1], [0, 0, 1, 1], [], []>, transpose_lhs_hint = false} : vector<4x100xbf16>, vector<100x128xbf16>, vector<4x128xf32> -> vector<4x128xf32>
    %slice3A_1481 = vector.extract_strided_slice %convert_element_type3A_579 {offsets = [248, 0], sizes = [4, 100], strides = [1, 1]} : vector<512x100xbf16> to vector<4x100xbf16>
    %dot_general3A_1482 = arith.constant dense<0.000000e+00> : vector<4x128xf32>
    %dot_general3A_1483 = tpu.matmul %slice3A_1481, %slice3A_1477, %dot_general3A_1482 {dimension_numbers = #tpu.dot_dimension_numbers<[1], [0], [0], [1], [0, 0, 1, 1], [], []>, transpose_lhs_hint = false} : vector<4x100xbf16>, vector<100x128xbf16>, vector<4x128xf32> -> vector<4x128xf32>
    %add3A_1484 = arith.addf %dot_general3A_1480, %dot_general3A_1483 : vector<4x128xf32>
    %jit3A_1485 = arith.constant 0.000000e+00 : f32
    %broadcast_in_dim3A_1486 = vector.broadcast %jit3A_1485 : f32 to vector<4x128xf32>
    %select_n3A_1487 = arith.select %eq3A_608, %add3A_1484, %broadcast_in_dim3A_1486 : vector<4x128xi1>, vector<4x128xf32>
    %reduce_sum3A_1488 = arith.constant dense<0.000000e+00> : vector<128xf32>
    %reduce_sum3A_1489 = vector.multi_reduction <add>, %select_n3A_1487, %reduce_sum3A_1488 [0] : vector<4x128xf32> to vector<128xf32>
    %broadcast_in_dim3A_1490 = vector.shape_cast %reduce_sum3A_1489 : vector<128xf32> to vector<1x128xf32>
    %slice3A_1491 = vector.extract_strided_slice %get3A_1 {offsets = [0, 8064], sizes = [100, 128], strides = [1, 1]} : vector<100x16384xbf16> to vector<100x128xbf16>
    %slice3A_1492 = vector.extract_strided_slice %convert_element_type3A_576 {offsets = [252, 0], sizes = [4, 100], strides = [1, 1]} : vector<512x100xbf16> to vector<4x100xbf16>
    %dot_general3A_1493 = arith.constant dense<0.000000e+00> : vector<4x128xf32>
    %dot_general3A_1494 = tpu.matmul %slice3A_1492, %slice3A_1491, %dot_general3A_1493 {dimension_numbers = #tpu.dot_dimension_numbers<[1], [0], [0], [1], [0, 0, 1, 1], [], []>, transpose_lhs_hint = false} : vector<4x100xbf16>, vector<100x128xbf16>, vector<4x128xf32> -> vector<4x128xf32>
    %slice3A_1495 = vector.extract_strided_slice %convert_element_type3A_579 {offsets = [252, 0], sizes = [4, 100], strides = [1, 1]} : vector<512x100xbf16> to vector<4x100xbf16>
    %dot_general3A_1496 = arith.constant dense<0.000000e+00> : vector<4x128xf32>
    %dot_general3A_1497 = tpu.matmul %slice3A_1495, %slice3A_1491, %dot_general3A_1496 {dimension_numbers = #tpu.dot_dimension_numbers<[1], [0], [0], [1], [0, 0, 1, 1], [], []>, transpose_lhs_hint = false} : vector<4x100xbf16>, vector<100x128xbf16>, vector<4x128xf32> -> vector<4x128xf32>
    %add3A_1498 = arith.addf %dot_general3A_1494, %dot_general3A_1497 : vector<4x128xf32>
    %jit3A_1499 = arith.constant 0.000000e+00 : f32
    %broadcast_in_dim3A_1500 = vector.broadcast %jit3A_1499 : f32 to vector<4x128xf32>
    %select_n3A_1501 = arith.select %eq3A_608, %add3A_1498, %broadcast_in_dim3A_1500 : vector<4x128xi1>, vector<4x128xf32>
    %reduce_sum3A_1502 = arith.constant dense<0.000000e+00> : vector<128xf32>
    %reduce_sum3A_1503 = vector.multi_reduction <add>, %select_n3A_1501, %reduce_sum3A_1502 [0] : vector<4x128xf32> to vector<128xf32>
    %broadcast_in_dim3A_1504 = vector.shape_cast %reduce_sum3A_1503 : vector<128xf32> to vector<1x128xf32>
    %slice3A_1505 = vector.extract_strided_slice %get3A_1 {offsets = [0, 8192], sizes = [100, 128], strides = [1, 1]} : vector<100x16384xbf16> to vector<100x128xbf16>
    %slice3A_1506 = vector.extract_strided_slice %convert_element_type3A_576 {offsets = [256, 0], sizes = [4, 100], strides = [1, 1]} : vector<512x100xbf16> to vector<4x100xbf16>
    %dot_general3A_1507 = arith.constant dense<0.000000e+00> : vector<4x128xf32>
    %dot_general3A_1508 = tpu.matmul %slice3A_1506, %slice3A_1505, %dot_general3A_1507 {dimension_numbers = #tpu.dot_dimension_numbers<[1], [0], [0], [1], [0, 0, 1, 1], [], []>, transpose_lhs_hint = false} : vector<4x100xbf16>, vector<100x128xbf16>, vector<4x128xf32> -> vector<4x128xf32>
    %slice3A_1509 = vector.extract_strided_slice %convert_element_type3A_579 {offsets = [256, 0], sizes = [4, 100], strides = [1, 1]} : vector<512x100xbf16> to vector<4x100xbf16>
    %dot_general3A_1510 = arith.constant dense<0.000000e+00> : vector<4x128xf32>
    %dot_general3A_1511 = tpu.matmul %slice3A_1509, %slice3A_1505, %dot_general3A_1510 {dimension_numbers = #tpu.dot_dimension_numbers<[1], [0], [0], [1], [0, 0, 1, 1], [], []>, transpose_lhs_hint = false} : vector<4x100xbf16>, vector<100x128xbf16>, vector<4x128xf32> -> vector<4x128xf32>
    %add3A_1512 = arith.addf %dot_general3A_1508, %dot_general3A_1511 : vector<4x128xf32>
    %jit3A_1513 = arith.constant 0.000000e+00 : f32
    %broadcast_in_dim3A_1514 = vector.broadcast %jit3A_1513 : f32 to vector<4x128xf32>
    %select_n3A_1515 = arith.select %eq3A_608, %add3A_1512, %broadcast_in_dim3A_1514 : vector<4x128xi1>, vector<4x128xf32>
    %reduce_sum3A_1516 = arith.constant dense<0.000000e+00> : vector<128xf32>
    %reduce_sum3A_1517 = vector.multi_reduction <add>, %select_n3A_1515, %reduce_sum3A_1516 [0] : vector<4x128xf32> to vector<128xf32>
    %broadcast_in_dim3A_1518 = vector.shape_cast %reduce_sum3A_1517 : vector<128xf32> to vector<1x128xf32>
    %slice3A_1519 = vector.extract_strided_slice %get3A_1 {offsets = [0, 8320], sizes = [100, 128], strides = [1, 1]} : vector<100x16384xbf16> to vector<100x128xbf16>
    %slice3A_1520 = vector.extract_strided_slice %convert_element_type3A_576 {offsets = [260, 0], sizes = [4, 100], strides = [1, 1]} : vector<512x100xbf16> to vector<4x100xbf16>
    %dot_general3A_1521 = arith.constant dense<0.000000e+00> : vector<4x128xf32>
    %dot_general3A_1522 = tpu.matmul %slice3A_1520, %slice3A_1519, %dot_general3A_1521 {dimension_numbers = #tpu.dot_dimension_numbers<[1], [0], [0], [1], [0, 0, 1, 1], [], []>, transpose_lhs_hint = false} : vector<4x100xbf16>, vector<100x128xbf16>, vector<4x128xf32> -> vector<4x128xf32>
    %slice3A_1523 = vector.extract_strided_slice %convert_element_type3A_579 {offsets = [260, 0], sizes = [4, 100], strides = [1, 1]} : vector<512x100xbf16> to vector<4x100xbf16>
    %dot_general3A_1524 = arith.constant dense<0.000000e+00> : vector<4x128xf32>
    %dot_general3A_1525 = tpu.matmul %slice3A_1523, %slice3A_1519, %dot_general3A_1524 {dimension_numbers = #tpu.dot_dimension_numbers<[1], [0], [0], [1], [0, 0, 1, 1], [], []>, transpose_lhs_hint = false} : vector<4x100xbf16>, vector<100x128xbf16>, vector<4x128xf32> -> vector<4x128xf32>
    %add3A_1526 = arith.addf %dot_general3A_1522, %dot_general3A_1525 : vector<4x128xf32>
    %jit3A_1527 = arith.constant 0.000000e+00 : f32
    %broadcast_in_dim3A_1528 = vector.broadcast %jit3A_1527 : f32 to vector<4x128xf32>
    %select_n3A_1529 = arith.select %eq3A_608, %add3A_1526, %broadcast_in_dim3A_1528 : vector<4x128xi1>, vector<4x128xf32>
    %reduce_sum3A_1530 = arith.constant dense<0.000000e+00> : vector<128xf32>
    %reduce_sum3A_1531 = vector.multi_reduction <add>, %select_n3A_1529, %reduce_sum3A_1530 [0] : vector<4x128xf32> to vector<128xf32>
    %broadcast_in_dim3A_1532 = vector.shape_cast %reduce_sum3A_1531 : vector<128xf32> to vector<1x128xf32>
    %slice3A_1533 = vector.extract_strided_slice %get3A_1 {offsets = [0, 8448], sizes = [100, 128], strides = [1, 1]} : vector<100x16384xbf16> to vector<100x128xbf16>
    %slice3A_1534 = vector.extract_strided_slice %convert_element_type3A_576 {offsets = [264, 0], sizes = [4, 100], strides = [1, 1]} : vector<512x100xbf16> to vector<4x100xbf16>
    %dot_general3A_1535 = arith.constant dense<0.000000e+00> : vector<4x128xf32>
    %dot_general3A_1536 = tpu.matmul %slice3A_1534, %slice3A_1533, %dot_general3A_1535 {dimension_numbers = #tpu.dot_dimension_numbers<[1], [0], [0], [1], [0, 0, 1, 1], [], []>, transpose_lhs_hint = false} : vector<4x100xbf16>, vector<100x128xbf16>, vector<4x128xf32> -> vector<4x128xf32>
    %slice3A_1537 = vector.extract_strided_slice %convert_element_type3A_579 {offsets = [264, 0], sizes = [4, 100], strides = [1, 1]} : vector<512x100xbf16> to vector<4x100xbf16>
    %dot_general3A_1538 = arith.constant dense<0.000000e+00> : vector<4x128xf32>
    %dot_general3A_1539 = tpu.matmul %slice3A_1537, %slice3A_1533, %dot_general3A_1538 {dimension_numbers = #tpu.dot_dimension_numbers<[1], [0], [0], [1], [0, 0, 1, 1], [], []>, transpose_lhs_hint = false} : vector<4x100xbf16>, vector<100x128xbf16>, vector<4x128xf32> -> vector<4x128xf32>
    %add3A_1540 = arith.addf %dot_general3A_1536, %dot_general3A_1539 : vector<4x128xf32>
    %jit3A_1541 = arith.constant 0.000000e+00 : f32
    %broadcast_in_dim3A_1542 = vector.broadcast %jit3A_1541 : f32 to vector<4x128xf32>
    %select_n3A_1543 = arith.select %eq3A_608, %add3A_1540, %broadcast_in_dim3A_1542 : vector<4x128xi1>, vector<4x128xf32>
    %reduce_sum3A_1544 = arith.constant dense<0.000000e+00> : vector<128xf32>
    %reduce_sum3A_1545 = vector.multi_reduction <add>, %select_n3A_1543, %reduce_sum3A_1544 [0] : vector<4x128xf32> to vector<128xf32>
    %broadcast_in_dim3A_1546 = vector.shape_cast %reduce_sum3A_1545 : vector<128xf32> to vector<1x128xf32>
    %slice3A_1547 = vector.extract_strided_slice %get3A_1 {offsets = [0, 8576], sizes = [100, 128], strides = [1, 1]} : vector<100x16384xbf16> to vector<100x128xbf16>
    %slice3A_1548 = vector.extract_strided_slice %convert_element_type3A_576 {offsets = [268, 0], sizes = [4, 100], strides = [1, 1]} : vector<512x100xbf16> to vector<4x100xbf16>
    %dot_general3A_1549 = arith.constant dense<0.000000e+00> : vector<4x128xf32>
    %dot_general3A_1550 = tpu.matmul %slice3A_1548, %slice3A_1547, %dot_general3A_1549 {dimension_numbers = #tpu.dot_dimension_numbers<[1], [0], [0], [1], [0, 0, 1, 1], [], []>, transpose_lhs_hint = false} : vector<4x100xbf16>, vector<100x128xbf16>, vector<4x128xf32> -> vector<4x128xf32>
    %slice3A_1551 = vector.extract_strided_slice %convert_element_type3A_579 {offsets = [268, 0], sizes = [4, 100], strides = [1, 1]} : vector<512x100xbf16> to vector<4x100xbf16>
    %dot_general3A_1552 = arith.constant dense<0.000000e+00> : vector<4x128xf32>
    %dot_general3A_1553 = tpu.matmul %slice3A_1551, %slice3A_1547, %dot_general3A_1552 {dimension_numbers = #tpu.dot_dimension_numbers<[1], [0], [0], [1], [0, 0, 1, 1], [], []>, transpose_lhs_hint = false} : vector<4x100xbf16>, vector<100x128xbf16>, vector<4x128xf32> -> vector<4x128xf32>
    %add3A_1554 = arith.addf %dot_general3A_1550, %dot_general3A_1553 : vector<4x128xf32>
    %jit3A_1555 = arith.constant 0.000000e+00 : f32
    %broadcast_in_dim3A_1556 = vector.broadcast %jit3A_1555 : f32 to vector<4x128xf32>
    %select_n3A_1557 = arith.select %eq3A_608, %add3A_1554, %broadcast_in_dim3A_1556 : vector<4x128xi1>, vector<4x128xf32>
    %reduce_sum3A_1558 = arith.constant dense<0.000000e+00> : vector<128xf32>
    %reduce_sum3A_1559 = vector.multi_reduction <add>, %select_n3A_1557, %reduce_sum3A_1558 [0] : vector<4x128xf32> to vector<128xf32>
    %broadcast_in_dim3A_1560 = vector.shape_cast %reduce_sum3A_1559 : vector<128xf32> to vector<1x128xf32>
    %slice3A_1561 = vector.extract_strided_slice %get3A_1 {offsets = [0, 8704], sizes = [100, 128], strides = [1, 1]} : vector<100x16384xbf16> to vector<100x128xbf16>
    %slice3A_1562 = vector.extract_strided_slice %convert_element_type3A_576 {offsets = [272, 0], sizes = [4, 100], strides = [1, 1]} : vector<512x100xbf16> to vector<4x100xbf16>
    %dot_general3A_1563 = arith.constant dense<0.000000e+00> : vector<4x128xf32>
    %dot_general3A_1564 = tpu.matmul %slice3A_1562, %slice3A_1561, %dot_general3A_1563 {dimension_numbers = #tpu.dot_dimension_numbers<[1], [0], [0], [1], [0, 0, 1, 1], [], []>, transpose_lhs_hint = false} : vector<4x100xbf16>, vector<100x128xbf16>, vector<4x128xf32> -> vector<4x128xf32>
    %slice3A_1565 = vector.extract_strided_slice %convert_element_type3A_579 {offsets = [272, 0], sizes = [4, 100], strides = [1, 1]} : vector<512x100xbf16> to vector<4x100xbf16>
    %dot_general3A_1566 = arith.constant dense<0.000000e+00> : vector<4x128xf32>
    %dot_general3A_1567 = tpu.matmul %slice3A_1565, %slice3A_1561, %dot_general3A_1566 {dimension_numbers = #tpu.dot_dimension_numbers<[1], [0], [0], [1], [0, 0, 1, 1], [], []>, transpose_lhs_hint = false} : vector<4x100xbf16>, vector<100x128xbf16>, vector<4x128xf32> -> vector<4x128xf32>
    %add3A_1568 = arith.addf %dot_general3A_1564, %dot_general3A_1567 : vector<4x128xf32>
    %jit3A_1569 = arith.constant 0.000000e+00 : f32
    %broadcast_in_dim3A_1570 = vector.broadcast %jit3A_1569 : f32 to vector<4x128xf32>
    %select_n3A_1571 = arith.select %eq3A_608, %add3A_1568, %broadcast_in_dim3A_1570 : vector<4x128xi1>, vector<4x128xf32>
    %reduce_sum3A_1572 = arith.constant dense<0.000000e+00> : vector<128xf32>
    %reduce_sum3A_1573 = vector.multi_reduction <add>, %select_n3A_1571, %reduce_sum3A_1572 [0] : vector<4x128xf32> to vector<128xf32>
    %broadcast_in_dim3A_1574 = vector.shape_cast %reduce_sum3A_1573 : vector<128xf32> to vector<1x128xf32>
    %slice3A_1575 = vector.extract_strided_slice %get3A_1 {offsets = [0, 8832], sizes = [100, 128], strides = [1, 1]} : vector<100x16384xbf16> to vector<100x128xbf16>
    %slice3A_1576 = vector.extract_strided_slice %convert_element_type3A_576 {offsets = [276, 0], sizes = [4, 100], strides = [1, 1]} : vector<512x100xbf16> to vector<4x100xbf16>
    %dot_general3A_1577 = arith.constant dense<0.000000e+00> : vector<4x128xf32>
    %dot_general3A_1578 = tpu.matmul %slice3A_1576, %slice3A_1575, %dot_general3A_1577 {dimension_numbers = #tpu.dot_dimension_numbers<[1], [0], [0], [1], [0, 0, 1, 1], [], []>, transpose_lhs_hint = false} : vector<4x100xbf16>, vector<100x128xbf16>, vector<4x128xf32> -> vector<4x128xf32>
    %slice3A_1579 = vector.extract_strided_slice %convert_element_type3A_579 {offsets = [276, 0], sizes = [4, 100], strides = [1, 1]} : vector<512x100xbf16> to vector<4x100xbf16>
    %dot_general3A_1580 = arith.constant dense<0.000000e+00> : vector<4x128xf32>
    %dot_general3A_1581 = tpu.matmul %slice3A_1579, %slice3A_1575, %dot_general3A_1580 {dimension_numbers = #tpu.dot_dimension_numbers<[1], [0], [0], [1], [0, 0, 1, 1], [], []>, transpose_lhs_hint = false} : vector<4x100xbf16>, vector<100x128xbf16>, vector<4x128xf32> -> vector<4x128xf32>
    %add3A_1582 = arith.addf %dot_general3A_1578, %dot_general3A_1581 : vector<4x128xf32>
    %jit3A_1583 = arith.constant 0.000000e+00 : f32
    %broadcast_in_dim3A_1584 = vector.broadcast %jit3A_1583 : f32 to vector<4x128xf32>
    %select_n3A_1585 = arith.select %eq3A_608, %add3A_1582, %broadcast_in_dim3A_1584 : vector<4x128xi1>, vector<4x128xf32>
    %reduce_sum3A_1586 = arith.constant dense<0.000000e+00> : vector<128xf32>
    %reduce_sum3A_1587 = vector.multi_reduction <add>, %select_n3A_1585, %reduce_sum3A_1586 [0] : vector<4x128xf32> to vector<128xf32>
    %broadcast_in_dim3A_1588 = vector.shape_cast %reduce_sum3A_1587 : vector<128xf32> to vector<1x128xf32>
    %slice3A_1589 = vector.extract_strided_slice %get3A_1 {offsets = [0, 8960], sizes = [100, 128], strides = [1, 1]} : vector<100x16384xbf16> to vector<100x128xbf16>
    %slice3A_1590 = vector.extract_strided_slice %convert_element_type3A_576 {offsets = [280, 0], sizes = [4, 100], strides = [1, 1]} : vector<512x100xbf16> to vector<4x100xbf16>
    %dot_general3A_1591 = arith.constant dense<0.000000e+00> : vector<4x128xf32>
    %dot_general3A_1592 = tpu.matmul %slice3A_1590, %slice3A_1589, %dot_general3A_1591 {dimension_numbers = #tpu.dot_dimension_numbers<[1], [0], [0], [1], [0, 0, 1, 1], [], []>, transpose_lhs_hint = false} : vector<4x100xbf16>, vector<100x128xbf16>, vector<4x128xf32> -> vector<4x128xf32>
    %slice3A_1593 = vector.extract_strided_slice %convert_element_type3A_579 {offsets = [280, 0], sizes = [4, 100], strides = [1, 1]} : vector<512x100xbf16> to vector<4x100xbf16>
    %dot_general3A_1594 = arith.constant dense<0.000000e+00> : vector<4x128xf32>
    %dot_general3A_1595 = tpu.matmul %slice3A_1593, %slice3A_1589, %dot_general3A_1594 {dimension_numbers = #tpu.dot_dimension_numbers<[1], [0], [0], [1], [0, 0, 1, 1], [], []>, transpose_lhs_hint = false} : vector<4x100xbf16>, vector<100x128xbf16>, vector<4x128xf32> -> vector<4x128xf32>
    %add3A_1596 = arith.addf %dot_general3A_1592, %dot_general3A_1595 : vector<4x128xf32>
    %jit3A_1597 = arith.constant 0.000000e+00 : f32
    %broadcast_in_dim3A_1598 = vector.broadcast %jit3A_1597 : f32 to vector<4x128xf32>
    %select_n3A_1599 = arith.select %eq3A_608, %add3A_1596, %broadcast_in_dim3A_1598 : vector<4x128xi1>, vector<4x128xf32>
    %reduce_sum3A_1600 = arith.constant dense<0.000000e+00> : vector<128xf32>
    %reduce_sum3A_1601 = vector.multi_reduction <add>, %select_n3A_1599, %reduce_sum3A_1600 [0] : vector<4x128xf32> to vector<128xf32>
    %broadcast_in_dim3A_1602 = vector.shape_cast %reduce_sum3A_1601 : vector<128xf32> to vector<1x128xf32>
    %slice3A_1603 = vector.extract_strided_slice %get3A_1 {offsets = [0, 9088], sizes = [100, 128], strides = [1, 1]} : vector<100x16384xbf16> to vector<100x128xbf16>
    %slice3A_1604 = vector.extract_strided_slice %convert_element_type3A_576 {offsets = [284, 0], sizes = [4, 100], strides = [1, 1]} : vector<512x100xbf16> to vector<4x100xbf16>
    %dot_general3A_1605 = arith.constant dense<0.000000e+00> : vector<4x128xf32>
    %dot_general3A_1606 = tpu.matmul %slice3A_1604, %slice3A_1603, %dot_general3A_1605 {dimension_numbers = #tpu.dot_dimension_numbers<[1], [0], [0], [1], [0, 0, 1, 1], [], []>, transpose_lhs_hint = false} : vector<4x100xbf16>, vector<100x128xbf16>, vector<4x128xf32> -> vector<4x128xf32>
    %slice3A_1607 = vector.extract_strided_slice %convert_element_type3A_579 {offsets = [284, 0], sizes = [4, 100], strides = [1, 1]} : vector<512x100xbf16> to vector<4x100xbf16>
    %dot_general3A_1608 = arith.constant dense<0.000000e+00> : vector<4x128xf32>
    %dot_general3A_1609 = tpu.matmul %slice3A_1607, %slice3A_1603, %dot_general3A_1608 {dimension_numbers = #tpu.dot_dimension_numbers<[1], [0], [0], [1], [0, 0, 1, 1], [], []>, transpose_lhs_hint = false} : vector<4x100xbf16>, vector<100x128xbf16>, vector<4x128xf32> -> vector<4x128xf32>
    %add3A_1610 = arith.addf %dot_general3A_1606, %dot_general3A_1609 : vector<4x128xf32>
    %jit3A_1611 = arith.constant 0.000000e+00 : f32
    %broadcast_in_dim3A_1612 = vector.broadcast %jit3A_1611 : f32 to vector<4x128xf32>
    %select_n3A_1613 = arith.select %eq3A_608, %add3A_1610, %broadcast_in_dim3A_1612 : vector<4x128xi1>, vector<4x128xf32>
    %reduce_sum3A_1614 = arith.constant dense<0.000000e+00> : vector<128xf32>
    %reduce_sum3A_1615 = vector.multi_reduction <add>, %select_n3A_1613, %reduce_sum3A_1614 [0] : vector<4x128xf32> to vector<128xf32>
    %broadcast_in_dim3A_1616 = vector.shape_cast %reduce_sum3A_1615 : vector<128xf32> to vector<1x128xf32>
    %slice3A_1617 = vector.extract_strided_slice %get3A_1 {offsets = [0, 9216], sizes = [100, 128], strides = [1, 1]} : vector<100x16384xbf16> to vector<100x128xbf16>
    %slice3A_1618 = vector.extract_strided_slice %convert_element_type3A_576 {offsets = [288, 0], sizes = [4, 100], strides = [1, 1]} : vector<512x100xbf16> to vector<4x100xbf16>
    %dot_general3A_1619 = arith.constant dense<0.000000e+00> : vector<4x128xf32>
    %dot_general3A_1620 = tpu.matmul %slice3A_1618, %slice3A_1617, %dot_general3A_1619 {dimension_numbers = #tpu.dot_dimension_numbers<[1], [0], [0], [1], [0, 0, 1, 1], [], []>, transpose_lhs_hint = false} : vector<4x100xbf16>, vector<100x128xbf16>, vector<4x128xf32> -> vector<4x128xf32>
    %slice3A_1621 = vector.extract_strided_slice %convert_element_type3A_579 {offsets = [288, 0], sizes = [4, 100], strides = [1, 1]} : vector<512x100xbf16> to vector<4x100xbf16>
    %dot_general3A_1622 = arith.constant dense<0.000000e+00> : vector<4x128xf32>
    %dot_general3A_1623 = tpu.matmul %slice3A_1621, %slice3A_1617, %dot_general3A_1622 {dimension_numbers = #tpu.dot_dimension_numbers<[1], [0], [0], [1], [0, 0, 1, 1], [], []>, transpose_lhs_hint = false} : vector<4x100xbf16>, vector<100x128xbf16>, vector<4x128xf32> -> vector<4x128xf32>
    %add3A_1624 = arith.addf %dot_general3A_1620, %dot_general3A_1623 : vector<4x128xf32>
    %jit3A_1625 = arith.constant 0.000000e+00 : f32
    %broadcast_in_dim3A_1626 = vector.broadcast %jit3A_1625 : f32 to vector<4x128xf32>
    %select_n3A_1627 = arith.select %eq3A_608, %add3A_1624, %broadcast_in_dim3A_1626 : vector<4x128xi1>, vector<4x128xf32>
    %reduce_sum3A_1628 = arith.constant dense<0.000000e+00> : vector<128xf32>
    %reduce_sum3A_1629 = vector.multi_reduction <add>, %select_n3A_1627, %reduce_sum3A_1628 [0] : vector<4x128xf32> to vector<128xf32>
    %broadcast_in_dim3A_1630 = vector.shape_cast %reduce_sum3A_1629 : vector<128xf32> to vector<1x128xf32>
    %slice3A_1631 = vector.extract_strided_slice %get3A_1 {offsets = [0, 9344], sizes = [100, 128], strides = [1, 1]} : vector<100x16384xbf16> to vector<100x128xbf16>
    %slice3A_1632 = vector.extract_strided_slice %convert_element_type3A_576 {offsets = [292, 0], sizes = [4, 100], strides = [1, 1]} : vector<512x100xbf16> to vector<4x100xbf16>
    %dot_general3A_1633 = arith.constant dense<0.000000e+00> : vector<4x128xf32>
    %dot_general3A_1634 = tpu.matmul %slice3A_1632, %slice3A_1631, %dot_general3A_1633 {dimension_numbers = #tpu.dot_dimension_numbers<[1], [0], [0], [1], [0, 0, 1, 1], [], []>, transpose_lhs_hint = false} : vector<4x100xbf16>, vector<100x128xbf16>, vector<4x128xf32> -> vector<4x128xf32>
    %slice3A_1635 = vector.extract_strided_slice %convert_element_type3A_579 {offsets = [292, 0], sizes = [4, 100], strides = [1, 1]} : vector<512x100xbf16> to vector<4x100xbf16>
    %dot_general3A_1636 = arith.constant dense<0.000000e+00> : vector<4x128xf32>
    %dot_general3A_1637 = tpu.matmul %slice3A_1635, %slice3A_1631, %dot_general3A_1636 {dimension_numbers = #tpu.dot_dimension_numbers<[1], [0], [0], [1], [0, 0, 1, 1], [], []>, transpose_lhs_hint = false} : vector<4x100xbf16>, vector<100x128xbf16>, vector<4x128xf32> -> vector<4x128xf32>
    %add3A_1638 = arith.addf %dot_general3A_1634, %dot_general3A_1637 : vector<4x128xf32>
    %jit3A_1639 = arith.constant 0.000000e+00 : f32
    %broadcast_in_dim3A_1640 = vector.broadcast %jit3A_1639 : f32 to vector<4x128xf32>
    %select_n3A_1641 = arith.select %eq3A_608, %add3A_1638, %broadcast_in_dim3A_1640 : vector<4x128xi1>, vector<4x128xf32>
    %reduce_sum3A_1642 = arith.constant dense<0.000000e+00> : vector<128xf32>
    %reduce_sum3A_1643 = vector.multi_reduction <add>, %select_n3A_1641, %reduce_sum3A_1642 [0] : vector<4x128xf32> to vector<128xf32>
    %broadcast_in_dim3A_1644 = vector.shape_cast %reduce_sum3A_1643 : vector<128xf32> to vector<1x128xf32>
    %slice3A_1645 = vector.extract_strided_slice %get3A_1 {offsets = [0, 9472], sizes = [100, 128], strides = [1, 1]} : vector<100x16384xbf16> to vector<100x128xbf16>
    %slice3A_1646 = vector.extract_strided_slice %convert_element_type3A_576 {offsets = [296, 0], sizes = [4, 100], strides = [1, 1]} : vector<512x100xbf16> to vector<4x100xbf16>
    %dot_general3A_1647 = arith.constant dense<0.000000e+00> : vector<4x128xf32>
    %dot_general3A_1648 = tpu.matmul %slice3A_1646, %slice3A_1645, %dot_general3A_1647 {dimension_numbers = #tpu.dot_dimension_numbers<[1], [0], [0], [1], [0, 0, 1, 1], [], []>, transpose_lhs_hint = false} : vector<4x100xbf16>, vector<100x128xbf16>, vector<4x128xf32> -> vector<4x128xf32>
    %slice3A_1649 = vector.extract_strided_slice %convert_element_type3A_579 {offsets = [296, 0], sizes = [4, 100], strides = [1, 1]} : vector<512x100xbf16> to vector<4x100xbf16>
    %dot_general3A_1650 = arith.constant dense<0.000000e+00> : vector<4x128xf32>
    %dot_general3A_1651 = tpu.matmul %slice3A_1649, %slice3A_1645, %dot_general3A_1650 {dimension_numbers = #tpu.dot_dimension_numbers<[1], [0], [0], [1], [0, 0, 1, 1], [], []>, transpose_lhs_hint = false} : vector<4x100xbf16>, vector<100x128xbf16>, vector<4x128xf32> -> vector<4x128xf32>
    %add3A_1652 = arith.addf %dot_general3A_1648, %dot_general3A_1651 : vector<4x128xf32>
    %jit3A_1653 = arith.constant 0.000000e+00 : f32
    %broadcast_in_dim3A_1654 = vector.broadcast %jit3A_1653 : f32 to vector<4x128xf32>
    %select_n3A_1655 = arith.select %eq3A_608, %add3A_1652, %broadcast_in_dim3A_1654 : vector<4x128xi1>, vector<4x128xf32>
    %reduce_sum3A_1656 = arith.constant dense<0.000000e+00> : vector<128xf32>
    %reduce_sum3A_1657 = vector.multi_reduction <add>, %select_n3A_1655, %reduce_sum3A_1656 [0] : vector<4x128xf32> to vector<128xf32>
    %broadcast_in_dim3A_1658 = vector.shape_cast %reduce_sum3A_1657 : vector<128xf32> to vector<1x128xf32>
    %slice3A_1659 = vector.extract_strided_slice %get3A_1 {offsets = [0, 9600], sizes = [100, 128], strides = [1, 1]} : vector<100x16384xbf16> to vector<100x128xbf16>
    %slice3A_1660 = vector.extract_strided_slice %convert_element_type3A_576 {offsets = [300, 0], sizes = [4, 100], strides = [1, 1]} : vector<512x100xbf16> to vector<4x100xbf16>
    %dot_general3A_1661 = arith.constant dense<0.000000e+00> : vector<4x128xf32>
    %dot_general3A_1662 = tpu.matmul %slice3A_1660, %slice3A_1659, %dot_general3A_1661 {dimension_numbers = #tpu.dot_dimension_numbers<[1], [0], [0], [1], [0, 0, 1, 1], [], []>, transpose_lhs_hint = false} : vector<4x100xbf16>, vector<100x128xbf16>, vector<4x128xf32> -> vector<4x128xf32>
    %slice3A_1663 = vector.extract_strided_slice %convert_element_type3A_579 {offsets = [300, 0], sizes = [4, 100], strides = [1, 1]} : vector<512x100xbf16> to vector<4x100xbf16>
    %dot_general3A_1664 = arith.constant dense<0.000000e+00> : vector<4x128xf32>
    %dot_general3A_1665 = tpu.matmul %slice3A_1663, %slice3A_1659, %dot_general3A_1664 {dimension_numbers = #tpu.dot_dimension_numbers<[1], [0], [0], [1], [0, 0, 1, 1], [], []>, transpose_lhs_hint = false} : vector<4x100xbf16>, vector<100x128xbf16>, vector<4x128xf32> -> vector<4x128xf32>
    %add3A_1666 = arith.addf %dot_general3A_1662, %dot_general3A_1665 : vector<4x128xf32>
    %jit3A_1667 = arith.constant 0.000000e+00 : f32
    %broadcast_in_dim3A_1668 = vector.broadcast %jit3A_1667 : f32 to vector<4x128xf32>
    %select_n3A_1669 = arith.select %eq3A_608, %add3A_1666, %broadcast_in_dim3A_1668 : vector<4x128xi1>, vector<4x128xf32>
    %reduce_sum3A_1670 = arith.constant dense<0.000000e+00> : vector<128xf32>
    %reduce_sum3A_1671 = vector.multi_reduction <add>, %select_n3A_1669, %reduce_sum3A_1670 [0] : vector<4x128xf32> to vector<128xf32>
    %broadcast_in_dim3A_1672 = vector.shape_cast %reduce_sum3A_1671 : vector<128xf32> to vector<1x128xf32>
    %slice3A_1673 = vector.extract_strided_slice %get3A_1 {offsets = [0, 9728], sizes = [100, 128], strides = [1, 1]} : vector<100x16384xbf16> to vector<100x128xbf16>
    %slice3A_1674 = vector.extract_strided_slice %convert_element_type3A_576 {offsets = [304, 0], sizes = [4, 100], strides = [1, 1]} : vector<512x100xbf16> to vector<4x100xbf16>
    %dot_general3A_1675 = arith.constant dense<0.000000e+00> : vector<4x128xf32>
    %dot_general3A_1676 = tpu.matmul %slice3A_1674, %slice3A_1673, %dot_general3A_1675 {dimension_numbers = #tpu.dot_dimension_numbers<[1], [0], [0], [1], [0, 0, 1, 1], [], []>, transpose_lhs_hint = false} : vector<4x100xbf16>, vector<100x128xbf16>, vector<4x128xf32> -> vector<4x128xf32>
    %slice3A_1677 = vector.extract_strided_slice %convert_element_type3A_579 {offsets = [304, 0], sizes = [4, 100], strides = [1, 1]} : vector<512x100xbf16> to vector<4x100xbf16>
    %dot_general3A_1678 = arith.constant dense<0.000000e+00> : vector<4x128xf32>
    %dot_general3A_1679 = tpu.matmul %slice3A_1677, %slice3A_1673, %dot_general3A_1678 {dimension_numbers = #tpu.dot_dimension_numbers<[1], [0], [0], [1], [0, 0, 1, 1], [], []>, transpose_lhs_hint = false} : vector<4x100xbf16>, vector<100x128xbf16>, vector<4x128xf32> -> vector<4x128xf32>
    %add3A_1680 = arith.addf %dot_general3A_1676, %dot_general3A_1679 : vector<4x128xf32>
    %jit3A_1681 = arith.constant 0.000000e+00 : f32
    %broadcast_in_dim3A_1682 = vector.broadcast %jit3A_1681 : f32 to vector<4x128xf32>
    %select_n3A_1683 = arith.select %eq3A_608, %add3A_1680, %broadcast_in_dim3A_1682 : vector<4x128xi1>, vector<4x128xf32>
    %reduce_sum3A_1684 = arith.constant dense<0.000000e+00> : vector<128xf32>
    %reduce_sum3A_1685 = vector.multi_reduction <add>, %select_n3A_1683, %reduce_sum3A_1684 [0] : vector<4x128xf32> to vector<128xf32>
    %broadcast_in_dim3A_1686 = vector.shape_cast %reduce_sum3A_1685 : vector<128xf32> to vector<1x128xf32>
    %slice3A_1687 = vector.extract_strided_slice %get3A_1 {offsets = [0, 9856], sizes = [100, 128], strides = [1, 1]} : vector<100x16384xbf16> to vector<100x128xbf16>
    %slice3A_1688 = vector.extract_strided_slice %convert_element_type3A_576 {offsets = [308, 0], sizes = [4, 100], strides = [1, 1]} : vector<512x100xbf16> to vector<4x100xbf16>
    %dot_general3A_1689 = arith.constant dense<0.000000e+00> : vector<4x128xf32>
    %dot_general3A_1690 = tpu.matmul %slice3A_1688, %slice3A_1687, %dot_general3A_1689 {dimension_numbers = #tpu.dot_dimension_numbers<[1], [0], [0], [1], [0, 0, 1, 1], [], []>, transpose_lhs_hint = false} : vector<4x100xbf16>, vector<100x128xbf16>, vector<4x128xf32> -> vector<4x128xf32>
    %slice3A_1691 = vector.extract_strided_slice %convert_element_type3A_579 {offsets = [308, 0], sizes = [4, 100], strides = [1, 1]} : vector<512x100xbf16> to vector<4x100xbf16>
    %dot_general3A_1692 = arith.constant dense<0.000000e+00> : vector<4x128xf32>
    %dot_general3A_1693 = tpu.matmul %slice3A_1691, %slice3A_1687, %dot_general3A_1692 {dimension_numbers = #tpu.dot_dimension_numbers<[1], [0], [0], [1], [0, 0, 1, 1], [], []>, transpose_lhs_hint = false} : vector<4x100xbf16>, vector<100x128xbf16>, vector<4x128xf32> -> vector<4x128xf32>
    %add3A_1694 = arith.addf %dot_general3A_1690, %dot_general3A_1693 : vector<4x128xf32>
    %jit3A_1695 = arith.constant 0.000000e+00 : f32
    %broadcast_in_dim3A_1696 = vector.broadcast %jit3A_1695 : f32 to vector<4x128xf32>
    %select_n3A_1697 = arith.select %eq3A_608, %add3A_1694, %broadcast_in_dim3A_1696 : vector<4x128xi1>, vector<4x128xf32>
    %reduce_sum3A_1698 = arith.constant dense<0.000000e+00> : vector<128xf32>
    %reduce_sum3A_1699 = vector.multi_reduction <add>, %select_n3A_1697, %reduce_sum3A_1698 [0] : vector<4x128xf32> to vector<128xf32>
    %broadcast_in_dim3A_1700 = vector.shape_cast %reduce_sum3A_1699 : vector<128xf32> to vector<1x128xf32>
    %slice3A_1701 = vector.extract_strided_slice %get3A_1 {offsets = [0, 9984], sizes = [100, 128], strides = [1, 1]} : vector<100x16384xbf16> to vector<100x128xbf16>
    %slice3A_1702 = vector.extract_strided_slice %convert_element_type3A_576 {offsets = [312, 0], sizes = [4, 100], strides = [1, 1]} : vector<512x100xbf16> to vector<4x100xbf16>
    %dot_general3A_1703 = arith.constant dense<0.000000e+00> : vector<4x128xf32>
    %dot_general3A_1704 = tpu.matmul %slice3A_1702, %slice3A_1701, %dot_general3A_1703 {dimension_numbers = #tpu.dot_dimension_numbers<[1], [0], [0], [1], [0, 0, 1, 1], [], []>, transpose_lhs_hint = false} : vector<4x100xbf16>, vector<100x128xbf16>, vector<4x128xf32> -> vector<4x128xf32>
    %slice3A_1705 = vector.extract_strided_slice %convert_element_type3A_579 {offsets = [312, 0], sizes = [4, 100], strides = [1, 1]} : vector<512x100xbf16> to vector<4x100xbf16>
    %dot_general3A_1706 = arith.constant dense<0.000000e+00> : vector<4x128xf32>
    %dot_general3A_1707 = tpu.matmul %slice3A_1705, %slice3A_1701, %dot_general3A_1706 {dimension_numbers = #tpu.dot_dimension_numbers<[1], [0], [0], [1], [0, 0, 1, 1], [], []>, transpose_lhs_hint = false} : vector<4x100xbf16>, vector<100x128xbf16>, vector<4x128xf32> -> vector<4x128xf32>
    %add3A_1708 = arith.addf %dot_general3A_1704, %dot_general3A_1707 : vector<4x128xf32>
    %jit3A_1709 = arith.constant 0.000000e+00 : f32
    %broadcast_in_dim3A_1710 = vector.broadcast %jit3A_1709 : f32 to vector<4x128xf32>
    %select_n3A_1711 = arith.select %eq3A_608, %add3A_1708, %broadcast_in_dim3A_1710 : vector<4x128xi1>, vector<4x128xf32>
    %reduce_sum3A_1712 = arith.constant dense<0.000000e+00> : vector<128xf32>
    %reduce_sum3A_1713 = vector.multi_reduction <add>, %select_n3A_1711, %reduce_sum3A_1712 [0] : vector<4x128xf32> to vector<128xf32>
    %broadcast_in_dim3A_1714 = vector.shape_cast %reduce_sum3A_1713 : vector<128xf32> to vector<1x128xf32>
    %slice3A_1715 = vector.extract_strided_slice %get3A_1 {offsets = [0, 10112], sizes = [100, 128], strides = [1, 1]} : vector<100x16384xbf16> to vector<100x128xbf16>
    %slice3A_1716 = vector.extract_strided_slice %convert_element_type3A_576 {offsets = [316, 0], sizes = [4, 100], strides = [1, 1]} : vector<512x100xbf16> to vector<4x100xbf16>
    %dot_general3A_1717 = arith.constant dense<0.000000e+00> : vector<4x128xf32>
    %dot_general3A_1718 = tpu.matmul %slice3A_1716, %slice3A_1715, %dot_general3A_1717 {dimension_numbers = #tpu.dot_dimension_numbers<[1], [0], [0], [1], [0, 0, 1, 1], [], []>, transpose_lhs_hint = false} : vector<4x100xbf16>, vector<100x128xbf16>, vector<4x128xf32> -> vector<4x128xf32>
    %slice3A_1719 = vector.extract_strided_slice %convert_element_type3A_579 {offsets = [316, 0], sizes = [4, 100], strides = [1, 1]} : vector<512x100xbf16> to vector<4x100xbf16>
    %dot_general3A_1720 = arith.constant dense<0.000000e+00> : vector<4x128xf32>
    %dot_general3A_1721 = tpu.matmul %slice3A_1719, %slice3A_1715, %dot_general3A_1720 {dimension_numbers = #tpu.dot_dimension_numbers<[1], [0], [0], [1], [0, 0, 1, 1], [], []>, transpose_lhs_hint = false} : vector<4x100xbf16>, vector<100x128xbf16>, vector<4x128xf32> -> vector<4x128xf32>
    %add3A_1722 = arith.addf %dot_general3A_1718, %dot_general3A_1721 : vector<4x128xf32>
    %jit3A_1723 = arith.constant 0.000000e+00 : f32
    %broadcast_in_dim3A_1724 = vector.broadcast %jit3A_1723 : f32 to vector<4x128xf32>
    %select_n3A_1725 = arith.select %eq3A_608, %add3A_1722, %broadcast_in_dim3A_1724 : vector<4x128xi1>, vector<4x128xf32>
    %reduce_sum3A_1726 = arith.constant dense<0.000000e+00> : vector<128xf32>
    %reduce_sum3A_1727 = vector.multi_reduction <add>, %select_n3A_1725, %reduce_sum3A_1726 [0] : vector<4x128xf32> to vector<128xf32>
    %broadcast_in_dim3A_1728 = vector.shape_cast %reduce_sum3A_1727 : vector<128xf32> to vector<1x128xf32>
    %slice3A_1729 = vector.extract_strided_slice %get3A_1 {offsets = [0, 10240], sizes = [100, 128], strides = [1, 1]} : vector<100x16384xbf16> to vector<100x128xbf16>
    %slice3A_1730 = vector.extract_strided_slice %convert_element_type3A_576 {offsets = [320, 0], sizes = [4, 100], strides = [1, 1]} : vector<512x100xbf16> to vector<4x100xbf16>
    %dot_general3A_1731 = arith.constant dense<0.000000e+00> : vector<4x128xf32>
    %dot_general3A_1732 = tpu.matmul %slice3A_1730, %slice3A_1729, %dot_general3A_1731 {dimension_numbers = #tpu.dot_dimension_numbers<[1], [0], [0], [1], [0, 0, 1, 1], [], []>, transpose_lhs_hint = false} : vector<4x100xbf16>, vector<100x128xbf16>, vector<4x128xf32> -> vector<4x128xf32>
    %slice3A_1733 = vector.extract_strided_slice %convert_element_type3A_579 {offsets = [320, 0], sizes = [4, 100], strides = [1, 1]} : vector<512x100xbf16> to vector<4x100xbf16>
    %dot_general3A_1734 = arith.constant dense<0.000000e+00> : vector<4x128xf32>
    %dot_general3A_1735 = tpu.matmul %slice3A_1733, %slice3A_1729, %dot_general3A_1734 {dimension_numbers = #tpu.dot_dimension_numbers<[1], [0], [0], [1], [0, 0, 1, 1], [], []>, transpose_lhs_hint = false} : vector<4x100xbf16>, vector<100x128xbf16>, vector<4x128xf32> -> vector<4x128xf32>
    %add3A_1736 = arith.addf %dot_general3A_1732, %dot_general3A_1735 : vector<4x128xf32>
    %jit3A_1737 = arith.constant 0.000000e+00 : f32
    %broadcast_in_dim3A_1738 = vector.broadcast %jit3A_1737 : f32 to vector<4x128xf32>
    %select_n3A_1739 = arith.select %eq3A_608, %add3A_1736, %broadcast_in_dim3A_1738 : vector<4x128xi1>, vector<4x128xf32>
    %reduce_sum3A_1740 = arith.constant dense<0.000000e+00> : vector<128xf32>
    %reduce_sum3A_1741 = vector.multi_reduction <add>, %select_n3A_1739, %reduce_sum3A_1740 [0] : vector<4x128xf32> to vector<128xf32>
    %broadcast_in_dim3A_1742 = vector.shape_cast %reduce_sum3A_1741 : vector<128xf32> to vector<1x128xf32>
    %slice3A_1743 = vector.extract_strided_slice %get3A_1 {offsets = [0, 10368], sizes = [100, 128], strides = [1, 1]} : vector<100x16384xbf16> to vector<100x128xbf16>
    %slice3A_1744 = vector.extract_strided_slice %convert_element_type3A_576 {offsets = [324, 0], sizes = [4, 100], strides = [1, 1]} : vector<512x100xbf16> to vector<4x100xbf16>
    %dot_general3A_1745 = arith.constant dense<0.000000e+00> : vector<4x128xf32>
    %dot_general3A_1746 = tpu.matmul %slice3A_1744, %slice3A_1743, %dot_general3A_1745 {dimension_numbers = #tpu.dot_dimension_numbers<[1], [0], [0], [1], [0, 0, 1, 1], [], []>, transpose_lhs_hint = false} : vector<4x100xbf16>, vector<100x128xbf16>, vector<4x128xf32> -> vector<4x128xf32>
    %slice3A_1747 = vector.extract_strided_slice %convert_element_type3A_579 {offsets = [324, 0], sizes = [4, 100], strides = [1, 1]} : vector<512x100xbf16> to vector<4x100xbf16>
    %dot_general3A_1748 = arith.constant dense<0.000000e+00> : vector<4x128xf32>
    %dot_general3A_1749 = tpu.matmul %slice3A_1747, %slice3A_1743, %dot_general3A_1748 {dimension_numbers = #tpu.dot_dimension_numbers<[1], [0], [0], [1], [0, 0, 1, 1], [], []>, transpose_lhs_hint = false} : vector<4x100xbf16>, vector<100x128xbf16>, vector<4x128xf32> -> vector<4x128xf32>
    %add3A_1750 = arith.addf %dot_general3A_1746, %dot_general3A_1749 : vector<4x128xf32>
    %jit3A_1751 = arith.constant 0.000000e+00 : f32
    %broadcast_in_dim3A_1752 = vector.broadcast %jit3A_1751 : f32 to vector<4x128xf32>
    %select_n3A_1753 = arith.select %eq3A_608, %add3A_1750, %broadcast_in_dim3A_1752 : vector<4x128xi1>, vector<4x128xf32>
    %reduce_sum3A_1754 = arith.constant dense<0.000000e+00> : vector<128xf32>
    %reduce_sum3A_1755 = vector.multi_reduction <add>, %select_n3A_1753, %reduce_sum3A_1754 [0] : vector<4x128xf32> to vector<128xf32>
    %broadcast_in_dim3A_1756 = vector.shape_cast %reduce_sum3A_1755 : vector<128xf32> to vector<1x128xf32>
    %slice3A_1757 = vector.extract_strided_slice %get3A_1 {offsets = [0, 10496], sizes = [100, 128], strides = [1, 1]} : vector<100x16384xbf16> to vector<100x128xbf16>
    %slice3A_1758 = vector.extract_strided_slice %convert_element_type3A_576 {offsets = [328, 0], sizes = [4, 100], strides = [1, 1]} : vector<512x100xbf16> to vector<4x100xbf16>
    %dot_general3A_1759 = arith.constant dense<0.000000e+00> : vector<4x128xf32>
    %dot_general3A_1760 = tpu.matmul %slice3A_1758, %slice3A_1757, %dot_general3A_1759 {dimension_numbers = #tpu.dot_dimension_numbers<[1], [0], [0], [1], [0, 0, 1, 1], [], []>, transpose_lhs_hint = false} : vector<4x100xbf16>, vector<100x128xbf16>, vector<4x128xf32> -> vector<4x128xf32>
    %slice3A_1761 = vector.extract_strided_slice %convert_element_type3A_579 {offsets = [328, 0], sizes = [4, 100], strides = [1, 1]} : vector<512x100xbf16> to vector<4x100xbf16>
    %dot_general3A_1762 = arith.constant dense<0.000000e+00> : vector<4x128xf32>
    %dot_general3A_1763 = tpu.matmul %slice3A_1761, %slice3A_1757, %dot_general3A_1762 {dimension_numbers = #tpu.dot_dimension_numbers<[1], [0], [0], [1], [0, 0, 1, 1], [], []>, transpose_lhs_hint = false} : vector<4x100xbf16>, vector<100x128xbf16>, vector<4x128xf32> -> vector<4x128xf32>
    %add3A_1764 = arith.addf %dot_general3A_1760, %dot_general3A_1763 : vector<4x128xf32>
    %jit3A_1765 = arith.constant 0.000000e+00 : f32
    %broadcast_in_dim3A_1766 = vector.broadcast %jit3A_1765 : f32 to vector<4x128xf32>
    %select_n3A_1767 = arith.select %eq3A_608, %add3A_1764, %broadcast_in_dim3A_1766 : vector<4x128xi1>, vector<4x128xf32>
    %reduce_sum3A_1768 = arith.constant dense<0.000000e+00> : vector<128xf32>
    %reduce_sum3A_1769 = vector.multi_reduction <add>, %select_n3A_1767, %reduce_sum3A_1768 [0] : vector<4x128xf32> to vector<128xf32>
    %broadcast_in_dim3A_1770 = vector.shape_cast %reduce_sum3A_1769 : vector<128xf32> to vector<1x128xf32>
    %slice3A_1771 = vector.extract_strided_slice %get3A_1 {offsets = [0, 10624], sizes = [100, 128], strides = [1, 1]} : vector<100x16384xbf16> to vector<100x128xbf16>
    %slice3A_1772 = vector.extract_strided_slice %convert_element_type3A_576 {offsets = [332, 0], sizes = [4, 100], strides = [1, 1]} : vector<512x100xbf16> to vector<4x100xbf16>
    %dot_general3A_1773 = arith.constant dense<0.000000e+00> : vector<4x128xf32>
    %dot_general3A_1774 = tpu.matmul %slice3A_1772, %slice3A_1771, %dot_general3A_1773 {dimension_numbers = #tpu.dot_dimension_numbers<[1], [0], [0], [1], [0, 0, 1, 1], [], []>, transpose_lhs_hint = false} : vector<4x100xbf16>, vector<100x128xbf16>, vector<4x128xf32> -> vector<4x128xf32>
    %slice3A_1775 = vector.extract_strided_slice %convert_element_type3A_579 {offsets = [332, 0], sizes = [4, 100], strides = [1, 1]} : vector<512x100xbf16> to vector<4x100xbf16>
    %dot_general3A_1776 = arith.constant dense<0.000000e+00> : vector<4x128xf32>
    %dot_general3A_1777 = tpu.matmul %slice3A_1775, %slice3A_1771, %dot_general3A_1776 {dimension_numbers = #tpu.dot_dimension_numbers<[1], [0], [0], [1], [0, 0, 1, 1], [], []>, transpose_lhs_hint = false} : vector<4x100xbf16>, vector<100x128xbf16>, vector<4x128xf32> -> vector<4x128xf32>
    %add3A_1778 = arith.addf %dot_general3A_1774, %dot_general3A_1777 : vector<4x128xf32>
    %jit3A_1779 = arith.constant 0.000000e+00 : f32
    %broadcast_in_dim3A_1780 = vector.broadcast %jit3A_1779 : f32 to vector<4x128xf32>
    %select_n3A_1781 = arith.select %eq3A_608, %add3A_1778, %broadcast_in_dim3A_1780 : vector<4x128xi1>, vector<4x128xf32>
    %reduce_sum3A_1782 = arith.constant dense<0.000000e+00> : vector<128xf32>
    %reduce_sum3A_1783 = vector.multi_reduction <add>, %select_n3A_1781, %reduce_sum3A_1782 [0] : vector<4x128xf32> to vector<128xf32>
    %broadcast_in_dim3A_1784 = vector.shape_cast %reduce_sum3A_1783 : vector<128xf32> to vector<1x128xf32>
    %slice3A_1785 = vector.extract_strided_slice %get3A_1 {offsets = [0, 10752], sizes = [100, 128], strides = [1, 1]} : vector<100x16384xbf16> to vector<100x128xbf16>
    %slice3A_1786 = vector.extract_strided_slice %convert_element_type3A_576 {offsets = [336, 0], sizes = [4, 100], strides = [1, 1]} : vector<512x100xbf16> to vector<4x100xbf16>
    %dot_general3A_1787 = arith.constant dense<0.000000e+00> : vector<4x128xf32>
    %dot_general3A_1788 = tpu.matmul %slice3A_1786, %slice3A_1785, %dot_general3A_1787 {dimension_numbers = #tpu.dot_dimension_numbers<[1], [0], [0], [1], [0, 0, 1, 1], [], []>, transpose_lhs_hint = false} : vector<4x100xbf16>, vector<100x128xbf16>, vector<4x128xf32> -> vector<4x128xf32>
    %slice3A_1789 = vector.extract_strided_slice %convert_element_type3A_579 {offsets = [336, 0], sizes = [4, 100], strides = [1, 1]} : vector<512x100xbf16> to vector<4x100xbf16>
    %dot_general3A_1790 = arith.constant dense<0.000000e+00> : vector<4x128xf32>
    %dot_general3A_1791 = tpu.matmul %slice3A_1789, %slice3A_1785, %dot_general3A_1790 {dimension_numbers = #tpu.dot_dimension_numbers<[1], [0], [0], [1], [0, 0, 1, 1], [], []>, transpose_lhs_hint = false} : vector<4x100xbf16>, vector<100x128xbf16>, vector<4x128xf32> -> vector<4x128xf32>
    %add3A_1792 = arith.addf %dot_general3A_1788, %dot_general3A_1791 : vector<4x128xf32>
    %jit3A_1793 = arith.constant 0.000000e+00 : f32
    %broadcast_in_dim3A_1794 = vector.broadcast %jit3A_1793 : f32 to vector<4x128xf32>
    %select_n3A_1795 = arith.select %eq3A_608, %add3A_1792, %broadcast_in_dim3A_1794 : vector<4x128xi1>, vector<4x128xf32>
    %reduce_sum3A_1796 = arith.constant dense<0.000000e+00> : vector<128xf32>
    %reduce_sum3A_1797 = vector.multi_reduction <add>, %select_n3A_1795, %reduce_sum3A_1796 [0] : vector<4x128xf32> to vector<128xf32>
    %broadcast_in_dim3A_1798 = vector.shape_cast %reduce_sum3A_1797 : vector<128xf32> to vector<1x128xf32>
    %slice3A_1799 = vector.extract_strided_slice %get3A_1 {offsets = [0, 10880], sizes = [100, 128], strides = [1, 1]} : vector<100x16384xbf16> to vector<100x128xbf16>
    %slice3A_1800 = vector.extract_strided_slice %convert_element_type3A_576 {offsets = [340, 0], sizes = [4, 100], strides = [1, 1]} : vector<512x100xbf16> to vector<4x100xbf16>
    %dot_general3A_1801 = arith.constant dense<0.000000e+00> : vector<4x128xf32>
    %dot_general3A_1802 = tpu.matmul %slice3A_1800, %slice3A_1799, %dot_general3A_1801 {dimension_numbers = #tpu.dot_dimension_numbers<[1], [0], [0], [1], [0, 0, 1, 1], [], []>, transpose_lhs_hint = false} : vector<4x100xbf16>, vector<100x128xbf16>, vector<4x128xf32> -> vector<4x128xf32>
    %slice3A_1803 = vector.extract_strided_slice %convert_element_type3A_579 {offsets = [340, 0], sizes = [4, 100], strides = [1, 1]} : vector<512x100xbf16> to vector<4x100xbf16>
    %dot_general3A_1804 = arith.constant dense<0.000000e+00> : vector<4x128xf32>
    %dot_general3A_1805 = tpu.matmul %slice3A_1803, %slice3A_1799, %dot_general3A_1804 {dimension_numbers = #tpu.dot_dimension_numbers<[1], [0], [0], [1], [0, 0, 1, 1], [], []>, transpose_lhs_hint = false} : vector<4x100xbf16>, vector<100x128xbf16>, vector<4x128xf32> -> vector<4x128xf32>
    %add3A_1806 = arith.addf %dot_general3A_1802, %dot_general3A_1805 : vector<4x128xf32>
    %jit3A_1807 = arith.constant 0.000000e+00 : f32
    %broadcast_in_dim3A_1808 = vector.broadcast %jit3A_1807 : f32 to vector<4x128xf32>
    %select_n3A_1809 = arith.select %eq3A_608, %add3A_1806, %broadcast_in_dim3A_1808 : vector<4x128xi1>, vector<4x128xf32>
    %reduce_sum3A_1810 = arith.constant dense<0.000000e+00> : vector<128xf32>
    %reduce_sum3A_1811 = vector.multi_reduction <add>, %select_n3A_1809, %reduce_sum3A_1810 [0] : vector<4x128xf32> to vector<128xf32>
    %broadcast_in_dim3A_1812 = vector.shape_cast %reduce_sum3A_1811 : vector<128xf32> to vector<1x128xf32>
    %slice3A_1813 = vector.extract_strided_slice %get3A_1 {offsets = [0, 11008], sizes = [100, 128], strides = [1, 1]} : vector<100x16384xbf16> to vector<100x128xbf16>
    %slice3A_1814 = vector.extract_strided_slice %convert_element_type3A_576 {offsets = [344, 0], sizes = [4, 100], strides = [1, 1]} : vector<512x100xbf16> to vector<4x100xbf16>
    %dot_general3A_1815 = arith.constant dense<0.000000e+00> : vector<4x128xf32>
    %dot_general3A_1816 = tpu.matmul %slice3A_1814, %slice3A_1813, %dot_general3A_1815 {dimension_numbers = #tpu.dot_dimension_numbers<[1], [0], [0], [1], [0, 0, 1, 1], [], []>, transpose_lhs_hint = false} : vector<4x100xbf16>, vector<100x128xbf16>, vector<4x128xf32> -> vector<4x128xf32>
    %slice3A_1817 = vector.extract_strided_slice %convert_element_type3A_579 {offsets = [344, 0], sizes = [4, 100], strides = [1, 1]} : vector<512x100xbf16> to vector<4x100xbf16>
    %dot_general3A_1818 = arith.constant dense<0.000000e+00> : vector<4x128xf32>
    %dot_general3A_1819 = tpu.matmul %slice3A_1817, %slice3A_1813, %dot_general3A_1818 {dimension_numbers = #tpu.dot_dimension_numbers<[1], [0], [0], [1], [0, 0, 1, 1], [], []>, transpose_lhs_hint = false} : vector<4x100xbf16>, vector<100x128xbf16>, vector<4x128xf32> -> vector<4x128xf32>
    %add3A_1820 = arith.addf %dot_general3A_1816, %dot_general3A_1819 : vector<4x128xf32>
    %jit3A_1821 = arith.constant 0.000000e+00 : f32
    %broadcast_in_dim3A_1822 = vector.broadcast %jit3A_1821 : f32 to vector<4x128xf32>
    %select_n3A_1823 = arith.select %eq3A_608, %add3A_1820, %broadcast_in_dim3A_1822 : vector<4x128xi1>, vector<4x128xf32>
    %reduce_sum3A_1824 = arith.constant dense<0.000000e+00> : vector<128xf32>
    %reduce_sum3A_1825 = vector.multi_reduction <add>, %select_n3A_1823, %reduce_sum3A_1824 [0] : vector<4x128xf32> to vector<128xf32>
    %broadcast_in_dim3A_1826 = vector.shape_cast %reduce_sum3A_1825 : vector<128xf32> to vector<1x128xf32>
    %slice3A_1827 = vector.extract_strided_slice %get3A_1 {offsets = [0, 11136], sizes = [100, 128], strides = [1, 1]} : vector<100x16384xbf16> to vector<100x128xbf16>
    %slice3A_1828 = vector.extract_strided_slice %convert_element_type3A_576 {offsets = [348, 0], sizes = [4, 100], strides = [1, 1]} : vector<512x100xbf16> to vector<4x100xbf16>
    %dot_general3A_1829 = arith.constant dense<0.000000e+00> : vector<4x128xf32>
    %dot_general3A_1830 = tpu.matmul %slice3A_1828, %slice3A_1827, %dot_general3A_1829 {dimension_numbers = #tpu.dot_dimension_numbers<[1], [0], [0], [1], [0, 0, 1, 1], [], []>, transpose_lhs_hint = false} : vector<4x100xbf16>, vector<100x128xbf16>, vector<4x128xf32> -> vector<4x128xf32>
    %slice3A_1831 = vector.extract_strided_slice %convert_element_type3A_579 {offsets = [348, 0], sizes = [4, 100], strides = [1, 1]} : vector<512x100xbf16> to vector<4x100xbf16>
    %dot_general3A_1832 = arith.constant dense<0.000000e+00> : vector<4x128xf32>
    %dot_general3A_1833 = tpu.matmul %slice3A_1831, %slice3A_1827, %dot_general3A_1832 {dimension_numbers = #tpu.dot_dimension_numbers<[1], [0], [0], [1], [0, 0, 1, 1], [], []>, transpose_lhs_hint = false} : vector<4x100xbf16>, vector<100x128xbf16>, vector<4x128xf32> -> vector<4x128xf32>
    %add3A_1834 = arith.addf %dot_general3A_1830, %dot_general3A_1833 : vector<4x128xf32>
    %jit3A_1835 = arith.constant 0.000000e+00 : f32
    %broadcast_in_dim3A_1836 = vector.broadcast %jit3A_1835 : f32 to vector<4x128xf32>
    %select_n3A_1837 = arith.select %eq3A_608, %add3A_1834, %broadcast_in_dim3A_1836 : vector<4x128xi1>, vector<4x128xf32>
    %reduce_sum3A_1838 = arith.constant dense<0.000000e+00> : vector<128xf32>
    %reduce_sum3A_1839 = vector.multi_reduction <add>, %select_n3A_1837, %reduce_sum3A_1838 [0] : vector<4x128xf32> to vector<128xf32>
    %broadcast_in_dim3A_1840 = vector.shape_cast %reduce_sum3A_1839 : vector<128xf32> to vector<1x128xf32>
    %slice3A_1841 = vector.extract_strided_slice %get3A_1 {offsets = [0, 11264], sizes = [100, 128], strides = [1, 1]} : vector<100x16384xbf16> to vector<100x128xbf16>
    %slice3A_1842 = vector.extract_strided_slice %convert_element_type3A_576 {offsets = [352, 0], sizes = [4, 100], strides = [1, 1]} : vector<512x100xbf16> to vector<4x100xbf16>
    %dot_general3A_1843 = arith.constant dense<0.000000e+00> : vector<4x128xf32>
    %dot_general3A_1844 = tpu.matmul %slice3A_1842, %slice3A_1841, %dot_general3A_1843 {dimension_numbers = #tpu.dot_dimension_numbers<[1], [0], [0], [1], [0, 0, 1, 1], [], []>, transpose_lhs_hint = false} : vector<4x100xbf16>, vector<100x128xbf16>, vector<4x128xf32> -> vector<4x128xf32>
    %slice3A_1845 = vector.extract_strided_slice %convert_element_type3A_579 {offsets = [352, 0], sizes = [4, 100], strides = [1, 1]} : vector<512x100xbf16> to vector<4x100xbf16>
    %dot_general3A_1846 = arith.constant dense<0.000000e+00> : vector<4x128xf32>
    %dot_general3A_1847 = tpu.matmul %slice3A_1845, %slice3A_1841, %dot_general3A_1846 {dimension_numbers = #tpu.dot_dimension_numbers<[1], [0], [0], [1], [0, 0, 1, 1], [], []>, transpose_lhs_hint = false} : vector<4x100xbf16>, vector<100x128xbf16>, vector<4x128xf32> -> vector<4x128xf32>
    %add3A_1848 = arith.addf %dot_general3A_1844, %dot_general3A_1847 : vector<4x128xf32>
    %jit3A_1849 = arith.constant 0.000000e+00 : f32
    %broadcast_in_dim3A_1850 = vector.broadcast %jit3A_1849 : f32 to vector<4x128xf32>
    %select_n3A_1851 = arith.select %eq3A_608, %add3A_1848, %broadcast_in_dim3A_1850 : vector<4x128xi1>, vector<4x128xf32>
    %reduce_sum3A_1852 = arith.constant dense<0.000000e+00> : vector<128xf32>
    %reduce_sum3A_1853 = vector.multi_reduction <add>, %select_n3A_1851, %reduce_sum3A_1852 [0] : vector<4x128xf32> to vector<128xf32>
    %broadcast_in_dim3A_1854 = vector.shape_cast %reduce_sum3A_1853 : vector<128xf32> to vector<1x128xf32>
    %slice3A_1855 = vector.extract_strided_slice %get3A_1 {offsets = [0, 11392], sizes = [100, 128], strides = [1, 1]} : vector<100x16384xbf16> to vector<100x128xbf16>
    %slice3A_1856 = vector.extract_strided_slice %convert_element_type3A_576 {offsets = [356, 0], sizes = [4, 100], strides = [1, 1]} : vector<512x100xbf16> to vector<4x100xbf16>
    %dot_general3A_1857 = arith.constant dense<0.000000e+00> : vector<4x128xf32>
    %dot_general3A_1858 = tpu.matmul %slice3A_1856, %slice3A_1855, %dot_general3A_1857 {dimension_numbers = #tpu.dot_dimension_numbers<[1], [0], [0], [1], [0, 0, 1, 1], [], []>, transpose_lhs_hint = false} : vector<4x100xbf16>, vector<100x128xbf16>, vector<4x128xf32> -> vector<4x128xf32>
    %slice3A_1859 = vector.extract_strided_slice %convert_element_type3A_579 {offsets = [356, 0], sizes = [4, 100], strides = [1, 1]} : vector<512x100xbf16> to vector<4x100xbf16>
    %dot_general3A_1860 = arith.constant dense<0.000000e+00> : vector<4x128xf32>
    %dot_general3A_1861 = tpu.matmul %slice3A_1859, %slice3A_1855, %dot_general3A_1860 {dimension_numbers = #tpu.dot_dimension_numbers<[1], [0], [0], [1], [0, 0, 1, 1], [], []>, transpose_lhs_hint = false} : vector<4x100xbf16>, vector<100x128xbf16>, vector<4x128xf32> -> vector<4x128xf32>
    %add3A_1862 = arith.addf %dot_general3A_1858, %dot_general3A_1861 : vector<4x128xf32>
    %jit3A_1863 = arith.constant 0.000000e+00 : f32
    %broadcast_in_dim3A_1864 = vector.broadcast %jit3A_1863 : f32 to vector<4x128xf32>
    %select_n3A_1865 = arith.select %eq3A_608, %add3A_1862, %broadcast_in_dim3A_1864 : vector<4x128xi1>, vector<4x128xf32>
    %reduce_sum3A_1866 = arith.constant dense<0.000000e+00> : vector<128xf32>
    %reduce_sum3A_1867 = vector.multi_reduction <add>, %select_n3A_1865, %reduce_sum3A_1866 [0] : vector<4x128xf32> to vector<128xf32>
    %broadcast_in_dim3A_1868 = vector.shape_cast %reduce_sum3A_1867 : vector<128xf32> to vector<1x128xf32>
    %slice3A_1869 = vector.extract_strided_slice %get3A_1 {offsets = [0, 11520], sizes = [100, 128], strides = [1, 1]} : vector<100x16384xbf16> to vector<100x128xbf16>
    %slice3A_1870 = vector.extract_strided_slice %convert_element_type3A_576 {offsets = [360, 0], sizes = [4, 100], strides = [1, 1]} : vector<512x100xbf16> to vector<4x100xbf16>
    %dot_general3A_1871 = arith.constant dense<0.000000e+00> : vector<4x128xf32>
    %dot_general3A_1872 = tpu.matmul %slice3A_1870, %slice3A_1869, %dot_general3A_1871 {dimension_numbers = #tpu.dot_dimension_numbers<[1], [0], [0], [1], [0, 0, 1, 1], [], []>, transpose_lhs_hint = false} : vector<4x100xbf16>, vector<100x128xbf16>, vector<4x128xf32> -> vector<4x128xf32>
    %slice3A_1873 = vector.extract_strided_slice %convert_element_type3A_579 {offsets = [360, 0], sizes = [4, 100], strides = [1, 1]} : vector<512x100xbf16> to vector<4x100xbf16>
    %dot_general3A_1874 = arith.constant dense<0.000000e+00> : vector<4x128xf32>
    %dot_general3A_1875 = tpu.matmul %slice3A_1873, %slice3A_1869, %dot_general3A_1874 {dimension_numbers = #tpu.dot_dimension_numbers<[1], [0], [0], [1], [0, 0, 1, 1], [], []>, transpose_lhs_hint = false} : vector<4x100xbf16>, vector<100x128xbf16>, vector<4x128xf32> -> vector<4x128xf32>
    %add3A_1876 = arith.addf %dot_general3A_1872, %dot_general3A_1875 : vector<4x128xf32>
    %jit3A_1877 = arith.constant 0.000000e+00 : f32
    %broadcast_in_dim3A_1878 = vector.broadcast %jit3A_1877 : f32 to vector<4x128xf32>
    %select_n3A_1879 = arith.select %eq3A_608, %add3A_1876, %broadcast_in_dim3A_1878 : vector<4x128xi1>, vector<4x128xf32>
    %reduce_sum3A_1880 = arith.constant dense<0.000000e+00> : vector<128xf32>
    %reduce_sum3A_1881 = vector.multi_reduction <add>, %select_n3A_1879, %reduce_sum3A_1880 [0] : vector<4x128xf32> to vector<128xf32>
    %broadcast_in_dim3A_1882 = vector.shape_cast %reduce_sum3A_1881 : vector<128xf32> to vector<1x128xf32>
    %slice3A_1883 = vector.extract_strided_slice %get3A_1 {offsets = [0, 11648], sizes = [100, 128], strides = [1, 1]} : vector<100x16384xbf16> to vector<100x128xbf16>
    %slice3A_1884 = vector.extract_strided_slice %convert_element_type3A_576 {offsets = [364, 0], sizes = [4, 100], strides = [1, 1]} : vector<512x100xbf16> to vector<4x100xbf16>
    %dot_general3A_1885 = arith.constant dense<0.000000e+00> : vector<4x128xf32>
    %dot_general3A_1886 = tpu.matmul %slice3A_1884, %slice3A_1883, %dot_general3A_1885 {dimension_numbers = #tpu.dot_dimension_numbers<[1], [0], [0], [1], [0, 0, 1, 1], [], []>, transpose_lhs_hint = false} : vector<4x100xbf16>, vector<100x128xbf16>, vector<4x128xf32> -> vector<4x128xf32>
    %slice3A_1887 = vector.extract_strided_slice %convert_element_type3A_579 {offsets = [364, 0], sizes = [4, 100], strides = [1, 1]} : vector<512x100xbf16> to vector<4x100xbf16>
    %dot_general3A_1888 = arith.constant dense<0.000000e+00> : vector<4x128xf32>
    %dot_general3A_1889 = tpu.matmul %slice3A_1887, %slice3A_1883, %dot_general3A_1888 {dimension_numbers = #tpu.dot_dimension_numbers<[1], [0], [0], [1], [0, 0, 1, 1], [], []>, transpose_lhs_hint = false} : vector<4x100xbf16>, vector<100x128xbf16>, vector<4x128xf32> -> vector<4x128xf32>
    %add3A_1890 = arith.addf %dot_general3A_1886, %dot_general3A_1889 : vector<4x128xf32>
    %jit3A_1891 = arith.constant 0.000000e+00 : f32
    %broadcast_in_dim3A_1892 = vector.broadcast %jit3A_1891 : f32 to vector<4x128xf32>
    %select_n3A_1893 = arith.select %eq3A_608, %add3A_1890, %broadcast_in_dim3A_1892 : vector<4x128xi1>, vector<4x128xf32>
    %reduce_sum3A_1894 = arith.constant dense<0.000000e+00> : vector<128xf32>
    %reduce_sum3A_1895 = vector.multi_reduction <add>, %select_n3A_1893, %reduce_sum3A_1894 [0] : vector<4x128xf32> to vector<128xf32>
    %broadcast_in_dim3A_1896 = vector.shape_cast %reduce_sum3A_1895 : vector<128xf32> to vector<1x128xf32>
    %slice3A_1897 = vector.extract_strided_slice %get3A_1 {offsets = [0, 11776], sizes = [100, 128], strides = [1, 1]} : vector<100x16384xbf16> to vector<100x128xbf16>
    %slice3A_1898 = vector.extract_strided_slice %convert_element_type3A_576 {offsets = [368, 0], sizes = [4, 100], strides = [1, 1]} : vector<512x100xbf16> to vector<4x100xbf16>
    %dot_general3A_1899 = arith.constant dense<0.000000e+00> : vector<4x128xf32>
    %dot_general3A_1900 = tpu.matmul %slice3A_1898, %slice3A_1897, %dot_general3A_1899 {dimension_numbers = #tpu.dot_dimension_numbers<[1], [0], [0], [1], [0, 0, 1, 1], [], []>, transpose_lhs_hint = false} : vector<4x100xbf16>, vector<100x128xbf16>, vector<4x128xf32> -> vector<4x128xf32>
    %slice3A_1901 = vector.extract_strided_slice %convert_element_type3A_579 {offsets = [368, 0], sizes = [4, 100], strides = [1, 1]} : vector<512x100xbf16> to vector<4x100xbf16>
    %dot_general3A_1902 = arith.constant dense<0.000000e+00> : vector<4x128xf32>
    %dot_general3A_1903 = tpu.matmul %slice3A_1901, %slice3A_1897, %dot_general3A_1902 {dimension_numbers = #tpu.dot_dimension_numbers<[1], [0], [0], [1], [0, 0, 1, 1], [], []>, transpose_lhs_hint = false} : vector<4x100xbf16>, vector<100x128xbf16>, vector<4x128xf32> -> vector<4x128xf32>
    %add3A_1904 = arith.addf %dot_general3A_1900, %dot_general3A_1903 : vector<4x128xf32>
    %jit3A_1905 = arith.constant 0.000000e+00 : f32
    %broadcast_in_dim3A_1906 = vector.broadcast %jit3A_1905 : f32 to vector<4x128xf32>
    %select_n3A_1907 = arith.select %eq3A_608, %add3A_1904, %broadcast_in_dim3A_1906 : vector<4x128xi1>, vector<4x128xf32>
    %reduce_sum3A_1908 = arith.constant dense<0.000000e+00> : vector<128xf32>
    %reduce_sum3A_1909 = vector.multi_reduction <add>, %select_n3A_1907, %reduce_sum3A_1908 [0] : vector<4x128xf32> to vector<128xf32>
    %broadcast_in_dim3A_1910 = vector.shape_cast %reduce_sum3A_1909 : vector<128xf32> to vector<1x128xf32>
    %slice3A_1911 = vector.extract_strided_slice %get3A_1 {offsets = [0, 11904], sizes = [100, 128], strides = [1, 1]} : vector<100x16384xbf16> to vector<100x128xbf16>
    %slice3A_1912 = vector.extract_strided_slice %convert_element_type3A_576 {offsets = [372, 0], sizes = [4, 100], strides = [1, 1]} : vector<512x100xbf16> to vector<4x100xbf16>
    %dot_general3A_1913 = arith.constant dense<0.000000e+00> : vector<4x128xf32>
    %dot_general3A_1914 = tpu.matmul %slice3A_1912, %slice3A_1911, %dot_general3A_1913 {dimension_numbers = #tpu.dot_dimension_numbers<[1], [0], [0], [1], [0, 0, 1, 1], [], []>, transpose_lhs_hint = false} : vector<4x100xbf16>, vector<100x128xbf16>, vector<4x128xf32> -> vector<4x128xf32>
    %slice3A_1915 = vector.extract_strided_slice %convert_element_type3A_579 {offsets = [372, 0], sizes = [4, 100], strides = [1, 1]} : vector<512x100xbf16> to vector<4x100xbf16>
    %dot_general3A_1916 = arith.constant dense<0.000000e+00> : vector<4x128xf32>
    %dot_general3A_1917 = tpu.matmul %slice3A_1915, %slice3A_1911, %dot_general3A_1916 {dimension_numbers = #tpu.dot_dimension_numbers<[1], [0], [0], [1], [0, 0, 1, 1], [], []>, transpose_lhs_hint = false} : vector<4x100xbf16>, vector<100x128xbf16>, vector<4x128xf32> -> vector<4x128xf32>
    %add3A_1918 = arith.addf %dot_general3A_1914, %dot_general3A_1917 : vector<4x128xf32>
    %jit3A_1919 = arith.constant 0.000000e+00 : f32
    %broadcast_in_dim3A_1920 = vector.broadcast %jit3A_1919 : f32 to vector<4x128xf32>
    %select_n3A_1921 = arith.select %eq3A_608, %add3A_1918, %broadcast_in_dim3A_1920 : vector<4x128xi1>, vector<4x128xf32>
    %reduce_sum3A_1922 = arith.constant dense<0.000000e+00> : vector<128xf32>
    %reduce_sum3A_1923 = vector.multi_reduction <add>, %select_n3A_1921, %reduce_sum3A_1922 [0] : vector<4x128xf32> to vector<128xf32>
    %broadcast_in_dim3A_1924 = vector.shape_cast %reduce_sum3A_1923 : vector<128xf32> to vector<1x128xf32>
    %slice3A_1925 = vector.extract_strided_slice %get3A_1 {offsets = [0, 12032], sizes = [100, 128], strides = [1, 1]} : vector<100x16384xbf16> to vector<100x128xbf16>
    %slice3A_1926 = vector.extract_strided_slice %convert_element_type3A_576 {offsets = [376, 0], sizes = [4, 100], strides = [1, 1]} : vector<512x100xbf16> to vector<4x100xbf16>
    %dot_general3A_1927 = arith.constant dense<0.000000e+00> : vector<4x128xf32>
    %dot_general3A_1928 = tpu.matmul %slice3A_1926, %slice3A_1925, %dot_general3A_1927 {dimension_numbers = #tpu.dot_dimension_numbers<[1], [0], [0], [1], [0, 0, 1, 1], [], []>, transpose_lhs_hint = false} : vector<4x100xbf16>, vector<100x128xbf16>, vector<4x128xf32> -> vector<4x128xf32>
    %slice3A_1929 = vector.extract_strided_slice %convert_element_type3A_579 {offsets = [376, 0], sizes = [4, 100], strides = [1, 1]} : vector<512x100xbf16> to vector<4x100xbf16>
    %dot_general3A_1930 = arith.constant dense<0.000000e+00> : vector<4x128xf32>
    %dot_general3A_1931 = tpu.matmul %slice3A_1929, %slice3A_1925, %dot_general3A_1930 {dimension_numbers = #tpu.dot_dimension_numbers<[1], [0], [0], [1], [0, 0, 1, 1], [], []>, transpose_lhs_hint = false} : vector<4x100xbf16>, vector<100x128xbf16>, vector<4x128xf32> -> vector<4x128xf32>
    %add3A_1932 = arith.addf %dot_general3A_1928, %dot_general3A_1931 : vector<4x128xf32>
    %jit3A_1933 = arith.constant 0.000000e+00 : f32
    %broadcast_in_dim3A_1934 = vector.broadcast %jit3A_1933 : f32 to vector<4x128xf32>
    %select_n3A_1935 = arith.select %eq3A_608, %add3A_1932, %broadcast_in_dim3A_1934 : vector<4x128xi1>, vector<4x128xf32>
    %reduce_sum3A_1936 = arith.constant dense<0.000000e+00> : vector<128xf32>
    %reduce_sum3A_1937 = vector.multi_reduction <add>, %select_n3A_1935, %reduce_sum3A_1936 [0] : vector<4x128xf32> to vector<128xf32>
    %broadcast_in_dim3A_1938 = vector.shape_cast %reduce_sum3A_1937 : vector<128xf32> to vector<1x128xf32>
    %slice3A_1939 = vector.extract_strided_slice %get3A_1 {offsets = [0, 12160], sizes = [100, 128], strides = [1, 1]} : vector<100x16384xbf16> to vector<100x128xbf16>
    %slice3A_1940 = vector.extract_strided_slice %convert_element_type3A_576 {offsets = [380, 0], sizes = [4, 100], strides = [1, 1]} : vector<512x100xbf16> to vector<4x100xbf16>
    %dot_general3A_1941 = arith.constant dense<0.000000e+00> : vector<4x128xf32>
    %dot_general3A_1942 = tpu.matmul %slice3A_1940, %slice3A_1939, %dot_general3A_1941 {dimension_numbers = #tpu.dot_dimension_numbers<[1], [0], [0], [1], [0, 0, 1, 1], [], []>, transpose_lhs_hint = false} : vector<4x100xbf16>, vector<100x128xbf16>, vector<4x128xf32> -> vector<4x128xf32>
    %slice3A_1943 = vector.extract_strided_slice %convert_element_type3A_579 {offsets = [380, 0], sizes = [4, 100], strides = [1, 1]} : vector<512x100xbf16> to vector<4x100xbf16>
    %dot_general3A_1944 = arith.constant dense<0.000000e+00> : vector<4x128xf32>
    %dot_general3A_1945 = tpu.matmul %slice3A_1943, %slice3A_1939, %dot_general3A_1944 {dimension_numbers = #tpu.dot_dimension_numbers<[1], [0], [0], [1], [0, 0, 1, 1], [], []>, transpose_lhs_hint = false} : vector<4x100xbf16>, vector<100x128xbf16>, vector<4x128xf32> -> vector<4x128xf32>
    %add3A_1946 = arith.addf %dot_general3A_1942, %dot_general3A_1945 : vector<4x128xf32>
    %jit3A_1947 = arith.constant 0.000000e+00 : f32
    %broadcast_in_dim3A_1948 = vector.broadcast %jit3A_1947 : f32 to vector<4x128xf32>
    %select_n3A_1949 = arith.select %eq3A_608, %add3A_1946, %broadcast_in_dim3A_1948 : vector<4x128xi1>, vector<4x128xf32>
    %reduce_sum3A_1950 = arith.constant dense<0.000000e+00> : vector<128xf32>
    %reduce_sum3A_1951 = vector.multi_reduction <add>, %select_n3A_1949, %reduce_sum3A_1950 [0] : vector<4x128xf32> to vector<128xf32>
    %broadcast_in_dim3A_1952 = vector.shape_cast %reduce_sum3A_1951 : vector<128xf32> to vector<1x128xf32>
    %slice3A_1953 = vector.extract_strided_slice %get3A_1 {offsets = [0, 12288], sizes = [100, 128], strides = [1, 1]} : vector<100x16384xbf16> to vector<100x128xbf16>
    %slice3A_1954 = vector.extract_strided_slice %convert_element_type3A_576 {offsets = [384, 0], sizes = [4, 100], strides = [1, 1]} : vector<512x100xbf16> to vector<4x100xbf16>
    %dot_general3A_1955 = arith.constant dense<0.000000e+00> : vector<4x128xf32>
    %dot_general3A_1956 = tpu.matmul %slice3A_1954, %slice3A_1953, %dot_general3A_1955 {dimension_numbers = #tpu.dot_dimension_numbers<[1], [0], [0], [1], [0, 0, 1, 1], [], []>, transpose_lhs_hint = false} : vector<4x100xbf16>, vector<100x128xbf16>, vector<4x128xf32> -> vector<4x128xf32>
    %slice3A_1957 = vector.extract_strided_slice %convert_element_type3A_579 {offsets = [384, 0], sizes = [4, 100], strides = [1, 1]} : vector<512x100xbf16> to vector<4x100xbf16>
    %dot_general3A_1958 = arith.constant dense<0.000000e+00> : vector<4x128xf32>
    %dot_general3A_1959 = tpu.matmul %slice3A_1957, %slice3A_1953, %dot_general3A_1958 {dimension_numbers = #tpu.dot_dimension_numbers<[1], [0], [0], [1], [0, 0, 1, 1], [], []>, transpose_lhs_hint = false} : vector<4x100xbf16>, vector<100x128xbf16>, vector<4x128xf32> -> vector<4x128xf32>
    %add3A_1960 = arith.addf %dot_general3A_1956, %dot_general3A_1959 : vector<4x128xf32>
    %jit3A_1961 = arith.constant 0.000000e+00 : f32
    %broadcast_in_dim3A_1962 = vector.broadcast %jit3A_1961 : f32 to vector<4x128xf32>
    %select_n3A_1963 = arith.select %eq3A_608, %add3A_1960, %broadcast_in_dim3A_1962 : vector<4x128xi1>, vector<4x128xf32>
    %reduce_sum3A_1964 = arith.constant dense<0.000000e+00> : vector<128xf32>
    %reduce_sum3A_1965 = vector.multi_reduction <add>, %select_n3A_1963, %reduce_sum3A_1964 [0] : vector<4x128xf32> to vector<128xf32>
    %broadcast_in_dim3A_1966 = vector.shape_cast %reduce_sum3A_1965 : vector<128xf32> to vector<1x128xf32>
    %slice3A_1967 = vector.extract_strided_slice %get3A_1 {offsets = [0, 12416], sizes = [100, 128], strides = [1, 1]} : vector<100x16384xbf16> to vector<100x128xbf16>
    %slice3A_1968 = vector.extract_strided_slice %convert_element_type3A_576 {offsets = [388, 0], sizes = [4, 100], strides = [1, 1]} : vector<512x100xbf16> to vector<4x100xbf16>
    %dot_general3A_1969 = arith.constant dense<0.000000e+00> : vector<4x128xf32>
    %dot_general3A_1970 = tpu.matmul %slice3A_1968, %slice3A_1967, %dot_general3A_1969 {dimension_numbers = #tpu.dot_dimension_numbers<[1], [0], [0], [1], [0, 0, 1, 1], [], []>, transpose_lhs_hint = false} : vector<4x100xbf16>, vector<100x128xbf16>, vector<4x128xf32> -> vector<4x128xf32>
    %slice3A_1971 = vector.extract_strided_slice %convert_element_type3A_579 {offsets = [388, 0], sizes = [4, 100], strides = [1, 1]} : vector<512x100xbf16> to vector<4x100xbf16>
    %dot_general3A_1972 = arith.constant dense<0.000000e+00> : vector<4x128xf32>
    %dot_general3A_1973 = tpu.matmul %slice3A_1971, %slice3A_1967, %dot_general3A_1972 {dimension_numbers = #tpu.dot_dimension_numbers<[1], [0], [0], [1], [0, 0, 1, 1], [], []>, transpose_lhs_hint = false} : vector<4x100xbf16>, vector<100x128xbf16>, vector<4x128xf32> -> vector<4x128xf32>
    %add3A_1974 = arith.addf %dot_general3A_1970, %dot_general3A_1973 : vector<4x128xf32>
    %jit3A_1975 = arith.constant 0.000000e+00 : f32
    %broadcast_in_dim3A_1976 = vector.broadcast %jit3A_1975 : f32 to vector<4x128xf32>
    %select_n3A_1977 = arith.select %eq3A_608, %add3A_1974, %broadcast_in_dim3A_1976 : vector<4x128xi1>, vector<4x128xf32>
    %reduce_sum3A_1978 = arith.constant dense<0.000000e+00> : vector<128xf32>
    %reduce_sum3A_1979 = vector.multi_reduction <add>, %select_n3A_1977, %reduce_sum3A_1978 [0] : vector<4x128xf32> to vector<128xf32>
    %broadcast_in_dim3A_1980 = vector.shape_cast %reduce_sum3A_1979 : vector<128xf32> to vector<1x128xf32>
    %slice3A_1981 = vector.extract_strided_slice %get3A_1 {offsets = [0, 12544], sizes = [100, 128], strides = [1, 1]} : vector<100x16384xbf16> to vector<100x128xbf16>
    %slice3A_1982 = vector.extract_strided_slice %convert_element_type3A_576 {offsets = [392, 0], sizes = [4, 100], strides = [1, 1]} : vector<512x100xbf16> to vector<4x100xbf16>
    %dot_general3A_1983 = arith.constant dense<0.000000e+00> : vector<4x128xf32>
    %dot_general3A_1984 = tpu.matmul %slice3A_1982, %slice3A_1981, %dot_general3A_1983 {dimension_numbers = #tpu.dot_dimension_numbers<[1], [0], [0], [1], [0, 0, 1, 1], [], []>, transpose_lhs_hint = false} : vector<4x100xbf16>, vector<100x128xbf16>, vector<4x128xf32> -> vector<4x128xf32>
    %slice3A_1985 = vector.extract_strided_slice %convert_element_type3A_579 {offsets = [392, 0], sizes = [4, 100], strides = [1, 1]} : vector<512x100xbf16> to vector<4x100xbf16>
    %dot_general3A_1986 = arith.constant dense<0.000000e+00> : vector<4x128xf32>
    %dot_general3A_1987 = tpu.matmul %slice3A_1985, %slice3A_1981, %dot_general3A_1986 {dimension_numbers = #tpu.dot_dimension_numbers<[1], [0], [0], [1], [0, 0, 1, 1], [], []>, transpose_lhs_hint = false} : vector<4x100xbf16>, vector<100x128xbf16>, vector<4x128xf32> -> vector<4x128xf32>
    %add3A_1988 = arith.addf %dot_general3A_1984, %dot_general3A_1987 : vector<4x128xf32>
    %jit3A_1989 = arith.constant 0.000000e+00 : f32
    %broadcast_in_dim3A_1990 = vector.broadcast %jit3A_1989 : f32 to vector<4x128xf32>
    %select_n3A_1991 = arith.select %eq3A_608, %add3A_1988, %broadcast_in_dim3A_1990 : vector<4x128xi1>, vector<4x128xf32>
    %reduce_sum3A_1992 = arith.constant dense<0.000000e+00> : vector<128xf32>
    %reduce_sum3A_1993 = vector.multi_reduction <add>, %select_n3A_1991, %reduce_sum3A_1992 [0] : vector<4x128xf32> to vector<128xf32>
    %broadcast_in_dim3A_1994 = vector.shape_cast %reduce_sum3A_1993 : vector<128xf32> to vector<1x128xf32>
    %slice3A_1995 = vector.extract_strided_slice %get3A_1 {offsets = [0, 12672], sizes = [100, 128], strides = [1, 1]} : vector<100x16384xbf16> to vector<100x128xbf16>
    %slice3A_1996 = vector.extract_strided_slice %convert_element_type3A_576 {offsets = [396, 0], sizes = [4, 100], strides = [1, 1]} : vector<512x100xbf16> to vector<4x100xbf16>
    %dot_general3A_1997 = arith.constant dense<0.000000e+00> : vector<4x128xf32>
    %dot_general3A_1998 = tpu.matmul %slice3A_1996, %slice3A_1995, %dot_general3A_1997 {dimension_numbers = #tpu.dot_dimension_numbers<[1], [0], [0], [1], [0, 0, 1, 1], [], []>, transpose_lhs_hint = false} : vector<4x100xbf16>, vector<100x128xbf16>, vector<4x128xf32> -> vector<4x128xf32>
    %slice3A_1999 = vector.extract_strided_slice %convert_element_type3A_579 {offsets = [396, 0], sizes = [4, 100], strides = [1, 1]} : vector<512x100xbf16> to vector<4x100xbf16>
    %dot_general3A_2000 = arith.constant dense<0.000000e+00> : vector<4x128xf32>
    %dot_general3A_2001 = tpu.matmul %slice3A_1999, %slice3A_1995, %dot_general3A_2000 {dimension_numbers = #tpu.dot_dimension_numbers<[1], [0], [0], [1], [0, 0, 1, 1], [], []>, transpose_lhs_hint = false} : vector<4x100xbf16>, vector<100x128xbf16>, vector<4x128xf32> -> vector<4x128xf32>
    %add3A_2002 = arith.addf %dot_general3A_1998, %dot_general3A_2001 : vector<4x128xf32>
    %jit3A_2003 = arith.constant 0.000000e+00 : f32
    %broadcast_in_dim3A_2004 = vector.broadcast %jit3A_2003 : f32 to vector<4x128xf32>
    %select_n3A_2005 = arith.select %eq3A_608, %add3A_2002, %broadcast_in_dim3A_2004 : vector<4x128xi1>, vector<4x128xf32>
    %reduce_sum3A_2006 = arith.constant dense<0.000000e+00> : vector<128xf32>
    %reduce_sum3A_2007 = vector.multi_reduction <add>, %select_n3A_2005, %reduce_sum3A_2006 [0] : vector<4x128xf32> to vector<128xf32>
    %broadcast_in_dim3A_2008 = vector.shape_cast %reduce_sum3A_2007 : vector<128xf32> to vector<1x128xf32>
    %slice3A_2009 = vector.extract_strided_slice %get3A_1 {offsets = [0, 12800], sizes = [100, 128], strides = [1, 1]} : vector<100x16384xbf16> to vector<100x128xbf16>
    %slice3A_2010 = vector.extract_strided_slice %convert_element_type3A_576 {offsets = [400, 0], sizes = [4, 100], strides = [1, 1]} : vector<512x100xbf16> to vector<4x100xbf16>
    %dot_general3A_2011 = arith.constant dense<0.000000e+00> : vector<4x128xf32>
    %dot_general3A_2012 = tpu.matmul %slice3A_2010, %slice3A_2009, %dot_general3A_2011 {dimension_numbers = #tpu.dot_dimension_numbers<[1], [0], [0], [1], [0, 0, 1, 1], [], []>, transpose_lhs_hint = false} : vector<4x100xbf16>, vector<100x128xbf16>, vector<4x128xf32> -> vector<4x128xf32>
    %slice3A_2013 = vector.extract_strided_slice %convert_element_type3A_579 {offsets = [400, 0], sizes = [4, 100], strides = [1, 1]} : vector<512x100xbf16> to vector<4x100xbf16>
    %dot_general3A_2014 = arith.constant dense<0.000000e+00> : vector<4x128xf32>
    %dot_general3A_2015 = tpu.matmul %slice3A_2013, %slice3A_2009, %dot_general3A_2014 {dimension_numbers = #tpu.dot_dimension_numbers<[1], [0], [0], [1], [0, 0, 1, 1], [], []>, transpose_lhs_hint = false} : vector<4x100xbf16>, vector<100x128xbf16>, vector<4x128xf32> -> vector<4x128xf32>
    %add3A_2016 = arith.addf %dot_general3A_2012, %dot_general3A_2015 : vector<4x128xf32>
    %jit3A_2017 = arith.constant 0.000000e+00 : f32
    %broadcast_in_dim3A_2018 = vector.broadcast %jit3A_2017 : f32 to vector<4x128xf32>
    %select_n3A_2019 = arith.select %eq3A_608, %add3A_2016, %broadcast_in_dim3A_2018 : vector<4x128xi1>, vector<4x128xf32>
    %reduce_sum3A_2020 = arith.constant dense<0.000000e+00> : vector<128xf32>
    %reduce_sum3A_2021 = vector.multi_reduction <add>, %select_n3A_2019, %reduce_sum3A_2020 [0] : vector<4x128xf32> to vector<128xf32>
    %broadcast_in_dim3A_2022 = vector.shape_cast %reduce_sum3A_2021 : vector<128xf32> to vector<1x128xf32>
    %slice3A_2023 = vector.extract_strided_slice %get3A_1 {offsets = [0, 12928], sizes = [100, 128], strides = [1, 1]} : vector<100x16384xbf16> to vector<100x128xbf16>
    %slice3A_2024 = vector.extract_strided_slice %convert_element_type3A_576 {offsets = [404, 0], sizes = [4, 100], strides = [1, 1]} : vector<512x100xbf16> to vector<4x100xbf16>
    %dot_general3A_2025 = arith.constant dense<0.000000e+00> : vector<4x128xf32>
    %dot_general3A_2026 = tpu.matmul %slice3A_2024, %slice3A_2023, %dot_general3A_2025 {dimension_numbers = #tpu.dot_dimension_numbers<[1], [0], [0], [1], [0, 0, 1, 1], [], []>, transpose_lhs_hint = false} : vector<4x100xbf16>, vector<100x128xbf16>, vector<4x128xf32> -> vector<4x128xf32>
    %slice3A_2027 = vector.extract_strided_slice %convert_element_type3A_579 {offsets = [404, 0], sizes = [4, 100], strides = [1, 1]} : vector<512x100xbf16> to vector<4x100xbf16>
    %dot_general3A_2028 = arith.constant dense<0.000000e+00> : vector<4x128xf32>
    %dot_general3A_2029 = tpu.matmul %slice3A_2027, %slice3A_2023, %dot_general3A_2028 {dimension_numbers = #tpu.dot_dimension_numbers<[1], [0], [0], [1], [0, 0, 1, 1], [], []>, transpose_lhs_hint = false} : vector<4x100xbf16>, vector<100x128xbf16>, vector<4x128xf32> -> vector<4x128xf32>
    %add3A_2030 = arith.addf %dot_general3A_2026, %dot_general3A_2029 : vector<4x128xf32>
    %jit3A_2031 = arith.constant 0.000000e+00 : f32
    %broadcast_in_dim3A_2032 = vector.broadcast %jit3A_2031 : f32 to vector<4x128xf32>
    %select_n3A_2033 = arith.select %eq3A_608, %add3A_2030, %broadcast_in_dim3A_2032 : vector<4x128xi1>, vector<4x128xf32>
    %reduce_sum3A_2034 = arith.constant dense<0.000000e+00> : vector<128xf32>
    %reduce_sum3A_2035 = vector.multi_reduction <add>, %select_n3A_2033, %reduce_sum3A_2034 [0] : vector<4x128xf32> to vector<128xf32>
    %broadcast_in_dim3A_2036 = vector.shape_cast %reduce_sum3A_2035 : vector<128xf32> to vector<1x128xf32>
    %slice3A_2037 = vector.extract_strided_slice %get3A_1 {offsets = [0, 13056], sizes = [100, 128], strides = [1, 1]} : vector<100x16384xbf16> to vector<100x128xbf16>
    %slice3A_2038 = vector.extract_strided_slice %convert_element_type3A_576 {offsets = [408, 0], sizes = [4, 100], strides = [1, 1]} : vector<512x100xbf16> to vector<4x100xbf16>
    %dot_general3A_2039 = arith.constant dense<0.000000e+00> : vector<4x128xf32>
    %dot_general3A_2040 = tpu.matmul %slice3A_2038, %slice3A_2037, %dot_general3A_2039 {dimension_numbers = #tpu.dot_dimension_numbers<[1], [0], [0], [1], [0, 0, 1, 1], [], []>, transpose_lhs_hint = false} : vector<4x100xbf16>, vector<100x128xbf16>, vector<4x128xf32> -> vector<4x128xf32>
    %slice3A_2041 = vector.extract_strided_slice %convert_element_type3A_579 {offsets = [408, 0], sizes = [4, 100], strides = [1, 1]} : vector<512x100xbf16> to vector<4x100xbf16>
    %dot_general3A_2042 = arith.constant dense<0.000000e+00> : vector<4x128xf32>
    %dot_general3A_2043 = tpu.matmul %slice3A_2041, %slice3A_2037, %dot_general3A_2042 {dimension_numbers = #tpu.dot_dimension_numbers<[1], [0], [0], [1], [0, 0, 1, 1], [], []>, transpose_lhs_hint = false} : vector<4x100xbf16>, vector<100x128xbf16>, vector<4x128xf32> -> vector<4x128xf32>
    %add3A_2044 = arith.addf %dot_general3A_2040, %dot_general3A_2043 : vector<4x128xf32>
    %jit3A_2045 = arith.constant 0.000000e+00 : f32
    %broadcast_in_dim3A_2046 = vector.broadcast %jit3A_2045 : f32 to vector<4x128xf32>
    %select_n3A_2047 = arith.select %eq3A_608, %add3A_2044, %broadcast_in_dim3A_2046 : vector<4x128xi1>, vector<4x128xf32>
    %reduce_sum3A_2048 = arith.constant dense<0.000000e+00> : vector<128xf32>
    %reduce_sum3A_2049 = vector.multi_reduction <add>, %select_n3A_2047, %reduce_sum3A_2048 [0] : vector<4x128xf32> to vector<128xf32>
    %broadcast_in_dim3A_2050 = vector.shape_cast %reduce_sum3A_2049 : vector<128xf32> to vector<1x128xf32>
    %slice3A_2051 = vector.extract_strided_slice %get3A_1 {offsets = [0, 13184], sizes = [100, 128], strides = [1, 1]} : vector<100x16384xbf16> to vector<100x128xbf16>
    %slice3A_2052 = vector.extract_strided_slice %convert_element_type3A_576 {offsets = [412, 0], sizes = [4, 100], strides = [1, 1]} : vector<512x100xbf16> to vector<4x100xbf16>
    %dot_general3A_2053 = arith.constant dense<0.000000e+00> : vector<4x128xf32>
    %dot_general3A_2054 = tpu.matmul %slice3A_2052, %slice3A_2051, %dot_general3A_2053 {dimension_numbers = #tpu.dot_dimension_numbers<[1], [0], [0], [1], [0, 0, 1, 1], [], []>, transpose_lhs_hint = false} : vector<4x100xbf16>, vector<100x128xbf16>, vector<4x128xf32> -> vector<4x128xf32>
    %slice3A_2055 = vector.extract_strided_slice %convert_element_type3A_579 {offsets = [412, 0], sizes = [4, 100], strides = [1, 1]} : vector<512x100xbf16> to vector<4x100xbf16>
    %dot_general3A_2056 = arith.constant dense<0.000000e+00> : vector<4x128xf32>
    %dot_general3A_2057 = tpu.matmul %slice3A_2055, %slice3A_2051, %dot_general3A_2056 {dimension_numbers = #tpu.dot_dimension_numbers<[1], [0], [0], [1], [0, 0, 1, 1], [], []>, transpose_lhs_hint = false} : vector<4x100xbf16>, vector<100x128xbf16>, vector<4x128xf32> -> vector<4x128xf32>
    %add3A_2058 = arith.addf %dot_general3A_2054, %dot_general3A_2057 : vector<4x128xf32>
    %jit3A_2059 = arith.constant 0.000000e+00 : f32
    %broadcast_in_dim3A_2060 = vector.broadcast %jit3A_2059 : f32 to vector<4x128xf32>
    %select_n3A_2061 = arith.select %eq3A_608, %add3A_2058, %broadcast_in_dim3A_2060 : vector<4x128xi1>, vector<4x128xf32>
    %reduce_sum3A_2062 = arith.constant dense<0.000000e+00> : vector<128xf32>
    %reduce_sum3A_2063 = vector.multi_reduction <add>, %select_n3A_2061, %reduce_sum3A_2062 [0] : vector<4x128xf32> to vector<128xf32>
    %broadcast_in_dim3A_2064 = vector.shape_cast %reduce_sum3A_2063 : vector<128xf32> to vector<1x128xf32>
    %slice3A_2065 = vector.extract_strided_slice %get3A_1 {offsets = [0, 13312], sizes = [100, 128], strides = [1, 1]} : vector<100x16384xbf16> to vector<100x128xbf16>
    %slice3A_2066 = vector.extract_strided_slice %convert_element_type3A_576 {offsets = [416, 0], sizes = [4, 100], strides = [1, 1]} : vector<512x100xbf16> to vector<4x100xbf16>
    %dot_general3A_2067 = arith.constant dense<0.000000e+00> : vector<4x128xf32>
    %dot_general3A_2068 = tpu.matmul %slice3A_2066, %slice3A_2065, %dot_general3A_2067 {dimension_numbers = #tpu.dot_dimension_numbers<[1], [0], [0], [1], [0, 0, 1, 1], [], []>, transpose_lhs_hint = false} : vector<4x100xbf16>, vector<100x128xbf16>, vector<4x128xf32> -> vector<4x128xf32>
    %slice3A_2069 = vector.extract_strided_slice %convert_element_type3A_579 {offsets = [416, 0], sizes = [4, 100], strides = [1, 1]} : vector<512x100xbf16> to vector<4x100xbf16>
    %dot_general3A_2070 = arith.constant dense<0.000000e+00> : vector<4x128xf32>
    %dot_general3A_2071 = tpu.matmul %slice3A_2069, %slice3A_2065, %dot_general3A_2070 {dimension_numbers = #tpu.dot_dimension_numbers<[1], [0], [0], [1], [0, 0, 1, 1], [], []>, transpose_lhs_hint = false} : vector<4x100xbf16>, vector<100x128xbf16>, vector<4x128xf32> -> vector<4x128xf32>
    %add3A_2072 = arith.addf %dot_general3A_2068, %dot_general3A_2071 : vector<4x128xf32>
    %jit3A_2073 = arith.constant 0.000000e+00 : f32
    %broadcast_in_dim3A_2074 = vector.broadcast %jit3A_2073 : f32 to vector<4x128xf32>
    %select_n3A_2075 = arith.select %eq3A_608, %add3A_2072, %broadcast_in_dim3A_2074 : vector<4x128xi1>, vector<4x128xf32>
    %reduce_sum3A_2076 = arith.constant dense<0.000000e+00> : vector<128xf32>
    %reduce_sum3A_2077 = vector.multi_reduction <add>, %select_n3A_2075, %reduce_sum3A_2076 [0] : vector<4x128xf32> to vector<128xf32>
    %broadcast_in_dim3A_2078 = vector.shape_cast %reduce_sum3A_2077 : vector<128xf32> to vector<1x128xf32>
    %slice3A_2079 = vector.extract_strided_slice %get3A_1 {offsets = [0, 13440], sizes = [100, 128], strides = [1, 1]} : vector<100x16384xbf16> to vector<100x128xbf16>
    %slice3A_2080 = vector.extract_strided_slice %convert_element_type3A_576 {offsets = [420, 0], sizes = [4, 100], strides = [1, 1]} : vector<512x100xbf16> to vector<4x100xbf16>
    %dot_general3A_2081 = arith.constant dense<0.000000e+00> : vector<4x128xf32>
    %dot_general3A_2082 = tpu.matmul %slice3A_2080, %slice3A_2079, %dot_general3A_2081 {dimension_numbers = #tpu.dot_dimension_numbers<[1], [0], [0], [1], [0, 0, 1, 1], [], []>, transpose_lhs_hint = false} : vector<4x100xbf16>, vector<100x128xbf16>, vector<4x128xf32> -> vector<4x128xf32>
    %slice3A_2083 = vector.extract_strided_slice %convert_element_type3A_579 {offsets = [420, 0], sizes = [4, 100], strides = [1, 1]} : vector<512x100xbf16> to vector<4x100xbf16>
    %dot_general3A_2084 = arith.constant dense<0.000000e+00> : vector<4x128xf32>
    %dot_general3A_2085 = tpu.matmul %slice3A_2083, %slice3A_2079, %dot_general3A_2084 {dimension_numbers = #tpu.dot_dimension_numbers<[1], [0], [0], [1], [0, 0, 1, 1], [], []>, transpose_lhs_hint = false} : vector<4x100xbf16>, vector<100x128xbf16>, vector<4x128xf32> -> vector<4x128xf32>
    %add3A_2086 = arith.addf %dot_general3A_2082, %dot_general3A_2085 : vector<4x128xf32>
    %jit3A_2087 = arith.constant 0.000000e+00 : f32
    %broadcast_in_dim3A_2088 = vector.broadcast %jit3A_2087 : f32 to vector<4x128xf32>
    %select_n3A_2089 = arith.select %eq3A_608, %add3A_2086, %broadcast_in_dim3A_2088 : vector<4x128xi1>, vector<4x128xf32>
    %reduce_sum3A_2090 = arith.constant dense<0.000000e+00> : vector<128xf32>
    %reduce_sum3A_2091 = vector.multi_reduction <add>, %select_n3A_2089, %reduce_sum3A_2090 [0] : vector<4x128xf32> to vector<128xf32>
    %broadcast_in_dim3A_2092 = vector.shape_cast %reduce_sum3A_2091 : vector<128xf32> to vector<1x128xf32>
    %slice3A_2093 = vector.extract_strided_slice %get3A_1 {offsets = [0, 13568], sizes = [100, 128], strides = [1, 1]} : vector<100x16384xbf16> to vector<100x128xbf16>
    %slice3A_2094 = vector.extract_strided_slice %convert_element_type3A_576 {offsets = [424, 0], sizes = [4, 100], strides = [1, 1]} : vector<512x100xbf16> to vector<4x100xbf16>
    %dot_general3A_2095 = arith.constant dense<0.000000e+00> : vector<4x128xf32>
    %dot_general3A_2096 = tpu.matmul %slice3A_2094, %slice3A_2093, %dot_general3A_2095 {dimension_numbers = #tpu.dot_dimension_numbers<[1], [0], [0], [1], [0, 0, 1, 1], [], []>, transpose_lhs_hint = false} : vector<4x100xbf16>, vector<100x128xbf16>, vector<4x128xf32> -> vector<4x128xf32>
    %slice3A_2097 = vector.extract_strided_slice %convert_element_type3A_579 {offsets = [424, 0], sizes = [4, 100], strides = [1, 1]} : vector<512x100xbf16> to vector<4x100xbf16>
    %dot_general3A_2098 = arith.constant dense<0.000000e+00> : vector<4x128xf32>
    %dot_general3A_2099 = tpu.matmul %slice3A_2097, %slice3A_2093, %dot_general3A_2098 {dimension_numbers = #tpu.dot_dimension_numbers<[1], [0], [0], [1], [0, 0, 1, 1], [], []>, transpose_lhs_hint = false} : vector<4x100xbf16>, vector<100x128xbf16>, vector<4x128xf32> -> vector<4x128xf32>
    %add3A_2100 = arith.addf %dot_general3A_2096, %dot_general3A_2099 : vector<4x128xf32>
    %jit3A_2101 = arith.constant 0.000000e+00 : f32
    %broadcast_in_dim3A_2102 = vector.broadcast %jit3A_2101 : f32 to vector<4x128xf32>
    %select_n3A_2103 = arith.select %eq3A_608, %add3A_2100, %broadcast_in_dim3A_2102 : vector<4x128xi1>, vector<4x128xf32>
    %reduce_sum3A_2104 = arith.constant dense<0.000000e+00> : vector<128xf32>
    %reduce_sum3A_2105 = vector.multi_reduction <add>, %select_n3A_2103, %reduce_sum3A_2104 [0] : vector<4x128xf32> to vector<128xf32>
    %broadcast_in_dim3A_2106 = vector.shape_cast %reduce_sum3A_2105 : vector<128xf32> to vector<1x128xf32>
    %slice3A_2107 = vector.extract_strided_slice %get3A_1 {offsets = [0, 13696], sizes = [100, 128], strides = [1, 1]} : vector<100x16384xbf16> to vector<100x128xbf16>
    %slice3A_2108 = vector.extract_strided_slice %convert_element_type3A_576 {offsets = [428, 0], sizes = [4, 100], strides = [1, 1]} : vector<512x100xbf16> to vector<4x100xbf16>
    %dot_general3A_2109 = arith.constant dense<0.000000e+00> : vector<4x128xf32>
    %dot_general3A_2110 = tpu.matmul %slice3A_2108, %slice3A_2107, %dot_general3A_2109 {dimension_numbers = #tpu.dot_dimension_numbers<[1], [0], [0], [1], [0, 0, 1, 1], [], []>, transpose_lhs_hint = false} : vector<4x100xbf16>, vector<100x128xbf16>, vector<4x128xf32> -> vector<4x128xf32>
    %slice3A_2111 = vector.extract_strided_slice %convert_element_type3A_579 {offsets = [428, 0], sizes = [4, 100], strides = [1, 1]} : vector<512x100xbf16> to vector<4x100xbf16>
    %dot_general3A_2112 = arith.constant dense<0.000000e+00> : vector<4x128xf32>
    %dot_general3A_2113 = tpu.matmul %slice3A_2111, %slice3A_2107, %dot_general3A_2112 {dimension_numbers = #tpu.dot_dimension_numbers<[1], [0], [0], [1], [0, 0, 1, 1], [], []>, transpose_lhs_hint = false} : vector<4x100xbf16>, vector<100x128xbf16>, vector<4x128xf32> -> vector<4x128xf32>
    %add3A_2114 = arith.addf %dot_general3A_2110, %dot_general3A_2113 : vector<4x128xf32>
    %jit3A_2115 = arith.constant 0.000000e+00 : f32
    %broadcast_in_dim3A_2116 = vector.broadcast %jit3A_2115 : f32 to vector<4x128xf32>
    %select_n3A_2117 = arith.select %eq3A_608, %add3A_2114, %broadcast_in_dim3A_2116 : vector<4x128xi1>, vector<4x128xf32>
    %reduce_sum3A_2118 = arith.constant dense<0.000000e+00> : vector<128xf32>
    %reduce_sum3A_2119 = vector.multi_reduction <add>, %select_n3A_2117, %reduce_sum3A_2118 [0] : vector<4x128xf32> to vector<128xf32>
    %broadcast_in_dim3A_2120 = vector.shape_cast %reduce_sum3A_2119 : vector<128xf32> to vector<1x128xf32>
    %slice3A_2121 = vector.extract_strided_slice %get3A_1 {offsets = [0, 13824], sizes = [100, 128], strides = [1, 1]} : vector<100x16384xbf16> to vector<100x128xbf16>
    %slice3A_2122 = vector.extract_strided_slice %convert_element_type3A_576 {offsets = [432, 0], sizes = [4, 100], strides = [1, 1]} : vector<512x100xbf16> to vector<4x100xbf16>
    %dot_general3A_2123 = arith.constant dense<0.000000e+00> : vector<4x128xf32>
    %dot_general3A_2124 = tpu.matmul %slice3A_2122, %slice3A_2121, %dot_general3A_2123 {dimension_numbers = #tpu.dot_dimension_numbers<[1], [0], [0], [1], [0, 0, 1, 1], [], []>, transpose_lhs_hint = false} : vector<4x100xbf16>, vector<100x128xbf16>, vector<4x128xf32> -> vector<4x128xf32>
    %slice3A_2125 = vector.extract_strided_slice %convert_element_type3A_579 {offsets = [432, 0], sizes = [4, 100], strides = [1, 1]} : vector<512x100xbf16> to vector<4x100xbf16>
    %dot_general3A_2126 = arith.constant dense<0.000000e+00> : vector<4x128xf32>
    %dot_general3A_2127 = tpu.matmul %slice3A_2125, %slice3A_2121, %dot_general3A_2126 {dimension_numbers = #tpu.dot_dimension_numbers<[1], [0], [0], [1], [0, 0, 1, 1], [], []>, transpose_lhs_hint = false} : vector<4x100xbf16>, vector<100x128xbf16>, vector<4x128xf32> -> vector<4x128xf32>
    %add3A_2128 = arith.addf %dot_general3A_2124, %dot_general3A_2127 : vector<4x128xf32>
    %jit3A_2129 = arith.constant 0.000000e+00 : f32
    %broadcast_in_dim3A_2130 = vector.broadcast %jit3A_2129 : f32 to vector<4x128xf32>
    %select_n3A_2131 = arith.select %eq3A_608, %add3A_2128, %broadcast_in_dim3A_2130 : vector<4x128xi1>, vector<4x128xf32>
    %reduce_sum3A_2132 = arith.constant dense<0.000000e+00> : vector<128xf32>
    %reduce_sum3A_2133 = vector.multi_reduction <add>, %select_n3A_2131, %reduce_sum3A_2132 [0] : vector<4x128xf32> to vector<128xf32>
    %broadcast_in_dim3A_2134 = vector.shape_cast %reduce_sum3A_2133 : vector<128xf32> to vector<1x128xf32>
    %slice3A_2135 = vector.extract_strided_slice %get3A_1 {offsets = [0, 13952], sizes = [100, 128], strides = [1, 1]} : vector<100x16384xbf16> to vector<100x128xbf16>
    %slice3A_2136 = vector.extract_strided_slice %convert_element_type3A_576 {offsets = [436, 0], sizes = [4, 100], strides = [1, 1]} : vector<512x100xbf16> to vector<4x100xbf16>
    %dot_general3A_2137 = arith.constant dense<0.000000e+00> : vector<4x128xf32>
    %dot_general3A_2138 = tpu.matmul %slice3A_2136, %slice3A_2135, %dot_general3A_2137 {dimension_numbers = #tpu.dot_dimension_numbers<[1], [0], [0], [1], [0, 0, 1, 1], [], []>, transpose_lhs_hint = false} : vector<4x100xbf16>, vector<100x128xbf16>, vector<4x128xf32> -> vector<4x128xf32>
    %slice3A_2139 = vector.extract_strided_slice %convert_element_type3A_579 {offsets = [436, 0], sizes = [4, 100], strides = [1, 1]} : vector<512x100xbf16> to vector<4x100xbf16>
    %dot_general3A_2140 = arith.constant dense<0.000000e+00> : vector<4x128xf32>
    %dot_general3A_2141 = tpu.matmul %slice3A_2139, %slice3A_2135, %dot_general3A_2140 {dimension_numbers = #tpu.dot_dimension_numbers<[1], [0], [0], [1], [0, 0, 1, 1], [], []>, transpose_lhs_hint = false} : vector<4x100xbf16>, vector<100x128xbf16>, vector<4x128xf32> -> vector<4x128xf32>
    %add3A_2142 = arith.addf %dot_general3A_2138, %dot_general3A_2141 : vector<4x128xf32>
    %jit3A_2143 = arith.constant 0.000000e+00 : f32
    %broadcast_in_dim3A_2144 = vector.broadcast %jit3A_2143 : f32 to vector<4x128xf32>
    %select_n3A_2145 = arith.select %eq3A_608, %add3A_2142, %broadcast_in_dim3A_2144 : vector<4x128xi1>, vector<4x128xf32>
    %reduce_sum3A_2146 = arith.constant dense<0.000000e+00> : vector<128xf32>
    %reduce_sum3A_2147 = vector.multi_reduction <add>, %select_n3A_2145, %reduce_sum3A_2146 [0] : vector<4x128xf32> to vector<128xf32>
    %broadcast_in_dim3A_2148 = vector.shape_cast %reduce_sum3A_2147 : vector<128xf32> to vector<1x128xf32>
    %slice3A_2149 = vector.extract_strided_slice %get3A_1 {offsets = [0, 14080], sizes = [100, 128], strides = [1, 1]} : vector<100x16384xbf16> to vector<100x128xbf16>
    %slice3A_2150 = vector.extract_strided_slice %convert_element_type3A_576 {offsets = [440, 0], sizes = [4, 100], strides = [1, 1]} : vector<512x100xbf16> to vector<4x100xbf16>
    %dot_general3A_2151 = arith.constant dense<0.000000e+00> : vector<4x128xf32>
    %dot_general3A_2152 = tpu.matmul %slice3A_2150, %slice3A_2149, %dot_general3A_2151 {dimension_numbers = #tpu.dot_dimension_numbers<[1], [0], [0], [1], [0, 0, 1, 1], [], []>, transpose_lhs_hint = false} : vector<4x100xbf16>, vector<100x128xbf16>, vector<4x128xf32> -> vector<4x128xf32>
    %slice3A_2153 = vector.extract_strided_slice %convert_element_type3A_579 {offsets = [440, 0], sizes = [4, 100], strides = [1, 1]} : vector<512x100xbf16> to vector<4x100xbf16>
    %dot_general3A_2154 = arith.constant dense<0.000000e+00> : vector<4x128xf32>
    %dot_general3A_2155 = tpu.matmul %slice3A_2153, %slice3A_2149, %dot_general3A_2154 {dimension_numbers = #tpu.dot_dimension_numbers<[1], [0], [0], [1], [0, 0, 1, 1], [], []>, transpose_lhs_hint = false} : vector<4x100xbf16>, vector<100x128xbf16>, vector<4x128xf32> -> vector<4x128xf32>
    %add3A_2156 = arith.addf %dot_general3A_2152, %dot_general3A_2155 : vector<4x128xf32>
    %jit3A_2157 = arith.constant 0.000000e+00 : f32
    %broadcast_in_dim3A_2158 = vector.broadcast %jit3A_2157 : f32 to vector<4x128xf32>
    %select_n3A_2159 = arith.select %eq3A_608, %add3A_2156, %broadcast_in_dim3A_2158 : vector<4x128xi1>, vector<4x128xf32>
    %reduce_sum3A_2160 = arith.constant dense<0.000000e+00> : vector<128xf32>
    %reduce_sum3A_2161 = vector.multi_reduction <add>, %select_n3A_2159, %reduce_sum3A_2160 [0] : vector<4x128xf32> to vector<128xf32>
    %broadcast_in_dim3A_2162 = vector.shape_cast %reduce_sum3A_2161 : vector<128xf32> to vector<1x128xf32>
    %slice3A_2163 = vector.extract_strided_slice %get3A_1 {offsets = [0, 14208], sizes = [100, 128], strides = [1, 1]} : vector<100x16384xbf16> to vector<100x128xbf16>
    %slice3A_2164 = vector.extract_strided_slice %convert_element_type3A_576 {offsets = [444, 0], sizes = [4, 100], strides = [1, 1]} : vector<512x100xbf16> to vector<4x100xbf16>
    %dot_general3A_2165 = arith.constant dense<0.000000e+00> : vector<4x128xf32>
    %dot_general3A_2166 = tpu.matmul %slice3A_2164, %slice3A_2163, %dot_general3A_2165 {dimension_numbers = #tpu.dot_dimension_numbers<[1], [0], [0], [1], [0, 0, 1, 1], [], []>, transpose_lhs_hint = false} : vector<4x100xbf16>, vector<100x128xbf16>, vector<4x128xf32> -> vector<4x128xf32>
    %slice3A_2167 = vector.extract_strided_slice %convert_element_type3A_579 {offsets = [444, 0], sizes = [4, 100], strides = [1, 1]} : vector<512x100xbf16> to vector<4x100xbf16>
    %dot_general3A_2168 = arith.constant dense<0.000000e+00> : vector<4x128xf32>
    %dot_general3A_2169 = tpu.matmul %slice3A_2167, %slice3A_2163, %dot_general3A_2168 {dimension_numbers = #tpu.dot_dimension_numbers<[1], [0], [0], [1], [0, 0, 1, 1], [], []>, transpose_lhs_hint = false} : vector<4x100xbf16>, vector<100x128xbf16>, vector<4x128xf32> -> vector<4x128xf32>
    %add3A_2170 = arith.addf %dot_general3A_2166, %dot_general3A_2169 : vector<4x128xf32>
    %jit3A_2171 = arith.constant 0.000000e+00 : f32
    %broadcast_in_dim3A_2172 = vector.broadcast %jit3A_2171 : f32 to vector<4x128xf32>
    %select_n3A_2173 = arith.select %eq3A_608, %add3A_2170, %broadcast_in_dim3A_2172 : vector<4x128xi1>, vector<4x128xf32>
    %reduce_sum3A_2174 = arith.constant dense<0.000000e+00> : vector<128xf32>
    %reduce_sum3A_2175 = vector.multi_reduction <add>, %select_n3A_2173, %reduce_sum3A_2174 [0] : vector<4x128xf32> to vector<128xf32>
    %broadcast_in_dim3A_2176 = vector.shape_cast %reduce_sum3A_2175 : vector<128xf32> to vector<1x128xf32>
    %slice3A_2177 = vector.extract_strided_slice %get3A_1 {offsets = [0, 14336], sizes = [100, 128], strides = [1, 1]} : vector<100x16384xbf16> to vector<100x128xbf16>
    %slice3A_2178 = vector.extract_strided_slice %convert_element_type3A_576 {offsets = [448, 0], sizes = [4, 100], strides = [1, 1]} : vector<512x100xbf16> to vector<4x100xbf16>
    %dot_general3A_2179 = arith.constant dense<0.000000e+00> : vector<4x128xf32>
    %dot_general3A_2180 = tpu.matmul %slice3A_2178, %slice3A_2177, %dot_general3A_2179 {dimension_numbers = #tpu.dot_dimension_numbers<[1], [0], [0], [1], [0, 0, 1, 1], [], []>, transpose_lhs_hint = false} : vector<4x100xbf16>, vector<100x128xbf16>, vector<4x128xf32> -> vector<4x128xf32>
    %slice3A_2181 = vector.extract_strided_slice %convert_element_type3A_579 {offsets = [448, 0], sizes = [4, 100], strides = [1, 1]} : vector<512x100xbf16> to vector<4x100xbf16>
    %dot_general3A_2182 = arith.constant dense<0.000000e+00> : vector<4x128xf32>
    %dot_general3A_2183 = tpu.matmul %slice3A_2181, %slice3A_2177, %dot_general3A_2182 {dimension_numbers = #tpu.dot_dimension_numbers<[1], [0], [0], [1], [0, 0, 1, 1], [], []>, transpose_lhs_hint = false} : vector<4x100xbf16>, vector<100x128xbf16>, vector<4x128xf32> -> vector<4x128xf32>
    %add3A_2184 = arith.addf %dot_general3A_2180, %dot_general3A_2183 : vector<4x128xf32>
    %jit3A_2185 = arith.constant 0.000000e+00 : f32
    %broadcast_in_dim3A_2186 = vector.broadcast %jit3A_2185 : f32 to vector<4x128xf32>
    %select_n3A_2187 = arith.select %eq3A_608, %add3A_2184, %broadcast_in_dim3A_2186 : vector<4x128xi1>, vector<4x128xf32>
    %reduce_sum3A_2188 = arith.constant dense<0.000000e+00> : vector<128xf32>
    %reduce_sum3A_2189 = vector.multi_reduction <add>, %select_n3A_2187, %reduce_sum3A_2188 [0] : vector<4x128xf32> to vector<128xf32>
    %broadcast_in_dim3A_2190 = vector.shape_cast %reduce_sum3A_2189 : vector<128xf32> to vector<1x128xf32>
    %slice3A_2191 = vector.extract_strided_slice %get3A_1 {offsets = [0, 14464], sizes = [100, 128], strides = [1, 1]} : vector<100x16384xbf16> to vector<100x128xbf16>
    %slice3A_2192 = vector.extract_strided_slice %convert_element_type3A_576 {offsets = [452, 0], sizes = [4, 100], strides = [1, 1]} : vector<512x100xbf16> to vector<4x100xbf16>
    %dot_general3A_2193 = arith.constant dense<0.000000e+00> : vector<4x128xf32>
    %dot_general3A_2194 = tpu.matmul %slice3A_2192, %slice3A_2191, %dot_general3A_2193 {dimension_numbers = #tpu.dot_dimension_numbers<[1], [0], [0], [1], [0, 0, 1, 1], [], []>, transpose_lhs_hint = false} : vector<4x100xbf16>, vector<100x128xbf16>, vector<4x128xf32> -> vector<4x128xf32>
    %slice3A_2195 = vector.extract_strided_slice %convert_element_type3A_579 {offsets = [452, 0], sizes = [4, 100], strides = [1, 1]} : vector<512x100xbf16> to vector<4x100xbf16>
    %dot_general3A_2196 = arith.constant dense<0.000000e+00> : vector<4x128xf32>
    %dot_general3A_2197 = tpu.matmul %slice3A_2195, %slice3A_2191, %dot_general3A_2196 {dimension_numbers = #tpu.dot_dimension_numbers<[1], [0], [0], [1], [0, 0, 1, 1], [], []>, transpose_lhs_hint = false} : vector<4x100xbf16>, vector<100x128xbf16>, vector<4x128xf32> -> vector<4x128xf32>
    %add3A_2198 = arith.addf %dot_general3A_2194, %dot_general3A_2197 : vector<4x128xf32>
    %jit3A_2199 = arith.constant 0.000000e+00 : f32
    %broadcast_in_dim3A_2200 = vector.broadcast %jit3A_2199 : f32 to vector<4x128xf32>
    %select_n3A_2201 = arith.select %eq3A_608, %add3A_2198, %broadcast_in_dim3A_2200 : vector<4x128xi1>, vector<4x128xf32>
    %reduce_sum3A_2202 = arith.constant dense<0.000000e+00> : vector<128xf32>
    %reduce_sum3A_2203 = vector.multi_reduction <add>, %select_n3A_2201, %reduce_sum3A_2202 [0] : vector<4x128xf32> to vector<128xf32>
    %broadcast_in_dim3A_2204 = vector.shape_cast %reduce_sum3A_2203 : vector<128xf32> to vector<1x128xf32>
    %slice3A_2205 = vector.extract_strided_slice %get3A_1 {offsets = [0, 14592], sizes = [100, 128], strides = [1, 1]} : vector<100x16384xbf16> to vector<100x128xbf16>
    %slice3A_2206 = vector.extract_strided_slice %convert_element_type3A_576 {offsets = [456, 0], sizes = [4, 100], strides = [1, 1]} : vector<512x100xbf16> to vector<4x100xbf16>
    %dot_general3A_2207 = arith.constant dense<0.000000e+00> : vector<4x128xf32>
    %dot_general3A_2208 = tpu.matmul %slice3A_2206, %slice3A_2205, %dot_general3A_2207 {dimension_numbers = #tpu.dot_dimension_numbers<[1], [0], [0], [1], [0, 0, 1, 1], [], []>, transpose_lhs_hint = false} : vector<4x100xbf16>, vector<100x128xbf16>, vector<4x128xf32> -> vector<4x128xf32>
    %slice3A_2209 = vector.extract_strided_slice %convert_element_type3A_579 {offsets = [456, 0], sizes = [4, 100], strides = [1, 1]} : vector<512x100xbf16> to vector<4x100xbf16>
    %dot_general3A_2210 = arith.constant dense<0.000000e+00> : vector<4x128xf32>
    %dot_general3A_2211 = tpu.matmul %slice3A_2209, %slice3A_2205, %dot_general3A_2210 {dimension_numbers = #tpu.dot_dimension_numbers<[1], [0], [0], [1], [0, 0, 1, 1], [], []>, transpose_lhs_hint = false} : vector<4x100xbf16>, vector<100x128xbf16>, vector<4x128xf32> -> vector<4x128xf32>
    %add3A_2212 = arith.addf %dot_general3A_2208, %dot_general3A_2211 : vector<4x128xf32>
    %jit3A_2213 = arith.constant 0.000000e+00 : f32
    %broadcast_in_dim3A_2214 = vector.broadcast %jit3A_2213 : f32 to vector<4x128xf32>
    %select_n3A_2215 = arith.select %eq3A_608, %add3A_2212, %broadcast_in_dim3A_2214 : vector<4x128xi1>, vector<4x128xf32>
    %reduce_sum3A_2216 = arith.constant dense<0.000000e+00> : vector<128xf32>
    %reduce_sum3A_2217 = vector.multi_reduction <add>, %select_n3A_2215, %reduce_sum3A_2216 [0] : vector<4x128xf32> to vector<128xf32>
    %broadcast_in_dim3A_2218 = vector.shape_cast %reduce_sum3A_2217 : vector<128xf32> to vector<1x128xf32>
    %slice3A_2219 = vector.extract_strided_slice %get3A_1 {offsets = [0, 14720], sizes = [100, 128], strides = [1, 1]} : vector<100x16384xbf16> to vector<100x128xbf16>
    %slice3A_2220 = vector.extract_strided_slice %convert_element_type3A_576 {offsets = [460, 0], sizes = [4, 100], strides = [1, 1]} : vector<512x100xbf16> to vector<4x100xbf16>
    %dot_general3A_2221 = arith.constant dense<0.000000e+00> : vector<4x128xf32>
    %dot_general3A_2222 = tpu.matmul %slice3A_2220, %slice3A_2219, %dot_general3A_2221 {dimension_numbers = #tpu.dot_dimension_numbers<[1], [0], [0], [1], [0, 0, 1, 1], [], []>, transpose_lhs_hint = false} : vector<4x100xbf16>, vector<100x128xbf16>, vector<4x128xf32> -> vector<4x128xf32>
    %slice3A_2223 = vector.extract_strided_slice %convert_element_type3A_579 {offsets = [460, 0], sizes = [4, 100], strides = [1, 1]} : vector<512x100xbf16> to vector<4x100xbf16>
    %dot_general3A_2224 = arith.constant dense<0.000000e+00> : vector<4x128xf32>
    %dot_general3A_2225 = tpu.matmul %slice3A_2223, %slice3A_2219, %dot_general3A_2224 {dimension_numbers = #tpu.dot_dimension_numbers<[1], [0], [0], [1], [0, 0, 1, 1], [], []>, transpose_lhs_hint = false} : vector<4x100xbf16>, vector<100x128xbf16>, vector<4x128xf32> -> vector<4x128xf32>
    %add3A_2226 = arith.addf %dot_general3A_2222, %dot_general3A_2225 : vector<4x128xf32>
    %jit3A_2227 = arith.constant 0.000000e+00 : f32
    %broadcast_in_dim3A_2228 = vector.broadcast %jit3A_2227 : f32 to vector<4x128xf32>
    %select_n3A_2229 = arith.select %eq3A_608, %add3A_2226, %broadcast_in_dim3A_2228 : vector<4x128xi1>, vector<4x128xf32>
    %reduce_sum3A_2230 = arith.constant dense<0.000000e+00> : vector<128xf32>
    %reduce_sum3A_2231 = vector.multi_reduction <add>, %select_n3A_2229, %reduce_sum3A_2230 [0] : vector<4x128xf32> to vector<128xf32>
    %broadcast_in_dim3A_2232 = vector.shape_cast %reduce_sum3A_2231 : vector<128xf32> to vector<1x128xf32>
    %slice3A_2233 = vector.extract_strided_slice %get3A_1 {offsets = [0, 14848], sizes = [100, 128], strides = [1, 1]} : vector<100x16384xbf16> to vector<100x128xbf16>
    %slice3A_2234 = vector.extract_strided_slice %convert_element_type3A_576 {offsets = [464, 0], sizes = [4, 100], strides = [1, 1]} : vector<512x100xbf16> to vector<4x100xbf16>
    %dot_general3A_2235 = arith.constant dense<0.000000e+00> : vector<4x128xf32>
    %dot_general3A_2236 = tpu.matmul %slice3A_2234, %slice3A_2233, %dot_general3A_2235 {dimension_numbers = #tpu.dot_dimension_numbers<[1], [0], [0], [1], [0, 0, 1, 1], [], []>, transpose_lhs_hint = false} : vector<4x100xbf16>, vector<100x128xbf16>, vector<4x128xf32> -> vector<4x128xf32>
    %slice3A_2237 = vector.extract_strided_slice %convert_element_type3A_579 {offsets = [464, 0], sizes = [4, 100], strides = [1, 1]} : vector<512x100xbf16> to vector<4x100xbf16>
    %dot_general3A_2238 = arith.constant dense<0.000000e+00> : vector<4x128xf32>
    %dot_general3A_2239 = tpu.matmul %slice3A_2237, %slice3A_2233, %dot_general3A_2238 {dimension_numbers = #tpu.dot_dimension_numbers<[1], [0], [0], [1], [0, 0, 1, 1], [], []>, transpose_lhs_hint = false} : vector<4x100xbf16>, vector<100x128xbf16>, vector<4x128xf32> -> vector<4x128xf32>
    %add3A_2240 = arith.addf %dot_general3A_2236, %dot_general3A_2239 : vector<4x128xf32>
    %jit3A_2241 = arith.constant 0.000000e+00 : f32
    %broadcast_in_dim3A_2242 = vector.broadcast %jit3A_2241 : f32 to vector<4x128xf32>
    %select_n3A_2243 = arith.select %eq3A_608, %add3A_2240, %broadcast_in_dim3A_2242 : vector<4x128xi1>, vector<4x128xf32>
    %reduce_sum3A_2244 = arith.constant dense<0.000000e+00> : vector<128xf32>
    %reduce_sum3A_2245 = vector.multi_reduction <add>, %select_n3A_2243, %reduce_sum3A_2244 [0] : vector<4x128xf32> to vector<128xf32>
    %broadcast_in_dim3A_2246 = vector.shape_cast %reduce_sum3A_2245 : vector<128xf32> to vector<1x128xf32>
    %slice3A_2247 = vector.extract_strided_slice %get3A_1 {offsets = [0, 14976], sizes = [100, 128], strides = [1, 1]} : vector<100x16384xbf16> to vector<100x128xbf16>
    %slice3A_2248 = vector.extract_strided_slice %convert_element_type3A_576 {offsets = [468, 0], sizes = [4, 100], strides = [1, 1]} : vector<512x100xbf16> to vector<4x100xbf16>
    %dot_general3A_2249 = arith.constant dense<0.000000e+00> : vector<4x128xf32>
    %dot_general3A_2250 = tpu.matmul %slice3A_2248, %slice3A_2247, %dot_general3A_2249 {dimension_numbers = #tpu.dot_dimension_numbers<[1], [0], [0], [1], [0, 0, 1, 1], [], []>, transpose_lhs_hint = false} : vector<4x100xbf16>, vector<100x128xbf16>, vector<4x128xf32> -> vector<4x128xf32>
    %slice3A_2251 = vector.extract_strided_slice %convert_element_type3A_579 {offsets = [468, 0], sizes = [4, 100], strides = [1, 1]} : vector<512x100xbf16> to vector<4x100xbf16>
    %dot_general3A_2252 = arith.constant dense<0.000000e+00> : vector<4x128xf32>
    %dot_general3A_2253 = tpu.matmul %slice3A_2251, %slice3A_2247, %dot_general3A_2252 {dimension_numbers = #tpu.dot_dimension_numbers<[1], [0], [0], [1], [0, 0, 1, 1], [], []>, transpose_lhs_hint = false} : vector<4x100xbf16>, vector<100x128xbf16>, vector<4x128xf32> -> vector<4x128xf32>
    %add3A_2254 = arith.addf %dot_general3A_2250, %dot_general3A_2253 : vector<4x128xf32>
    %jit3A_2255 = arith.constant 0.000000e+00 : f32
    %broadcast_in_dim3A_2256 = vector.broadcast %jit3A_2255 : f32 to vector<4x128xf32>
    %select_n3A_2257 = arith.select %eq3A_608, %add3A_2254, %broadcast_in_dim3A_2256 : vector<4x128xi1>, vector<4x128xf32>
    %reduce_sum3A_2258 = arith.constant dense<0.000000e+00> : vector<128xf32>
    %reduce_sum3A_2259 = vector.multi_reduction <add>, %select_n3A_2257, %reduce_sum3A_2258 [0] : vector<4x128xf32> to vector<128xf32>
    %broadcast_in_dim3A_2260 = vector.shape_cast %reduce_sum3A_2259 : vector<128xf32> to vector<1x128xf32>
    %slice3A_2261 = vector.extract_strided_slice %get3A_1 {offsets = [0, 15104], sizes = [100, 128], strides = [1, 1]} : vector<100x16384xbf16> to vector<100x128xbf16>
    %slice3A_2262 = vector.extract_strided_slice %convert_element_type3A_576 {offsets = [472, 0], sizes = [4, 100], strides = [1, 1]} : vector<512x100xbf16> to vector<4x100xbf16>
    %dot_general3A_2263 = arith.constant dense<0.000000e+00> : vector<4x128xf32>
    %dot_general3A_2264 = tpu.matmul %slice3A_2262, %slice3A_2261, %dot_general3A_2263 {dimension_numbers = #tpu.dot_dimension_numbers<[1], [0], [0], [1], [0, 0, 1, 1], [], []>, transpose_lhs_hint = false} : vector<4x100xbf16>, vector<100x128xbf16>, vector<4x128xf32> -> vector<4x128xf32>
    %slice3A_2265 = vector.extract_strided_slice %convert_element_type3A_579 {offsets = [472, 0], sizes = [4, 100], strides = [1, 1]} : vector<512x100xbf16> to vector<4x100xbf16>
    %dot_general3A_2266 = arith.constant dense<0.000000e+00> : vector<4x128xf32>
    %dot_general3A_2267 = tpu.matmul %slice3A_2265, %slice3A_2261, %dot_general3A_2266 {dimension_numbers = #tpu.dot_dimension_numbers<[1], [0], [0], [1], [0, 0, 1, 1], [], []>, transpose_lhs_hint = false} : vector<4x100xbf16>, vector<100x128xbf16>, vector<4x128xf32> -> vector<4x128xf32>
    %add3A_2268 = arith.addf %dot_general3A_2264, %dot_general3A_2267 : vector<4x128xf32>
    %jit3A_2269 = arith.constant 0.000000e+00 : f32
    %broadcast_in_dim3A_2270 = vector.broadcast %jit3A_2269 : f32 to vector<4x128xf32>
    %select_n3A_2271 = arith.select %eq3A_608, %add3A_2268, %broadcast_in_dim3A_2270 : vector<4x128xi1>, vector<4x128xf32>
    %reduce_sum3A_2272 = arith.constant dense<0.000000e+00> : vector<128xf32>
    %reduce_sum3A_2273 = vector.multi_reduction <add>, %select_n3A_2271, %reduce_sum3A_2272 [0] : vector<4x128xf32> to vector<128xf32>
    %broadcast_in_dim3A_2274 = vector.shape_cast %reduce_sum3A_2273 : vector<128xf32> to vector<1x128xf32>
    %slice3A_2275 = vector.extract_strided_slice %get3A_1 {offsets = [0, 15232], sizes = [100, 128], strides = [1, 1]} : vector<100x16384xbf16> to vector<100x128xbf16>
    %slice3A_2276 = vector.extract_strided_slice %convert_element_type3A_576 {offsets = [476, 0], sizes = [4, 100], strides = [1, 1]} : vector<512x100xbf16> to vector<4x100xbf16>
    %dot_general3A_2277 = arith.constant dense<0.000000e+00> : vector<4x128xf32>
    %dot_general3A_2278 = tpu.matmul %slice3A_2276, %slice3A_2275, %dot_general3A_2277 {dimension_numbers = #tpu.dot_dimension_numbers<[1], [0], [0], [1], [0, 0, 1, 1], [], []>, transpose_lhs_hint = false} : vector<4x100xbf16>, vector<100x128xbf16>, vector<4x128xf32> -> vector<4x128xf32>
    %slice3A_2279 = vector.extract_strided_slice %convert_element_type3A_579 {offsets = [476, 0], sizes = [4, 100], strides = [1, 1]} : vector<512x100xbf16> to vector<4x100xbf16>
    %dot_general3A_2280 = arith.constant dense<0.000000e+00> : vector<4x128xf32>
    %dot_general3A_2281 = tpu.matmul %slice3A_2279, %slice3A_2275, %dot_general3A_2280 {dimension_numbers = #tpu.dot_dimension_numbers<[1], [0], [0], [1], [0, 0, 1, 1], [], []>, transpose_lhs_hint = false} : vector<4x100xbf16>, vector<100x128xbf16>, vector<4x128xf32> -> vector<4x128xf32>
    %add3A_2282 = arith.addf %dot_general3A_2278, %dot_general3A_2281 : vector<4x128xf32>
    %jit3A_2283 = arith.constant 0.000000e+00 : f32
    %broadcast_in_dim3A_2284 = vector.broadcast %jit3A_2283 : f32 to vector<4x128xf32>
    %select_n3A_2285 = arith.select %eq3A_608, %add3A_2282, %broadcast_in_dim3A_2284 : vector<4x128xi1>, vector<4x128xf32>
    %reduce_sum3A_2286 = arith.constant dense<0.000000e+00> : vector<128xf32>
    %reduce_sum3A_2287 = vector.multi_reduction <add>, %select_n3A_2285, %reduce_sum3A_2286 [0] : vector<4x128xf32> to vector<128xf32>
    %broadcast_in_dim3A_2288 = vector.shape_cast %reduce_sum3A_2287 : vector<128xf32> to vector<1x128xf32>
    %slice3A_2289 = vector.extract_strided_slice %get3A_1 {offsets = [0, 15360], sizes = [100, 128], strides = [1, 1]} : vector<100x16384xbf16> to vector<100x128xbf16>
    %slice3A_2290 = vector.extract_strided_slice %convert_element_type3A_576 {offsets = [480, 0], sizes = [4, 100], strides = [1, 1]} : vector<512x100xbf16> to vector<4x100xbf16>
    %dot_general3A_2291 = arith.constant dense<0.000000e+00> : vector<4x128xf32>
    %dot_general3A_2292 = tpu.matmul %slice3A_2290, %slice3A_2289, %dot_general3A_2291 {dimension_numbers = #tpu.dot_dimension_numbers<[1], [0], [0], [1], [0, 0, 1, 1], [], []>, transpose_lhs_hint = false} : vector<4x100xbf16>, vector<100x128xbf16>, vector<4x128xf32> -> vector<4x128xf32>
    %slice3A_2293 = vector.extract_strided_slice %convert_element_type3A_579 {offsets = [480, 0], sizes = [4, 100], strides = [1, 1]} : vector<512x100xbf16> to vector<4x100xbf16>
    %dot_general3A_2294 = arith.constant dense<0.000000e+00> : vector<4x128xf32>
    %dot_general3A_2295 = tpu.matmul %slice3A_2293, %slice3A_2289, %dot_general3A_2294 {dimension_numbers = #tpu.dot_dimension_numbers<[1], [0], [0], [1], [0, 0, 1, 1], [], []>, transpose_lhs_hint = false} : vector<4x100xbf16>, vector<100x128xbf16>, vector<4x128xf32> -> vector<4x128xf32>
    %add3A_2296 = arith.addf %dot_general3A_2292, %dot_general3A_2295 : vector<4x128xf32>
    %jit3A_2297 = arith.constant 0.000000e+00 : f32
    %broadcast_in_dim3A_2298 = vector.broadcast %jit3A_2297 : f32 to vector<4x128xf32>
    %select_n3A_2299 = arith.select %eq3A_608, %add3A_2296, %broadcast_in_dim3A_2298 : vector<4x128xi1>, vector<4x128xf32>
    %reduce_sum3A_2300 = arith.constant dense<0.000000e+00> : vector<128xf32>
    %reduce_sum3A_2301 = vector.multi_reduction <add>, %select_n3A_2299, %reduce_sum3A_2300 [0] : vector<4x128xf32> to vector<128xf32>
    %broadcast_in_dim3A_2302 = vector.shape_cast %reduce_sum3A_2301 : vector<128xf32> to vector<1x128xf32>
    %slice3A_2303 = vector.extract_strided_slice %get3A_1 {offsets = [0, 15488], sizes = [100, 128], strides = [1, 1]} : vector<100x16384xbf16> to vector<100x128xbf16>
    %slice3A_2304 = vector.extract_strided_slice %convert_element_type3A_576 {offsets = [484, 0], sizes = [4, 100], strides = [1, 1]} : vector<512x100xbf16> to vector<4x100xbf16>
    %dot_general3A_2305 = arith.constant dense<0.000000e+00> : vector<4x128xf32>
    %dot_general3A_2306 = tpu.matmul %slice3A_2304, %slice3A_2303, %dot_general3A_2305 {dimension_numbers = #tpu.dot_dimension_numbers<[1], [0], [0], [1], [0, 0, 1, 1], [], []>, transpose_lhs_hint = false} : vector<4x100xbf16>, vector<100x128xbf16>, vector<4x128xf32> -> vector<4x128xf32>
    %slice3A_2307 = vector.extract_strided_slice %convert_element_type3A_579 {offsets = [484, 0], sizes = [4, 100], strides = [1, 1]} : vector<512x100xbf16> to vector<4x100xbf16>
    %dot_general3A_2308 = arith.constant dense<0.000000e+00> : vector<4x128xf32>
    %dot_general3A_2309 = tpu.matmul %slice3A_2307, %slice3A_2303, %dot_general3A_2308 {dimension_numbers = #tpu.dot_dimension_numbers<[1], [0], [0], [1], [0, 0, 1, 1], [], []>, transpose_lhs_hint = false} : vector<4x100xbf16>, vector<100x128xbf16>, vector<4x128xf32> -> vector<4x128xf32>
    %add3A_2310 = arith.addf %dot_general3A_2306, %dot_general3A_2309 : vector<4x128xf32>
    %jit3A_2311 = arith.constant 0.000000e+00 : f32
    %broadcast_in_dim3A_2312 = vector.broadcast %jit3A_2311 : f32 to vector<4x128xf32>
    %select_n3A_2313 = arith.select %eq3A_608, %add3A_2310, %broadcast_in_dim3A_2312 : vector<4x128xi1>, vector<4x128xf32>
    %reduce_sum3A_2314 = arith.constant dense<0.000000e+00> : vector<128xf32>
    %reduce_sum3A_2315 = vector.multi_reduction <add>, %select_n3A_2313, %reduce_sum3A_2314 [0] : vector<4x128xf32> to vector<128xf32>
    %broadcast_in_dim3A_2316 = vector.shape_cast %reduce_sum3A_2315 : vector<128xf32> to vector<1x128xf32>
    %slice3A_2317 = vector.extract_strided_slice %get3A_1 {offsets = [0, 15616], sizes = [100, 128], strides = [1, 1]} : vector<100x16384xbf16> to vector<100x128xbf16>
    %slice3A_2318 = vector.extract_strided_slice %convert_element_type3A_576 {offsets = [488, 0], sizes = [4, 100], strides = [1, 1]} : vector<512x100xbf16> to vector<4x100xbf16>
    %dot_general3A_2319 = arith.constant dense<0.000000e+00> : vector<4x128xf32>
    %dot_general3A_2320 = tpu.matmul %slice3A_2318, %slice3A_2317, %dot_general3A_2319 {dimension_numbers = #tpu.dot_dimension_numbers<[1], [0], [0], [1], [0, 0, 1, 1], [], []>, transpose_lhs_hint = false} : vector<4x100xbf16>, vector<100x128xbf16>, vector<4x128xf32> -> vector<4x128xf32>
    %slice3A_2321 = vector.extract_strided_slice %convert_element_type3A_579 {offsets = [488, 0], sizes = [4, 100], strides = [1, 1]} : vector<512x100xbf16> to vector<4x100xbf16>
    %dot_general3A_2322 = arith.constant dense<0.000000e+00> : vector<4x128xf32>
    %dot_general3A_2323 = tpu.matmul %slice3A_2321, %slice3A_2317, %dot_general3A_2322 {dimension_numbers = #tpu.dot_dimension_numbers<[1], [0], [0], [1], [0, 0, 1, 1], [], []>, transpose_lhs_hint = false} : vector<4x100xbf16>, vector<100x128xbf16>, vector<4x128xf32> -> vector<4x128xf32>
    %add3A_2324 = arith.addf %dot_general3A_2320, %dot_general3A_2323 : vector<4x128xf32>
    %jit3A_2325 = arith.constant 0.000000e+00 : f32
    %broadcast_in_dim3A_2326 = vector.broadcast %jit3A_2325 : f32 to vector<4x128xf32>
    %select_n3A_2327 = arith.select %eq3A_608, %add3A_2324, %broadcast_in_dim3A_2326 : vector<4x128xi1>, vector<4x128xf32>
    %reduce_sum3A_2328 = arith.constant dense<0.000000e+00> : vector<128xf32>
    %reduce_sum3A_2329 = vector.multi_reduction <add>, %select_n3A_2327, %reduce_sum3A_2328 [0] : vector<4x128xf32> to vector<128xf32>
    %broadcast_in_dim3A_2330 = vector.shape_cast %reduce_sum3A_2329 : vector<128xf32> to vector<1x128xf32>
    %slice3A_2331 = vector.extract_strided_slice %get3A_1 {offsets = [0, 15744], sizes = [100, 128], strides = [1, 1]} : vector<100x16384xbf16> to vector<100x128xbf16>
    %slice3A_2332 = vector.extract_strided_slice %convert_element_type3A_576 {offsets = [492, 0], sizes = [4, 100], strides = [1, 1]} : vector<512x100xbf16> to vector<4x100xbf16>
    %dot_general3A_2333 = arith.constant dense<0.000000e+00> : vector<4x128xf32>
    %dot_general3A_2334 = tpu.matmul %slice3A_2332, %slice3A_2331, %dot_general3A_2333 {dimension_numbers = #tpu.dot_dimension_numbers<[1], [0], [0], [1], [0, 0, 1, 1], [], []>, transpose_lhs_hint = false} : vector<4x100xbf16>, vector<100x128xbf16>, vector<4x128xf32> -> vector<4x128xf32>
    %slice3A_2335 = vector.extract_strided_slice %convert_element_type3A_579 {offsets = [492, 0], sizes = [4, 100], strides = [1, 1]} : vector<512x100xbf16> to vector<4x100xbf16>
    %dot_general3A_2336 = arith.constant dense<0.000000e+00> : vector<4x128xf32>
    %dot_general3A_2337 = tpu.matmul %slice3A_2335, %slice3A_2331, %dot_general3A_2336 {dimension_numbers = #tpu.dot_dimension_numbers<[1], [0], [0], [1], [0, 0, 1, 1], [], []>, transpose_lhs_hint = false} : vector<4x100xbf16>, vector<100x128xbf16>, vector<4x128xf32> -> vector<4x128xf32>
    %add3A_2338 = arith.addf %dot_general3A_2334, %dot_general3A_2337 : vector<4x128xf32>
    %jit3A_2339 = arith.constant 0.000000e+00 : f32
    %broadcast_in_dim3A_2340 = vector.broadcast %jit3A_2339 : f32 to vector<4x128xf32>
    %select_n3A_2341 = arith.select %eq3A_608, %add3A_2338, %broadcast_in_dim3A_2340 : vector<4x128xi1>, vector<4x128xf32>
    %reduce_sum3A_2342 = arith.constant dense<0.000000e+00> : vector<128xf32>
    %reduce_sum3A_2343 = vector.multi_reduction <add>, %select_n3A_2341, %reduce_sum3A_2342 [0] : vector<4x128xf32> to vector<128xf32>
    %broadcast_in_dim3A_2344 = vector.shape_cast %reduce_sum3A_2343 : vector<128xf32> to vector<1x128xf32>
    %slice3A_2345 = vector.extract_strided_slice %get3A_1 {offsets = [0, 15872], sizes = [100, 128], strides = [1, 1]} : vector<100x16384xbf16> to vector<100x128xbf16>
    %slice3A_2346 = vector.extract_strided_slice %convert_element_type3A_576 {offsets = [496, 0], sizes = [4, 100], strides = [1, 1]} : vector<512x100xbf16> to vector<4x100xbf16>
    %dot_general3A_2347 = arith.constant dense<0.000000e+00> : vector<4x128xf32>
    %dot_general3A_2348 = tpu.matmul %slice3A_2346, %slice3A_2345, %dot_general3A_2347 {dimension_numbers = #tpu.dot_dimension_numbers<[1], [0], [0], [1], [0, 0, 1, 1], [], []>, transpose_lhs_hint = false} : vector<4x100xbf16>, vector<100x128xbf16>, vector<4x128xf32> -> vector<4x128xf32>
    %slice3A_2349 = vector.extract_strided_slice %convert_element_type3A_579 {offsets = [496, 0], sizes = [4, 100], strides = [1, 1]} : vector<512x100xbf16> to vector<4x100xbf16>
    %dot_general3A_2350 = arith.constant dense<0.000000e+00> : vector<4x128xf32>
    %dot_general3A_2351 = tpu.matmul %slice3A_2349, %slice3A_2345, %dot_general3A_2350 {dimension_numbers = #tpu.dot_dimension_numbers<[1], [0], [0], [1], [0, 0, 1, 1], [], []>, transpose_lhs_hint = false} : vector<4x100xbf16>, vector<100x128xbf16>, vector<4x128xf32> -> vector<4x128xf32>
    %add3A_2352 = arith.addf %dot_general3A_2348, %dot_general3A_2351 : vector<4x128xf32>
    %jit3A_2353 = arith.constant 0.000000e+00 : f32
    %broadcast_in_dim3A_2354 = vector.broadcast %jit3A_2353 : f32 to vector<4x128xf32>
    %select_n3A_2355 = arith.select %eq3A_608, %add3A_2352, %broadcast_in_dim3A_2354 : vector<4x128xi1>, vector<4x128xf32>
    %reduce_sum3A_2356 = arith.constant dense<0.000000e+00> : vector<128xf32>
    %reduce_sum3A_2357 = vector.multi_reduction <add>, %select_n3A_2355, %reduce_sum3A_2356 [0] : vector<4x128xf32> to vector<128xf32>
    %broadcast_in_dim3A_2358 = vector.shape_cast %reduce_sum3A_2357 : vector<128xf32> to vector<1x128xf32>
    %slice3A_2359 = vector.extract_strided_slice %get3A_1 {offsets = [0, 16000], sizes = [100, 128], strides = [1, 1]} : vector<100x16384xbf16> to vector<100x128xbf16>
    %slice3A_2360 = vector.extract_strided_slice %convert_element_type3A_576 {offsets = [500, 0], sizes = [4, 100], strides = [1, 1]} : vector<512x100xbf16> to vector<4x100xbf16>
    %dot_general3A_2361 = arith.constant dense<0.000000e+00> : vector<4x128xf32>
    %dot_general3A_2362 = tpu.matmul %slice3A_2360, %slice3A_2359, %dot_general3A_2361 {dimension_numbers = #tpu.dot_dimension_numbers<[1], [0], [0], [1], [0, 0, 1, 1], [], []>, transpose_lhs_hint = false} : vector<4x100xbf16>, vector<100x128xbf16>, vector<4x128xf32> -> vector<4x128xf32>
    %slice3A_2363 = vector.extract_strided_slice %convert_element_type3A_579 {offsets = [500, 0], sizes = [4, 100], strides = [1, 1]} : vector<512x100xbf16> to vector<4x100xbf16>
    %dot_general3A_2364 = arith.constant dense<0.000000e+00> : vector<4x128xf32>
    %dot_general3A_2365 = tpu.matmul %slice3A_2363, %slice3A_2359, %dot_general3A_2364 {dimension_numbers = #tpu.dot_dimension_numbers<[1], [0], [0], [1], [0, 0, 1, 1], [], []>, transpose_lhs_hint = false} : vector<4x100xbf16>, vector<100x128xbf16>, vector<4x128xf32> -> vector<4x128xf32>
    %add3A_2366 = arith.addf %dot_general3A_2362, %dot_general3A_2365 : vector<4x128xf32>
    %jit3A_2367 = arith.constant 0.000000e+00 : f32
    %broadcast_in_dim3A_2368 = vector.broadcast %jit3A_2367 : f32 to vector<4x128xf32>
    %select_n3A_2369 = arith.select %eq3A_608, %add3A_2366, %broadcast_in_dim3A_2368 : vector<4x128xi1>, vector<4x128xf32>
    %reduce_sum3A_2370 = arith.constant dense<0.000000e+00> : vector<128xf32>
    %reduce_sum3A_2371 = vector.multi_reduction <add>, %select_n3A_2369, %reduce_sum3A_2370 [0] : vector<4x128xf32> to vector<128xf32>
    %broadcast_in_dim3A_2372 = vector.shape_cast %reduce_sum3A_2371 : vector<128xf32> to vector<1x128xf32>
    %slice3A_2373 = vector.extract_strided_slice %get3A_1 {offsets = [0, 16128], sizes = [100, 128], strides = [1, 1]} : vector<100x16384xbf16> to vector<100x128xbf16>
    %slice3A_2374 = vector.extract_strided_slice %convert_element_type3A_576 {offsets = [504, 0], sizes = [4, 100], strides = [1, 1]} : vector<512x100xbf16> to vector<4x100xbf16>
    %dot_general3A_2375 = arith.constant dense<0.000000e+00> : vector<4x128xf32>
    %dot_general3A_2376 = tpu.matmul %slice3A_2374, %slice3A_2373, %dot_general3A_2375 {dimension_numbers = #tpu.dot_dimension_numbers<[1], [0], [0], [1], [0, 0, 1, 1], [], []>, transpose_lhs_hint = false} : vector<4x100xbf16>, vector<100x128xbf16>, vector<4x128xf32> -> vector<4x128xf32>
    %slice3A_2377 = vector.extract_strided_slice %convert_element_type3A_579 {offsets = [504, 0], sizes = [4, 100], strides = [1, 1]} : vector<512x100xbf16> to vector<4x100xbf16>
    %dot_general3A_2378 = arith.constant dense<0.000000e+00> : vector<4x128xf32>
    %dot_general3A_2379 = tpu.matmul %slice3A_2377, %slice3A_2373, %dot_general3A_2378 {dimension_numbers = #tpu.dot_dimension_numbers<[1], [0], [0], [1], [0, 0, 1, 1], [], []>, transpose_lhs_hint = false} : vector<4x100xbf16>, vector<100x128xbf16>, vector<4x128xf32> -> vector<4x128xf32>
    %add3A_2380 = arith.addf %dot_general3A_2376, %dot_general3A_2379 : vector<4x128xf32>
    %jit3A_2381 = arith.constant 0.000000e+00 : f32
    %broadcast_in_dim3A_2382 = vector.broadcast %jit3A_2381 : f32 to vector<4x128xf32>
    %select_n3A_2383 = arith.select %eq3A_608, %add3A_2380, %broadcast_in_dim3A_2382 : vector<4x128xi1>, vector<4x128xf32>
    %reduce_sum3A_2384 = arith.constant dense<0.000000e+00> : vector<128xf32>
    %reduce_sum3A_2385 = vector.multi_reduction <add>, %select_n3A_2383, %reduce_sum3A_2384 [0] : vector<4x128xf32> to vector<128xf32>
    %broadcast_in_dim3A_2386 = vector.shape_cast %reduce_sum3A_2385 : vector<128xf32> to vector<1x128xf32>
    %slice3A_2387 = vector.extract_strided_slice %get3A_1 {offsets = [0, 16256], sizes = [100, 128], strides = [1, 1]} : vector<100x16384xbf16> to vector<100x128xbf16>
    %slice3A_2388 = vector.extract_strided_slice %convert_element_type3A_576 {offsets = [508, 0], sizes = [4, 100], strides = [1, 1]} : vector<512x100xbf16> to vector<4x100xbf16>
    %dot_general3A_2389 = arith.constant dense<0.000000e+00> : vector<4x128xf32>
    %dot_general3A_2390 = tpu.matmul %slice3A_2388, %slice3A_2387, %dot_general3A_2389 {dimension_numbers = #tpu.dot_dimension_numbers<[1], [0], [0], [1], [0, 0, 1, 1], [], []>, transpose_lhs_hint = false} : vector<4x100xbf16>, vector<100x128xbf16>, vector<4x128xf32> -> vector<4x128xf32>
    %slice3A_2391 = vector.extract_strided_slice %convert_element_type3A_579 {offsets = [508, 0], sizes = [4, 100], strides = [1, 1]} : vector<512x100xbf16> to vector<4x100xbf16>
    %dot_general3A_2392 = arith.constant dense<0.000000e+00> : vector<4x128xf32>
    %dot_general3A_2393 = tpu.matmul %slice3A_2391, %slice3A_2387, %dot_general3A_2392 {dimension_numbers = #tpu.dot_dimension_numbers<[1], [0], [0], [1], [0, 0, 1, 1], [], []>, transpose_lhs_hint = false} : vector<4x100xbf16>, vector<100x128xbf16>, vector<4x128xf32> -> vector<4x128xf32>
    %add3A_2394 = arith.addf %dot_general3A_2390, %dot_general3A_2393 : vector<4x128xf32>
    %jit3A_2395 = arith.constant 0.000000e+00 : f32
    %broadcast_in_dim3A_2396 = vector.broadcast %jit3A_2395 : f32 to vector<4x128xf32>
    %select_n3A_2397 = arith.select %eq3A_608, %add3A_2394, %broadcast_in_dim3A_2396 : vector<4x128xi1>, vector<4x128xf32>
    %reduce_sum3A_2398 = arith.constant dense<0.000000e+00> : vector<128xf32>
    %reduce_sum3A_2399 = vector.multi_reduction <add>, %select_n3A_2397, %reduce_sum3A_2398 [0] : vector<4x128xf32> to vector<128xf32>
    %broadcast_in_dim3A_2400 = vector.shape_cast %reduce_sum3A_2399 : vector<128xf32> to vector<1x128xf32>
    %concatenate3A_2401 = tpu.concatenate %broadcast_in_dim3A_622, %broadcast_in_dim3A_636, %broadcast_in_dim3A_650, %broadcast_in_dim3A_664, %broadcast_in_dim3A_678, %broadcast_in_dim3A_692, %broadcast_in_dim3A_706, %broadcast_in_dim3A_720, %broadcast_in_dim3A_734, %broadcast_in_dim3A_748, %broadcast_in_dim3A_762, %broadcast_in_dim3A_776, %broadcast_in_dim3A_790, %broadcast_in_dim3A_804, %broadcast_in_dim3A_818, %broadcast_in_dim3A_832, %broadcast_in_dim3A_846, %broadcast_in_dim3A_860, %broadcast_in_dim3A_874, %broadcast_in_dim3A_888, %broadcast_in_dim3A_902, %broadcast_in_dim3A_916, %broadcast_in_dim3A_930, %broadcast_in_dim3A_944, %broadcast_in_dim3A_958, %broadcast_in_dim3A_972, %broadcast_in_dim3A_986, %broadcast_in_dim3A_1000, %broadcast_in_dim3A_1014, %broadcast_in_dim3A_1028, %broadcast_in_dim3A_1042, %broadcast_in_dim3A_1056, %broadcast_in_dim3A_1070, %broadcast_in_dim3A_1084, %broadcast_in_dim3A_1098, %broadcast_in_dim3A_1112, %broadcast_in_dim3A_1126, %broadcast_in_dim3A_1140, %broadcast_in_dim3A_1154, %broadcast_in_dim3A_1168, %broadcast_in_dim3A_1182, %broadcast_in_dim3A_1196, %broadcast_in_dim3A_1210, %broadcast_in_dim3A_1224, %broadcast_in_dim3A_1238, %broadcast_in_dim3A_1252, %broadcast_in_dim3A_1266, %broadcast_in_dim3A_1280, %broadcast_in_dim3A_1294, %broadcast_in_dim3A_1308, %broadcast_in_dim3A_1322, %broadcast_in_dim3A_1336, %broadcast_in_dim3A_1350, %broadcast_in_dim3A_1364, %broadcast_in_dim3A_1378, %broadcast_in_dim3A_1392, %broadcast_in_dim3A_1406, %broadcast_in_dim3A_1420, %broadcast_in_dim3A_1434, %broadcast_in_dim3A_1448, %broadcast_in_dim3A_1462, %broadcast_in_dim3A_1476, %broadcast_in_dim3A_1490, %broadcast_in_dim3A_1504, %broadcast_in_dim3A_1518, %broadcast_in_dim3A_1532, %broadcast_in_dim3A_1546, %broadcast_in_dim3A_1560, %broadcast_in_dim3A_1574, %broadcast_in_dim3A_1588, %broadcast_in_dim3A_1602, %broadcast_in_dim3A_1616, %broadcast_in_dim3A_1630, %broadcast_in_dim3A_1644, %broadcast_in_dim3A_1658, %broadcast_in_dim3A_1672, %broadcast_in_dim3A_1686, %broadcast_in_dim3A_1700, %broadcast_in_dim3A_1714, %broadcast_in_dim3A_1728, %broadcast_in_dim3A_1742, %broadcast_in_dim3A_1756, %broadcast_in_dim3A_1770, %broadcast_in_dim3A_1784, %broadcast_in_dim3A_1798, %broadcast_in_dim3A_1812, %broadcast_in_dim3A_1826, %broadcast_in_dim3A_1840, %broadcast_in_dim3A_1854, %broadcast_in_dim3A_1868, %broadcast_in_dim3A_1882, %broadcast_in_dim3A_1896, %broadcast_in_dim3A_1910, %broadcast_in_dim3A_1924, %broadcast_in_dim3A_1938, %broadcast_in_dim3A_1952, %broadcast_in_dim3A_1966, %broadcast_in_dim3A_1980, %broadcast_in_dim3A_1994, %broadcast_in_dim3A_2008, %broadcast_in_dim3A_2022, %broadcast_in_dim3A_2036, %broadcast_in_dim3A_2050, %broadcast_in_dim3A_2064, %broadcast_in_dim3A_2078, %broadcast_in_dim3A_2092, %broadcast_in_dim3A_2106, %broadcast_in_dim3A_2120, %broadcast_in_dim3A_2134, %broadcast_in_dim3A_2148, %broadcast_in_dim3A_2162, %broadcast_in_dim3A_2176, %broadcast_in_dim3A_2190, %broadcast_in_dim3A_2204, %broadcast_in_dim3A_2218, %broadcast_in_dim3A_2232, %broadcast_in_dim3A_2246, %broadcast_in_dim3A_2260, %broadcast_in_dim3A_2274, %broadcast_in_dim3A_2288, %broadcast_in_dim3A_2302, %broadcast_in_dim3A_2316, %broadcast_in_dim3A_2330, %broadcast_in_dim3A_2344, %broadcast_in_dim3A_2358, %broadcast_in_dim3A_2372, %broadcast_in_dim3A_2386, %broadcast_in_dim3A_2400 in 0 : vector<1x128xf32>, vector<1x128xf32>, vector<1x128xf32>, vector<1x128xf32>, vector<1x128xf32>, vector<1x128xf32>, vector<1x128xf32>, vector<1x128xf32>, vector<1x128xf32>, vector<1x128xf32>, vector<1x128xf32>, vector<1x128xf32>, vector<1x128xf32>, vector<1x128xf32>, vector<1x128xf32>, vector<1x128xf32>, vector<1x128xf32>, vector<1x128xf32>, vector<1x128xf32>, vector<1x128xf32>, vector<1x128xf32>, vector<1x128xf32>, vector<1x128xf32>, vector<1x128xf32>, vector<1x128xf32>, vector<1x128xf32>, vector<1x128xf32>, vector<1x128xf32>, vector<1x128xf32>, vector<1x128xf32>, vector<1x128xf32>, vector<1x128xf32>, vector<1x128xf32>, vector<1x128xf32>, vector<1x128xf32>, vector<1x128xf32>, vector<1x128xf32>, vector<1x128xf32>, vector<1x128xf32>, vector<1x128xf32>, vector<1x128xf32>, vector<1x128xf32>, vector<1x128xf32>, vector<1x128xf32>, vector<1x128xf32>, vector<1x128xf32>, vector<1x128xf32>, vector<1x128xf32>, vector<1x128xf32>, vector<1x128xf32>, vector<1x128xf32>, vector<1x128xf32>, vector<1x128xf32>, vector<1x128xf32>, vector<1x128xf32>, vector<1x128xf32>, vector<1x128xf32>, vector<1x128xf32>, vector<1x128xf32>, vector<1x128xf32>, vector<1x128xf32>, vector<1x128xf32>, vector<1x128xf32>, vector<1x128xf32>, vector<1x128xf32>, vector<1x128xf32>, vector<1x128xf32>, vector<1x128xf32>, vector<1x128xf32>, vector<1x128xf32>, vector<1x128xf32>, vector<1x128xf32>, vector<1x128xf32>, vector<1x128xf32>, vector<1x128xf32>, vector<1x128xf32>, vector<1x128xf32>, vector<1x128xf32>, vector<1x128xf32>, vector<1x128xf32>, vector<1x128xf32>, vector<1x128xf32>, vector<1x128xf32>, vector<1x128xf32>, vector<1x128xf32>, vector<1x128xf32>, vector<1x128xf32>, vector<1x128xf32>, vector<1x128xf32>, vector<1x128xf32>, vector<1x128xf32>, vector<1x128xf32>, vector<1x128xf32>, vector<1x128xf32>, vector<1x128xf32>, vector<1x128xf32>, vector<1x128xf32>, vector<1x128xf32>, vector<1x128xf32>, vector<1x128xf32>, vector<1x128xf32>, vector<1x128xf32>, vector<1x128xf32>, vector<1x128xf32>, vector<1x128xf32>, vector<1x128xf32>, vector<1x128xf32>, vector<1x128xf32>, vector<1x128xf32>, vector<1x128xf32>, vector<1x128xf32>, vector<1x128xf32>, vector<1x128xf32>, vector<1x128xf32>, vector<1x128xf32>, vector<1x128xf32>, vector<1x128xf32>, vector<1x128xf32>, vector<1x128xf32>, vector<1x128xf32>, vector<1x128xf32>, vector<1x128xf32>, vector<1x128xf32>, vector<1x128xf32>, vector<1x128xf32>, vector<1x128xf32>, vector<1x128xf32>, vector<1x128xf32> -> vector<128x128xf32>
    %swap3A_2402 = arith.constant 0 : index
    %swap3A_2403 = arith.constant 0 : index
    %swap3A_2404 = vector.load %arg5[%swap3A_2402, %swap3A_2403] : memref<128x128xf32, #tpu.memory_space<vmem>>, vector<128x128xf32>
    tpu.vector_store %arg5[%swap3A_2402, %swap3A_2403], %concatenate3A_2401 {strides = array<i32>} : memref<128x128xf32, #tpu.memory_space<vmem>>, vector<128x128xf32>,
    return
  }
  func.func @transform_0(%arg0: i32) -> (i32, i32) {
    %c0_i32 = arith.constant 0 : i32
    %c0_i32_0 = arith.constant 0 : i32
    return %c0_i32, %arg0 : i32, i32
  }
  func.func @transform_1(%arg0: i32) -> (i32, i32) {
    %c0_i32 = arith.constant 0 : i32
    %c0_i32_0 = arith.constant 0 : i32
    %c0_i32_1 = arith.constant 0 : i32
    return %c0_i32, %c0_i32_0 : i32, i32
  }
  func.func @transform_2(%arg0: i32) -> (i32, i32) {
    %c0_i32 = arith.constant 0 : i32
    %c0_i32_0 = arith.constant 0 : i32
    %c0_i32_1 = arith.constant 0 : i32
    return %c0_i32, %c0_i32_0 : i32, i32
  }
  func.func @transform_3(%arg0: i32) -> (i32, i32) {
    %c0_i32 = arith.constant 0 : i32
    %c0_i32_0 = arith.constant 0 : i32
    %c0_i32_1 = arith.constant 0 : i32
    return %c0_i32, %c0_i32_0 : i32, i32
  }
  func.func @transform_4(%arg0: i32) -> (i32, i32) {
    %c0_i32 = arith.constant 0 : i32
    %c0_i32_0 = arith.constant 0 : i32
    return %arg0, %c0_i32 : i32, i32
  }
  func.func @transform_5(%arg0: i32) -> (i32, i32) {
    %c0_i32 = arith.constant 0 : i32
    %c0_i32_0 = arith.constant 0 : i32
    return %c0_i32, %arg0 : i32, i32
  }
}

</mosaic_0001>

<sc_bundles>
// kernel: sparse-core-data-format-call.cloned.1.call-start
scs
called_computation_lowered:
.L_overlay_start_0:
0x0: {  	s1 =	sld [smem:$0x3FD9]  }
0x1: {  	s2 =	sld [smem:$0x3FFE];
	_ =	sdelay $0x1  }
0x2: {  	s3 =	srdreg.scid  }
0x3: {  	s0 =	sand.u32 $0x1, s3  }
0x4: {  	s17 =	sshll.u32 s0, $0xA;
	s1 =	sadd.s32 s2, s1  }
0x5: {  	s1 =	sadd.s32 s1, s17  }
0x6: {  	[smem:$0x3FC4] =	sst s1  }
0x7: {  	_ = 	snop  }
0x8: {  	(tm) =	ssettm $0x1  }
0x9: {  	s18 =	sld [smem:$0x3FFB];
	_ =	sdelay $0x3  }
0xa: {  	_ =	strace s18  }
0xb: {  	s1 =	sld [smem:$0x3FFC];
	_ =	sdelay $0x3  }
0xc: {  	_ =	strace s1  }
0xd: {  	s1 =	sld [smem:$0x3FFD];
	_ =	sdelay $0x3  }
0xe: {  	_ =	strace s1  }
0xf: {  	_ =	strace $0x8FFFFFFF  }
0x10: {  	s19 =	sld [smem:$0x3FDB];
	_ =	sdelay $0x1  }
0x11: {  	s20 =	simm.s32 $_scs_section_size  }
0x12: {  	s4 =	simm.s32 $_size__tile_overlayer_lowered;
	s5 =	simm.s32 $_tile_overlayer_lowered  }
0x13: {  	s23 =	simm.s32 $0x1BFF;
	s22 =	sshll.u32 s5, $0x1;
	s1 =	sadd.s32 s20, s19  }
0x14: {  	s6 =	simm.s32 $0x0;
	s21 =	sshll.u32 s4, $0x1;
	s4 =	sadd.s32 s22, s1  }
0x15: {  	[timem:s6], [sflag:s23] =	dma.local [hbm:s4], s21  }
0x16: {  	_ =	swait.ge [sflag:s23], s21  }
0x17: {  	s2 =	ssub.s32 $0x0, s21;
	[sflag:s23] =	ssyncset.done $0x0  }
0x18: {  	[sflag:s23] =	ssyncadd.s32 s2;
	_ =	sdelay $0x1  }
0x19: {  	s24 =	simm.s32 $0x1B8B  }
0x1a: {  	_ =	swait.ge [sflag:s24], $0x1  }
0x1b: {  	[sflag:s24] =	ssyncset.done $0x0  }
0x1c: {  	s26 =	simm.s32 $0x1B8E;
	s25 =	sld [smem:$0x3FFE];
	[sflag:s24] =	ssyncadd.s32 $0xFFFFFFFF  }
0x1d: {  	s27 =	simm.s32 $execute0_lowered;
	[smem:$0x3FD2] =	sst s26  }
0x1e: {  	s4 =	sshll.u32 s27, $0x1;
	_ =	strace $0x80000046;
	[dreg:$0x1] =	wrdreg $0xFFFFFFFF  }
0x1f: {  	s28 =	simm.s32 $_size_execute0_lowered;
	s1 =	sadd.s32 s1, s4;
	[dreg:$0x0] =	wrdreg $0x0  }
0x20: {  	s4 =	sshll.u32 s28, $0x1;
	[dreg:$0x2] =	wrdreg s1  }
0x21: {  	[dreg:$0x3] =	wrdreg s4  }
0x22: {  	[dreg:$0x4] =	wrdreg $0xC0  }
0x23: {  	_ =	task [dreg:s6], $0x5FFFF  }
0x24: {  	[dreg:$0x1] =	wrdreg $0xFFFFFFFF  }
0x25: {  	[dreg:$0x0] =	wrdreg $0x60  }
0x26: {  	[dreg:$0x2] =	wrdreg s25  }
0x27: {  	[dreg:$0x3] =	wrdreg $0x9  }
0x28: {  	_ =	task.clear_ibuf [dreg:s6], $0x4FFFF;
	_ =	strace $0x90000046  }
0x29: {  	s29 =	simm.s32 $0x9;
	_ =	strace $0x80000048  }
0x2a: {  	_ =	swait.ge [sflag:s29], $0x1  }
0x2b: {  	[sflag:s29] =	ssyncadd.s32 $0xFFFFFFFF  }
0x2c: {  	_ =	strace $0x90000048  }
0x2d: {  	_ =	sfence  }
0x2e: {  	s30 =	sld [smem:$0x0];
	_ =	sdelay $0x2  }
0x2f: {  	s31 =	sshll.u32 s3, $0xD;
	s3 =	sshrl.u32 s3, $0x2  }
0x30: {  	s2 =	sand.u32 $0x4000, s31;
	s1 =	sadd.s32 s3, s30  }
0x31: {  	s0 =	sor.u32 s2, s0;
	s1 =	sshll.u32 s1, $0x11  }
0x32: {  	s0 =	sor.u32 s1, s0  }
0x33: {  	s0 =	sadd.s32 $0x8F2B, s0  }
0x34: {  	[sflag:s0] =	ssyncadd.remote.s32 $0x1  }
0x35: {  	_ =	sfence.sel $0xFFFF  }
0x36: {  	[dreg:$0x0] =	wrdreg $0xFFFFFFFF;
	(pc) =	sbr.abs _section_cstart, $3  }
0x37: {  	[dreg:$0x1] =	wrdreg $0xFFFFFFFF  }
0x38: {  	_ =	task.clear_ibuf [dreg:s6], $0x2FFFF;
	_ =	strace $0x9FFFFFFF  }
0x39: {  	(tm) =	ssettm $0x7FFFFFFF  }
tec
execute0_lowered:
.L_overlay_start_1:
0x0: {  	(tag) =	ssettag $0x1  }
0x1: {  	s0 =	stileid.u32;
	s1 =	srdreg.scid  }
0x2: {  	s7 =	rddreg [dreg:$0x0];
	s31 =	simm.s32 $0x2;
	s14 =	simm.s32 $0x0  }
0x3: {  	s16 =	simm.s32 $0x0;
	s15 =	simm.s32 $0x0;
	s12 =	simm.s32 $0x0  }
0x4: {  	s13 =	simm.s32 $0x0;
	s2 =	sshll.u32 s0, $0x1;
	s3 =	sshll.u32 s1, $0x7  }
0x5: {  	s1 =	rddreg [dreg:$0x1];
	_ =	strace $0x80000047;
	s4 =	ssub.s32 $0x20, s2  }
0x6: {  	s3 =	sand.u32 $0x80, s3;
	s5 =	sshrl.u32 s4, $0x5;
	s4 =	sand.u32 $0x1E, s4  }
0x7: {  	s11 =	smov.u32 s2;
	s6 =	ssub.s32 $0x4000, s3;
	p0 =	sne.s32 s4, $0x0  }
0x8: {  	s4 =	simm.s32 $0x1;
	s8 =	sshrl.u32 s6, $0x7;
	s6 =	sshrl.u32 s6, $0x8  }
.Ltmp0:
0x9: {  	s4 =	simm.s32 @!p0 $0x0;
	s8 =	sand.u32 $0x1, s8;
	(pc) =	sbr.rel .LBB1_1-.Ltmp0, $4  }
0xa: {  	s10 =	smov.u32 s3;
	s9 =	sadd.s32 s4, s5;
	s6 =	sadd.s32 s6, s8  }
0xb: {  	p0 =	por $0x0, $0x0;
	s5 =	simm.s32 $0x1;
	s6 =	smul.u32 s9, s6  }
0xc: {  	s4 =	sadd.s32 $0xC00, s7;
	s7 =	sadd.s32 $0x320C00, s7;
	[sflag:s5] =	ssyncpa.u1 $0x0  }
0xd: {  	s9 =	simm.s32 $0x800;
	[sflag:s31] =	ssyncpa.u1 $0x0;
	s8 =	sadd.s32 $0x1, s6  }
.LBB1_4:
0xe: {  	v5 =	vld [tilespmem:s18+$0xFFFFFFD0];
	[tilespmem:s20+$0x2040 ss:$0x81] =	vst.msk $0xffff, v2  }
0xf: {  	v58 =	vld [tilespmem:s18+$0xFFFFFFE0];
	[tilespmem:s20+$0x2850 ss:$0x81] =	vst.msk $0xffff, v3  }
0x10: {  	s21 =	sshra.s32 s21, $0x2;
	v59 =	vld [tilespmem:s18+$0xFFFFFFF0];
	[tilespmem:s20+$0x3060 ss:$0x81] =	vst.msk $0xffff, v4  }
0x11: {  	v60 =	vld [tilespmem:s18+$0x0];
	[tilespmem:s20+$0x0 ss:$0x81] =	vst.msk $0xffff, v0;
	s19 =	sadd.s32 s21, s19  }
0x12: {  	s16 =	sshll.u32 s16, $0x7;
	s26 =	sshll.u32 s15, $0x3;
	v61 =	vld [tilespmem:s18+$0x10];
	[tilespmem:s19+$0x3870 ss:$0x81] =	vst.msk $0xffff, v1  }
0x13: {  	v62 =	vld [tilespmem:s18+$0x20];
	s27 =	sand.u32 $0xC00, s16;
	s20 =	sand.u32 $0xC00, s26;
	[tilespmem:s19+$0x810 ss:$0x81] =	vst.msk $0xffff, v5  }
0x14: {  	s28 =	sshll.u32 s15, $0x1;
	v63 =	vld [tilespmem:s18+$0xFFFFFFC0];
	s16 =	sand.u32 $0x300, s16;
	s20 =	sadd.s32 s20, s27;
	[tilespmem:s19+$0x1020 ss:$0x81] =	vst.msk $0xffff, v58  }
0x15: {  	s30 =	sshrl.u32 s15, $0x3;
	s29 =	sand.u32 $0x80, s28;
	s16 =	sor.u32 s16, s20;
	[tilespmem:s19+$0x1830 ss:$0x81] =	vst.msk $0xffff, v59  }
0x16: {  	s14 =	sshll.u32 s14, $0x8;
	s18 =	sand.u32 $0x7, s30;
	s16 =	sor.u32 s29, s16;
	[tilespmem:s19+$0x2040 ss:$0x81] =	vst.msk $0xffff, v60  }
0x17: {  	s31 =	sand.u32 $0x7, s15;
	s18 =	sadd.s32 s7, s18;
	s16 =	sshrl.u32 s16, $0x4;
	[tilespmem:s19+$0x2850 ss:$0x81] =	vst.msk $0xffff, v61  }
0x18: {  	s15 =	sshll.u32 s31, $0x12;
	s14 =	sadd.s32 s14, s18;
	[tilespmem:s19+$0x3060 ss:$0x81] =	vst.msk $0xffff, v62;
	s16 =	sand.u32 $0xF8, s16  }
0x19: {  	s15 =	sor.u32 $0x80, s15;
	[tilespmem:s19+$0x0 ss:$0x81] =	vst.msk $0xffff, v63;
	s14 =	sadd.s32 s16, s14  }
0x1a: {  	[hbm4b:s14+s15] =	stream.strided.scatter [tilespmem:s17], [sflag:$0x2], $0x4000, s9, s15, $0x20;
	[tilespmem:$0x10100] =	vst v63  }
.LBB1_5:
0x1b: {  	s17 =	sadd.s32 $0x100, s10  }
0x1c: {  	s14 =	sadd.s32 $0x20, s11;
	s18 =	smov.u32 s11;
	p2 =	sgt.s32 s17, $0x3FFF  }
0x1d: {  	s18 =	smov.u32 @p2 s14  }
0x1e: {  	s20 =	smov.u32 s12;
	s14 =	sadd.s32 $0x80, s12;
	p3 =	sgt.s32 s18, $0x1F  }
0x1f: {  	s20 =	smov.u32 @p3 s14  }
0x20: {  	s17 =	smov.u32 @p2 s3;
	p2 =	sgt.s32 s20, $0x63  }
0x21: {  	p1 =	slt.u32 s13, $0x2;
	s20 =	simm.s32 @p2 $0x0;
	p2 =	sne.s32 s13, s8  }
.Ltmp1:
0x22: {  	s19 =	simm.s32 @!p1 $0x2;
	(pc) =	sbr.rel @!p2 .LBB1_6-.Ltmp1, $4  }
0x23: {  	s16 =	smov.u32 s11;
	s15 =	smov.u32 s12;
	_ =	swait.ge @!p1 [sflag:s19], $0x4000  }
0x24: {  	p0 =	por !p0, !p0;
	[sflag:s19] =	ssyncset.done @!p1 $0x0;
	s18 =	smov.u32 @p3 s2  }
0x25: {  	s14 =	smov.u32 s10;
	[sflag:s19] =	ssyncadd.s32 @!p1 $0xFFFFC000;
	s10 =	smov.u32 s17  }
0x26: {  	s11 =	smov.u32 s18;
	s13 =	sadd.s32 $0x1, s13;
	s12 =	smov.u32 s20  }
.LBB1_1:
0x27: {  	p1 =	sge.u32 s13, s6  }
0x28: {  	s17 =	smov.u32 s12;
	s20 =	smov.u32 s10;
	p2 =	sgt.s32 @!p1 s12, $0xFFFFFFE4  }
0x29: {  	s31 =	sadd.s32 $0xFFFFFFFF, s13;
	s18 =	sshra.s32 @!p1 s12, $0x1F;
	p2 =	por !p2, p1  }
0x2a: {  	s19 =	sshra.s32 @!p1 s11, $0x1F;
	s18 =	sand.u32 @!p1 s18, s12;
	s17 =	simm.s32 @p2 $0xFFFFFFE4  }
0x2b: {  	s21 =	sshll.u32 @!p1 s11, $0xE;
	s22 =	sshll.u32 @!p1 s10, $0x3;
	s17 =	ssub.s32 @!p1 s17, s18  }
0x2c: {  	s19 =	sand.u32 @!p1 s19, s11;
	p2 =	sgt.s32 @!p1 s11, $0x1E;
	s18 =	sadd.s32 @!p1 $0x1C, s17  }
0x2d: {  	p2 =	por !p2, p1;
	p3 =	sgt.s32 @!p1 s18, $0x7F;
	s18 =	smov.u32 s11  }
0x2e: {  	s21 =	sand.u32 @!p1 $0x60000, s21;
	s17 =	ssub.s32 @!p1 $0x64, s17;
	s18 =	simm.s32 @p2 $0x1E  }
0x2f: {  	p2 =	por !p3, p1;
	p3 =	sgt.s32 @!p1 s10, $0x3F80;
	s18 =	ssub.s32 @!p1 s18, s19  }
0x30: {  	s17 =	simm.s32 @!p2 $0x0;
	p2 =	por !p3, p1;
	s19 =	sadd.s32 @!p1 $0xFFFFFFE2, s18  }
0x31: {  	s20 =	simm.s32 @p2 $0x3F80;
	p2 =	sgt.s32 @!p1 s19, $0x1;
	s19 =	sshra.s32 @!p1 s10, $0x1F  }
0x32: {  	s18 =	ssub.s32 @!p1 $0x20, s18;
	p2 =	por !p2, p1;
	s19 =	sand.u32 @!p1 s19, s10  }
0x33: {  	s21 =	sadd.s32 @!p1 s21, s22;
	s18 =	simm.s32 @!p2 $0x0;
	s19 =	ssub.s32 @!p1 s20, s19  }
0x34: {  	s20 =	sshll.u32 @!p1 s11, $0x7;
	s17 =	smul.u32 @!p1 s17, s18;
	s18 =	sadd.s32 @!p1 $0xFFFFC080, s19  }
0x35: {  	s21 =	sshrl.u32 @!p1 s21, $0x4;
	s20 =	sand.u32 @!p1 $0x300, s20;
	p2 =	sgt.s32 @!p1 s18, $0x7F  }
0x36: {  	s19 =	ssub.s32 @!p1 $0x4000, s19;
	s18 =	sand.u32 @!p1 $0x3C00, s22;
	p2 =	por !p2, p1  }
0x37: {  	s18 =	sor.u32 @!p1 s20, s18;
	s20 =	sshll.u32 @!p1 s10, $0x1;
	s19 =	simm.s32 @!p2 $0x0  }
0x38: {  	s21 =	sand.u32 @!p1 $0x7C00, s21;
	s20 =	sand.u32 @!p1 $0xF0, s20;
	s17 =	smul.u32 @!p1 s19, s17  }
0x39: {  	s19 =	sxor.u32 @!p1 $0xFFFFFFFF, s13;
	s18 =	sor.u32 @!p1 s20, s18;
	s20 =	sshll.u32 @!p1 s12, $0xF  }
0x3a: {  	s20 =	sadd.s32 @!p1 s4, s20;
	s18 =	sshrl.u32 @!p1 s18, $0x4;
	s19 =	sshll.u32 @!p1 s19, $0xE  }
0x3b: {  	s17 =	sshrl.u32 @!p1 s17, $0x1;
	s20 =	sadd.s32 @!p1 s21, s20;
	s21 =	sand.u32 @!p1 $0x7, s10  }
0x3c: {  	s19 =	sand.u32 @!p1 $0x4000, s19;
	s18 =	sadd.s32 @!p1 s18, s20;
	s20 =	sshll.u32 @!p1 s21, $0x12  }
0x3d: {  	s17 =	sand.u32 @!p1 $0x3FFFFFFF, s17;
	s21 =	simm.s32 @!p1 $0x40000;
	s20 =	sor.u32 @!p1 $0x80, s20  }
0x3e: {  	[tilespmem:s19], [sflag:$0x1] =	stream.strided.gather @!p1 [hbm4b:s18+s20], s17, s21, s20, $0x38;
	[tilespmem:$0x10100] =	vst v63  }
0x3f: {  	p1 =	sge.u32 s31, s6  }
.Ltmp2:
0x40: {  	_ = 	snop;
	(pc) =	sbr.rel @p1 .LBB1_5-.Ltmp2, $1  }
0x41: {  	_ =	sdelay $0x3  }
0x42: {  	p1 =	sgt.s32 s15, $0xFFFFFFE4;
	s17 =	smov.u32 s15;
	s18 =	sshra.s32 s15, $0x1F  }
0x43: {  	s17 =	simm.s32 @!p1 $0xFFFFFFE4;
	s18 =	sand.u32 s18, s15  }
0x44: {  	s17 =	ssub.s32 s17, s18  }
0x45: {  	p2 =	sgt.s32 s16, $0x1E;
	s19 =	sshra.s32 s16, $0x1F;
	s18 =	sadd.s32 $0x1C, s17  }
0x46: {  	s20 =	sshra.s32 s14, $0x1F;
	p1 =	sgt.s32 s18, $0x7F;
	s18 =	smov.u32 s16  }
0x47: {  	s19 =	sand.u32 s19, s16;
	s20 =	sand.u32 s20, s14;
	s18 =	simm.s32 @!p2 $0x1E  }
0x48: {  	p2 =	sgt.s32 s14, $0x3F80;
	s18 =	ssub.s32 s18, s19;
	s19 =	smov.u32 s14  }
0x49: {  	s17 =	ssub.s32 $0x64, s17;
	s21 =	sadd.s32 $0xFFFFFFE2, s18;
	s19 =	simm.s32 @!p2 $0x3F80  }
0x4a: {  	s18 =	ssub.s32 $0x20, s18;
	p2 =	sgt.s32 s21, $0x1;
	s19 =	ssub.s32 s19, s20  }
0x4b: {  	s17 =	simm.s32 @p1 $0x0;
	s18 =	simm.s32 @p2 $0x0;
	s20 =	sadd.s32 $0xFFFFC080, s19  }
0x4c: {  	s17 =	smul.u32 s17, s18;
	p1 =	sgt.s32 s20, $0x7F;
	s18 =	ssub.s32 $0x4000, s19  }
0x4d: {  	s18 =	simm.s32 @p1 $0x0  }
0x4e: {  	s17 =	smul.u32 s18, s17;
	_ =	sdelay $0x1  }
0x4f: {  	s17 =	sshrl.u32 s17, $0x1  }
0x50: {  	s18 =	simm.s32 $0x1;
	s17 =	sand.u32 $0x3FFFFFFF, s17  }
0x51: {  	s18 =	simm.s32 @!p0 $0x0;
	_ =	swait.ge [sflag:s5], s17  }
0x52: {  	s28 =	sshll.u32 s18, $0xE;
	s17 =	ssub.s32 $0x0, s17;
	[sflag:s5] =	ssyncset.done $0x0  }
0x53: {  	s29 =	sor.u32 $0x40, s28;
	[sflag:s5] =	ssyncadd.s32 s17  }
0x54: {  	s30 =	smul.u32 $0x10200, s18;
	v0 =	vld [tilespmem:s29+$0x30]  }
0x55: {  	v1 =	vld [tilespmem:s29+$0xFFFFFFD0]  }
0x56: {  	s17 =	sshrl.u32 s30, $0x2;
	v5 =	vld [tilespmem:s29+$0xFFFFFFE0]  }
0x57: {  	s19 =	sor.u32 $0x8000, s17;
	v6 =	vld [tilespmem:s29+$0xFFFFFFF0]  }
0x58: {  	s31 =	sand.u32 $0x1, s13;
	v2 =	vld [tilespmem:s29+$0x0];
	s20 =	sadd.s32 $0x0, s19  }
0x59: {  	s17 =	smul.u32 $0x10200, s31;
	v3 =	vld [tilespmem:s29+$0x10];
	[tilespmem:s20+$0x3870 ss:$0x81] =	vst.msk $0xffff, v0  }
0x5a: {  	v4 =	vld [tilespmem:s29+$0x20];
	[tilespmem:s20+$0x810 ss:$0x81] =	vst.msk $0xffff, v1  }
0x5b: {  	s18 =	sadd.s32 $0x80, s29;
	s17 =	sshrl.u32 s17, $0x2;
	v0 =	vld [tilespmem:s29+$0xFFFFFFC0];
	[tilespmem:s20+$0x1020 ss:$0x81] =	vst.msk $0xffff, v5  }
0x5c: {  	s22 =	simm.s32 $0x8;
	s21 =	simm.s32 $0x4;
	s17 =	sor.u32 $0x8000, s17;
	v1 =	vld [tilespmem:s18+$0x30];
	[tilespmem:s20+$0x1830 ss:$0x81] =	vst.msk $0xffff, v6  }
.LBB1_3:
0x5d: {  	p1 =	sne.s32 s22, $0x1FC;
	v5 =	vld [tilespmem:s18+$0xFFFFFFD0];
	[tilespmem:s20+$0x2040 ss:$0x81] =	vst.msk $0xffff, v2  }
0x5e: {  	v6 =	vld [tilespmem:s18+$0xFFFFFFE0];
	[tilespmem:s20+$0x2850 ss:$0x81] =	vst.msk $0xffff, v3  }
0x5f: {  	s23 =	sshra.s32 s21, $0x2;
	s21 =	smov.u32 s22;
	v7 =	vld [tilespmem:s18+$0xFFFFFFF0];
	[tilespmem:s20+$0x3060 ss:$0x81] =	vst.msk $0xffff, v4  }
.Ltmp3:
0x60: {  	v2 =	vld [tilespmem:s18+$0x0];
	[tilespmem:s20+$0x0 ss:$0x81] =	vst.msk $0xffff, v0;
	s20 =	sadd.s32 s23, s19;
	(pc) =	sbr.rel @p1 .LBB1_3-.Ltmp3, $4  }
0x61: {  	v3 =	vld [tilespmem:s18+$0x10];
	[tilespmem:s20+$0x3870 ss:$0x81] =	vst.msk $0xffff, v1  }
0x62: {  	[tilespmem:s20+$0x810 ss:$0x81] =	vst.msk $0xffff, v5;
	v4 =	vld [tilespmem:s18+$0x20]  }
0x63: {  	v0 =	vld [tilespmem:s18+$0xFFFFFFC0];
	[tilespmem:s20+$0x1020 ss:$0x81] =	vst.msk $0xffff, v6;
	s18 =	sadd.s32 $0x80, s18  }
0x64: {  	s22 =	sadd.s32 $0x4, s22;
	v1 =	vld [tilespmem:s18+$0x30];
	[tilespmem:s20+$0x1830 ss:$0x81] =	vst.msk $0xffff, v7  }
.Ltmp4:
0x65: {  	_ = 	snop;
	(pc) =	sbr.rel .LBB1_4-.Ltmp4, $1  }
0x66: {  	_ =	sdelay $0x3  }
.LBB1_6:
0x67: {  	_ =	sfence.sel $0x180000  }
0x68: {  	s2 =	simm.s32 $0x1;
	[bflag:$0x0] =	sbarrier.arrive $0xFFFF  }
0x69: {  	s31 =	simm.s32 $0x2;
	[sflag:s2] =	ssyncpa.u1 $0x1  }
0x6a: {  	[sflag:s31] =	ssyncpa.u1 $0x1  }
0x6b: {  	p0 =	sne.s32 s0, $0x0;
	_ =	strace $0x90000047  }
0x6c: {  	s0 =	sadd.s32 @!p0 $0x100000, s1;
	[bflag:$0x2] =	sbarrier.arrive $0xFFFF  }
0x6d: {  	[sflag:s0] =	ssyncadd.tile.s32 @!p0 $0x1;
	_ =	shalt  }
.Lfunc_end1:
_tile_overlayer_lowered:
.L_overlay_start_2:
0x6e: {  	(tag) =	ssettag $0x2  }
0x6f: {  	s0 =	rddreg [dreg:$0x0];
	s2 =	stileid.u32  }
0x70: {  	s1 =	rddreg [dreg:$0x1];
	p0 =	sne.s32 s2, $0x0  }
0x71: {  	s3 =	rddreg [dreg:$0x2];
	[bflag:$0x3] =	sbarrier.arrive $0xFFFF;
	s2 =	simm.s32 @!p0 $0x1C01  }
0x72: {  	[timem:s3], [sflag:s2] =	dma.local @!p0 [hbm:s0], s1  }
0x73: {  	s0 =	simm.s32 @!p0 $0x1  }
0x74: {  	_ =	swait.ge @!p0 [sflag:s0], s1  }
0x75: {  	s1 =	ssub.s32 @!p0 $0x0, s1;
	[sflag:s0] =	ssyncset.done @!p0 $0x0  }
0x76: {  	[sflag:s0] =	ssyncadd.s32 @!p0 s1  }
0x77: {  	[bflag:$0x3] =	sbarrier.arrive $0xFFFF  }
0x78: {  	_ =	shalt  }

</sc_bundles>
